<compile_context>
chip_gen: v7x
topology: tpu7x:2x2x1
jax: 0.10.2.dev20260603
libtpu: 0.0.44.dev20260713+nightly
codegen_flags: <defaults>
</compile_context>

<pallas_src>
import functools

import jax
import jax.numpy as jnp
from jax import lax
from jax.experimental import pallas as pl
from jax.experimental.pallas import tpu as pltpu
from jax.experimental.pallas import tpu_sc as plsc


def _make_sc_gather(B, C, S, P):
    info = plsc.get_sparse_core_info()
    NC, NS, L = info.num_cores, info.num_subcores, info.num_lanes
    NW = NC * NS
    CB = 16
    PW = 1024
    NCB = C // CB
    NT = B * NCB
    TPW = NT // NW
    NWIN = P // PW

    mesh = plsc.VectorSubcoreMesh(core_axis_name="c", subcore_axis_name="s")

    @functools.partial(
        pl.kernel,
        out_type=jax.ShapeDtypeStruct((B, C, P), jnp.float32),
        mesh=mesh,
        compiler_params=pltpu.CompilerParams(
            use_tc_tiling_on_sc=False, needs_layout_passes=False),
        scratch_types=[
            pltpu.VMEM((CB, S), jnp.float32),
            pltpu.VMEM((2, PW), jnp.int32),
            pltpu.VMEM((2, CB, PW), jnp.float32),
            pltpu.SemaphoreType.DMA,
            pltpu.SemaphoreType.DMA,
            pltpu.SemaphoreType.DMA,
            pltpu.SemaphoreType.DMA,
        ],
    )
    def sc_gather(x_hbm, idx_hbm, out_hbm, xv, idxv, outv,
                  sem_i0, sem_i1, sem_o0, sem_o1):
        wid = lax.axis_index("s") * NC + lax.axis_index("c")
        sem_i = [sem_i0, sem_i1]
        sem_o = [sem_o0, sem_o1]

        def compute_window(s):
            @plsc.parallel_loop(0, PW // L, unroll=2)
            def body(pc):
                iv = idxv[s, pl.ds(pc * L, L)]
                for c in range(CB):
                    vals = plsc.load_gather(
                        xv, [jnp.full((L,), c, jnp.int32), iv])
                    outv[s, c, pl.ds(pc * L, L)] = vals

        for t in range(TPW):
            task = wid + NW * t
            b = task // NCB
            cb = task % NCB

            def issue_idx(w, s):
                return pltpu.async_copy(
                    idx_hbm.at[b, pl.ds(w * PW, PW)], idxv.at[s], sem_i[s])

            def wait_idx(s):
                pltpu.make_async_copy(
                    idx_hbm.at[b, pl.ds(0, PW)], idxv.at[s], sem_i[s]).wait()

            def issue_out(w, s):
                return pltpu.async_copy(
                    outv.at[s],
                    out_hbm.at[b, pl.ds(cb * CB, CB), pl.ds(w * PW, PW)],
                    sem_o[s])

            def wait_out(s):
                pltpu.make_async_copy(
                    outv.at[s],
                    out_hbm.at[b, pl.ds(cb * CB, CB), pl.ds(0, PW)],
                    sem_o[s]).wait()

            pltpu.sync_copy(x_hbm.at[b, pl.ds(cb * CB, CB), :], xv)
            issue_idx(0, 0)
            issue_idx(1, 1)
            for w in range(2):
                wait_idx(w)
                compute_window(w)
                issue_idx(w + 2, w)
                issue_out(w, w)

            def pair_body(i, carry):
                w2 = 2 * i
                for s in range(2):
                    w = w2 + s
                    wait_idx(s)
                    wait_out(s)
                    compute_window(s)
                    issue_idx(jnp.minimum(w + 2, NWIN - 1), s)
                    issue_out(w, s)
                return carry
            lax.fori_loop(1, NWIN // 2, pair_body, 0)

            for s in range(2):
                wait_idx(s)
                wait_out(s)

    return sc_gather


def kernel(input, slice_idx_mat):
    B, C, S, _ = input.shape
    P = slice_idx_mat.shape[1]
    x = input.reshape(B, C, S)
    idx = slice_idx_mat.astype(jnp.int32)
    out = _make_sc_gather(B, C, S, P)(x, idx)
    return out[..., None]

# --- scband reference (transcript-rebuilt; emitter-appended) ---
"""Pipeline reference for scband-su-31980326486807 (READ-ONLY COPY).

The authoritative reference and input builder live on the scoring server;
editing this copy changes nothing except your own understanding.
"""

import jax, jax.numpy as jnp
import numpy as np

B, C, S, P = 8, 128, 4096, 32768

def setup_inputs(seed: int = 0) -> dict:
    key = jax.random.key(seed)
    k1, k2 = jax.random.split(key)
    inp = jax.random.normal(k1, (B, C, S, 1), dtype=jnp.float32)
    slice_idx_mat = jax.random.randint(k2, (B, P), 0, S, dtype=jnp.int64)
    return {"input": inp, "slice_idx_mat": slice_idx_mat}

def reference(input, slice_idx_mat):
    # input: [B, C, S, 1]; slice_idx_mat: [B, P] with values in [0, S)
    # out[b, c, p, 0] = input[b, c, slice_idx_mat[b, p], 0]  (slice unpool = gather)
    x = input[..., 0]  # [B, C, S]
    idx = jnp.broadcast_to(slice_idx_mat[:, None, :], (x.shape[0], x.shape[1], slice_idx_mat.shape[1]))
    out = jnp.take_along_axis(x, idx, axis=2)  # [B, C, P]
    return out[..., None]  # [B, C, P, 1]

if __name__ == "__main__":
    import jax
    _d = setup_inputs()
    print(jax.jit(kernel)(*tuple(_d.values())))

</pallas_src>

<mosaic_0001>
#map = affine_map<(d0, d1) -> (0, 0, 0)>
#map1 = affine_map<(d0, d1) -> (0, 0)>
module attributes {stable_mosaic.version = 14 : i64} {
  func.func @sc_gather(%arg0: i32, %arg1: i32, %arg2: memref<8x128x4096xf32, #tpu.memory_space<hbm>>, %arg3: memref<8x32768xi32, #tpu.memory_space<hbm>>, %arg4: memref<8x128x32768xf32, #tpu.memory_space<hbm>>, %arg5: memref<16x4096xf32, #tpu.memory_space<vmem>>, %arg6: memref<2x1024xi32, #tpu.memory_space<vmem>>, %arg7: memref<2x16x1024xf32, #tpu.memory_space<vmem>>, %arg8: memref<!tpu.dma_semaphore, #tpu.memory_space<semaphore_mem>>, %arg9: memref<!tpu.dma_semaphore, #tpu.memory_space<semaphore_mem>>, %arg10: memref<!tpu.dma_semaphore, #tpu.memory_space<semaphore_mem>>, %arg11: memref<!tpu.dma_semaphore, #tpu.memory_space<semaphore_mem>>) attributes {dimension_semantics = [#tpu.dimension_semantics<core_parallel>, #tpu.dimension_semantics<subcore_parallel>], iteration_bounds = array<i64: 2, 16>, scalar_prefetch = 0 : i64, scratch_operands = 7 : i64, tpu.core_type = #tpu.core_type<sc_vector_subcore>, window_params = [{transform_indices = #map}, {transform_indices = #map1}, {transform_indices = #map}]} {
    %mul3A = arith.constant 2 : i32
    %mul3A_0 = arith.muli %arg1, %mul3A : i32
    %add3A = arith.addi %mul3A_0, %arg0 : i32
    %add3A_1 = arith.constant 0 : i32
    %add3A_2 = arith.addi %add3A, %add3A_1 : i32
    %jit3A = arith.constant 8 : i32
    %div3A = arith.divsi %add3A_2, %jit3A : i32
    %sign3A = arith.constant 0 : i32
    %sign3A_3 = arith.cmpi sgt, %add3A_2, %sign3A : i32
    %sign3A_4 = arith.extui %sign3A_3 : i1 to i32
    %sign3A_5 = arith.constant 0 : i32
    %sign3A_6 = arith.cmpi slt, %add3A_2, %sign3A_5 : i32
    %sign3A_7 = arith.extui %sign3A_6 : i1 to i32
    %sign3A_8 = arith.subi %sign3A_4, %sign3A_7 : i32
    %sign3A_9 = arith.constant 0 : i32
    %sign3A_10 = arith.cmpi sgt, %jit3A, %sign3A_9 : i32
    %sign3A_11 = arith.extui %sign3A_10 : i1 to i32
    %sign3A_12 = arith.constant 0 : i32
    %sign3A_13 = arith.cmpi slt, %jit3A, %sign3A_12 : i32
    %sign3A_14 = arith.extui %sign3A_13 : i1 to i32
    %sign3A_15 = arith.subi %sign3A_11, %sign3A_14 : i32
    %ne3A = arith.cmpi ne, %sign3A_8, %sign3A_15 : i32
    %rem3A = arith.remsi %add3A_2, %jit3A : i32
    %ne3A_16 = arith.constant 0 : i32
    %ne3A_17 = arith.cmpi ne, %rem3A, %ne3A_16 : i32
    %and3A = arith.andi %ne3A, %ne3A_17 : i1
    %sub3A = arith.constant 1 : i32
    %sub3A_18 = arith.subi %div3A, %sub3A : i32
    %select_n3A = arith.select %and3A, %sub3A_18, %div3A : i32
    %jit3A_19 = arith.constant 8 : i32
    %eq3A = arith.constant 0 : i32
    %eq3A_20 = arith.cmpi eq, %jit3A_19, %eq3A : i32
    %jit3A_21 = arith.constant 1 : i32
    %select_n3A_22 = arith.select %eq3A_20, %jit3A_21, %jit3A_19 : i32
    %rem3A_23 = arith.remsi %add3A_2, %select_n3A_22 : i32
    %ne3A_24 = arith.constant 0 : i32
    %ne3A_25 = arith.cmpi ne, %rem3A_23, %ne3A_24 : i32
    %lt3A = arith.constant 0 : i32
    %lt3A_26 = arith.cmpi slt, %rem3A_23, %lt3A : i32
    %lt3A_27 = arith.constant 0 : i32
    %lt3A_28 = arith.cmpi slt, %select_n3A_22, %lt3A_27 : i32
    %ne3A_29 = arith.xori %lt3A_26, %lt3A_28 : i1
    %and3A_30 = arith.andi %ne3A_29, %ne3A_25 : i1
    %add3A_31 = arith.addi %rem3A_23, %select_n3A_22 : i32
    %select_n3A_32 = arith.select %and3A_30, %add3A_31, %rem3A_23 : i32
    %mul3A_33 = arith.constant 16 : i32
    %mul3A_34 = arith.muli %select_n3A_32, %mul3A_33 : i32
    "tpu.region"() ({
      %run_scoped3A = tpu.sem_alloc : memref<!tpu.dma_semaphore, #tpu.memory_space<semaphore_mem>>
      %dma_start3A_443 = arith.constant 0 : i32
      %dma_start3A_444 = tpu.memref_slice %arg2[%select_n3A, %mul3A_34, %dma_start3A_443] : memref<8x128x4096xf32, #tpu.memory_space<hbm>> -> memref<1x16x4096xf32, #tpu.memory_space<hbm>>
      %dma_start3A_445 = tpu.memref_squeeze %dma_start3A_444 : memref<1x16x4096xf32, #tpu.memory_space<hbm>> -> memref<16x4096xf32, #tpu.memory_space<hbm>>
      %dma_start3A_446 = arith.constant 0 : i32
      %dma_start3A_447 = tpu.memref_slice %arg2[%select_n3A, %mul3A_34, %dma_start3A_446] : memref<8x128x4096xf32, #tpu.memory_space<hbm>> -> memref<1x16x4096xf32, #tpu.memory_space<hbm>>
      %dma_start3A_448 = tpu.memref_squeeze %dma_start3A_447 : memref<1x16x4096xf32, #tpu.memory_space<hbm>> -> memref<16x4096xf32, #tpu.memory_space<hbm>>
      tpu.enqueue_dma source(%dma_start3A_448 : memref<16x4096xf32, #tpu.memory_space<hbm>>) target(%arg5 : memref<16x4096xf32, #tpu.memory_space<vmem>>) target_semaphore(%run_scoped3A : memref<!tpu.dma_semaphore, #tpu.memory_space<semaphore_mem>>)
      %dma_wait3A_449 = arith.constant 0 : i32
      %dma_wait3A_450 = tpu.memref_slice %arg2[%select_n3A, %mul3A_34, %dma_wait3A_449] : memref<8x128x4096xf32, #tpu.memory_space<hbm>> -> memref<1x16x4096xf32, #tpu.memory_space<hbm>>
      %dma_wait3A_451 = tpu.memref_squeeze %dma_wait3A_450 : memref<1x16x4096xf32, #tpu.memory_space<hbm>> -> memref<16x4096xf32, #tpu.memory_space<hbm>>
      %dma_wait3A_452 = arith.constant 0 : i32
      %dma_wait3A_453 = tpu.memref_slice %arg2[%select_n3A, %mul3A_34, %dma_wait3A_452] : memref<8x128x4096xf32, #tpu.memory_space<hbm>> -> memref<1x16x4096xf32, #tpu.memory_space<hbm>>
      %dma_wait3A_454 = tpu.memref_squeeze %dma_wait3A_453 : memref<1x16x4096xf32, #tpu.memory_space<hbm>> -> memref<16x4096xf32, #tpu.memory_space<hbm>>
      tpu.wait_dma2 semaphore(%run_scoped3A : memref<!tpu.dma_semaphore, #tpu.memory_space<semaphore_mem>>) src(%dma_wait3A_454 : memref<16x4096xf32, #tpu.memory_space<hbm>>) dst(%arg5 : memref<16x4096xf32, #tpu.memory_space<vmem>>)
      tpu.yield
    }) : () -> ()
    %dma_start3A = arith.constant 0 : i32
    %dma_start3A_35 = arith.constant 0 : i32
    %dma_start3A_36 = tpu.memref_slice %arg6[%dma_start3A, %dma_start3A_35] : memref<2x1024xi32, #tpu.memory_space<vmem>> -> memref<1x1024xi32, #tpu.memory_space<vmem>>
    %dma_start3A_37 = tpu.memref_squeeze %dma_start3A_36 : memref<1x1024xi32, #tpu.memory_space<vmem>> -> memref<1024xi32, #tpu.memory_space<vmem>>
    %dma_start3A_38 = arith.constant 0 : i32
    %dma_start3A_39 = tpu.memref_slice %arg3[%select_n3A, %dma_start3A_38] : memref<8x32768xi32, #tpu.memory_space<hbm>> -> memref<1x1024xi32, #tpu.memory_space<hbm>>
    %dma_start3A_40 = tpu.memref_squeeze %dma_start3A_39 : memref<1x1024xi32, #tpu.memory_space<hbm>> -> memref<1024xi32, #tpu.memory_space<hbm>>
    %dma_start3A_41 = arith.constant 0 : i32
    %dma_start3A_42 = tpu.memref_slice %arg6[%dma_start3A, %dma_start3A_41] : memref<2x1024xi32, #tpu.memory_space<vmem>> -> memref<1x1024xi32, #tpu.memory_space<vmem>>
    %dma_start3A_43 = tpu.memref_squeeze %dma_start3A_42 : memref<1x1024xi32, #tpu.memory_space<vmem>> -> memref<1024xi32, #tpu.memory_space<vmem>>
    %dma_start3A_44 = arith.constant 0 : i32
    %dma_start3A_45 = tpu.memref_slice %arg3[%select_n3A, %dma_start3A_44] : memref<8x32768xi32, #tpu.memory_space<hbm>> -> memref<1x1024xi32, #tpu.memory_space<hbm>>
    %dma_start3A_46 = tpu.memref_squeeze %dma_start3A_45 : memref<1x1024xi32, #tpu.memory_space<hbm>> -> memref<1024xi32, #tpu.memory_space<hbm>>
    tpu.enqueue_dma source(%dma_start3A_46 : memref<1024xi32, #tpu.memory_space<hbm>>) target(%dma_start3A_43 : memref<1024xi32, #tpu.memory_space<vmem>>) target_semaphore(%arg8 : memref<!tpu.dma_semaphore, #tpu.memory_space<semaphore_mem>>)
    %dma_start3A_47 = arith.constant 1 : i32
    %dma_start3A_48 = arith.constant 0 : i32
    %dma_start3A_49 = tpu.memref_slice %arg6[%dma_start3A_47, %dma_start3A_48] : memref<2x1024xi32, #tpu.memory_space<vmem>> -> memref<1x1024xi32, #tpu.memory_space<vmem>>
    %dma_start3A_50 = tpu.memref_squeeze %dma_start3A_49 : memref<1x1024xi32, #tpu.memory_space<vmem>> -> memref<1024xi32, #tpu.memory_space<vmem>>
    %dma_start3A_51 = arith.constant 1024 : i32
    %dma_start3A_52 = tpu.memref_slice %arg3[%select_n3A, %dma_start3A_51] : memref<8x32768xi32, #tpu.memory_space<hbm>> -> memref<1x1024xi32, #tpu.memory_space<hbm>>
    %dma_start3A_53 = tpu.memref_squeeze %dma_start3A_52 : memref<1x1024xi32, #tpu.memory_space<hbm>> -> memref<1024xi32, #tpu.memory_space<hbm>>
    %dma_start3A_54 = arith.constant 0 : i32
    %dma_start3A_55 = tpu.memref_slice %arg6[%dma_start3A_47, %dma_start3A_54] : memref<2x1024xi32, #tpu.memory_space<vmem>> -> memref<1x1024xi32, #tpu.memory_space<vmem>>
    %dma_start3A_56 = tpu.memref_squeeze %dma_start3A_55 : memref<1x1024xi32, #tpu.memory_space<vmem>> -> memref<1024xi32, #tpu.memory_space<vmem>>
    %dma_start3A_57 = arith.constant 1024 : i32
    %dma_start3A_58 = tpu.memref_slice %arg3[%select_n3A, %dma_start3A_57] : memref<8x32768xi32, #tpu.memory_space<hbm>> -> memref<1x1024xi32, #tpu.memory_space<hbm>>
    %dma_start3A_59 = tpu.memref_squeeze %dma_start3A_58 : memref<1x1024xi32, #tpu.memory_space<hbm>> -> memref<1024xi32, #tpu.memory_space<hbm>>
    tpu.enqueue_dma source(%dma_start3A_59 : memref<1024xi32, #tpu.memory_space<hbm>>) target(%dma_start3A_56 : memref<1024xi32, #tpu.memory_space<vmem>>) target_semaphore(%arg9 : memref<!tpu.dma_semaphore, #tpu.memory_space<semaphore_mem>>)
    %dma_wait3A = arith.constant 0 : i32
    %dma_wait3A_60 = arith.constant 0 : i32
    %dma_wait3A_61 = tpu.memref_slice %arg6[%dma_wait3A, %dma_wait3A_60] : memref<2x1024xi32, #tpu.memory_space<vmem>> -> memref<1x1024xi32, #tpu.memory_space<vmem>>
    %dma_wait3A_62 = tpu.memref_squeeze %dma_wait3A_61 : memref<1x1024xi32, #tpu.memory_space<vmem>> -> memref<1024xi32, #tpu.memory_space<vmem>>
    %dma_wait3A_63 = arith.constant 0 : i32
    %dma_wait3A_64 = tpu.memref_slice %arg3[%select_n3A, %dma_wait3A_63] : memref<8x32768xi32, #tpu.memory_space<hbm>> -> memref<1x1024xi32, #tpu.memory_space<hbm>>
    %dma_wait3A_65 = tpu.memref_squeeze %dma_wait3A_64 : memref<1x1024xi32, #tpu.memory_space<hbm>> -> memref<1024xi32, #tpu.memory_space<hbm>>
    %dma_wait3A_66 = arith.constant 0 : i32
    %dma_wait3A_67 = tpu.memref_slice %arg6[%dma_wait3A, %dma_wait3A_66] : memref<2x1024xi32, #tpu.memory_space<vmem>> -> memref<1x1024xi32, #tpu.memory_space<vmem>>
    %dma_wait3A_68 = tpu.memref_squeeze %dma_wait3A_67 : memref<1x1024xi32, #tpu.memory_space<vmem>> -> memref<1024xi32, #tpu.memory_space<vmem>>
    %dma_wait3A_69 = arith.constant 0 : i32
    %dma_wait3A_70 = tpu.memref_slice %arg3[%select_n3A, %dma_wait3A_69] : memref<8x32768xi32, #tpu.memory_space<hbm>> -> memref<1x1024xi32, #tpu.memory_space<hbm>>
    %dma_wait3A_71 = tpu.memref_squeeze %dma_wait3A_70 : memref<1x1024xi32, #tpu.memory_space<hbm>> -> memref<1024xi32, #tpu.memory_space<hbm>>
    tpu.wait_dma2 semaphore(%arg8 : memref<!tpu.dma_semaphore, #tpu.memory_space<semaphore_mem>>) src(%dma_wait3A_71 : memref<1024xi32, #tpu.memory_space<hbm>>) dst(%dma_wait3A_68 : memref<1024xi32, #tpu.memory_space<vmem>>)
    %parallel_loop3A = arith.constant 0 : i32
    %parallel_loop3A_72 = arith.constant 64 : i32
    %parallel_loop3A_73 = arith.constant 1 : i32
    scf.for %parallel_loop3A_443 = %parallel_loop3A to %parallel_loop3A_72 step %parallel_loop3A_73  : i32 {
      %parallel_loop3A_444 = arith.constant 16 : i32
      %parallel_loop3A_445 = arith.muli %parallel_loop3A_443, %parallel_loop3A_444 : i32
      %parallel_loop3A_446 = arith.constant 0 : i32
      %parallel_loop3A_447 = arith.index_cast %parallel_loop3A_446 : i32 to index
      %parallel_loop3A_448 = arith.index_cast %parallel_loop3A_445 : i32 to index
      %parallel_loop3A_449 = tpu.vector_load %arg6[%parallel_loop3A_447, %parallel_loop3A_448] {strides = array<i32>} : memref<2x1024xi32, #tpu.memory_space<vmem>>, vector<16xi32>,
      %parallel_loop3A_450 = arith.constant 0 : i32
      %parallel_loop3A_451 = vector.broadcast %parallel_loop3A_450 : i32 to vector<16xi32>
      %parallel_loop3A_452 = tpu.vector_load_idx %arg5[%parallel_loop3A_451, %parallel_loop3A_449] : memref<16x4096xf32, #tpu.memory_space<vmem>>[vector<16xi32>, vector<16xi32>], vector<16xf32>,
      %parallel_loop3A_453 = arith.constant 16 : i32
      %parallel_loop3A_454 = arith.muli %parallel_loop3A_443, %parallel_loop3A_453 : i32
      %parallel_loop3A_455 = arith.constant 0 : i32
      %parallel_loop3A_456 = arith.constant 0 : i32
      %parallel_loop3A_457 = arith.index_cast %parallel_loop3A_455 : i32 to index
      %parallel_loop3A_458 = arith.index_cast %parallel_loop3A_456 : i32 to index
      %parallel_loop3A_459 = arith.index_cast %parallel_loop3A_454 : i32 to index
      %parallel_loop3A_460 = tpu.vector_load %arg7[%parallel_loop3A_457, %parallel_loop3A_458, %parallel_loop3A_459] {strides = array<i32>} : memref<2x16x1024xf32, #tpu.memory_space<vmem>>, vector<16xf32>,
      tpu.vector_store %arg7[%parallel_loop3A_457, %parallel_loop3A_458, %parallel_loop3A_459], %parallel_loop3A_452 {strides = array<i32>} : memref<2x16x1024xf32, #tpu.memory_space<vmem>>, vector<16xf32>,
      %parallel_loop3A_461 = arith.constant 1 : i32
      %parallel_loop3A_462 = vector.broadcast %parallel_loop3A_461 : i32 to vector<16xi32>
      %parallel_loop3A_463 = tpu.vector_load_idx %arg5[%parallel_loop3A_462, %parallel_loop3A_449] : memref<16x4096xf32, #tpu.memory_space<vmem>>[vector<16xi32>, vector<16xi32>], vector<16xf32>,
      %parallel_loop3A_464 = arith.constant 16 : i32
      %parallel_loop3A_465 = arith.muli %parallel_loop3A_443, %parallel_loop3A_464 : i32
      %parallel_loop3A_466 = arith.constant 0 : i32
      %parallel_loop3A_467 = arith.constant 1 : i32
      %parallel_loop3A_468 = arith.index_cast %parallel_loop3A_466 : i32 to index
      %parallel_loop3A_469 = arith.index_cast %parallel_loop3A_467 : i32 to index
      %parallel_loop3A_470 = arith.index_cast %parallel_loop3A_465 : i32 to index
      %parallel_loop3A_471 = tpu.vector_load %arg7[%parallel_loop3A_468, %parallel_loop3A_469, %parallel_loop3A_470] {strides = array<i32>} : memref<2x16x1024xf32, #tpu.memory_space<vmem>>, vector<16xf32>,
      tpu.vector_store %arg7[%parallel_loop3A_468, %parallel_loop3A_469, %parallel_loop3A_470], %parallel_loop3A_463 {strides = array<i32>} : memref<2x16x1024xf32, #tpu.memory_space<vmem>>, vector<16xf32>,
      %parallel_loop3A_472 = arith.constant 2 : i32
      %parallel_loop3A_473 = vector.broadcast %parallel_loop3A_472 : i32 to vector<16xi32>
      %parallel_loop3A_474 = tpu.vector_load_idx %arg5[%parallel_loop3A_473, %parallel_loop3A_449] : memref<16x4096xf32, #tpu.memory_space<vmem>>[vector<16xi32>, vector<16xi32>], vector<16xf32>,
      %parallel_loop3A_475 = arith.constant 16 : i32
      %parallel_loop3A_476 = arith.muli %parallel_loop3A_443, %parallel_loop3A_475 : i32
      %parallel_loop3A_477 = arith.constant 0 : i32
      %parallel_loop3A_478 = arith.constant 2 : i32
      %parallel_loop3A_479 = arith.index_cast %parallel_loop3A_477 : i32 to index
      %parallel_loop3A_480 = arith.index_cast %parallel_loop3A_478 : i32 to index
      %parallel_loop3A_481 = arith.index_cast %parallel_loop3A_476 : i32 to index
      %parallel_loop3A_482 = tpu.vector_load %arg7[%parallel_loop3A_479, %parallel_loop3A_480, %parallel_loop3A_481] {strides = array<i32>} : memref<2x16x1024xf32, #tpu.memory_space<vmem>>, vector<16xf32>,
      tpu.vector_store %arg7[%parallel_loop3A_479, %parallel_loop3A_480, %parallel_loop3A_481], %parallel_loop3A_474 {strides = array<i32>} : memref<2x16x1024xf32, #tpu.memory_space<vmem>>, vector<16xf32>,
      %parallel_loop3A_483 = arith.constant 3 : i32
      %parallel_loop3A_484 = vector.broadcast %parallel_loop3A_483 : i32 to vector<16xi32>
      %parallel_loop3A_485 = tpu.vector_load_idx %arg5[%parallel_loop3A_484, %parallel_loop3A_449] : memref<16x4096xf32, #tpu.memory_space<vmem>>[vector<16xi32>, vector<16xi32>], vector<16xf32>,
      %parallel_loop3A_486 = arith.constant 16 : i32
      %parallel_loop3A_487 = arith.muli %parallel_loop3A_443, %parallel_loop3A_486 : i32
      %parallel_loop3A_488 = arith.constant 0 : i32
      %parallel_loop3A_489 = arith.constant 3 : i32
      %parallel_loop3A_490 = arith.index_cast %parallel_loop3A_488 : i32 to index
      %parallel_loop3A_491 = arith.index_cast %parallel_loop3A_489 : i32 to index
      %parallel_loop3A_492 = arith.index_cast %parallel_loop3A_487 : i32 to index
      %parallel_loop3A_493 = tpu.vector_load %arg7[%parallel_loop3A_490, %parallel_loop3A_491, %parallel_loop3A_492] {strides = array<i32>} : memref<2x16x1024xf32, #tpu.memory_space<vmem>>, vector<16xf32>,
      tpu.vector_store %arg7[%parallel_loop3A_490, %parallel_loop3A_491, %parallel_loop3A_492], %parallel_loop3A_485 {strides = array<i32>} : memref<2x16x1024xf32, #tpu.memory_space<vmem>>, vector<16xf32>,
      %parallel_loop3A_494 = arith.constant 4 : i32
      %parallel_loop3A_495 = vector.broadcast %parallel_loop3A_494 : i32 to vector<16xi32>
      %parallel_loop3A_496 = tpu.vector_load_idx %arg5[%parallel_loop3A_495, %parallel_loop3A_449] : memref<16x4096xf32, #tpu.memory_space<vmem>>[vector<16xi32>, vector<16xi32>], vector<16xf32>,
      %parallel_loop3A_497 = arith.constant 16 : i32
      %parallel_loop3A_498 = arith.muli %parallel_loop3A_443, %parallel_loop3A_497 : i32
      %parallel_loop3A_499 = arith.constant 0 : i32
      %parallel_loop3A_500 = arith.constant 4 : i32
      %parallel_loop3A_501 = arith.index_cast %parallel_loop3A_499 : i32 to index
      %parallel_loop3A_502 = arith.index_cast %parallel_loop3A_500 : i32 to index
      %parallel_loop3A_503 = arith.index_cast %parallel_loop3A_498 : i32 to index
      %parallel_loop3A_504 = tpu.vector_load %arg7[%parallel_loop3A_501, %parallel_loop3A_502, %parallel_loop3A_503] {strides = array<i32>} : memref<2x16x1024xf32, #tpu.memory_space<vmem>>, vector<16xf32>,
      tpu.vector_store %arg7[%parallel_loop3A_501, %parallel_loop3A_502, %parallel_loop3A_503], %parallel_loop3A_496 {strides = array<i32>} : memref<2x16x1024xf32, #tpu.memory_space<vmem>>, vector<16xf32>,
      %parallel_loop3A_505 = arith.constant 5 : i32
      %parallel_loop3A_506 = vector.broadcast %parallel_loop3A_505 : i32 to vector<16xi32>
      %parallel_loop3A_507 = tpu.vector_load_idx %arg5[%parallel_loop3A_506, %parallel_loop3A_449] : memref<16x4096xf32, #tpu.memory_space<vmem>>[vector<16xi32>, vector<16xi32>], vector<16xf32>,
      %parallel_loop3A_508 = arith.constant 16 : i32
      %parallel_loop3A_509 = arith.muli %parallel_loop3A_443, %parallel_loop3A_508 : i32
      %parallel_loop3A_510 = arith.constant 0 : i32
      %parallel_loop3A_511 = arith.constant 5 : i32
      %parallel_loop3A_512 = arith.index_cast %parallel_loop3A_510 : i32 to index
      %parallel_loop3A_513 = arith.index_cast %parallel_loop3A_511 : i32 to index
      %parallel_loop3A_514 = arith.index_cast %parallel_loop3A_509 : i32 to index
      %parallel_loop3A_515 = tpu.vector_load %arg7[%parallel_loop3A_512, %parallel_loop3A_513, %parallel_loop3A_514] {strides = array<i32>} : memref<2x16x1024xf32, #tpu.memory_space<vmem>>, vector<16xf32>,
      tpu.vector_store %arg7[%parallel_loop3A_512, %parallel_loop3A_513, %parallel_loop3A_514], %parallel_loop3A_507 {strides = array<i32>} : memref<2x16x1024xf32, #tpu.memory_space<vmem>>, vector<16xf32>,
      %parallel_loop3A_516 = arith.constant 6 : i32
      %parallel_loop3A_517 = vector.broadcast %parallel_loop3A_516 : i32 to vector<16xi32>
      %parallel_loop3A_518 = tpu.vector_load_idx %arg5[%parallel_loop3A_517, %parallel_loop3A_449] : memref<16x4096xf32, #tpu.memory_space<vmem>>[vector<16xi32>, vector<16xi32>], vector<16xf32>,
      %parallel_loop3A_519 = arith.constant 16 : i32
      %parallel_loop3A_520 = arith.muli %parallel_loop3A_443, %parallel_loop3A_519 : i32
      %parallel_loop3A_521 = arith.constant 0 : i32
      %parallel_loop3A_522 = arith.constant 6 : i32
      %parallel_loop3A_523 = arith.index_cast %parallel_loop3A_521 : i32 to index
      %parallel_loop3A_524 = arith.index_cast %parallel_loop3A_522 : i32 to index
      %parallel_loop3A_525 = arith.index_cast %parallel_loop3A_520 : i32 to index
      %parallel_loop3A_526 = tpu.vector_load %arg7[%parallel_loop3A_523, %parallel_loop3A_524, %parallel_loop3A_525] {strides = array<i32>} : memref<2x16x1024xf32, #tpu.memory_space<vmem>>, vector<16xf32>,
      tpu.vector_store %arg7[%parallel_loop3A_523, %parallel_loop3A_524, %parallel_loop3A_525], %parallel_loop3A_518 {strides = array<i32>} : memref<2x16x1024xf32, #tpu.memory_space<vmem>>, vector<16xf32>,
      %parallel_loop3A_527 = arith.constant 7 : i32
      %parallel_loop3A_528 = vector.broadcast %parallel_loop3A_527 : i32 to vector<16xi32>
      %parallel_loop3A_529 = tpu.vector_load_idx %arg5[%parallel_loop3A_528, %parallel_loop3A_449] : memref<16x4096xf32, #tpu.memory_space<vmem>>[vector<16xi32>, vector<16xi32>], vector<16xf32>,
      %parallel_loop3A_530 = arith.constant 16 : i32
      %parallel_loop3A_531 = arith.muli %parallel_loop3A_443, %parallel_loop3A_530 : i32
      %parallel_loop3A_532 = arith.constant 0 : i32
      %parallel_loop3A_533 = arith.constant 7 : i32
      %parallel_loop3A_534 = arith.index_cast %parallel_loop3A_532 : i32 to index
      %parallel_loop3A_535 = arith.index_cast %parallel_loop3A_533 : i32 to index
      %parallel_loop3A_536 = arith.index_cast %parallel_loop3A_531 : i32 to index
      %parallel_loop3A_537 = tpu.vector_load %arg7[%parallel_loop3A_534, %parallel_loop3A_535, %parallel_loop3A_536] {strides = array<i32>} : memref<2x16x1024xf32, #tpu.memory_space<vmem>>, vector<16xf32>,
      tpu.vector_store %arg7[%parallel_loop3A_534, %parallel_loop3A_535, %parallel_loop3A_536], %parallel_loop3A_529 {strides = array<i32>} : memref<2x16x1024xf32, #tpu.memory_space<vmem>>, vector<16xf32>,
      %parallel_loop3A_538 = arith.constant 8 : i32
      %parallel_loop3A_539 = vector.broadcast %parallel_loop3A_538 : i32 to vector<16xi32>
      %parallel_loop3A_540 = tpu.vector_load_idx %arg5[%parallel_loop3A_539, %parallel_loop3A_449] : memref<16x4096xf32, #tpu.memory_space<vmem>>[vector<16xi32>, vector<16xi32>], vector<16xf32>,
      %parallel_loop3A_541 = arith.constant 16 : i32
      %parallel_loop3A_542 = arith.muli %parallel_loop3A_443, %parallel_loop3A_541 : i32
      %parallel_loop3A_543 = arith.constant 0 : i32
      %parallel_loop3A_544 = arith.constant 8 : i32
      %parallel_loop3A_545 = arith.index_cast %parallel_loop3A_543 : i32 to index
      %parallel_loop3A_546 = arith.index_cast %parallel_loop3A_544 : i32 to index
      %parallel_loop3A_547 = arith.index_cast %parallel_loop3A_542 : i32 to index
      %parallel_loop3A_548 = tpu.vector_load %arg7[%parallel_loop3A_545, %parallel_loop3A_546, %parallel_loop3A_547] {strides = array<i32>} : memref<2x16x1024xf32, #tpu.memory_space<vmem>>, vector<16xf32>,
      tpu.vector_store %arg7[%parallel_loop3A_545, %parallel_loop3A_546, %parallel_loop3A_547], %parallel_loop3A_540 {strides = array<i32>} : memref<2x16x1024xf32, #tpu.memory_space<vmem>>, vector<16xf32>,
      %parallel_loop3A_549 = arith.constant 9 : i32
      %parallel_loop3A_550 = vector.broadcast %parallel_loop3A_549 : i32 to vector<16xi32>
      %parallel_loop3A_551 = tpu.vector_load_idx %arg5[%parallel_loop3A_550, %parallel_loop3A_449] : memref<16x4096xf32, #tpu.memory_space<vmem>>[vector<16xi32>, vector<16xi32>], vector<16xf32>,
      %parallel_loop3A_552 = arith.constant 16 : i32
      %parallel_loop3A_553 = arith.muli %parallel_loop3A_443, %parallel_loop3A_552 : i32
      %parallel_loop3A_554 = arith.constant 0 : i32
      %parallel_loop3A_555 = arith.constant 9 : i32
      %parallel_loop3A_556 = arith.index_cast %parallel_loop3A_554 : i32 to index
      %parallel_loop3A_557 = arith.index_cast %parallel_loop3A_555 : i32 to index
      %parallel_loop3A_558 = arith.index_cast %parallel_loop3A_553 : i32 to index
      %parallel_loop3A_559 = tpu.vector_load %arg7[%parallel_loop3A_556, %parallel_loop3A_557, %parallel_loop3A_558] {strides = array<i32>} : memref<2x16x1024xf32, #tpu.memory_space<vmem>>, vector<16xf32>,
      tpu.vector_store %arg7[%parallel_loop3A_556, %parallel_loop3A_557, %parallel_loop3A_558], %parallel_loop3A_551 {strides = array<i32>} : memref<2x16x1024xf32, #tpu.memory_space<vmem>>, vector<16xf32>,
      %parallel_loop3A_560 = arith.constant 10 : i32
      %parallel_loop3A_561 = vector.broadcast %parallel_loop3A_560 : i32 to vector<16xi32>
      %parallel_loop3A_562 = tpu.vector_load_idx %arg5[%parallel_loop3A_561, %parallel_loop3A_449] : memref<16x4096xf32, #tpu.memory_space<vmem>>[vector<16xi32>, vector<16xi32>], vector<16xf32>,
      %parallel_loop3A_563 = arith.constant 16 : i32
      %parallel_loop3A_564 = arith.muli %parallel_loop3A_443, %parallel_loop3A_563 : i32
      %parallel_loop3A_565 = arith.constant 0 : i32
      %parallel_loop3A_566 = arith.constant 10 : i32
      %parallel_loop3A_567 = arith.index_cast %parallel_loop3A_565 : i32 to index
      %parallel_loop3A_568 = arith.index_cast %parallel_loop3A_566 : i32 to index
      %parallel_loop3A_569 = arith.index_cast %parallel_loop3A_564 : i32 to index
      %parallel_loop3A_570 = tpu.vector_load %arg7[%parallel_loop3A_567, %parallel_loop3A_568, %parallel_loop3A_569] {strides = array<i32>} : memref<2x16x1024xf32, #tpu.memory_space<vmem>>, vector<16xf32>,
      tpu.vector_store %arg7[%parallel_loop3A_567, %parallel_loop3A_568, %parallel_loop3A_569], %parallel_loop3A_562 {strides = array<i32>} : memref<2x16x1024xf32, #tpu.memory_space<vmem>>, vector<16xf32>,
      %parallel_loop3A_571 = arith.constant 11 : i32
      %parallel_loop3A_572 = vector.broadcast %parallel_loop3A_571 : i32 to vector<16xi32>
      %parallel_loop3A_573 = tpu.vector_load_idx %arg5[%parallel_loop3A_572, %parallel_loop3A_449] : memref<16x4096xf32, #tpu.memory_space<vmem>>[vector<16xi32>, vector<16xi32>], vector<16xf32>,
      %parallel_loop3A_574 = arith.constant 16 : i32
      %parallel_loop3A_575 = arith.muli %parallel_loop3A_443, %parallel_loop3A_574 : i32
      %parallel_loop3A_576 = arith.constant 0 : i32
      %parallel_loop3A_577 = arith.constant 11 : i32
      %parallel_loop3A_578 = arith.index_cast %parallel_loop3A_576 : i32 to index
      %parallel_loop3A_579 = arith.index_cast %parallel_loop3A_577 : i32 to index
      %parallel_loop3A_580 = arith.index_cast %parallel_loop3A_575 : i32 to index
      %parallel_loop3A_581 = tpu.vector_load %arg7[%parallel_loop3A_578, %parallel_loop3A_579, %parallel_loop3A_580] {strides = array<i32>} : memref<2x16x1024xf32, #tpu.memory_space<vmem>>, vector<16xf32>,
      tpu.vector_store %arg7[%parallel_loop3A_578, %parallel_loop3A_579, %parallel_loop3A_580], %parallel_loop3A_573 {strides = array<i32>} : memref<2x16x1024xf32, #tpu.memory_space<vmem>>, vector<16xf32>,
      %parallel_loop3A_582 = arith.constant 12 : i32
      %parallel_loop3A_583 = vector.broadcast %parallel_loop3A_582 : i32 to vector<16xi32>
      %parallel_loop3A_584 = tpu.vector_load_idx %arg5[%parallel_loop3A_583, %parallel_loop3A_449] : memref<16x4096xf32, #tpu.memory_space<vmem>>[vector<16xi32>, vector<16xi32>], vector<16xf32>,
      %parallel_loop3A_585 = arith.constant 16 : i32
      %parallel_loop3A_586 = arith.muli %parallel_loop3A_443, %parallel_loop3A_585 : i32
      %parallel_loop3A_587 = arith.constant 0 : i32
      %parallel_loop3A_588 = arith.constant 12 : i32
      %parallel_loop3A_589 = arith.index_cast %parallel_loop3A_587 : i32 to index
      %parallel_loop3A_590 = arith.index_cast %parallel_loop3A_588 : i32 to index
      %parallel_loop3A_591 = arith.index_cast %parallel_loop3A_586 : i32 to index
      %parallel_loop3A_592 = tpu.vector_load %arg7[%parallel_loop3A_589, %parallel_loop3A_590, %parallel_loop3A_591] {strides = array<i32>} : memref<2x16x1024xf32, #tpu.memory_space<vmem>>, vector<16xf32>,
      tpu.vector_store %arg7[%parallel_loop3A_589, %parallel_loop3A_590, %parallel_loop3A_591], %parallel_loop3A_584 {strides = array<i32>} : memref<2x16x1024xf32, #tpu.memory_space<vmem>>, vector<16xf32>,
      %parallel_loop3A_593 = arith.constant 13 : i32
      %parallel_loop3A_594 = vector.broadcast %parallel_loop3A_593 : i32 to vector<16xi32>
      %parallel_loop3A_595 = tpu.vector_load_idx %arg5[%parallel_loop3A_594, %parallel_loop3A_449] : memref<16x4096xf32, #tpu.memory_space<vmem>>[vector<16xi32>, vector<16xi32>], vector<16xf32>,
      %parallel_loop3A_596 = arith.constant 16 : i32
      %parallel_loop3A_597 = arith.muli %parallel_loop3A_443, %parallel_loop3A_596 : i32
      %parallel_loop3A_598 = arith.constant 0 : i32
      %parallel_loop3A_599 = arith.constant 13 : i32
      %parallel_loop3A_600 = arith.index_cast %parallel_loop3A_598 : i32 to index
      %parallel_loop3A_601 = arith.index_cast %parallel_loop3A_599 : i32 to index
      %parallel_loop3A_602 = arith.index_cast %parallel_loop3A_597 : i32 to index
      %parallel_loop3A_603 = tpu.vector_load %arg7[%parallel_loop3A_600, %parallel_loop3A_601, %parallel_loop3A_602] {strides = array<i32>} : memref<2x16x1024xf32, #tpu.memory_space<vmem>>, vector<16xf32>,
      tpu.vector_store %arg7[%parallel_loop3A_600, %parallel_loop3A_601, %parallel_loop3A_602], %parallel_loop3A_595 {strides = array<i32>} : memref<2x16x1024xf32, #tpu.memory_space<vmem>>, vector<16xf32>,
      %parallel_loop3A_604 = arith.constant 14 : i32
      %parallel_loop3A_605 = vector.broadcast %parallel_loop3A_604 : i32 to vector<16xi32>
      %parallel_loop3A_606 = tpu.vector_load_idx %arg5[%parallel_loop3A_605, %parallel_loop3A_449] : memref<16x4096xf32, #tpu.memory_space<vmem>>[vector<16xi32>, vector<16xi32>], vector<16xf32>,
      %parallel_loop3A_607 = arith.constant 16 : i32
      %parallel_loop3A_608 = arith.muli %parallel_loop3A_443, %parallel_loop3A_607 : i32
      %parallel_loop3A_609 = arith.constant 0 : i32
      %parallel_loop3A_610 = arith.constant 14 : i32
      %parallel_loop3A_611 = arith.index_cast %parallel_loop3A_609 : i32 to index
      %parallel_loop3A_612 = arith.index_cast %parallel_loop3A_610 : i32 to index
      %parallel_loop3A_613 = arith.index_cast %parallel_loop3A_608 : i32 to index
      %parallel_loop3A_614 = tpu.vector_load %arg7[%parallel_loop3A_611, %parallel_loop3A_612, %parallel_loop3A_613] {strides = array<i32>} : memref<2x16x1024xf32, #tpu.memory_space<vmem>>, vector<16xf32>,
      tpu.vector_store %arg7[%parallel_loop3A_611, %parallel_loop3A_612, %parallel_loop3A_613], %parallel_loop3A_606 {strides = array<i32>} : memref<2x16x1024xf32, #tpu.memory_space<vmem>>, vector<16xf32>,
      %parallel_loop3A_615 = arith.constant 15 : i32
      %parallel_loop3A_616 = vector.broadcast %parallel_loop3A_615 : i32 to vector<16xi32>
      %parallel_loop3A_617 = tpu.vector_load_idx %arg5[%parallel_loop3A_616, %parallel_loop3A_449] : memref<16x4096xf32, #tpu.memory_space<vmem>>[vector<16xi32>, vector<16xi32>], vector<16xf32>,
      %parallel_loop3A_618 = arith.constant 16 : i32
      %parallel_loop3A_619 = arith.muli %parallel_loop3A_443, %parallel_loop3A_618 : i32
      %parallel_loop3A_620 = arith.constant 0 : i32
      %parallel_loop3A_621 = arith.constant 15 : i32
      %parallel_loop3A_622 = arith.index_cast %parallel_loop3A_620 : i32 to index
      %parallel_loop3A_623 = arith.index_cast %parallel_loop3A_621 : i32 to index
      %parallel_loop3A_624 = arith.index_cast %parallel_loop3A_619 : i32 to index
      %parallel_loop3A_625 = tpu.vector_load %arg7[%parallel_loop3A_622, %parallel_loop3A_623, %parallel_loop3A_624] {strides = array<i32>} : memref<2x16x1024xf32, #tpu.memory_space<vmem>>, vector<16xf32>,
      tpu.vector_store %arg7[%parallel_loop3A_622, %parallel_loop3A_623, %parallel_loop3A_624], %parallel_loop3A_617 {strides = array<i32>} : memref<2x16x1024xf32, #tpu.memory_space<vmem>>, vector<16xf32>,
    } {sc.loop_unroll_factor = 2 : i64, sc.parallel_access}
    %dma_start3A_74 = arith.constant 0 : i32
    %dma_start3A_75 = arith.constant 0 : i32
    %dma_start3A_76 = tpu.memref_slice %arg6[%dma_start3A_74, %dma_start3A_75] : memref<2x1024xi32, #tpu.memory_space<vmem>> -> memref<1x1024xi32, #tpu.memory_space<vmem>>
    %dma_start3A_77 = tpu.memref_squeeze %dma_start3A_76 : memref<1x1024xi32, #tpu.memory_space<vmem>> -> memref<1024xi32, #tpu.memory_space<vmem>>
    %dma_start3A_78 = arith.constant 2048 : i32
    %dma_start3A_79 = tpu.memref_slice %arg3[%select_n3A, %dma_start3A_78] : memref<8x32768xi32, #tpu.memory_space<hbm>> -> memref<1x1024xi32, #tpu.memory_space<hbm>>
    %dma_start3A_80 = tpu.memref_squeeze %dma_start3A_79 : memref<1x1024xi32, #tpu.memory_space<hbm>> -> memref<1024xi32, #tpu.memory_space<hbm>>
    %dma_start3A_81 = arith.constant 0 : i32
    %dma_start3A_82 = tpu.memref_slice %arg6[%dma_start3A_74, %dma_start3A_81] : memref<2x1024xi32, #tpu.memory_space<vmem>> -> memref<1x1024xi32, #tpu.memory_space<vmem>>
    %dma_start3A_83 = tpu.memref_squeeze %dma_start3A_82 : memref<1x1024xi32, #tpu.memory_space<vmem>> -> memref<1024xi32, #tpu.memory_space<vmem>>
    %dma_start3A_84 = arith.constant 2048 : i32
    %dma_start3A_85 = tpu.memref_slice %arg3[%select_n3A, %dma_start3A_84] : memref<8x32768xi32, #tpu.memory_space<hbm>> -> memref<1x1024xi32, #tpu.memory_space<hbm>>
    %dma_start3A_86 = tpu.memref_squeeze %dma_start3A_85 : memref<1x1024xi32, #tpu.memory_space<hbm>> -> memref<1024xi32, #tpu.memory_space<hbm>>
    tpu.enqueue_dma source(%dma_start3A_86 : memref<1024xi32, #tpu.memory_space<hbm>>) target(%dma_start3A_83 : memref<1024xi32, #tpu.memory_space<vmem>>) target_semaphore(%arg8 : memref<!tpu.dma_semaphore, #tpu.memory_space<semaphore_mem>>)
    %mul3A_87 = arith.constant 16 : i32
    %mul3A_88 = arith.muli %select_n3A_32, %mul3A_87 : i32
    %dma_start3A_89 = arith.constant 0 : i32
    %dma_start3A_90 = arith.constant 0 : i32
    %dma_start3A_91 = arith.constant 0 : i32
    %dma_start3A_92 = tpu.memref_slice %arg7[%dma_start3A_89, %dma_start3A_90, %dma_start3A_91] : memref<2x16x1024xf32, #tpu.memory_space<vmem>> -> memref<1x16x1024xf32, #tpu.memory_space<vmem>>
    %dma_start3A_93 = tpu.memref_squeeze %dma_start3A_92 : memref<1x16x1024xf32, #tpu.memory_space<vmem>> -> memref<16x1024xf32, #tpu.memory_space<vmem>>
    %dma_start3A_94 = arith.constant 0 : i32
    %dma_start3A_95 = tpu.memref_slice %arg4[%select_n3A, %mul3A_88, %dma_start3A_94] : memref<8x128x32768xf32, #tpu.memory_space<hbm>> -> memref<1x16x1024xf32, #tpu.memory_space<hbm>>
    %dma_start3A_96 = tpu.memref_squeeze %dma_start3A_95 : memref<1x16x1024xf32, #tpu.memory_space<hbm>> -> memref<16x1024xf32, #tpu.memory_space<hbm>>
    %dma_start3A_97 = arith.constant 0 : i32
    %dma_start3A_98 = tpu.memref_slice %arg4[%select_n3A, %mul3A_88, %dma_start3A_97] : memref<8x128x32768xf32, #tpu.memory_space<hbm>> -> memref<1x16x1024xf32, #tpu.memory_space<hbm>>
    %dma_start3A_99 = tpu.memref_squeeze %dma_start3A_98 : memref<1x16x1024xf32, #tpu.memory_space<hbm>> -> memref<16x1024xf32, #tpu.memory_space<hbm>>
    %dma_start3A_100 = arith.constant 0 : i32
    %dma_start3A_101 = arith.constant 0 : i32
    %dma_start3A_102 = tpu.memref_slice %arg7[%dma_start3A_89, %dma_start3A_100, %dma_start3A_101] : memref<2x16x1024xf32, #tpu.memory_space<vmem>> -> memref<1x16x1024xf32, #tpu.memory_space<vmem>>
    %dma_start3A_103 = tpu.memref_squeeze %dma_start3A_102 : memref<1x16x1024xf32, #tpu.memory_space<vmem>> -> memref<16x1024xf32, #tpu.memory_space<vmem>>
    tpu.enqueue_dma source(%dma_start3A_103 : memref<16x1024xf32, #tpu.memory_space<vmem>>) target(%dma_start3A_99 : memref<16x1024xf32, #tpu.memory_space<hbm>>) target_semaphore(%arg10 : memref<!tpu.dma_semaphore, #tpu.memory_space<semaphore_mem>>)
    %dma_wait3A_104 = arith.constant 1 : i32
    %dma_wait3A_105 = arith.constant 0 : i32
    %dma_wait3A_106 = tpu.memref_slice %arg6[%dma_wait3A_104, %dma_wait3A_105] : memref<2x1024xi32, #tpu.memory_space<vmem>> -> memref<1x1024xi32, #tpu.memory_space<vmem>>
    %dma_wait3A_107 = tpu.memref_squeeze %dma_wait3A_106 : memref<1x1024xi32, #tpu.memory_space<vmem>> -> memref<1024xi32, #tpu.memory_space<vmem>>
    %dma_wait3A_108 = arith.constant 0 : i32
    %dma_wait3A_109 = tpu.memref_slice %arg3[%select_n3A, %dma_wait3A_108] : memref<8x32768xi32, #tpu.memory_space<hbm>> -> memref<1x1024xi32, #tpu.memory_space<hbm>>
    %dma_wait3A_110 = tpu.memref_squeeze %dma_wait3A_109 : memref<1x1024xi32, #tpu.memory_space<hbm>> -> memref<1024xi32, #tpu.memory_space<hbm>>
    %dma_wait3A_111 = arith.constant 0 : i32
    %dma_wait3A_112 = tpu.memref_slice %arg6[%dma_wait3A_104, %dma_wait3A_111] : memref<2x1024xi32, #tpu.memory_space<vmem>> -> memref<1x1024xi32, #tpu.memory_space<vmem>>
    %dma_wait3A_113 = tpu.memref_squeeze %dma_wait3A_112 : memref<1x1024xi32, #tpu.memory_space<vmem>> -> memref<1024xi32, #tpu.memory_space<vmem>>
    %dma_wait3A_114 = arith.constant 0 : i32
    %dma_wait3A_115 = tpu.memref_slice %arg3[%select_n3A, %dma_wait3A_114] : memref<8x32768xi32, #tpu.memory_space<hbm>> -> memref<1x1024xi32, #tpu.memory_space<hbm>>
    %dma_wait3A_116 = tpu.memref_squeeze %dma_wait3A_115 : memref<1x1024xi32, #tpu.memory_space<hbm>> -> memref<1024xi32, #tpu.memory_space<hbm>>
    tpu.wait_dma2 semaphore(%arg9 : memref<!tpu.dma_semaphore, #tpu.memory_space<semaphore_mem>>) src(%dma_wait3A_116 : memref<1024xi32, #tpu.memory_space<hbm>>) dst(%dma_wait3A_113 : memref<1024xi32, #tpu.memory_space<vmem>>)
    %parallel_loop3A_117 = arith.constant 0 : i32
    %parallel_loop3A_118 = arith.constant 64 : i32
    %parallel_loop3A_119 = arith.constant 1 : i32
    scf.for %parallel_loop3A_443 = %parallel_loop3A_117 to %parallel_loop3A_118 step %parallel_loop3A_119  : i32 {
      %parallel_loop3A_444 = arith.constant 16 : i32
      %parallel_loop3A_445 = arith.muli %parallel_loop3A_443, %parallel_loop3A_444 : i32
      %parallel_loop3A_446 = arith.constant 1 : i32
      %parallel_loop3A_447 = arith.index_cast %parallel_loop3A_446 : i32 to index
      %parallel_loop3A_448 = arith.index_cast %parallel_loop3A_445 : i32 to index
      %parallel_loop3A_449 = tpu.vector_load %arg6[%parallel_loop3A_447, %parallel_loop3A_448] {strides = array<i32>} : memref<2x1024xi32, #tpu.memory_space<vmem>>, vector<16xi32>,
      %parallel_loop3A_450 = arith.constant 0 : i32
      %parallel_loop3A_451 = vector.broadcast %parallel_loop3A_450 : i32 to vector<16xi32>
      %parallel_loop3A_452 = tpu.vector_load_idx %arg5[%parallel_loop3A_451, %parallel_loop3A_449] : memref<16x4096xf32, #tpu.memory_space<vmem>>[vector<16xi32>, vector<16xi32>], vector<16xf32>,
      %parallel_loop3A_453 = arith.constant 16 : i32
      %parallel_loop3A_454 = arith.muli %parallel_loop3A_443, %parallel_loop3A_453 : i32
      %parallel_loop3A_455 = arith.constant 1 : i32
      %parallel_loop3A_456 = arith.constant 0 : i32
      %parallel_loop3A_457 = arith.index_cast %parallel_loop3A_455 : i32 to index
      %parallel_loop3A_458 = arith.index_cast %parallel_loop3A_456 : i32 to index
      %parallel_loop3A_459 = arith.index_cast %parallel_loop3A_454 : i32 to index
      %parallel_loop3A_460 = tpu.vector_load %arg7[%parallel_loop3A_457, %parallel_loop3A_458, %parallel_loop3A_459] {strides = array<i32>} : memref<2x16x1024xf32, #tpu.memory_space<vmem>>, vector<16xf32>,
      tpu.vector_store %arg7[%parallel_loop3A_457, %parallel_loop3A_458, %parallel_loop3A_459], %parallel_loop3A_452 {strides = array<i32>} : memref<2x16x1024xf32, #tpu.memory_space<vmem>>, vector<16xf32>,
      %parallel_loop3A_461 = arith.constant 1 : i32
      %parallel_loop3A_462 = vector.broadcast %parallel_loop3A_461 : i32 to vector<16xi32>
      %parallel_loop3A_463 = tpu.vector_load_idx %arg5[%parallel_loop3A_462, %parallel_loop3A_449] : memref<16x4096xf32, #tpu.memory_space<vmem>>[vector<16xi32>, vector<16xi32>], vector<16xf32>,
      %parallel_loop3A_464 = arith.constant 16 : i32
      %parallel_loop3A_465 = arith.muli %parallel_loop3A_443, %parallel_loop3A_464 : i32
      %parallel_loop3A_466 = arith.constant 1 : i32
      %parallel_loop3A_467 = arith.constant 1 : i32
      %parallel_loop3A_468 = arith.index_cast %parallel_loop3A_466 : i32 to index
      %parallel_loop3A_469 = arith.index_cast %parallel_loop3A_467 : i32 to index
      %parallel_loop3A_470 = arith.index_cast %parallel_loop3A_465 : i32 to index
      %parallel_loop3A_471 = tpu.vector_load %arg7[%parallel_loop3A_468, %parallel_loop3A_469, %parallel_loop3A_470] {strides = array<i32>} : memref<2x16x1024xf32, #tpu.memory_space<vmem>>, vector<16xf32>,
      tpu.vector_store %arg7[%parallel_loop3A_468, %parallel_loop3A_469, %parallel_loop3A_470], %parallel_loop3A_463 {strides = array<i32>} : memref<2x16x1024xf32, #tpu.memory_space<vmem>>, vector<16xf32>,
      %parallel_loop3A_472 = arith.constant 2 : i32
      %parallel_loop3A_473 = vector.broadcast %parallel_loop3A_472 : i32 to vector<16xi32>
      %parallel_loop3A_474 = tpu.vector_load_idx %arg5[%parallel_loop3A_473, %parallel_loop3A_449] : memref<16x4096xf32, #tpu.memory_space<vmem>>[vector<16xi32>, vector<16xi32>], vector<16xf32>,
      %parallel_loop3A_475 = arith.constant 16 : i32
      %parallel_loop3A_476 = arith.muli %parallel_loop3A_443, %parallel_loop3A_475 : i32
      %parallel_loop3A_477 = arith.constant 1 : i32
      %parallel_loop3A_478 = arith.constant 2 : i32
      %parallel_loop3A_479 = arith.index_cast %parallel_loop3A_477 : i32 to index
      %parallel_loop3A_480 = arith.index_cast %parallel_loop3A_478 : i32 to index
      %parallel_loop3A_481 = arith.index_cast %parallel_loop3A_476 : i32 to index
      %parallel_loop3A_482 = tpu.vector_load %arg7[%parallel_loop3A_479, %parallel_loop3A_480, %parallel_loop3A_481] {strides = array<i32>} : memref<2x16x1024xf32, #tpu.memory_space<vmem>>, vector<16xf32>,
      tpu.vector_store %arg7[%parallel_loop3A_479, %parallel_loop3A_480, %parallel_loop3A_481], %parallel_loop3A_474 {strides = array<i32>} : memref<2x16x1024xf32, #tpu.memory_space<vmem>>, vector<16xf32>,
      %parallel_loop3A_483 = arith.constant 3 : i32
      %parallel_loop3A_484 = vector.broadcast %parallel_loop3A_483 : i32 to vector<16xi32>
      %parallel_loop3A_485 = tpu.vector_load_idx %arg5[%parallel_loop3A_484, %parallel_loop3A_449] : memref<16x4096xf32, #tpu.memory_space<vmem>>[vector<16xi32>, vector<16xi32>], vector<16xf32>,
      %parallel_loop3A_486 = arith.constant 16 : i32
      %parallel_loop3A_487 = arith.muli %parallel_loop3A_443, %parallel_loop3A_486 : i32
      %parallel_loop3A_488 = arith.constant 1 : i32
      %parallel_loop3A_489 = arith.constant 3 : i32
      %parallel_loop3A_490 = arith.index_cast %parallel_loop3A_488 : i32 to index
      %parallel_loop3A_491 = arith.index_cast %parallel_loop3A_489 : i32 to index
      %parallel_loop3A_492 = arith.index_cast %parallel_loop3A_487 : i32 to index
      %parallel_loop3A_493 = tpu.vector_load %arg7[%parallel_loop3A_490, %parallel_loop3A_491, %parallel_loop3A_492] {strides = array<i32>} : memref<2x16x1024xf32, #tpu.memory_space<vmem>>, vector<16xf32>,
      tpu.vector_store %arg7[%parallel_loop3A_490, %parallel_loop3A_491, %parallel_loop3A_492], %parallel_loop3A_485 {strides = array<i32>} : memref<2x16x1024xf32, #tpu.memory_space<vmem>>, vector<16xf32>,
      %parallel_loop3A_494 = arith.constant 4 : i32
      %parallel_loop3A_495 = vector.broadcast %parallel_loop3A_494 : i32 to vector<16xi32>
      %parallel_loop3A_496 = tpu.vector_load_idx %arg5[%parallel_loop3A_495, %parallel_loop3A_449] : memref<16x4096xf32, #tpu.memory_space<vmem>>[vector<16xi32>, vector<16xi32>], vector<16xf32>,
      %parallel_loop3A_497 = arith.constant 16 : i32
      %parallel_loop3A_498 = arith.muli %parallel_loop3A_443, %parallel_loop3A_497 : i32
      %parallel_loop3A_499 = arith.constant 1 : i32
      %parallel_loop3A_500 = arith.constant 4 : i32
      %parallel_loop3A_501 = arith.index_cast %parallel_loop3A_499 : i32 to index
      %parallel_loop3A_502 = arith.index_cast %parallel_loop3A_500 : i32 to index
      %parallel_loop3A_503 = arith.index_cast %parallel_loop3A_498 : i32 to index
      %parallel_loop3A_504 = tpu.vector_load %arg7[%parallel_loop3A_501, %parallel_loop3A_502, %parallel_loop3A_503] {strides = array<i32>} : memref<2x16x1024xf32, #tpu.memory_space<vmem>>, vector<16xf32>,
      tpu.vector_store %arg7[%parallel_loop3A_501, %parallel_loop3A_502, %parallel_loop3A_503], %parallel_loop3A_496 {strides = array<i32>} : memref<2x16x1024xf32, #tpu.memory_space<vmem>>, vector<16xf32>,
      %parallel_loop3A_505 = arith.constant 5 : i32
      %parallel_loop3A_506 = vector.broadcast %parallel_loop3A_505 : i32 to vector<16xi32>
      %parallel_loop3A_507 = tpu.vector_load_idx %arg5[%parallel_loop3A_506, %parallel_loop3A_449] : memref<16x4096xf32, #tpu.memory_space<vmem>>[vector<16xi32>, vector<16xi32>], vector<16xf32>,
      %parallel_loop3A_508 = arith.constant 16 : i32
      %parallel_loop3A_509 = arith.muli %parallel_loop3A_443, %parallel_loop3A_508 : i32
      %parallel_loop3A_510 = arith.constant 1 : i32
      %parallel_loop3A_511 = arith.constant 5 : i32
      %parallel_loop3A_512 = arith.index_cast %parallel_loop3A_510 : i32 to index
      %parallel_loop3A_513 = arith.index_cast %parallel_loop3A_511 : i32 to index
      %parallel_loop3A_514 = arith.index_cast %parallel_loop3A_509 : i32 to index
      %parallel_loop3A_515 = tpu.vector_load %arg7[%parallel_loop3A_512, %parallel_loop3A_513, %parallel_loop3A_514] {strides = array<i32>} : memref<2x16x1024xf32, #tpu.memory_space<vmem>>, vector<16xf32>,
      tpu.vector_store %arg7[%parallel_loop3A_512, %parallel_loop3A_513, %parallel_loop3A_514], %parallel_loop3A_507 {strides = array<i32>} : memref<2x16x1024xf32, #tpu.memory_space<vmem>>, vector<16xf32>,
      %parallel_loop3A_516 = arith.constant 6 : i32
      %parallel_loop3A_517 = vector.broadcast %parallel_loop3A_516 : i32 to vector<16xi32>
      %parallel_loop3A_518 = tpu.vector_load_idx %arg5[%parallel_loop3A_517, %parallel_loop3A_449] : memref<16x4096xf32, #tpu.memory_space<vmem>>[vector<16xi32>, vector<16xi32>], vector<16xf32>,
      %parallel_loop3A_519 = arith.constant 16 : i32
      %parallel_loop3A_520 = arith.muli %parallel_loop3A_443, %parallel_loop3A_519 : i32
      %parallel_loop3A_521 = arith.constant 1 : i32
      %parallel_loop3A_522 = arith.constant 6 : i32
      %parallel_loop3A_523 = arith.index_cast %parallel_loop3A_521 : i32 to index
      %parallel_loop3A_524 = arith.index_cast %parallel_loop3A_522 : i32 to index
      %parallel_loop3A_525 = arith.index_cast %parallel_loop3A_520 : i32 to index
      %parallel_loop3A_526 = tpu.vector_load %arg7[%parallel_loop3A_523, %parallel_loop3A_524, %parallel_loop3A_525] {strides = array<i32>} : memref<2x16x1024xf32, #tpu.memory_space<vmem>>, vector<16xf32>,
      tpu.vector_store %arg7[%parallel_loop3A_523, %parallel_loop3A_524, %parallel_loop3A_525], %parallel_loop3A_518 {strides = array<i32>} : memref<2x16x1024xf32, #tpu.memory_space<vmem>>, vector<16xf32>,
      %parallel_loop3A_527 = arith.constant 7 : i32
      %parallel_loop3A_528 = vector.broadcast %parallel_loop3A_527 : i32 to vector<16xi32>
      %parallel_loop3A_529 = tpu.vector_load_idx %arg5[%parallel_loop3A_528, %parallel_loop3A_449] : memref<16x4096xf32, #tpu.memory_space<vmem>>[vector<16xi32>, vector<16xi32>], vector<16xf32>,
      %parallel_loop3A_530 = arith.constant 16 : i32
      %parallel_loop3A_531 = arith.muli %parallel_loop3A_443, %parallel_loop3A_530 : i32
      %parallel_loop3A_532 = arith.constant 1 : i32
      %parallel_loop3A_533 = arith.constant 7 : i32
      %parallel_loop3A_534 = arith.index_cast %parallel_loop3A_532 : i32 to index
      %parallel_loop3A_535 = arith.index_cast %parallel_loop3A_533 : i32 to index
      %parallel_loop3A_536 = arith.index_cast %parallel_loop3A_531 : i32 to index
      %parallel_loop3A_537 = tpu.vector_load %arg7[%parallel_loop3A_534, %parallel_loop3A_535, %parallel_loop3A_536] {strides = array<i32>} : memref<2x16x1024xf32, #tpu.memory_space<vmem>>, vector<16xf32>,
      tpu.vector_store %arg7[%parallel_loop3A_534, %parallel_loop3A_535, %parallel_loop3A_536], %parallel_loop3A_529 {strides = array<i32>} : memref<2x16x1024xf32, #tpu.memory_space<vmem>>, vector<16xf32>,
      %parallel_loop3A_538 = arith.constant 8 : i32
      %parallel_loop3A_539 = vector.broadcast %parallel_loop3A_538 : i32 to vector<16xi32>
      %parallel_loop3A_540 = tpu.vector_load_idx %arg5[%parallel_loop3A_539, %parallel_loop3A_449] : memref<16x4096xf32, #tpu.memory_space<vmem>>[vector<16xi32>, vector<16xi32>], vector<16xf32>,
      %parallel_loop3A_541 = arith.constant 16 : i32
      %parallel_loop3A_542 = arith.muli %parallel_loop3A_443, %parallel_loop3A_541 : i32
      %parallel_loop3A_543 = arith.constant 1 : i32
      %parallel_loop3A_544 = arith.constant 8 : i32
      %parallel_loop3A_545 = arith.index_cast %parallel_loop3A_543 : i32 to index
      %parallel_loop3A_546 = arith.index_cast %parallel_loop3A_544 : i32 to index
      %parallel_loop3A_547 = arith.index_cast %parallel_loop3A_542 : i32 to index
      %parallel_loop3A_548 = tpu.vector_load %arg7[%parallel_loop3A_545, %parallel_loop3A_546, %parallel_loop3A_547] {strides = array<i32>} : memref<2x16x1024xf32, #tpu.memory_space<vmem>>, vector<16xf32>,
      tpu.vector_store %arg7[%parallel_loop3A_545, %parallel_loop3A_546, %parallel_loop3A_547], %parallel_loop3A_540 {strides = array<i32>} : memref<2x16x1024xf32, #tpu.memory_space<vmem>>, vector<16xf32>,
      %parallel_loop3A_549 = arith.constant 9 : i32
      %parallel_loop3A_550 = vector.broadcast %parallel_loop3A_549 : i32 to vector<16xi32>
      %parallel_loop3A_551 = tpu.vector_load_idx %arg5[%parallel_loop3A_550, %parallel_loop3A_449] : memref<16x4096xf32, #tpu.memory_space<vmem>>[vector<16xi32>, vector<16xi32>], vector<16xf32>,
      %parallel_loop3A_552 = arith.constant 16 : i32
      %parallel_loop3A_553 = arith.muli %parallel_loop3A_443, %parallel_loop3A_552 : i32
      %parallel_loop3A_554 = arith.constant 1 : i32
      %parallel_loop3A_555 = arith.constant 9 : i32
      %parallel_loop3A_556 = arith.index_cast %parallel_loop3A_554 : i32 to index
      %parallel_loop3A_557 = arith.index_cast %parallel_loop3A_555 : i32 to index
      %parallel_loop3A_558 = arith.index_cast %parallel_loop3A_553 : i32 to index
      %parallel_loop3A_559 = tpu.vector_load %arg7[%parallel_loop3A_556, %parallel_loop3A_557, %parallel_loop3A_558] {strides = array<i32>} : memref<2x16x1024xf32, #tpu.memory_space<vmem>>, vector<16xf32>,
      tpu.vector_store %arg7[%parallel_loop3A_556, %parallel_loop3A_557, %parallel_loop3A_558], %parallel_loop3A_551 {strides = array<i32>} : memref<2x16x1024xf32, #tpu.memory_space<vmem>>, vector<16xf32>,
      %parallel_loop3A_560 = arith.constant 10 : i32
      %parallel_loop3A_561 = vector.broadcast %parallel_loop3A_560 : i32 to vector<16xi32>
      %parallel_loop3A_562 = tpu.vector_load_idx %arg5[%parallel_loop3A_561, %parallel_loop3A_449] : memref<16x4096xf32, #tpu.memory_space<vmem>>[vector<16xi32>, vector<16xi32>], vector<16xf32>,
      %parallel_loop3A_563 = arith.constant 16 : i32
      %parallel_loop3A_564 = arith.muli %parallel_loop3A_443, %parallel_loop3A_563 : i32
      %parallel_loop3A_565 = arith.constant 1 : i32
      %parallel_loop3A_566 = arith.constant 10 : i32
      %parallel_loop3A_567 = arith.index_cast %parallel_loop3A_565 : i32 to index
      %parallel_loop3A_568 = arith.index_cast %parallel_loop3A_566 : i32 to index
      %parallel_loop3A_569 = arith.index_cast %parallel_loop3A_564 : i32 to index
      %parallel_loop3A_570 = tpu.vector_load %arg7[%parallel_loop3A_567, %parallel_loop3A_568, %parallel_loop3A_569] {strides = array<i32>} : memref<2x16x1024xf32, #tpu.memory_space<vmem>>, vector<16xf32>,
      tpu.vector_store %arg7[%parallel_loop3A_567, %parallel_loop3A_568, %parallel_loop3A_569], %parallel_loop3A_562 {strides = array<i32>} : memref<2x16x1024xf32, #tpu.memory_space<vmem>>, vector<16xf32>,
      %parallel_loop3A_571 = arith.constant 11 : i32
      %parallel_loop3A_572 = vector.broadcast %parallel_loop3A_571 : i32 to vector<16xi32>
      %parallel_loop3A_573 = tpu.vector_load_idx %arg5[%parallel_loop3A_572, %parallel_loop3A_449] : memref<16x4096xf32, #tpu.memory_space<vmem>>[vector<16xi32>, vector<16xi32>], vector<16xf32>,
      %parallel_loop3A_574 = arith.constant 16 : i32
      %parallel_loop3A_575 = arith.muli %parallel_loop3A_443, %parallel_loop3A_574 : i32
      %parallel_loop3A_576 = arith.constant 1 : i32
      %parallel_loop3A_577 = arith.constant 11 : i32
      %parallel_loop3A_578 = arith.index_cast %parallel_loop3A_576 : i32 to index
      %parallel_loop3A_579 = arith.index_cast %parallel_loop3A_577 : i32 to index
      %parallel_loop3A_580 = arith.index_cast %parallel_loop3A_575 : i32 to index
      %parallel_loop3A_581 = tpu.vector_load %arg7[%parallel_loop3A_578, %parallel_loop3A_579, %parallel_loop3A_580] {strides = array<i32>} : memref<2x16x1024xf32, #tpu.memory_space<vmem>>, vector<16xf32>,
      tpu.vector_store %arg7[%parallel_loop3A_578, %parallel_loop3A_579, %parallel_loop3A_580], %parallel_loop3A_573 {strides = array<i32>} : memref<2x16x1024xf32, #tpu.memory_space<vmem>>, vector<16xf32>,
      %parallel_loop3A_582 = arith.constant 12 : i32
      %parallel_loop3A_583 = vector.broadcast %parallel_loop3A_582 : i32 to vector<16xi32>
      %parallel_loop3A_584 = tpu.vector_load_idx %arg5[%parallel_loop3A_583, %parallel_loop3A_449] : memref<16x4096xf32, #tpu.memory_space<vmem>>[vector<16xi32>, vector<16xi32>], vector<16xf32>,
      %parallel_loop3A_585 = arith.constant 16 : i32
      %parallel_loop3A_586 = arith.muli %parallel_loop3A_443, %parallel_loop3A_585 : i32
      %parallel_loop3A_587 = arith.constant 1 : i32
      %parallel_loop3A_588 = arith.constant 12 : i32
      %parallel_loop3A_589 = arith.index_cast %parallel_loop3A_587 : i32 to index
      %parallel_loop3A_590 = arith.index_cast %parallel_loop3A_588 : i32 to index
      %parallel_loop3A_591 = arith.index_cast %parallel_loop3A_586 : i32 to index
      %parallel_loop3A_592 = tpu.vector_load %arg7[%parallel_loop3A_589, %parallel_loop3A_590, %parallel_loop3A_591] {strides = array<i32>} : memref<2x16x1024xf32, #tpu.memory_space<vmem>>, vector<16xf32>,
      tpu.vector_store %arg7[%parallel_loop3A_589, %parallel_loop3A_590, %parallel_loop3A_591], %parallel_loop3A_584 {strides = array<i32>} : memref<2x16x1024xf32, #tpu.memory_space<vmem>>, vector<16xf32>,
      %parallel_loop3A_593 = arith.constant 13 : i32
      %parallel_loop3A_594 = vector.broadcast %parallel_loop3A_593 : i32 to vector<16xi32>
      %parallel_loop3A_595 = tpu.vector_load_idx %arg5[%parallel_loop3A_594, %parallel_loop3A_449] : memref<16x4096xf32, #tpu.memory_space<vmem>>[vector<16xi32>, vector<16xi32>], vector<16xf32>,
      %parallel_loop3A_596 = arith.constant 16 : i32
      %parallel_loop3A_597 = arith.muli %parallel_loop3A_443, %parallel_loop3A_596 : i32
      %parallel_loop3A_598 = arith.constant 1 : i32
      %parallel_loop3A_599 = arith.constant 13 : i32
      %parallel_loop3A_600 = arith.index_cast %parallel_loop3A_598 : i32 to index
      %parallel_loop3A_601 = arith.index_cast %parallel_loop3A_599 : i32 to index
      %parallel_loop3A_602 = arith.index_cast %parallel_loop3A_597 : i32 to index
      %parallel_loop3A_603 = tpu.vector_load %arg7[%parallel_loop3A_600, %parallel_loop3A_601, %parallel_loop3A_602] {strides = array<i32>} : memref<2x16x1024xf32, #tpu.memory_space<vmem>>, vector<16xf32>,
      tpu.vector_store %arg7[%parallel_loop3A_600, %parallel_loop3A_601, %parallel_loop3A_602], %parallel_loop3A_595 {strides = array<i32>} : memref<2x16x1024xf32, #tpu.memory_space<vmem>>, vector<16xf32>,
      %parallel_loop3A_604 = arith.constant 14 : i32
      %parallel_loop3A_605 = vector.broadcast %parallel_loop3A_604 : i32 to vector<16xi32>
      %parallel_loop3A_606 = tpu.vector_load_idx %arg5[%parallel_loop3A_605, %parallel_loop3A_449] : memref<16x4096xf32, #tpu.memory_space<vmem>>[vector<16xi32>, vector<16xi32>], vector<16xf32>,
      %parallel_loop3A_607 = arith.constant 16 : i32
      %parallel_loop3A_608 = arith.muli %parallel_loop3A_443, %parallel_loop3A_607 : i32
      %parallel_loop3A_609 = arith.constant 1 : i32
      %parallel_loop3A_610 = arith.constant 14 : i32
      %parallel_loop3A_611 = arith.index_cast %parallel_loop3A_609 : i32 to index
      %parallel_loop3A_612 = arith.index_cast %parallel_loop3A_610 : i32 to index
      %parallel_loop3A_613 = arith.index_cast %parallel_loop3A_608 : i32 to index
      %parallel_loop3A_614 = tpu.vector_load %arg7[%parallel_loop3A_611, %parallel_loop3A_612, %parallel_loop3A_613] {strides = array<i32>} : memref<2x16x1024xf32, #tpu.memory_space<vmem>>, vector<16xf32>,
      tpu.vector_store %arg7[%parallel_loop3A_611, %parallel_loop3A_612, %parallel_loop3A_613], %parallel_loop3A_606 {strides = array<i32>} : memref<2x16x1024xf32, #tpu.memory_space<vmem>>, vector<16xf32>,
      %parallel_loop3A_615 = arith.constant 15 : i32
      %parallel_loop3A_616 = vector.broadcast %parallel_loop3A_615 : i32 to vector<16xi32>
      %parallel_loop3A_617 = tpu.vector_load_idx %arg5[%parallel_loop3A_616, %parallel_loop3A_449] : memref<16x4096xf32, #tpu.memory_space<vmem>>[vector<16xi32>, vector<16xi32>], vector<16xf32>,
      %parallel_loop3A_618 = arith.constant 16 : i32
      %parallel_loop3A_619 = arith.muli %parallel_loop3A_443, %parallel_loop3A_618 : i32
      %parallel_loop3A_620 = arith.constant 1 : i32
      %parallel_loop3A_621 = arith.constant 15 : i32
      %parallel_loop3A_622 = arith.index_cast %parallel_loop3A_620 : i32 to index
      %parallel_loop3A_623 = arith.index_cast %parallel_loop3A_621 : i32 to index
      %parallel_loop3A_624 = arith.index_cast %parallel_loop3A_619 : i32 to index
      %parallel_loop3A_625 = tpu.vector_load %arg7[%parallel_loop3A_622, %parallel_loop3A_623, %parallel_loop3A_624] {strides = array<i32>} : memref<2x16x1024xf32, #tpu.memory_space<vmem>>, vector<16xf32>,
      tpu.vector_store %arg7[%parallel_loop3A_622, %parallel_loop3A_623, %parallel_loop3A_624], %parallel_loop3A_617 {strides = array<i32>} : memref<2x16x1024xf32, #tpu.memory_space<vmem>>, vector<16xf32>,
    } {sc.loop_unroll_factor = 2 : i64, sc.parallel_access}
    %dma_start3A_120 = arith.constant 1 : i32
    %dma_start3A_121 = arith.constant 0 : i32
    %dma_start3A_122 = tpu.memref_slice %arg6[%dma_start3A_120, %dma_start3A_121] : memref<2x1024xi32, #tpu.memory_space<vmem>> -> memref<1x1024xi32, #tpu.memory_space<vmem>>
    %dma_start3A_123 = tpu.memref_squeeze %dma_start3A_122 : memref<1x1024xi32, #tpu.memory_space<vmem>> -> memref<1024xi32, #tpu.memory_space<vmem>>
    %dma_start3A_124 = arith.constant 3072 : i32
    %dma_start3A_125 = tpu.memref_slice %arg3[%select_n3A, %dma_start3A_124] : memref<8x32768xi32, #tpu.memory_space<hbm>> -> memref<1x1024xi32, #tpu.memory_space<hbm>>
    %dma_start3A_126 = tpu.memref_squeeze %dma_start3A_125 : memref<1x1024xi32, #tpu.memory_space<hbm>> -> memref<1024xi32, #tpu.memory_space<hbm>>
    %dma_start3A_127 = arith.constant 0 : i32
    %dma_start3A_128 = tpu.memref_slice %arg6[%dma_start3A_120, %dma_start3A_127] : memref<2x1024xi32, #tpu.memory_space<vmem>> -> memref<1x1024xi32, #tpu.memory_space<vmem>>
    %dma_start3A_129 = tpu.memref_squeeze %dma_start3A_128 : memref<1x1024xi32, #tpu.memory_space<vmem>> -> memref<1024xi32, #tpu.memory_space<vmem>>
    %dma_start3A_130 = arith.constant 3072 : i32
    %dma_start3A_131 = tpu.memref_slice %arg3[%select_n3A, %dma_start3A_130] : memref<8x32768xi32, #tpu.memory_space<hbm>> -> memref<1x1024xi32, #tpu.memory_space<hbm>>
    %dma_start3A_132 = tpu.memref_squeeze %dma_start3A_131 : memref<1x1024xi32, #tpu.memory_space<hbm>> -> memref<1024xi32, #tpu.memory_space<hbm>>
    tpu.enqueue_dma source(%dma_start3A_132 : memref<1024xi32, #tpu.memory_space<hbm>>) target(%dma_start3A_129 : memref<1024xi32, #tpu.memory_space<vmem>>) target_semaphore(%arg9 : memref<!tpu.dma_semaphore, #tpu.memory_space<semaphore_mem>>)
    %mul3A_133 = arith.constant 16 : i32
    %mul3A_134 = arith.muli %select_n3A_32, %mul3A_133 : i32
    %dma_start3A_135 = arith.constant 1 : i32
    %dma_start3A_136 = arith.constant 0 : i32
    %dma_start3A_137 = arith.constant 0 : i32
    %dma_start3A_138 = tpu.memref_slice %arg7[%dma_start3A_135, %dma_start3A_136, %dma_start3A_137] : memref<2x16x1024xf32, #tpu.memory_space<vmem>> -> memref<1x16x1024xf32, #tpu.memory_space<vmem>>
    %dma_start3A_139 = tpu.memref_squeeze %dma_start3A_138 : memref<1x16x1024xf32, #tpu.memory_space<vmem>> -> memref<16x1024xf32, #tpu.memory_space<vmem>>
    %dma_start3A_140 = arith.constant 1024 : i32
    %dma_start3A_141 = tpu.memref_slice %arg4[%select_n3A, %mul3A_134, %dma_start3A_140] : memref<8x128x32768xf32, #tpu.memory_space<hbm>> -> memref<1x16x1024xf32, #tpu.memory_space<hbm>>
    %dma_start3A_142 = tpu.memref_squeeze %dma_start3A_141 : memref<1x16x1024xf32, #tpu.memory_space<hbm>> -> memref<16x1024xf32, #tpu.memory_space<hbm>>
    %dma_start3A_143 = arith.constant 1024 : i32
    %dma_start3A_144 = tpu.memref_slice %arg4[%select_n3A, %mul3A_134, %dma_start3A_143] : memref<8x128x32768xf32, #tpu.memory_space<hbm>> -> memref<1x16x1024xf32, #tpu.memory_space<hbm>>
    %dma_start3A_145 = tpu.memref_squeeze %dma_start3A_144 : memref<1x16x1024xf32, #tpu.memory_space<hbm>> -> memref<16x1024xf32, #tpu.memory_space<hbm>>
    %dma_start3A_146 = arith.constant 0 : i32
    %dma_start3A_147 = arith.constant 0 : i32
    %dma_start3A_148 = tpu.memref_slice %arg7[%dma_start3A_135, %dma_start3A_146, %dma_start3A_147] : memref<2x16x1024xf32, #tpu.memory_space<vmem>> -> memref<1x16x1024xf32, #tpu.memory_space<vmem>>
    %dma_start3A_149 = tpu.memref_squeeze %dma_start3A_148 : memref<1x16x1024xf32, #tpu.memory_space<vmem>> -> memref<16x1024xf32, #tpu.memory_space<vmem>>
    tpu.enqueue_dma source(%dma_start3A_149 : memref<16x1024xf32, #tpu.memory_space<vmem>>) target(%dma_start3A_145 : memref<16x1024xf32, #tpu.memory_space<hbm>>) target_semaphore(%arg11 : memref<!tpu.dma_semaphore, #tpu.memory_space<semaphore_mem>>)
    %scan3A = arith.constant 0 : i32
    %scan3A_150 = arith.constant 1 : i32
    %scan3A_151 = arith.constant 15 : i32
    %scan3A_152 = arith.addi %scan3A_150, %scan3A_151 : i32
    %scan3A_153 = arith.constant 1 : i32
    scf.for %scan3A_443 = %scan3A_150 to %scan3A_152 step %scan3A_153  : i32 {
      %mul3A_444 = arith.constant 2 : i32
      %mul3A_445 = arith.muli %mul3A_444, %scan3A_443 : i32
      %add3A_446 = arith.constant 0 : i32
      %add3A_447 = arith.addi %mul3A_445, %add3A_446 : i32
      %dma_wait3A_448 = arith.constant 0 : i32
      %dma_wait3A_449 = arith.constant 0 : i32
      %dma_wait3A_450 = tpu.memref_slice %arg6[%dma_wait3A_448, %dma_wait3A_449] : memref<2x1024xi32, #tpu.memory_space<vmem>> -> memref<1x1024xi32, #tpu.memory_space<vmem>>
      %dma_wait3A_451 = tpu.memref_squeeze %dma_wait3A_450 : memref<1x1024xi32, #tpu.memory_space<vmem>> -> memref<1024xi32, #tpu.memory_space<vmem>>
      %dma_wait3A_452 = arith.constant 0 : i32
      %dma_wait3A_453 = tpu.memref_slice %arg3[%select_n3A, %dma_wait3A_452] : memref<8x32768xi32, #tpu.memory_space<hbm>> -> memref<1x1024xi32, #tpu.memory_space<hbm>>
      %dma_wait3A_454 = tpu.memref_squeeze %dma_wait3A_453 : memref<1x1024xi32, #tpu.memory_space<hbm>> -> memref<1024xi32, #tpu.memory_space<hbm>>
      %dma_wait3A_455 = arith.constant 0 : i32
      %dma_wait3A_456 = tpu.memref_slice %arg6[%dma_wait3A_448, %dma_wait3A_455] : memref<2x1024xi32, #tpu.memory_space<vmem>> -> memref<1x1024xi32, #tpu.memory_space<vmem>>
      %dma_wait3A_457 = tpu.memref_squeeze %dma_wait3A_456 : memref<1x1024xi32, #tpu.memory_space<vmem>> -> memref<1024xi32, #tpu.memory_space<vmem>>
      %dma_wait3A_458 = arith.constant 0 : i32
      %dma_wait3A_459 = tpu.memref_slice %arg3[%select_n3A, %dma_wait3A_458] : memref<8x32768xi32, #tpu.memory_space<hbm>> -> memref<1x1024xi32, #tpu.memory_space<hbm>>
      %dma_wait3A_460 = tpu.memref_squeeze %dma_wait3A_459 : memref<1x1024xi32, #tpu.memory_space<hbm>> -> memref<1024xi32, #tpu.memory_space<hbm>>
      tpu.wait_dma2 semaphore(%arg8 : memref<!tpu.dma_semaphore, #tpu.memory_space<semaphore_mem>>) src(%dma_wait3A_460 : memref<1024xi32, #tpu.memory_space<hbm>>) dst(%dma_wait3A_457 : memref<1024xi32, #tpu.memory_space<vmem>>)
      %mul3A_461 = arith.constant 16 : i32
      %mul3A_462 = arith.muli %select_n3A_32, %mul3A_461 : i32
      %dma_wait3A_463 = arith.constant 0 : i32
      %dma_wait3A_464 = arith.constant 0 : i32
      %dma_wait3A_465 = arith.constant 0 : i32
      %dma_wait3A_466 = tpu.memref_slice %arg7[%dma_wait3A_463, %dma_wait3A_464, %dma_wait3A_465] : memref<2x16x1024xf32, #tpu.memory_space<vmem>> -> memref<1x16x1024xf32, #tpu.memory_space<vmem>>
      %dma_wait3A_467 = tpu.memref_squeeze %dma_wait3A_466 : memref<1x16x1024xf32, #tpu.memory_space<vmem>> -> memref<16x1024xf32, #tpu.memory_space<vmem>>
      %dma_wait3A_468 = arith.constant 0 : i32
      %dma_wait3A_469 = tpu.memref_slice %arg4[%select_n3A, %mul3A_462, %dma_wait3A_468] : memref<8x128x32768xf32, #tpu.memory_space<hbm>> -> memref<1x16x1024xf32, #tpu.memory_space<hbm>>
      %dma_wait3A_470 = tpu.memref_squeeze %dma_wait3A_469 : memref<1x16x1024xf32, #tpu.memory_space<hbm>> -> memref<16x1024xf32, #tpu.memory_space<hbm>>
      %dma_wait3A_471 = arith.constant 0 : i32
      %dma_wait3A_472 = tpu.memref_slice %arg4[%select_n3A, %mul3A_462, %dma_wait3A_471] : memref<8x128x32768xf32, #tpu.memory_space<hbm>> -> memref<1x16x1024xf32, #tpu.memory_space<hbm>>
      %dma_wait3A_473 = tpu.memref_squeeze %dma_wait3A_472 : memref<1x16x1024xf32, #tpu.memory_space<hbm>> -> memref<16x1024xf32, #tpu.memory_space<hbm>>
      %dma_wait3A_474 = arith.constant 0 : i32
      %dma_wait3A_475 = arith.constant 0 : i32
      %dma_wait3A_476 = tpu.memref_slice %arg7[%dma_wait3A_463, %dma_wait3A_474, %dma_wait3A_475] : memref<2x16x1024xf32, #tpu.memory_space<vmem>> -> memref<1x16x1024xf32, #tpu.memory_space<vmem>>
      %dma_wait3A_477 = tpu.memref_squeeze %dma_wait3A_476 : memref<1x16x1024xf32, #tpu.memory_space<vmem>> -> memref<16x1024xf32, #tpu.memory_space<vmem>>
      tpu.wait_dma2 semaphore(%arg10 : memref<!tpu.dma_semaphore, #tpu.memory_space<semaphore_mem>>) src(%dma_wait3A_477 : memref<16x1024xf32, #tpu.memory_space<vmem>>) dst(%dma_wait3A_473 : memref<16x1024xf32, #tpu.memory_space<hbm>>)
      %parallel_loop3A_478 = arith.constant 0 : i32
      %parallel_loop3A_479 = arith.constant 64 : i32
      %parallel_loop3A_480 = arith.constant 1 : i32
      scf.for %parallel_loop3A_583 = %parallel_loop3A_478 to %parallel_loop3A_479 step %parallel_loop3A_480  : i32 {
        %parallel_loop3A_584 = arith.constant 16 : i32
        %parallel_loop3A_585 = arith.muli %parallel_loop3A_583, %parallel_loop3A_584 : i32
        %parallel_loop3A_586 = arith.constant 0 : i32
        %parallel_loop3A_587 = arith.index_cast %parallel_loop3A_586 : i32 to index
        %parallel_loop3A_588 = arith.index_cast %parallel_loop3A_585 : i32 to index
        %parallel_loop3A_589 = tpu.vector_load %arg6[%parallel_loop3A_587, %parallel_loop3A_588] {strides = array<i32>} : memref<2x1024xi32, #tpu.memory_space<vmem>>, vector<16xi32>,
        %parallel_loop3A_590 = arith.constant 0 : i32
        %parallel_loop3A_591 = vector.broadcast %parallel_loop3A_590 : i32 to vector<16xi32>
        %parallel_loop3A_592 = tpu.vector_load_idx %arg5[%parallel_loop3A_591, %parallel_loop3A_589] : memref<16x4096xf32, #tpu.memory_space<vmem>>[vector<16xi32>, vector<16xi32>], vector<16xf32>,
        %parallel_loop3A_593 = arith.constant 16 : i32
        %parallel_loop3A_594 = arith.muli %parallel_loop3A_583, %parallel_loop3A_593 : i32
        %parallel_loop3A_595 = arith.constant 0 : i32
        %parallel_loop3A_596 = arith.constant 0 : i32
        %parallel_loop3A_597 = arith.index_cast %parallel_loop3A_595 : i32 to index
        %parallel_loop3A_598 = arith.index_cast %parallel_loop3A_596 : i32 to index
        %parallel_loop3A_599 = arith.index_cast %parallel_loop3A_594 : i32 to index
        %parallel_loop3A_600 = tpu.vector_load %arg7[%parallel_loop3A_597, %parallel_loop3A_598, %parallel_loop3A_599] {strides = array<i32>} : memref<2x16x1024xf32, #tpu.memory_space<vmem>>, vector<16xf32>,
        tpu.vector_store %arg7[%parallel_loop3A_597, %parallel_loop3A_598, %parallel_loop3A_599], %parallel_loop3A_592 {strides = array<i32>} : memref<2x16x1024xf32, #tpu.memory_space<vmem>>, vector<16xf32>,
        %parallel_loop3A_601 = arith.constant 1 : i32
        %parallel_loop3A_602 = vector.broadcast %parallel_loop3A_601 : i32 to vector<16xi32>
        %parallel_loop3A_603 = tpu.vector_load_idx %arg5[%parallel_loop3A_602, %parallel_loop3A_589] : memref<16x4096xf32, #tpu.memory_space<vmem>>[vector<16xi32>, vector<16xi32>], vector<16xf32>,
        %parallel_loop3A_604 = arith.constant 16 : i32
        %parallel_loop3A_605 = arith.muli %parallel_loop3A_583, %parallel_loop3A_604 : i32
        %parallel_loop3A_606 = arith.constant 0 : i32
        %parallel_loop3A_607 = arith.constant 1 : i32
        %parallel_loop3A_608 = arith.index_cast %parallel_loop3A_606 : i32 to index
        %parallel_loop3A_609 = arith.index_cast %parallel_loop3A_607 : i32 to index
        %parallel_loop3A_610 = arith.index_cast %parallel_loop3A_605 : i32 to index
        %parallel_loop3A_611 = tpu.vector_load %arg7[%parallel_loop3A_608, %parallel_loop3A_609, %parallel_loop3A_610] {strides = array<i32>} : memref<2x16x1024xf32, #tpu.memory_space<vmem>>, vector<16xf32>,
        tpu.vector_store %arg7[%parallel_loop3A_608, %parallel_loop3A_609, %parallel_loop3A_610], %parallel_loop3A_603 {strides = array<i32>} : memref<2x16x1024xf32, #tpu.memory_space<vmem>>, vector<16xf32>,
        %parallel_loop3A_612 = arith.constant 2 : i32
        %parallel_loop3A_613 = vector.broadcast %parallel_loop3A_612 : i32 to vector<16xi32>
        %parallel_loop3A_614 = tpu.vector_load_idx %arg5[%parallel_loop3A_613, %parallel_loop3A_589] : memref<16x4096xf32, #tpu.memory_space<vmem>>[vector<16xi32>, vector<16xi32>], vector<16xf32>,
        %parallel_loop3A_615 = arith.constant 16 : i32
        %parallel_loop3A_616 = arith.muli %parallel_loop3A_583, %parallel_loop3A_615 : i32
        %parallel_loop3A_617 = arith.constant 0 : i32
        %parallel_loop3A_618 = arith.constant 2 : i32
        %parallel_loop3A_619 = arith.index_cast %parallel_loop3A_617 : i32 to index
        %parallel_loop3A_620 = arith.index_cast %parallel_loop3A_618 : i32 to index
        %parallel_loop3A_621 = arith.index_cast %parallel_loop3A_616 : i32 to index
        %parallel_loop3A_622 = tpu.vector_load %arg7[%parallel_loop3A_619, %parallel_loop3A_620, %parallel_loop3A_621] {strides = array<i32>} : memref<2x16x1024xf32, #tpu.memory_space<vmem>>, vector<16xf32>,
        tpu.vector_store %arg7[%parallel_loop3A_619, %parallel_loop3A_620, %parallel_loop3A_621], %parallel_loop3A_614 {strides = array<i32>} : memref<2x16x1024xf32, #tpu.memory_space<vmem>>, vector<16xf32>,
        %parallel_loop3A_623 = arith.constant 3 : i32
        %parallel_loop3A_624 = vector.broadcast %parallel_loop3A_623 : i32 to vector<16xi32>
        %parallel_loop3A_625 = tpu.vector_load_idx %arg5[%parallel_loop3A_624, %parallel_loop3A_589] : memref<16x4096xf32, #tpu.memory_space<vmem>>[vector<16xi32>, vector<16xi32>], vector<16xf32>,
        %parallel_loop3A_626 = arith.constant 16 : i32
        %parallel_loop3A_627 = arith.muli %parallel_loop3A_583, %parallel_loop3A_626 : i32
        %parallel_loop3A_628 = arith.constant 0 : i32
        %parallel_loop3A_629 = arith.constant 3 : i32
        %parallel_loop3A_630 = arith.index_cast %parallel_loop3A_628 : i32 to index
        %parallel_loop3A_631 = arith.index_cast %parallel_loop3A_629 : i32 to index
        %parallel_loop3A_632 = arith.index_cast %parallel_loop3A_627 : i32 to index
        %parallel_loop3A_633 = tpu.vector_load %arg7[%parallel_loop3A_630, %parallel_loop3A_631, %parallel_loop3A_632] {strides = array<i32>} : memref<2x16x1024xf32, #tpu.memory_space<vmem>>, vector<16xf32>,
        tpu.vector_store %arg7[%parallel_loop3A_630, %parallel_loop3A_631, %parallel_loop3A_632], %parallel_loop3A_625 {strides = array<i32>} : memref<2x16x1024xf32, #tpu.memory_space<vmem>>, vector<16xf32>,
        %parallel_loop3A_634 = arith.constant 4 : i32
        %parallel_loop3A_635 = vector.broadcast %parallel_loop3A_634 : i32 to vector<16xi32>
        %parallel_loop3A_636 = tpu.vector_load_idx %arg5[%parallel_loop3A_635, %parallel_loop3A_589] : memref<16x4096xf32, #tpu.memory_space<vmem>>[vector<16xi32>, vector<16xi32>], vector<16xf32>,
        %parallel_loop3A_637 = arith.constant 16 : i32
        %parallel_loop3A_638 = arith.muli %parallel_loop3A_583, %parallel_loop3A_637 : i32
        %parallel_loop3A_639 = arith.constant 0 : i32
        %parallel_loop3A_640 = arith.constant 4 : i32
        %parallel_loop3A_641 = arith.index_cast %parallel_loop3A_639 : i32 to index
        %parallel_loop3A_642 = arith.index_cast %parallel_loop3A_640 : i32 to index
        %parallel_loop3A_643 = arith.index_cast %parallel_loop3A_638 : i32 to index
        %parallel_loop3A_644 = tpu.vector_load %arg7[%parallel_loop3A_641, %parallel_loop3A_642, %parallel_loop3A_643] {strides = array<i32>} : memref<2x16x1024xf32, #tpu.memory_space<vmem>>, vector<16xf32>,
        tpu.vector_store %arg7[%parallel_loop3A_641, %parallel_loop3A_642, %parallel_loop3A_643], %parallel_loop3A_636 {strides = array<i32>} : memref<2x16x1024xf32, #tpu.memory_space<vmem>>, vector<16xf32>,
        %parallel_loop3A_645 = arith.constant 5 : i32
        %parallel_loop3A_646 = vector.broadcast %parallel_loop3A_645 : i32 to vector<16xi32>
        %parallel_loop3A_647 = tpu.vector_load_idx %arg5[%parallel_loop3A_646, %parallel_loop3A_589] : memref<16x4096xf32, #tpu.memory_space<vmem>>[vector<16xi32>, vector<16xi32>], vector<16xf32>,
        %parallel_loop3A_648 = arith.constant 16 : i32
        %parallel_loop3A_649 = arith.muli %parallel_loop3A_583, %parallel_loop3A_648 : i32
        %parallel_loop3A_650 = arith.constant 0 : i32
        %parallel_loop3A_651 = arith.constant 5 : i32
        %parallel_loop3A_652 = arith.index_cast %parallel_loop3A_650 : i32 to index
        %parallel_loop3A_653 = arith.index_cast %parallel_loop3A_651 : i32 to index
        %parallel_loop3A_654 = arith.index_cast %parallel_loop3A_649 : i32 to index
        %parallel_loop3A_655 = tpu.vector_load %arg7[%parallel_loop3A_652, %parallel_loop3A_653, %parallel_loop3A_654] {strides = array<i32>} : memref<2x16x1024xf32, #tpu.memory_space<vmem>>, vector<16xf32>,
        tpu.vector_store %arg7[%parallel_loop3A_652, %parallel_loop3A_653, %parallel_loop3A_654], %parallel_loop3A_647 {strides = array<i32>} : memref<2x16x1024xf32, #tpu.memory_space<vmem>>, vector<16xf32>,
        %parallel_loop3A_656 = arith.constant 6 : i32
        %parallel_loop3A_657 = vector.broadcast %parallel_loop3A_656 : i32 to vector<16xi32>
        %parallel_loop3A_658 = tpu.vector_load_idx %arg5[%parallel_loop3A_657, %parallel_loop3A_589] : memref<16x4096xf32, #tpu.memory_space<vmem>>[vector<16xi32>, vector<16xi32>], vector<16xf32>,
        %parallel_loop3A_659 = arith.constant 16 : i32
        %parallel_loop3A_660 = arith.muli %parallel_loop3A_583, %parallel_loop3A_659 : i32
        %parallel_loop3A_661 = arith.constant 0 : i32
        %parallel_loop3A_662 = arith.constant 6 : i32
        %parallel_loop3A_663 = arith.index_cast %parallel_loop3A_661 : i32 to index
        %parallel_loop3A_664 = arith.index_cast %parallel_loop3A_662 : i32 to index
        %parallel_loop3A_665 = arith.index_cast %parallel_loop3A_660 : i32 to index
        %parallel_loop3A_666 = tpu.vector_load %arg7[%parallel_loop3A_663, %parallel_loop3A_664, %parallel_loop3A_665] {strides = array<i32>} : memref<2x16x1024xf32, #tpu.memory_space<vmem>>, vector<16xf32>,
        tpu.vector_store %arg7[%parallel_loop3A_663, %parallel_loop3A_664, %parallel_loop3A_665], %parallel_loop3A_658 {strides = array<i32>} : memref<2x16x1024xf32, #tpu.memory_space<vmem>>, vector<16xf32>,
        %parallel_loop3A_667 = arith.constant 7 : i32
        %parallel_loop3A_668 = vector.broadcast %parallel_loop3A_667 : i32 to vector<16xi32>
        %parallel_loop3A_669 = tpu.vector_load_idx %arg5[%parallel_loop3A_668, %parallel_loop3A_589] : memref<16x4096xf32, #tpu.memory_space<vmem>>[vector<16xi32>, vector<16xi32>], vector<16xf32>,
        %parallel_loop3A_670 = arith.constant 16 : i32
        %parallel_loop3A_671 = arith.muli %parallel_loop3A_583, %parallel_loop3A_670 : i32
        %parallel_loop3A_672 = arith.constant 0 : i32
        %parallel_loop3A_673 = arith.constant 7 : i32
        %parallel_loop3A_674 = arith.index_cast %parallel_loop3A_672 : i32 to index
        %parallel_loop3A_675 = arith.index_cast %parallel_loop3A_673 : i32 to index
        %parallel_loop3A_676 = arith.index_cast %parallel_loop3A_671 : i32 to index
        %parallel_loop3A_677 = tpu.vector_load %arg7[%parallel_loop3A_674, %parallel_loop3A_675, %parallel_loop3A_676] {strides = array<i32>} : memref<2x16x1024xf32, #tpu.memory_space<vmem>>, vector<16xf32>,
        tpu.vector_store %arg7[%parallel_loop3A_674, %parallel_loop3A_675, %parallel_loop3A_676], %parallel_loop3A_669 {strides = array<i32>} : memref<2x16x1024xf32, #tpu.memory_space<vmem>>, vector<16xf32>,
        %parallel_loop3A_678 = arith.constant 8 : i32
        %parallel_loop3A_679 = vector.broadcast %parallel_loop3A_678 : i32 to vector<16xi32>
        %parallel_loop3A_680 = tpu.vector_load_idx %arg5[%parallel_loop3A_679, %parallel_loop3A_589] : memref<16x4096xf32, #tpu.memory_space<vmem>>[vector<16xi32>, vector<16xi32>], vector<16xf32>,
        %parallel_loop3A_681 = arith.constant 16 : i32
        %parallel_loop3A_682 = arith.muli %parallel_loop3A_583, %parallel_loop3A_681 : i32
        %parallel_loop3A_683 = arith.constant 0 : i32
        %parallel_loop3A_684 = arith.constant 8 : i32
        %parallel_loop3A_685 = arith.index_cast %parallel_loop3A_683 : i32 to index
        %parallel_loop3A_686 = arith.index_cast %parallel_loop3A_684 : i32 to index
        %parallel_loop3A_687 = arith.index_cast %parallel_loop3A_682 : i32 to index
        %parallel_loop3A_688 = tpu.vector_load %arg7[%parallel_loop3A_685, %parallel_loop3A_686, %parallel_loop3A_687] {strides = array<i32>} : memref<2x16x1024xf32, #tpu.memory_space<vmem>>, vector<16xf32>,
        tpu.vector_store %arg7[%parallel_loop3A_685, %parallel_loop3A_686, %parallel_loop3A_687], %parallel_loop3A_680 {strides = array<i32>} : memref<2x16x1024xf32, #tpu.memory_space<vmem>>, vector<16xf32>,
        %parallel_loop3A_689 = arith.constant 9 : i32
        %parallel_loop3A_690 = vector.broadcast %parallel_loop3A_689 : i32 to vector<16xi32>
        %parallel_loop3A_691 = tpu.vector_load_idx %arg5[%parallel_loop3A_690, %parallel_loop3A_589] : memref<16x4096xf32, #tpu.memory_space<vmem>>[vector<16xi32>, vector<16xi32>], vector<16xf32>,
        %parallel_loop3A_692 = arith.constant 16 : i32
        %parallel_loop3A_693 = arith.muli %parallel_loop3A_583, %parallel_loop3A_692 : i32
        %parallel_loop3A_694 = arith.constant 0 : i32
        %parallel_loop3A_695 = arith.constant 9 : i32
        %parallel_loop3A_696 = arith.index_cast %parallel_loop3A_694 : i32 to index
        %parallel_loop3A_697 = arith.index_cast %parallel_loop3A_695 : i32 to index
        %parallel_loop3A_698 = arith.index_cast %parallel_loop3A_693 : i32 to index
        %parallel_loop3A_699 = tpu.vector_load %arg7[%parallel_loop3A_696, %parallel_loop3A_697, %parallel_loop3A_698] {strides = array<i32>} : memref<2x16x1024xf32, #tpu.memory_space<vmem>>, vector<16xf32>,
        tpu.vector_store %arg7[%parallel_loop3A_696, %parallel_loop3A_697, %parallel_loop3A_698], %parallel_loop3A_691 {strides = array<i32>} : memref<2x16x1024xf32, #tpu.memory_space<vmem>>, vector<16xf32>,
        %parallel_loop3A_700 = arith.constant 10 : i32
        %parallel_loop3A_701 = vector.broadcast %parallel_loop3A_700 : i32 to vector<16xi32>
        %parallel_loop3A_702 = tpu.vector_load_idx %arg5[%parallel_loop3A_701, %parallel_loop3A_589] : memref<16x4096xf32, #tpu.memory_space<vmem>>[vector<16xi32>, vector<16xi32>], vector<16xf32>,
        %parallel_loop3A_703 = arith.constant 16 : i32
        %parallel_loop3A_704 = arith.muli %parallel_loop3A_583, %parallel_loop3A_703 : i32
        %parallel_loop3A_705 = arith.constant 0 : i32
        %parallel_loop3A_706 = arith.constant 10 : i32
        %parallel_loop3A_707 = arith.index_cast %parallel_loop3A_705 : i32 to index
        %parallel_loop3A_708 = arith.index_cast %parallel_loop3A_706 : i32 to index
        %parallel_loop3A_709 = arith.index_cast %parallel_loop3A_704 : i32 to index
        %parallel_loop3A_710 = tpu.vector_load %arg7[%parallel_loop3A_707, %parallel_loop3A_708, %parallel_loop3A_709] {strides = array<i32>} : memref<2x16x1024xf32, #tpu.memory_space<vmem>>, vector<16xf32>,
        tpu.vector_store %arg7[%parallel_loop3A_707, %parallel_loop3A_708, %parallel_loop3A_709], %parallel_loop3A_702 {strides = array<i32>} : memref<2x16x1024xf32, #tpu.memory_space<vmem>>, vector<16xf32>,
        %parallel_loop3A_711 = arith.constant 11 : i32
        %parallel_loop3A_712 = vector.broadcast %parallel_loop3A_711 : i32 to vector<16xi32>
        %parallel_loop3A_713 = tpu.vector_load_idx %arg5[%parallel_loop3A_712, %parallel_loop3A_589] : memref<16x4096xf32, #tpu.memory_space<vmem>>[vector<16xi32>, vector<16xi32>], vector<16xf32>,
        %parallel_loop3A_714 = arith.constant 16 : i32
        %parallel_loop3A_715 = arith.muli %parallel_loop3A_583, %parallel_loop3A_714 : i32
        %parallel_loop3A_716 = arith.constant 0 : i32
        %parallel_loop3A_717 = arith.constant 11 : i32
        %parallel_loop3A_718 = arith.index_cast %parallel_loop3A_716 : i32 to index
        %parallel_loop3A_719 = arith.index_cast %parallel_loop3A_717 : i32 to index
        %parallel_loop3A_720 = arith.index_cast %parallel_loop3A_715 : i32 to index
        %parallel_loop3A_721 = tpu.vector_load %arg7[%parallel_loop3A_718, %parallel_loop3A_719, %parallel_loop3A_720] {strides = array<i32>} : memref<2x16x1024xf32, #tpu.memory_space<vmem>>, vector<16xf32>,
        tpu.vector_store %arg7[%parallel_loop3A_718, %parallel_loop3A_719, %parallel_loop3A_720], %parallel_loop3A_713 {strides = array<i32>} : memref<2x16x1024xf32, #tpu.memory_space<vmem>>, vector<16xf32>,
        %parallel_loop3A_722 = arith.constant 12 : i32
        %parallel_loop3A_723 = vector.broadcast %parallel_loop3A_722 : i32 to vector<16xi32>
        %parallel_loop3A_724 = tpu.vector_load_idx %arg5[%parallel_loop3A_723, %parallel_loop3A_589] : memref<16x4096xf32, #tpu.memory_space<vmem>>[vector<16xi32>, vector<16xi32>], vector<16xf32>,
        %parallel_loop3A_725 = arith.constant 16 : i32
        %parallel_loop3A_726 = arith.muli %parallel_loop3A_583, %parallel_loop3A_725 : i32
        %parallel_loop3A_727 = arith.constant 0 : i32
        %parallel_loop3A_728 = arith.constant 12 : i32
        %parallel_loop3A_729 = arith.index_cast %parallel_loop3A_727 : i32 to index
        %parallel_loop3A_730 = arith.index_cast %parallel_loop3A_728 : i32 to index
        %parallel_loop3A_731 = arith.index_cast %parallel_loop3A_726 : i32 to index
        %parallel_loop3A_732 = tpu.vector_load %arg7[%parallel_loop3A_729, %parallel_loop3A_730, %parallel_loop3A_731] {strides = array<i32>} : memref<2x16x1024xf32, #tpu.memory_space<vmem>>, vector<16xf32>,
        tpu.vector_store %arg7[%parallel_loop3A_729, %parallel_loop3A_730, %parallel_loop3A_731], %parallel_loop3A_724 {strides = array<i32>} : memref<2x16x1024xf32, #tpu.memory_space<vmem>>, vector<16xf32>,
        %parallel_loop3A_733 = arith.constant 13 : i32
        %parallel_loop3A_734 = vector.broadcast %parallel_loop3A_733 : i32 to vector<16xi32>
        %parallel_loop3A_735 = tpu.vector_load_idx %arg5[%parallel_loop3A_734, %parallel_loop3A_589] : memref<16x4096xf32, #tpu.memory_space<vmem>>[vector<16xi32>, vector<16xi32>], vector<16xf32>,
        %parallel_loop3A_736 = arith.constant 16 : i32
        %parallel_loop3A_737 = arith.muli %parallel_loop3A_583, %parallel_loop3A_736 : i32
        %parallel_loop3A_738 = arith.constant 0 : i32
        %parallel_loop3A_739 = arith.constant 13 : i32
        %parallel_loop3A_740 = arith.index_cast %parallel_loop3A_738 : i32 to index
        %parallel_loop3A_741 = arith.index_cast %parallel_loop3A_739 : i32 to index
        %parallel_loop3A_742 = arith.index_cast %parallel_loop3A_737 : i32 to index
        %parallel_loop3A_743 = tpu.vector_load %arg7[%parallel_loop3A_740, %parallel_loop3A_741, %parallel_loop3A_742] {strides = array<i32>} : memref<2x16x1024xf32, #tpu.memory_space<vmem>>, vector<16xf32>,
        tpu.vector_store %arg7[%parallel_loop3A_740, %parallel_loop3A_741, %parallel_loop3A_742], %parallel_loop3A_735 {strides = array<i32>} : memref<2x16x1024xf32, #tpu.memory_space<vmem>>, vector<16xf32>,
        %parallel_loop3A_744 = arith.constant 14 : i32
        %parallel_loop3A_745 = vector.broadcast %parallel_loop3A_744 : i32 to vector<16xi32>
        %parallel_loop3A_746 = tpu.vector_load_idx %arg5[%parallel_loop3A_745, %parallel_loop3A_589] : memref<16x4096xf32, #tpu.memory_space<vmem>>[vector<16xi32>, vector<16xi32>], vector<16xf32>,
        %parallel_loop3A_747 = arith.constant 16 : i32
        %parallel_loop3A_748 = arith.muli %parallel_loop3A_583, %parallel_loop3A_747 : i32
        %parallel_loop3A_749 = arith.constant 0 : i32
        %parallel_loop3A_750 = arith.constant 14 : i32
        %parallel_loop3A_751 = arith.index_cast %parallel_loop3A_749 : i32 to index
        %parallel_loop3A_752 = arith.index_cast %parallel_loop3A_750 : i32 to index
        %parallel_loop3A_753 = arith.index_cast %parallel_loop3A_748 : i32 to index
        %parallel_loop3A_754 = tpu.vector_load %arg7[%parallel_loop3A_751, %parallel_loop3A_752, %parallel_loop3A_753] {strides = array<i32>} : memref<2x16x1024xf32, #tpu.memory_space<vmem>>, vector<16xf32>,
        tpu.vector_store %arg7[%parallel_loop3A_751, %parallel_loop3A_752, %parallel_loop3A_753], %parallel_loop3A_746 {strides = array<i32>} : memref<2x16x1024xf32, #tpu.memory_space<vmem>>, vector<16xf32>,
        %parallel_loop3A_755 = arith.constant 15 : i32
        %parallel_loop3A_756 = vector.broadcast %parallel_loop3A_755 : i32 to vector<16xi32>
        %parallel_loop3A_757 = tpu.vector_load_idx %arg5[%parallel_loop3A_756, %parallel_loop3A_589] : memref<16x4096xf32, #tpu.memory_space<vmem>>[vector<16xi32>, vector<16xi32>], vector<16xf32>,
        %parallel_loop3A_758 = arith.constant 16 : i32
        %parallel_loop3A_759 = arith.muli %parallel_loop3A_583, %parallel_loop3A_758 : i32
        %parallel_loop3A_760 = arith.constant 0 : i32
        %parallel_loop3A_761 = arith.constant 15 : i32
        %parallel_loop3A_762 = arith.index_cast %parallel_loop3A_760 : i32 to index
        %parallel_loop3A_763 = arith.index_cast %parallel_loop3A_761 : i32 to index
        %parallel_loop3A_764 = arith.index_cast %parallel_loop3A_759 : i32 to index
        %parallel_loop3A_765 = tpu.vector_load %arg7[%parallel_loop3A_762, %parallel_loop3A_763, %parallel_loop3A_764] {strides = array<i32>} : memref<2x16x1024xf32, #tpu.memory_space<vmem>>, vector<16xf32>,
        tpu.vector_store %arg7[%parallel_loop3A_762, %parallel_loop3A_763, %parallel_loop3A_764], %parallel_loop3A_757 {strides = array<i32>} : memref<2x16x1024xf32, #tpu.memory_space<vmem>>, vector<16xf32>,
      } {sc.loop_unroll_factor = 2 : i64, sc.parallel_access}
      %add3A_481 = arith.constant 2 : i32
      %add3A_482 = arith.addi %add3A_447, %add3A_481 : i32
      %min3A = arith.constant 31 : i32
      %min3A_483 = arith.minsi %add3A_482, %min3A : i32
      %mul3A_484 = arith.constant 1024 : i32
      %mul3A_485 = arith.muli %min3A_483, %mul3A_484 : i32
      %dma_start3A_486 = arith.constant 0 : i32
      %dma_start3A_487 = arith.constant 0 : i32
      %dma_start3A_488 = tpu.memref_slice %arg6[%dma_start3A_486, %dma_start3A_487] : memref<2x1024xi32, #tpu.memory_space<vmem>> -> memref<1x1024xi32, #tpu.memory_space<vmem>>
      %dma_start3A_489 = tpu.memref_squeeze %dma_start3A_488 : memref<1x1024xi32, #tpu.memory_space<vmem>> -> memref<1024xi32, #tpu.memory_space<vmem>>
      %dma_start3A_490 = tpu.memref_slice %arg3[%select_n3A, %mul3A_485] : memref<8x32768xi32, #tpu.memory_space<hbm>> -> memref<1x1024xi32, #tpu.memory_space<hbm>>
      %dma_start3A_491 = tpu.memref_squeeze %dma_start3A_490 : memref<1x1024xi32, #tpu.memory_space<hbm>> -> memref<1024xi32, #tpu.memory_space<hbm>>
      %dma_start3A_492 = arith.constant 0 : i32
      %dma_start3A_493 = tpu.memref_slice %arg6[%dma_start3A_486, %dma_start3A_492] : memref<2x1024xi32, #tpu.memory_space<vmem>> -> memref<1x1024xi32, #tpu.memory_space<vmem>>
      %dma_start3A_494 = tpu.memref_squeeze %dma_start3A_493 : memref<1x1024xi32, #tpu.memory_space<vmem>> -> memref<1024xi32, #tpu.memory_space<vmem>>
      %dma_start3A_495 = tpu.memref_slice %arg3[%select_n3A, %mul3A_485] : memref<8x32768xi32, #tpu.memory_space<hbm>> -> memref<1x1024xi32, #tpu.memory_space<hbm>>
      %dma_start3A_496 = tpu.memref_squeeze %dma_start3A_495 : memref<1x1024xi32, #tpu.memory_space<hbm>> -> memref<1024xi32, #tpu.memory_space<hbm>>
      tpu.enqueue_dma source(%dma_start3A_496 : memref<1024xi32, #tpu.memory_space<hbm>>) target(%dma_start3A_494 : memref<1024xi32, #tpu.memory_space<vmem>>) target_semaphore(%arg8 : memref<!tpu.dma_semaphore, #tpu.memory_space<semaphore_mem>>)
      %mul3A_497 = arith.constant 16 : i32
      %mul3A_498 = arith.muli %select_n3A_32, %mul3A_497 : i32
      %mul3A_499 = arith.constant 1024 : i32
      %mul3A_500 = arith.muli %add3A_447, %mul3A_499 : i32
      %dma_start3A_501 = arith.constant 0 : i32
      %dma_start3A_502 = arith.constant 0 : i32
      %dma_start3A_503 = arith.constant 0 : i32
      %dma_start3A_504 = tpu.memref_slice %arg7[%dma_start3A_501, %dma_start3A_502, %dma_start3A_503] : memref<2x16x1024xf32, #tpu.memory_space<vmem>> -> memref<1x16x1024xf32, #tpu.memory_space<vmem>>
      %dma_start3A_505 = tpu.memref_squeeze %dma_start3A_504 : memref<1x16x1024xf32, #tpu.memory_space<vmem>> -> memref<16x1024xf32, #tpu.memory_space<vmem>>
      %dma_start3A_506 = tpu.memref_slice %arg4[%select_n3A, %mul3A_498, %mul3A_500] : memref<8x128x32768xf32, #tpu.memory_space<hbm>> -> memref<1x16x1024xf32, #tpu.memory_space<hbm>>
      %dma_start3A_507 = tpu.memref_squeeze %dma_start3A_506 : memref<1x16x1024xf32, #tpu.memory_space<hbm>> -> memref<16x1024xf32, #tpu.memory_space<hbm>>
      %dma_start3A_508 = tpu.memref_slice %arg4[%select_n3A, %mul3A_498, %mul3A_500] : memref<8x128x32768xf32, #tpu.memory_space<hbm>> -> memref<1x16x1024xf32, #tpu.memory_space<hbm>>
      %dma_start3A_509 = tpu.memref_squeeze %dma_start3A_508 : memref<1x16x1024xf32, #tpu.memory_space<hbm>> -> memref<16x1024xf32, #tpu.memory_space<hbm>>
      %dma_start3A_510 = arith.constant 0 : i32
      %dma_start3A_511 = arith.constant 0 : i32
      %dma_start3A_512 = tpu.memref_slice %arg7[%dma_start3A_501, %dma_start3A_510, %dma_start3A_511] : memref<2x16x1024xf32, #tpu.memory_space<vmem>> -> memref<1x16x1024xf32, #tpu.memory_space<vmem>>
      %dma_start3A_513 = tpu.memref_squeeze %dma_start3A_512 : memref<1x16x1024xf32, #tpu.memory_space<vmem>> -> memref<16x1024xf32, #tpu.memory_space<vmem>>
      tpu.enqueue_dma source(%dma_start3A_513 : memref<16x1024xf32, #tpu.memory_space<vmem>>) target(%dma_start3A_509 : memref<16x1024xf32, #tpu.memory_space<hbm>>) target_semaphore(%arg10 : memref<!tpu.dma_semaphore, #tpu.memory_space<semaphore_mem>>)
      %add3A_514 = arith.constant 1 : i32
      %add3A_515 = arith.addi %mul3A_445, %add3A_514 : i32
      %dma_wait3A_516 = arith.constant 1 : i32
      %dma_wait3A_517 = arith.constant 0 : i32
      %dma_wait3A_518 = tpu.memref_slice %arg6[%dma_wait3A_516, %dma_wait3A_517] : memref<2x1024xi32, #tpu.memory_space<vmem>> -> memref<1x1024xi32, #tpu.memory_space<vmem>>
      %dma_wait3A_519 = tpu.memref_squeeze %dma_wait3A_518 : memref<1x1024xi32, #tpu.memory_space<vmem>> -> memref<1024xi32, #tpu.memory_space<vmem>>
      %dma_wait3A_520 = arith.constant 0 : i32
      %dma_wait3A_521 = tpu.memref_slice %arg3[%select_n3A, %dma_wait3A_520] : memref<8x32768xi32, #tpu.memory_space<hbm>> -> memref<1x1024xi32, #tpu.memory_space<hbm>>
      %dma_wait3A_522 = tpu.memref_squeeze %dma_wait3A_521 : memref<1x1024xi32, #tpu.memory_space<hbm>> -> memref<1024xi32, #tpu.memory_space<hbm>>
      %dma_wait3A_523 = arith.constant 0 : i32
      %dma_wait3A_524 = tpu.memref_slice %arg6[%dma_wait3A_516, %dma_wait3A_523] : memref<2x1024xi32, #tpu.memory_space<vmem>> -> memref<1x1024xi32, #tpu.memory_space<vmem>>
      %dma_wait3A_525 = tpu.memref_squeeze %dma_wait3A_524 : memref<1x1024xi32, #tpu.memory_space<vmem>> -> memref<1024xi32, #tpu.memory_space<vmem>>
      %dma_wait3A_526 = arith.constant 0 : i32
      %dma_wait3A_527 = tpu.memref_slice %arg3[%select_n3A, %dma_wait3A_526] : memref<8x32768xi32, #tpu.memory_space<hbm>> -> memref<1x1024xi32, #tpu.memory_space<hbm>>
      %dma_wait3A_528 = tpu.memref_squeeze %dma_wait3A_527 : memref<1x1024xi32, #tpu.memory_space<hbm>> -> memref<1024xi32, #tpu.memory_space<hbm>>
      tpu.wait_dma2 semaphore(%arg9 : memref<!tpu.dma_semaphore, #tpu.memory_space<semaphore_mem>>) src(%dma_wait3A_528 : memref<1024xi32, #tpu.memory_space<hbm>>) dst(%dma_wait3A_525 : memref<1024xi32, #tpu.memory_space<vmem>>)
      %mul3A_529 = arith.constant 16 : i32
      %mul3A_530 = arith.muli %select_n3A_32, %mul3A_529 : i32
      %dma_wait3A_531 = arith.constant 1 : i32
      %dma_wait3A_532 = arith.constant 0 : i32
      %dma_wait3A_533 = arith.constant 0 : i32
      %dma_wait3A_534 = tpu.memref_slice %arg7[%dma_wait3A_531, %dma_wait3A_532, %dma_wait3A_533] : memref<2x16x1024xf32, #tpu.memory_space<vmem>> -> memref<1x16x1024xf32, #tpu.memory_space<vmem>>
      %dma_wait3A_535 = tpu.memref_squeeze %dma_wait3A_534 : memref<1x16x1024xf32, #tpu.memory_space<vmem>> -> memref<16x1024xf32, #tpu.memory_space<vmem>>
      %dma_wait3A_536 = arith.constant 0 : i32
      %dma_wait3A_537 = tpu.memref_slice %arg4[%select_n3A, %mul3A_530, %dma_wait3A_536] : memref<8x128x32768xf32, #tpu.memory_space<hbm>> -> memref<1x16x1024xf32, #tpu.memory_space<hbm>>
      %dma_wait3A_538 = tpu.memref_squeeze %dma_wait3A_537 : memref<1x16x1024xf32, #tpu.memory_space<hbm>> -> memref<16x1024xf32, #tpu.memory_space<hbm>>
      %dma_wait3A_539 = arith.constant 0 : i32
      %dma_wait3A_540 = tpu.memref_slice %arg4[%select_n3A, %mul3A_530, %dma_wait3A_539] : memref<8x128x32768xf32, #tpu.memory_space<hbm>> -> memref<1x16x1024xf32, #tpu.memory_space<hbm>>
      %dma_wait3A_541 = tpu.memref_squeeze %dma_wait3A_540 : memref<1x16x1024xf32, #tpu.memory_space<hbm>> -> memref<16x1024xf32, #tpu.memory_space<hbm>>
      %dma_wait3A_542 = arith.constant 0 : i32
      %dma_wait3A_543 = arith.constant 0 : i32
      %dma_wait3A_544 = tpu.memref_slice %arg7[%dma_wait3A_531, %dma_wait3A_542, %dma_wait3A_543] : memref<2x16x1024xf32, #tpu.memory_space<vmem>> -> memref<1x16x1024xf32, #tpu.memory_space<vmem>>
      %dma_wait3A_545 = tpu.memref_squeeze %dma_wait3A_544 : memref<1x16x1024xf32, #tpu.memory_space<vmem>> -> memref<16x1024xf32, #tpu.memory_space<vmem>>
      tpu.wait_dma2 semaphore(%arg11 : memref<!tpu.dma_semaphore, #tpu.memory_space<semaphore_mem>>) src(%dma_wait3A_545 : memref<16x1024xf32, #tpu.memory_space<vmem>>) dst(%dma_wait3A_541 : memref<16x1024xf32, #tpu.memory_space<hbm>>)
      %parallel_loop3A_546 = arith.constant 0 : i32
      %parallel_loop3A_547 = arith.constant 64 : i32
      %parallel_loop3A_548 = arith.constant 1 : i32
      scf.for %parallel_loop3A_583 = %parallel_loop3A_546 to %parallel_loop3A_547 step %parallel_loop3A_548  : i32 {
        %parallel_loop3A_584 = arith.constant 16 : i32
        %parallel_loop3A_585 = arith.muli %parallel_loop3A_583, %parallel_loop3A_584 : i32
        %parallel_loop3A_586 = arith.constant 1 : i32
        %parallel_loop3A_587 = arith.index_cast %parallel_loop3A_586 : i32 to index
        %parallel_loop3A_588 = arith.index_cast %parallel_loop3A_585 : i32 to index
        %parallel_loop3A_589 = tpu.vector_load %arg6[%parallel_loop3A_587, %parallel_loop3A_588] {strides = array<i32>} : memref<2x1024xi32, #tpu.memory_space<vmem>>, vector<16xi32>,
        %parallel_loop3A_590 = arith.constant 0 : i32
        %parallel_loop3A_591 = vector.broadcast %parallel_loop3A_590 : i32 to vector<16xi32>
        %parallel_loop3A_592 = tpu.vector_load_idx %arg5[%parallel_loop3A_591, %parallel_loop3A_589] : memref<16x4096xf32, #tpu.memory_space<vmem>>[vector<16xi32>, vector<16xi32>], vector<16xf32>,
        %parallel_loop3A_593 = arith.constant 16 : i32
        %parallel_loop3A_594 = arith.muli %parallel_loop3A_583, %parallel_loop3A_593 : i32
        %parallel_loop3A_595 = arith.constant 1 : i32
        %parallel_loop3A_596 = arith.constant 0 : i32
        %parallel_loop3A_597 = arith.index_cast %parallel_loop3A_595 : i32 to index
        %parallel_loop3A_598 = arith.index_cast %parallel_loop3A_596 : i32 to index
        %parallel_loop3A_599 = arith.index_cast %parallel_loop3A_594 : i32 to index
        %parallel_loop3A_600 = tpu.vector_load %arg7[%parallel_loop3A_597, %parallel_loop3A_598, %parallel_loop3A_599] {strides = array<i32>} : memref<2x16x1024xf32, #tpu.memory_space<vmem>>, vector<16xf32>,
        tpu.vector_store %arg7[%parallel_loop3A_597, %parallel_loop3A_598, %parallel_loop3A_599], %parallel_loop3A_592 {strides = array<i32>} : memref<2x16x1024xf32, #tpu.memory_space<vmem>>, vector<16xf32>,
        %parallel_loop3A_601 = arith.constant 1 : i32
        %parallel_loop3A_602 = vector.broadcast %parallel_loop3A_601 : i32 to vector<16xi32>
        %parallel_loop3A_603 = tpu.vector_load_idx %arg5[%parallel_loop3A_602, %parallel_loop3A_589] : memref<16x4096xf32, #tpu.memory_space<vmem>>[vector<16xi32>, vector<16xi32>], vector<16xf32>,
        %parallel_loop3A_604 = arith.constant 16 : i32
        %parallel_loop3A_605 = arith.muli %parallel_loop3A_583, %parallel_loop3A_604 : i32
        %parallel_loop3A_606 = arith.constant 1 : i32
        %parallel_loop3A_607 = arith.constant 1 : i32
        %parallel_loop3A_608 = arith.index_cast %parallel_loop3A_606 : i32 to index
        %parallel_loop3A_609 = arith.index_cast %parallel_loop3A_607 : i32 to index
        %parallel_loop3A_610 = arith.index_cast %parallel_loop3A_605 : i32 to index
        %parallel_loop3A_611 = tpu.vector_load %arg7[%parallel_loop3A_608, %parallel_loop3A_609, %parallel_loop3A_610] {strides = array<i32>} : memref<2x16x1024xf32, #tpu.memory_space<vmem>>, vector<16xf32>,
        tpu.vector_store %arg7[%parallel_loop3A_608, %parallel_loop3A_609, %parallel_loop3A_610], %parallel_loop3A_603 {strides = array<i32>} : memref<2x16x1024xf32, #tpu.memory_space<vmem>>, vector<16xf32>,
        %parallel_loop3A_612 = arith.constant 2 : i32
        %parallel_loop3A_613 = vector.broadcast %parallel_loop3A_612 : i32 to vector<16xi32>
        %parallel_loop3A_614 = tpu.vector_load_idx %arg5[%parallel_loop3A_613, %parallel_loop3A_589] : memref<16x4096xf32, #tpu.memory_space<vmem>>[vector<16xi32>, vector<16xi32>], vector<16xf32>,
        %parallel_loop3A_615 = arith.constant 16 : i32
        %parallel_loop3A_616 = arith.muli %parallel_loop3A_583, %parallel_loop3A_615 : i32
        %parallel_loop3A_617 = arith.constant 1 : i32
        %parallel_loop3A_618 = arith.constant 2 : i32
        %parallel_loop3A_619 = arith.index_cast %parallel_loop3A_617 : i32 to index
        %parallel_loop3A_620 = arith.index_cast %parallel_loop3A_618 : i32 to index
        %parallel_loop3A_621 = arith.index_cast %parallel_loop3A_616 : i32 to index
        %parallel_loop3A_622 = tpu.vector_load %arg7[%parallel_loop3A_619, %parallel_loop3A_620, %parallel_loop3A_621] {strides = array<i32>} : memref<2x16x1024xf32, #tpu.memory_space<vmem>>, vector<16xf32>,
        tpu.vector_store %arg7[%parallel_loop3A_619, %parallel_loop3A_620, %parallel_loop3A_621], %parallel_loop3A_614 {strides = array<i32>} : memref<2x16x1024xf32, #tpu.memory_space<vmem>>, vector<16xf32>,
        %parallel_loop3A_623 = arith.constant 3 : i32
        %parallel_loop3A_624 = vector.broadcast %parallel_loop3A_623 : i32 to vector<16xi32>
        %parallel_loop3A_625 = tpu.vector_load_idx %arg5[%parallel_loop3A_624, %parallel_loop3A_589] : memref<16x4096xf32, #tpu.memory_space<vmem>>[vector<16xi32>, vector<16xi32>], vector<16xf32>,
        %parallel_loop3A_626 = arith.constant 16 : i32
        %parallel_loop3A_627 = arith.muli %parallel_loop3A_583, %parallel_loop3A_626 : i32
        %parallel_loop3A_628 = arith.constant 1 : i32
        %parallel_loop3A_629 = arith.constant 3 : i32
        %parallel_loop3A_630 = arith.index_cast %parallel_loop3A_628 : i32 to index
        %parallel_loop3A_631 = arith.index_cast %parallel_loop3A_629 : i32 to index
        %parallel_loop3A_632 = arith.index_cast %parallel_loop3A_627 : i32 to index
        %parallel_loop3A_633 = tpu.vector_load %arg7[%parallel_loop3A_630, %parallel_loop3A_631, %parallel_loop3A_632] {strides = array<i32>} : memref<2x16x1024xf32, #tpu.memory_space<vmem>>, vector<16xf32>,
        tpu.vector_store %arg7[%parallel_loop3A_630, %parallel_loop3A_631, %parallel_loop3A_632], %parallel_loop3A_625 {strides = array<i32>} : memref<2x16x1024xf32, #tpu.memory_space<vmem>>, vector<16xf32>,
        %parallel_loop3A_634 = arith.constant 4 : i32
        %parallel_loop3A_635 = vector.broadcast %parallel_loop3A_634 : i32 to vector<16xi32>
        %parallel_loop3A_636 = tpu.vector_load_idx %arg5[%parallel_loop3A_635, %parallel_loop3A_589] : memref<16x4096xf32, #tpu.memory_space<vmem>>[vector<16xi32>, vector<16xi32>], vector<16xf32>,
        %parallel_loop3A_637 = arith.constant 16 : i32
        %parallel_loop3A_638 = arith.muli %parallel_loop3A_583, %parallel_loop3A_637 : i32
        %parallel_loop3A_639 = arith.constant 1 : i32
        %parallel_loop3A_640 = arith.constant 4 : i32
        %parallel_loop3A_641 = arith.index_cast %parallel_loop3A_639 : i32 to index
        %parallel_loop3A_642 = arith.index_cast %parallel_loop3A_640 : i32 to index
        %parallel_loop3A_643 = arith.index_cast %parallel_loop3A_638 : i32 to index
        %parallel_loop3A_644 = tpu.vector_load %arg7[%parallel_loop3A_641, %parallel_loop3A_642, %parallel_loop3A_643] {strides = array<i32>} : memref<2x16x1024xf32, #tpu.memory_space<vmem>>, vector<16xf32>,
        tpu.vector_store %arg7[%parallel_loop3A_641, %parallel_loop3A_642, %parallel_loop3A_643], %parallel_loop3A_636 {strides = array<i32>} : memref<2x16x1024xf32, #tpu.memory_space<vmem>>, vector<16xf32>,
        %parallel_loop3A_645 = arith.constant 5 : i32
        %parallel_loop3A_646 = vector.broadcast %parallel_loop3A_645 : i32 to vector<16xi32>
        %parallel_loop3A_647 = tpu.vector_load_idx %arg5[%parallel_loop3A_646, %parallel_loop3A_589] : memref<16x4096xf32, #tpu.memory_space<vmem>>[vector<16xi32>, vector<16xi32>], vector<16xf32>,
        %parallel_loop3A_648 = arith.constant 16 : i32
        %parallel_loop3A_649 = arith.muli %parallel_loop3A_583, %parallel_loop3A_648 : i32
        %parallel_loop3A_650 = arith.constant 1 : i32
        %parallel_loop3A_651 = arith.constant 5 : i32
        %parallel_loop3A_652 = arith.index_cast %parallel_loop3A_650 : i32 to index
        %parallel_loop3A_653 = arith.index_cast %parallel_loop3A_651 : i32 to index
        %parallel_loop3A_654 = arith.index_cast %parallel_loop3A_649 : i32 to index
        %parallel_loop3A_655 = tpu.vector_load %arg7[%parallel_loop3A_652, %parallel_loop3A_653, %parallel_loop3A_654] {strides = array<i32>} : memref<2x16x1024xf32, #tpu.memory_space<vmem>>, vector<16xf32>,
        tpu.vector_store %arg7[%parallel_loop3A_652, %parallel_loop3A_653, %parallel_loop3A_654], %parallel_loop3A_647 {strides = array<i32>} : memref<2x16x1024xf32, #tpu.memory_space<vmem>>, vector<16xf32>,
        %parallel_loop3A_656 = arith.constant 6 : i32
        %parallel_loop3A_657 = vector.broadcast %parallel_loop3A_656 : i32 to vector<16xi32>
        %parallel_loop3A_658 = tpu.vector_load_idx %arg5[%parallel_loop3A_657, %parallel_loop3A_589] : memref<16x4096xf32, #tpu.memory_space<vmem>>[vector<16xi32>, vector<16xi32>], vector<16xf32>,
        %parallel_loop3A_659 = arith.constant 16 : i32
        %parallel_loop3A_660 = arith.muli %parallel_loop3A_583, %parallel_loop3A_659 : i32
        %parallel_loop3A_661 = arith.constant 1 : i32
        %parallel_loop3A_662 = arith.constant 6 : i32
        %parallel_loop3A_663 = arith.index_cast %parallel_loop3A_661 : i32 to index
        %parallel_loop3A_664 = arith.index_cast %parallel_loop3A_662 : i32 to index
        %parallel_loop3A_665 = arith.index_cast %parallel_loop3A_660 : i32 to index
        %parallel_loop3A_666 = tpu.vector_load %arg7[%parallel_loop3A_663, %parallel_loop3A_664, %parallel_loop3A_665] {strides = array<i32>} : memref<2x16x1024xf32, #tpu.memory_space<vmem>>, vector<16xf32>,
        tpu.vector_store %arg7[%parallel_loop3A_663, %parallel_loop3A_664, %parallel_loop3A_665], %parallel_loop3A_658 {strides = array<i32>} : memref<2x16x1024xf32, #tpu.memory_space<vmem>>, vector<16xf32>,
        %parallel_loop3A_667 = arith.constant 7 : i32
        %parallel_loop3A_668 = vector.broadcast %parallel_loop3A_667 : i32 to vector<16xi32>
        %parallel_loop3A_669 = tpu.vector_load_idx %arg5[%parallel_loop3A_668, %parallel_loop3A_589] : memref<16x4096xf32, #tpu.memory_space<vmem>>[vector<16xi32>, vector<16xi32>], vector<16xf32>,
        %parallel_loop3A_670 = arith.constant 16 : i32
        %parallel_loop3A_671 = arith.muli %parallel_loop3A_583, %parallel_loop3A_670 : i32
        %parallel_loop3A_672 = arith.constant 1 : i32
        %parallel_loop3A_673 = arith.constant 7 : i32
        %parallel_loop3A_674 = arith.index_cast %parallel_loop3A_672 : i32 to index
        %parallel_loop3A_675 = arith.index_cast %parallel_loop3A_673 : i32 to index
        %parallel_loop3A_676 = arith.index_cast %parallel_loop3A_671 : i32 to index
        %parallel_loop3A_677 = tpu.vector_load %arg7[%parallel_loop3A_674, %parallel_loop3A_675, %parallel_loop3A_676] {strides = array<i32>} : memref<2x16x1024xf32, #tpu.memory_space<vmem>>, vector<16xf32>,
        tpu.vector_store %arg7[%parallel_loop3A_674, %parallel_loop3A_675, %parallel_loop3A_676], %parallel_loop3A_669 {strides = array<i32>} : memref<2x16x1024xf32, #tpu.memory_space<vmem>>, vector<16xf32>,
        %parallel_loop3A_678 = arith.constant 8 : i32
        %parallel_loop3A_679 = vector.broadcast %parallel_loop3A_678 : i32 to vector<16xi32>
        %parallel_loop3A_680 = tpu.vector_load_idx %arg5[%parallel_loop3A_679, %parallel_loop3A_589] : memref<16x4096xf32, #tpu.memory_space<vmem>>[vector<16xi32>, vector<16xi32>], vector<16xf32>,
        %parallel_loop3A_681 = arith.constant 16 : i32
        %parallel_loop3A_682 = arith.muli %parallel_loop3A_583, %parallel_loop3A_681 : i32
        %parallel_loop3A_683 = arith.constant 1 : i32
        %parallel_loop3A_684 = arith.constant 8 : i32
        %parallel_loop3A_685 = arith.index_cast %parallel_loop3A_683 : i32 to index
        %parallel_loop3A_686 = arith.index_cast %parallel_loop3A_684 : i32 to index
        %parallel_loop3A_687 = arith.index_cast %parallel_loop3A_682 : i32 to index
        %parallel_loop3A_688 = tpu.vector_load %arg7[%parallel_loop3A_685, %parallel_loop3A_686, %parallel_loop3A_687] {strides = array<i32>} : memref<2x16x1024xf32, #tpu.memory_space<vmem>>, vector<16xf32>,
        tpu.vector_store %arg7[%parallel_loop3A_685, %parallel_loop3A_686, %parallel_loop3A_687], %parallel_loop3A_680 {strides = array<i32>} : memref<2x16x1024xf32, #tpu.memory_space<vmem>>, vector<16xf32>,
        %parallel_loop3A_689 = arith.constant 9 : i32
        %parallel_loop3A_690 = vector.broadcast %parallel_loop3A_689 : i32 to vector<16xi32>
        %parallel_loop3A_691 = tpu.vector_load_idx %arg5[%parallel_loop3A_690, %parallel_loop3A_589] : memref<16x4096xf32, #tpu.memory_space<vmem>>[vector<16xi32>, vector<16xi32>], vector<16xf32>,
        %parallel_loop3A_692 = arith.constant 16 : i32
        %parallel_loop3A_693 = arith.muli %parallel_loop3A_583, %parallel_loop3A_692 : i32
        %parallel_loop3A_694 = arith.constant 1 : i32
        %parallel_loop3A_695 = arith.constant 9 : i32
        %parallel_loop3A_696 = arith.index_cast %parallel_loop3A_694 : i32 to index
        %parallel_loop3A_697 = arith.index_cast %parallel_loop3A_695 : i32 to index
        %parallel_loop3A_698 = arith.index_cast %parallel_loop3A_693 : i32 to index
        %parallel_loop3A_699 = tpu.vector_load %arg7[%parallel_loop3A_696, %parallel_loop3A_697, %parallel_loop3A_698] {strides = array<i32>} : memref<2x16x1024xf32, #tpu.memory_space<vmem>>, vector<16xf32>,
        tpu.vector_store %arg7[%parallel_loop3A_696, %parallel_loop3A_697, %parallel_loop3A_698], %parallel_loop3A_691 {strides = array<i32>} : memref<2x16x1024xf32, #tpu.memory_space<vmem>>, vector<16xf32>,
        %parallel_loop3A_700 = arith.constant 10 : i32
        %parallel_loop3A_701 = vector.broadcast %parallel_loop3A_700 : i32 to vector<16xi32>
        %parallel_loop3A_702 = tpu.vector_load_idx %arg5[%parallel_loop3A_701, %parallel_loop3A_589] : memref<16x4096xf32, #tpu.memory_space<vmem>>[vector<16xi32>, vector<16xi32>], vector<16xf32>,
        %parallel_loop3A_703 = arith.constant 16 : i32
        %parallel_loop3A_704 = arith.muli %parallel_loop3A_583, %parallel_loop3A_703 : i32
        %parallel_loop3A_705 = arith.constant 1 : i32
        %parallel_loop3A_706 = arith.constant 10 : i32
        %parallel_loop3A_707 = arith.index_cast %parallel_loop3A_705 : i32 to index
        %parallel_loop3A_708 = arith.index_cast %parallel_loop3A_706 : i32 to index
        %parallel_loop3A_709 = arith.index_cast %parallel_loop3A_704 : i32 to index
        %parallel_loop3A_710 = tpu.vector_load %arg7[%parallel_loop3A_707, %parallel_loop3A_708, %parallel_loop3A_709] {strides = array<i32>} : memref<2x16x1024xf32, #tpu.memory_space<vmem>>, vector<16xf32>,
        tpu.vector_store %arg7[%parallel_loop3A_707, %parallel_loop3A_708, %parallel_loop3A_709], %parallel_loop3A_702 {strides = array<i32>} : memref<2x16x1024xf32, #tpu.memory_space<vmem>>, vector<16xf32>,
        %parallel_loop3A_711 = arith.constant 11 : i32
        %parallel_loop3A_712 = vector.broadcast %parallel_loop3A_711 : i32 to vector<16xi32>
        %parallel_loop3A_713 = tpu.vector_load_idx %arg5[%parallel_loop3A_712, %parallel_loop3A_589] : memref<16x4096xf32, #tpu.memory_space<vmem>>[vector<16xi32>, vector<16xi32>], vector<16xf32>,
        %parallel_loop3A_714 = arith.constant 16 : i32
        %parallel_loop3A_715 = arith.muli %parallel_loop3A_583, %parallel_loop3A_714 : i32
        %parallel_loop3A_716 = arith.constant 1 : i32
        %parallel_loop3A_717 = arith.constant 11 : i32
        %parallel_loop3A_718 = arith.index_cast %parallel_loop3A_716 : i32 to index
        %parallel_loop3A_719 = arith.index_cast %parallel_loop3A_717 : i32 to index
        %parallel_loop3A_720 = arith.index_cast %parallel_loop3A_715 : i32 to index
        %parallel_loop3A_721 = tpu.vector_load %arg7[%parallel_loop3A_718, %parallel_loop3A_719, %parallel_loop3A_720] {strides = array<i32>} : memref<2x16x1024xf32, #tpu.memory_space<vmem>>, vector<16xf32>,
        tpu.vector_store %arg7[%parallel_loop3A_718, %parallel_loop3A_719, %parallel_loop3A_720], %parallel_loop3A_713 {strides = array<i32>} : memref<2x16x1024xf32, #tpu.memory_space<vmem>>, vector<16xf32>,
        %parallel_loop3A_722 = arith.constant 12 : i32
        %parallel_loop3A_723 = vector.broadcast %parallel_loop3A_722 : i32 to vector<16xi32>
        %parallel_loop3A_724 = tpu.vector_load_idx %arg5[%parallel_loop3A_723, %parallel_loop3A_589] : memref<16x4096xf32, #tpu.memory_space<vmem>>[vector<16xi32>, vector<16xi32>], vector<16xf32>,
        %parallel_loop3A_725 = arith.constant 16 : i32
        %parallel_loop3A_726 = arith.muli %parallel_loop3A_583, %parallel_loop3A_725 : i32
        %parallel_loop3A_727 = arith.constant 1 : i32
        %parallel_loop3A_728 = arith.constant 12 : i32
        %parallel_loop3A_729 = arith.index_cast %parallel_loop3A_727 : i32 to index
        %parallel_loop3A_730 = arith.index_cast %parallel_loop3A_728 : i32 to index
        %parallel_loop3A_731 = arith.index_cast %parallel_loop3A_726 : i32 to index
        %parallel_loop3A_732 = tpu.vector_load %arg7[%parallel_loop3A_729, %parallel_loop3A_730, %parallel_loop3A_731] {strides = array<i32>} : memref<2x16x1024xf32, #tpu.memory_space<vmem>>, vector<16xf32>,
        tpu.vector_store %arg7[%parallel_loop3A_729, %parallel_loop3A_730, %parallel_loop3A_731], %parallel_loop3A_724 {strides = array<i32>} : memref<2x16x1024xf32, #tpu.memory_space<vmem>>, vector<16xf32>,
        %parallel_loop3A_733 = arith.constant 13 : i32
        %parallel_loop3A_734 = vector.broadcast %parallel_loop3A_733 : i32 to vector<16xi32>
        %parallel_loop3A_735 = tpu.vector_load_idx %arg5[%parallel_loop3A_734, %parallel_loop3A_589] : memref<16x4096xf32, #tpu.memory_space<vmem>>[vector<16xi32>, vector<16xi32>], vector<16xf32>,
        %parallel_loop3A_736 = arith.constant 16 : i32
        %parallel_loop3A_737 = arith.muli %parallel_loop3A_583, %parallel_loop3A_736 : i32
        %parallel_loop3A_738 = arith.constant 1 : i32
        %parallel_loop3A_739 = arith.constant 13 : i32
        %parallel_loop3A_740 = arith.index_cast %parallel_loop3A_738 : i32 to index
        %parallel_loop3A_741 = arith.index_cast %parallel_loop3A_739 : i32 to index
        %parallel_loop3A_742 = arith.index_cast %parallel_loop3A_737 : i32 to index
        %parallel_loop3A_743 = tpu.vector_load %arg7[%parallel_loop3A_740, %parallel_loop3A_741, %parallel_loop3A_742] {strides = array<i32>} : memref<2x16x1024xf32, #tpu.memory_space<vmem>>, vector<16xf32>,
        tpu.vector_store %arg7[%parallel_loop3A_740, %parallel_loop3A_741, %parallel_loop3A_742], %parallel_loop3A_735 {strides = array<i32>} : memref<2x16x1024xf32, #tpu.memory_space<vmem>>, vector<16xf32>,
        %parallel_loop3A_744 = arith.constant 14 : i32
        %parallel_loop3A_745 = vector.broadcast %parallel_loop3A_744 : i32 to vector<16xi32>
        %parallel_loop3A_746 = tpu.vector_load_idx %arg5[%parallel_loop3A_745, %parallel_loop3A_589] : memref<16x4096xf32, #tpu.memory_space<vmem>>[vector<16xi32>, vector<16xi32>], vector<16xf32>,
        %parallel_loop3A_747 = arith.constant 16 : i32
        %parallel_loop3A_748 = arith.muli %parallel_loop3A_583, %parallel_loop3A_747 : i32
        %parallel_loop3A_749 = arith.constant 1 : i32
        %parallel_loop3A_750 = arith.constant 14 : i32
        %parallel_loop3A_751 = arith.index_cast %parallel_loop3A_749 : i32 to index
        %parallel_loop3A_752 = arith.index_cast %parallel_loop3A_750 : i32 to index
        %parallel_loop3A_753 = arith.index_cast %parallel_loop3A_748 : i32 to index
        %parallel_loop3A_754 = tpu.vector_load %arg7[%parallel_loop3A_751, %parallel_loop3A_752, %parallel_loop3A_753] {strides = array<i32>} : memref<2x16x1024xf32, #tpu.memory_space<vmem>>, vector<16xf32>,
        tpu.vector_store %arg7[%parallel_loop3A_751, %parallel_loop3A_752, %parallel_loop3A_753], %parallel_loop3A_746 {strides = array<i32>} : memref<2x16x1024xf32, #tpu.memory_space<vmem>>, vector<16xf32>,
        %parallel_loop3A_755 = arith.constant 15 : i32
        %parallel_loop3A_756 = vector.broadcast %parallel_loop3A_755 : i32 to vector<16xi32>
        %parallel_loop3A_757 = tpu.vector_load_idx %arg5[%parallel_loop3A_756, %parallel_loop3A_589] : memref<16x4096xf32, #tpu.memory_space<vmem>>[vector<16xi32>, vector<16xi32>], vector<16xf32>,
        %parallel_loop3A_758 = arith.constant 16 : i32
        %parallel_loop3A_759 = arith.muli %parallel_loop3A_583, %parallel_loop3A_758 : i32
        %parallel_loop3A_760 = arith.constant 1 : i32
        %parallel_loop3A_761 = arith.constant 15 : i32
        %parallel_loop3A_762 = arith.index_cast %parallel_loop3A_760 : i32 to index
        %parallel_loop3A_763 = arith.index_cast %parallel_loop3A_761 : i32 to index
        %parallel_loop3A_764 = arith.index_cast %parallel_loop3A_759 : i32 to index
        %parallel_loop3A_765 = tpu.vector_load %arg7[%parallel_loop3A_762, %parallel_loop3A_763, %parallel_loop3A_764] {strides = array<i32>} : memref<2x16x1024xf32, #tpu.memory_space<vmem>>, vector<16xf32>,
        tpu.vector_store %arg7[%parallel_loop3A_762, %parallel_loop3A_763, %parallel_loop3A_764], %parallel_loop3A_757 {strides = array<i32>} : memref<2x16x1024xf32, #tpu.memory_space<vmem>>, vector<16xf32>,
      } {sc.loop_unroll_factor = 2 : i64, sc.parallel_access}
      %add3A_549 = arith.constant 2 : i32
      %add3A_550 = arith.addi %add3A_515, %add3A_549 : i32
      %min3A_551 = arith.constant 31 : i32
      %min3A_552 = arith.minsi %add3A_550, %min3A_551 : i32
      %mul3A_553 = arith.constant 1024 : i32
      %mul3A_554 = arith.muli %min3A_552, %mul3A_553 : i32
      %dma_start3A_555 = arith.constant 1 : i32
      %dma_start3A_556 = arith.constant 0 : i32
      %dma_start3A_557 = tpu.memref_slice %arg6[%dma_start3A_555, %dma_start3A_556] : memref<2x1024xi32, #tpu.memory_space<vmem>> -> memref<1x1024xi32, #tpu.memory_space<vmem>>
      %dma_start3A_558 = tpu.memref_squeeze %dma_start3A_557 : memref<1x1024xi32, #tpu.memory_space<vmem>> -> memref<1024xi32, #tpu.memory_space<vmem>>
      %dma_start3A_559 = tpu.memref_slice %arg3[%select_n3A, %mul3A_554] : memref<8x32768xi32, #tpu.memory_space<hbm>> -> memref<1x1024xi32, #tpu.memory_space<hbm>>
      %dma_start3A_560 = tpu.memref_squeeze %dma_start3A_559 : memref<1x1024xi32, #tpu.memory_space<hbm>> -> memref<1024xi32, #tpu.memory_space<hbm>>
      %dma_start3A_561 = arith.constant 0 : i32
      %dma_start3A_562 = tpu.memref_slice %arg6[%dma_start3A_555, %dma_start3A_561] : memref<2x1024xi32, #tpu.memory_space<vmem>> -> memref<1x1024xi32, #tpu.memory_space<vmem>>
      %dma_start3A_563 = tpu.memref_squeeze %dma_start3A_562 : memref<1x1024xi32, #tpu.memory_space<vmem>> -> memref<1024xi32, #tpu.memory_space<vmem>>
      %dma_start3A_564 = tpu.memref_slice %arg3[%select_n3A, %mul3A_554] : memref<8x32768xi32, #tpu.memory_space<hbm>> -> memref<1x1024xi32, #tpu.memory_space<hbm>>
      %dma_start3A_565 = tpu.memref_squeeze %dma_start3A_564 : memref<1x1024xi32, #tpu.memory_space<hbm>> -> memref<1024xi32, #tpu.memory_space<hbm>>
      tpu.enqueue_dma source(%dma_start3A_565 : memref<1024xi32, #tpu.memory_space<hbm>>) target(%dma_start3A_563 : memref<1024xi32, #tpu.memory_space<vmem>>) target_semaphore(%arg9 : memref<!tpu.dma_semaphore, #tpu.memory_space<semaphore_mem>>)
      %mul3A_566 = arith.constant 16 : i32
      %mul3A_567 = arith.muli %select_n3A_32, %mul3A_566 : i32
      %mul3A_568 = arith.constant 1024 : i32
      %mul3A_569 = arith.muli %add3A_515, %mul3A_568 : i32
      %dma_start3A_570 = arith.constant 1 : i32
      %dma_start3A_571 = arith.constant 0 : i32
      %dma_start3A_572 = arith.constant 0 : i32
      %dma_start3A_573 = tpu.memref_slice %arg7[%dma_start3A_570, %dma_start3A_571, %dma_start3A_572] : memref<2x16x1024xf32, #tpu.memory_space<vmem>> -> memref<1x16x1024xf32, #tpu.memory_space<vmem>>
      %dma_start3A_574 = tpu.memref_squeeze %dma_start3A_573 : memref<1x16x1024xf32, #tpu.memory_space<vmem>> -> memref<16x1024xf32, #tpu.memory_space<vmem>>
      %dma_start3A_575 = tpu.memref_slice %arg4[%select_n3A, %mul3A_567, %mul3A_569] : memref<8x128x32768xf32, #tpu.memory_space<hbm>> -> memref<1x16x1024xf32, #tpu.memory_space<hbm>>
      %dma_start3A_576 = tpu.memref_squeeze %dma_start3A_575 : memref<1x16x1024xf32, #tpu.memory_space<hbm>> -> memref<16x1024xf32, #tpu.memory_space<hbm>>
      %dma_start3A_577 = tpu.memref_slice %arg4[%select_n3A, %mul3A_567, %mul3A_569] : memref<8x128x32768xf32, #tpu.memory_space<hbm>> -> memref<1x16x1024xf32, #tpu.memory_space<hbm>>
      %dma_start3A_578 = tpu.memref_squeeze %dma_start3A_577 : memref<1x16x1024xf32, #tpu.memory_space<hbm>> -> memref<16x1024xf32, #tpu.memory_space<hbm>>
      %dma_start3A_579 = arith.constant 0 : i32
      %dma_start3A_580 = arith.constant 0 : i32
      %dma_start3A_581 = tpu.memref_slice %arg7[%dma_start3A_570, %dma_start3A_579, %dma_start3A_580] : memref<2x16x1024xf32, #tpu.memory_space<vmem>> -> memref<1x16x1024xf32, #tpu.memory_space<vmem>>
      %dma_start3A_582 = tpu.memref_squeeze %dma_start3A_581 : memref<1x16x1024xf32, #tpu.memory_space<vmem>> -> memref<16x1024xf32, #tpu.memory_space<vmem>>
      tpu.enqueue_dma source(%dma_start3A_582 : memref<16x1024xf32, #tpu.memory_space<vmem>>) target(%dma_start3A_578 : memref<16x1024xf32, #tpu.memory_space<hbm>>) target_semaphore(%arg11 : memref<!tpu.dma_semaphore, #tpu.memory_space<semaphore_mem>>)
    }
    %scan3A_154 = arith.constant 15 : i32
    %dma_wait3A_155 = arith.constant 0 : i32
    %dma_wait3A_156 = arith.constant 0 : i32
    %dma_wait3A_157 = tpu.memref_slice %arg6[%dma_wait3A_155, %dma_wait3A_156] : memref<2x1024xi32, #tpu.memory_space<vmem>> -> memref<1x1024xi32, #tpu.memory_space<vmem>>
    %dma_wait3A_158 = tpu.memref_squeeze %dma_wait3A_157 : memref<1x1024xi32, #tpu.memory_space<vmem>> -> memref<1024xi32, #tpu.memory_space<vmem>>
    %dma_wait3A_159 = arith.constant 0 : i32
    %dma_wait3A_160 = tpu.memref_slice %arg3[%select_n3A, %dma_wait3A_159] : memref<8x32768xi32, #tpu.memory_space<hbm>> -> memref<1x1024xi32, #tpu.memory_space<hbm>>
    %dma_wait3A_161 = tpu.memref_squeeze %dma_wait3A_160 : memref<1x1024xi32, #tpu.memory_space<hbm>> -> memref<1024xi32, #tpu.memory_space<hbm>>
    %dma_wait3A_162 = arith.constant 0 : i32
    %dma_wait3A_163 = tpu.memref_slice %arg6[%dma_wait3A_155, %dma_wait3A_162] : memref<2x1024xi32, #tpu.memory_space<vmem>> -> memref<1x1024xi32, #tpu.memory_space<vmem>>
    %dma_wait3A_164 = tpu.memref_squeeze %dma_wait3A_163 : memref<1x1024xi32, #tpu.memory_space<vmem>> -> memref<1024xi32, #tpu.memory_space<vmem>>
    %dma_wait3A_165 = arith.constant 0 : i32
    %dma_wait3A_166 = tpu.memref_slice %arg3[%select_n3A, %dma_wait3A_165] : memref<8x32768xi32, #tpu.memory_space<hbm>> -> memref<1x1024xi32, #tpu.memory_space<hbm>>
    %dma_wait3A_167 = tpu.memref_squeeze %dma_wait3A_166 : memref<1x1024xi32, #tpu.memory_space<hbm>> -> memref<1024xi32, #tpu.memory_space<hbm>>
    tpu.wait_dma2 semaphore(%arg8 : memref<!tpu.dma_semaphore, #tpu.memory_space<semaphore_mem>>) src(%dma_wait3A_167 : memref<1024xi32, #tpu.memory_space<hbm>>) dst(%dma_wait3A_164 : memref<1024xi32, #tpu.memory_space<vmem>>)
    %mul3A_168 = arith.constant 16 : i32
    %mul3A_169 = arith.muli %select_n3A_32, %mul3A_168 : i32
    %dma_wait3A_170 = arith.constant 0 : i32
    %dma_wait3A_171 = arith.constant 0 : i32
    %dma_wait3A_172 = arith.constant 0 : i32
    %dma_wait3A_173 = tpu.memref_slice %arg7[%dma_wait3A_170, %dma_wait3A_171, %dma_wait3A_172] : memref<2x16x1024xf32, #tpu.memory_space<vmem>> -> memref<1x16x1024xf32, #tpu.memory_space<vmem>>
    %dma_wait3A_174 = tpu.memref_squeeze %dma_wait3A_173 : memref<1x16x1024xf32, #tpu.memory_space<vmem>> -> memref<16x1024xf32, #tpu.memory_space<vmem>>
    %dma_wait3A_175 = arith.constant 0 : i32
    %dma_wait3A_176 = tpu.memref_slice %arg4[%select_n3A, %mul3A_169, %dma_wait3A_175] : memref<8x128x32768xf32, #tpu.memory_space<hbm>> -> memref<1x16x1024xf32, #tpu.memory_space<hbm>>
    %dma_wait3A_177 = tpu.memref_squeeze %dma_wait3A_176 : memref<1x16x1024xf32, #tpu.memory_space<hbm>> -> memref<16x1024xf32, #tpu.memory_space<hbm>>
    %dma_wait3A_178 = arith.constant 0 : i32
    %dma_wait3A_179 = tpu.memref_slice %arg4[%select_n3A, %mul3A_169, %dma_wait3A_178] : memref<8x128x32768xf32, #tpu.memory_space<hbm>> -> memref<1x16x1024xf32, #tpu.memory_space<hbm>>
    %dma_wait3A_180 = tpu.memref_squeeze %dma_wait3A_179 : memref<1x16x1024xf32, #tpu.memory_space<hbm>> -> memref<16x1024xf32, #tpu.memory_space<hbm>>
    %dma_wait3A_181 = arith.constant 0 : i32
    %dma_wait3A_182 = arith.constant 0 : i32
    %dma_wait3A_183 = tpu.memref_slice %arg7[%dma_wait3A_170, %dma_wait3A_181, %dma_wait3A_182] : memref<2x16x1024xf32, #tpu.memory_space<vmem>> -> memref<1x16x1024xf32, #tpu.memory_space<vmem>>
    %dma_wait3A_184 = tpu.memref_squeeze %dma_wait3A_183 : memref<1x16x1024xf32, #tpu.memory_space<vmem>> -> memref<16x1024xf32, #tpu.memory_space<vmem>>
    tpu.wait_dma2 semaphore(%arg10 : memref<!tpu.dma_semaphore, #tpu.memory_space<semaphore_mem>>) src(%dma_wait3A_184 : memref<16x1024xf32, #tpu.memory_space<vmem>>) dst(%dma_wait3A_180 : memref<16x1024xf32, #tpu.memory_space<hbm>>)
    %dma_wait3A_185 = arith.constant 1 : i32
    %dma_wait3A_186 = arith.constant 0 : i32
    %dma_wait3A_187 = tpu.memref_slice %arg6[%dma_wait3A_185, %dma_wait3A_186] : memref<2x1024xi32, #tpu.memory_space<vmem>> -> memref<1x1024xi32, #tpu.memory_space<vmem>>
    %dma_wait3A_188 = tpu.memref_squeeze %dma_wait3A_187 : memref<1x1024xi32, #tpu.memory_space<vmem>> -> memref<1024xi32, #tpu.memory_space<vmem>>
    %dma_wait3A_189 = arith.constant 0 : i32
    %dma_wait3A_190 = tpu.memref_slice %arg3[%select_n3A, %dma_wait3A_189] : memref<8x32768xi32, #tpu.memory_space<hbm>> -> memref<1x1024xi32, #tpu.memory_space<hbm>>
    %dma_wait3A_191 = tpu.memref_squeeze %dma_wait3A_190 : memref<1x1024xi32, #tpu.memory_space<hbm>> -> memref<1024xi32, #tpu.memory_space<hbm>>
    %dma_wait3A_192 = arith.constant 0 : i32
    %dma_wait3A_193 = tpu.memref_slice %arg6[%dma_wait3A_185, %dma_wait3A_192] : memref<2x1024xi32, #tpu.memory_space<vmem>> -> memref<1x1024xi32, #tpu.memory_space<vmem>>
    %dma_wait3A_194 = tpu.memref_squeeze %dma_wait3A_193 : memref<1x1024xi32, #tpu.memory_space<vmem>> -> memref<1024xi32, #tpu.memory_space<vmem>>
    %dma_wait3A_195 = arith.constant 0 : i32
    %dma_wait3A_196 = tpu.memref_slice %arg3[%select_n3A, %dma_wait3A_195] : memref<8x32768xi32, #tpu.memory_space<hbm>> -> memref<1x1024xi32, #tpu.memory_space<hbm>>
    %dma_wait3A_197 = tpu.memref_squeeze %dma_wait3A_196 : memref<1x1024xi32, #tpu.memory_space<hbm>> -> memref<1024xi32, #tpu.memory_space<hbm>>
    tpu.wait_dma2 semaphore(%arg9 : memref<!tpu.dma_semaphore, #tpu.memory_space<semaphore_mem>>) src(%dma_wait3A_197 : memref<1024xi32, #tpu.memory_space<hbm>>) dst(%dma_wait3A_194 : memref<1024xi32, #tpu.memory_space<vmem>>)
    %mul3A_198 = arith.constant 16 : i32
    %mul3A_199 = arith.muli %select_n3A_32, %mul3A_198 : i32
    %dma_wait3A_200 = arith.constant 1 : i32
    %dma_wait3A_201 = arith.constant 0 : i32
    %dma_wait3A_202 = arith.constant 0 : i32
    %dma_wait3A_203 = tpu.memref_slice %arg7[%dma_wait3A_200, %dma_wait3A_201, %dma_wait3A_202] : memref<2x16x1024xf32, #tpu.memory_space<vmem>> -> memref<1x16x1024xf32, #tpu.memory_space<vmem>>
    %dma_wait3A_204 = tpu.memref_squeeze %dma_wait3A_203 : memref<1x16x1024xf32, #tpu.memory_space<vmem>> -> memref<16x1024xf32, #tpu.memory_space<vmem>>
    %dma_wait3A_205 = arith.constant 0 : i32
    %dma_wait3A_206 = tpu.memref_slice %arg4[%select_n3A, %mul3A_199, %dma_wait3A_205] : memref<8x128x32768xf32, #tpu.memory_space<hbm>> -> memref<1x16x1024xf32, #tpu.memory_space<hbm>>
    %dma_wait3A_207 = tpu.memref_squeeze %dma_wait3A_206 : memref<1x16x1024xf32, #tpu.memory_space<hbm>> -> memref<16x1024xf32, #tpu.memory_space<hbm>>
    %dma_wait3A_208 = arith.constant 0 : i32
    %dma_wait3A_209 = tpu.memref_slice %arg4[%select_n3A, %mul3A_199, %dma_wait3A_208] : memref<8x128x32768xf32, #tpu.memory_space<hbm>> -> memref<1x16x1024xf32, #tpu.memory_space<hbm>>
    %dma_wait3A_210 = tpu.memref_squeeze %dma_wait3A_209 : memref<1x16x1024xf32, #tpu.memory_space<hbm>> -> memref<16x1024xf32, #tpu.memory_space<hbm>>
    %dma_wait3A_211 = arith.constant 0 : i32
    %dma_wait3A_212 = arith.constant 0 : i32
    %dma_wait3A_213 = tpu.memref_slice %arg7[%dma_wait3A_200, %dma_wait3A_211, %dma_wait3A_212] : memref<2x16x1024xf32, #tpu.memory_space<vmem>> -> memref<1x16x1024xf32, #tpu.memory_space<vmem>>
    %dma_wait3A_214 = tpu.memref_squeeze %dma_wait3A_213 : memref<1x16x1024xf32, #tpu.memory_space<vmem>> -> memref<16x1024xf32, #tpu.memory_space<vmem>>
    tpu.wait_dma2 semaphore(%arg11 : memref<!tpu.dma_semaphore, #tpu.memory_space<semaphore_mem>>) src(%dma_wait3A_214 : memref<16x1024xf32, #tpu.memory_space<vmem>>) dst(%dma_wait3A_210 : memref<16x1024xf32, #tpu.memory_space<hbm>>)
    %add3A_215 = arith.constant 32 : i32
    %add3A_216 = arith.addi %add3A, %add3A_215 : i32
    %jit3A_217 = arith.constant 8 : i32
    %div3A_218 = arith.divsi %add3A_216, %jit3A_217 : i32
    %sign3A_219 = arith.constant 0 : i32
    %sign3A_220 = arith.cmpi sgt, %add3A_216, %sign3A_219 : i32
    %sign3A_221 = arith.extui %sign3A_220 : i1 to i32
    %sign3A_222 = arith.constant 0 : i32
    %sign3A_223 = arith.cmpi slt, %add3A_216, %sign3A_222 : i32
    %sign3A_224 = arith.extui %sign3A_223 : i1 to i32
    %sign3A_225 = arith.subi %sign3A_221, %sign3A_224 : i32
    %sign3A_226 = arith.constant 0 : i32
    %sign3A_227 = arith.cmpi sgt, %jit3A_217, %sign3A_226 : i32
    %sign3A_228 = arith.extui %sign3A_227 : i1 to i32
    %sign3A_229 = arith.constant 0 : i32
    %sign3A_230 = arith.cmpi slt, %jit3A_217, %sign3A_229 : i32
    %sign3A_231 = arith.extui %sign3A_230 : i1 to i32
    %sign3A_232 = arith.subi %sign3A_228, %sign3A_231 : i32
    %ne3A_233 = arith.cmpi ne, %sign3A_225, %sign3A_232 : i32
    %rem3A_234 = arith.remsi %add3A_216, %jit3A_217 : i32
    %ne3A_235 = arith.constant 0 : i32
    %ne3A_236 = arith.cmpi ne, %rem3A_234, %ne3A_235 : i32
    %and3A_237 = arith.andi %ne3A_233, %ne3A_236 : i1
    %sub3A_238 = arith.constant 1 : i32
    %sub3A_239 = arith.subi %div3A_218, %sub3A_238 : i32
    %select_n3A_240 = arith.select %and3A_237, %sub3A_239, %div3A_218 : i32
    %jit3A_241 = arith.constant 8 : i32
    %eq3A_242 = arith.constant 0 : i32
    %eq3A_243 = arith.cmpi eq, %jit3A_241, %eq3A_242 : i32
    %jit3A_244 = arith.constant 1 : i32
    %select_n3A_245 = arith.select %eq3A_243, %jit3A_244, %jit3A_241 : i32
    %rem3A_246 = arith.remsi %add3A_216, %select_n3A_245 : i32
    %ne3A_247 = arith.constant 0 : i32
    %ne3A_248 = arith.cmpi ne, %rem3A_246, %ne3A_247 : i32
    %lt3A_249 = arith.constant 0 : i32
    %lt3A_250 = arith.cmpi slt, %rem3A_246, %lt3A_249 : i32
    %lt3A_251 = arith.constant 0 : i32
    %lt3A_252 = arith.cmpi slt, %select_n3A_245, %lt3A_251 : i32
    %ne3A_253 = arith.xori %lt3A_250, %lt3A_252 : i1
    %and3A_254 = arith.andi %ne3A_253, %ne3A_248 : i1
    %add3A_255 = arith.addi %rem3A_246, %select_n3A_245 : i32
    %select_n3A_256 = arith.select %and3A_254, %add3A_255, %rem3A_246 : i32
    %mul3A_257 = arith.constant 16 : i32
    %mul3A_258 = arith.muli %select_n3A_256, %mul3A_257 : i32
    "tpu.region"() ({
      %run_scoped3A = tpu.sem_alloc : memref<!tpu.dma_semaphore, #tpu.memory_space<semaphore_mem>>
      %dma_start3A_443 = arith.constant 0 : i32
      %dma_start3A_444 = tpu.memref_slice %arg2[%select_n3A_240, %mul3A_258, %dma_start3A_443] : memref<8x128x4096xf32, #tpu.memory_space<hbm>> -> memref<1x16x4096xf32, #tpu.memory_space<hbm>>
      %dma_start3A_445 = tpu.memref_squeeze %dma_start3A_444 : memref<1x16x4096xf32, #tpu.memory_space<hbm>> -> memref<16x4096xf32, #tpu.memory_space<hbm>>
      %dma_start3A_446 = arith.constant 0 : i32
      %dma_start3A_447 = tpu.memref_slice %arg2[%select_n3A_240, %mul3A_258, %dma_start3A_446] : memref<8x128x4096xf32, #tpu.memory_space<hbm>> -> memref<1x16x4096xf32, #tpu.memory_space<hbm>>
      %dma_start3A_448 = tpu.memref_squeeze %dma_start3A_447 : memref<1x16x4096xf32, #tpu.memory_space<hbm>> -> memref<16x4096xf32, #tpu.memory_space<hbm>>
      tpu.enqueue_dma source(%dma_start3A_448 : memref<16x4096xf32, #tpu.memory_space<hbm>>) target(%arg5 : memref<16x4096xf32, #tpu.memory_space<vmem>>) target_semaphore(%run_scoped3A : memref<!tpu.dma_semaphore, #tpu.memory_space<semaphore_mem>>)
      %dma_wait3A_449 = arith.constant 0 : i32
      %dma_wait3A_450 = tpu.memref_slice %arg2[%select_n3A_240, %mul3A_258, %dma_wait3A_449] : memref<8x128x4096xf32, #tpu.memory_space<hbm>> -> memref<1x16x4096xf32, #tpu.memory_space<hbm>>
      %dma_wait3A_451 = tpu.memref_squeeze %dma_wait3A_450 : memref<1x16x4096xf32, #tpu.memory_space<hbm>> -> memref<16x4096xf32, #tpu.memory_space<hbm>>
      %dma_wait3A_452 = arith.constant 0 : i32
      %dma_wait3A_453 = tpu.memref_slice %arg2[%select_n3A_240, %mul3A_258, %dma_wait3A_452] : memref<8x128x4096xf32, #tpu.memory_space<hbm>> -> memref<1x16x4096xf32, #tpu.memory_space<hbm>>
      %dma_wait3A_454 = tpu.memref_squeeze %dma_wait3A_453 : memref<1x16x4096xf32, #tpu.memory_space<hbm>> -> memref<16x4096xf32, #tpu.memory_space<hbm>>
      tpu.wait_dma2 semaphore(%run_scoped3A : memref<!tpu.dma_semaphore, #tpu.memory_space<semaphore_mem>>) src(%dma_wait3A_454 : memref<16x4096xf32, #tpu.memory_space<hbm>>) dst(%arg5 : memref<16x4096xf32, #tpu.memory_space<vmem>>)
      tpu.yield
    }) : () -> ()
    %dma_start3A_259 = arith.constant 0 : i32
    %dma_start3A_260 = arith.constant 0 : i32
    %dma_start3A_261 = tpu.memref_slice %arg6[%dma_start3A_259, %dma_start3A_260] : memref<2x1024xi32, #tpu.memory_space<vmem>> -> memref<1x1024xi32, #tpu.memory_space<vmem>>
    %dma_start3A_262 = tpu.memref_squeeze %dma_start3A_261 : memref<1x1024xi32, #tpu.memory_space<vmem>> -> memref<1024xi32, #tpu.memory_space<vmem>>
    %dma_start3A_263 = arith.constant 0 : i32
    %dma_start3A_264 = tpu.memref_slice %arg3[%select_n3A_240, %dma_start3A_263] : memref<8x32768xi32, #tpu.memory_space<hbm>> -> memref<1x1024xi32, #tpu.memory_space<hbm>>
    %dma_start3A_265 = tpu.memref_squeeze %dma_start3A_264 : memref<1x1024xi32, #tpu.memory_space<hbm>> -> memref<1024xi32, #tpu.memory_space<hbm>>
    %dma_start3A_266 = arith.constant 0 : i32
    %dma_start3A_267 = tpu.memref_slice %arg6[%dma_start3A_259, %dma_start3A_266] : memref<2x1024xi32, #tpu.memory_space<vmem>> -> memref<1x1024xi32, #tpu.memory_space<vmem>>
    %dma_start3A_268 = tpu.memref_squeeze %dma_start3A_267 : memref<1x1024xi32, #tpu.memory_space<vmem>> -> memref<1024xi32, #tpu.memory_space<vmem>>
    %dma_start3A_269 = arith.constant 0 : i32
    %dma_start3A_270 = tpu.memref_slice %arg3[%select_n3A_240, %dma_start3A_269] : memref<8x32768xi32, #tpu.memory_space<hbm>> -> memref<1x1024xi32, #tpu.memory_space<hbm>>
    %dma_start3A_271 = tpu.memref_squeeze %dma_start3A_270 : memref<1x1024xi32, #tpu.memory_space<hbm>> -> memref<1024xi32, #tpu.memory_space<hbm>>
    tpu.enqueue_dma source(%dma_start3A_271 : memref<1024xi32, #tpu.memory_space<hbm>>) target(%dma_start3A_268 : memref<1024xi32, #tpu.memory_space<vmem>>) target_semaphore(%arg8 : memref<!tpu.dma_semaphore, #tpu.memory_space<semaphore_mem>>)
    %dma_start3A_272 = arith.constant 1 : i32
    %dma_start3A_273 = arith.constant 0 : i32
    %dma_start3A_274 = tpu.memref_slice %arg6[%dma_start3A_272, %dma_start3A_273] : memref<2x1024xi32, #tpu.memory_space<vmem>> -> memref<1x1024xi32, #tpu.memory_space<vmem>>
    %dma_start3A_275 = tpu.memref_squeeze %dma_start3A_274 : memref<1x1024xi32, #tpu.memory_space<vmem>> -> memref<1024xi32, #tpu.memory_space<vmem>>
    %dma_start3A_276 = arith.constant 1024 : i32
    %dma_start3A_277 = tpu.memref_slice %arg3[%select_n3A_240, %dma_start3A_276] : memref<8x32768xi32, #tpu.memory_space<hbm>> -> memref<1x1024xi32, #tpu.memory_space<hbm>>
    %dma_start3A_278 = tpu.memref_squeeze %dma_start3A_277 : memref<1x1024xi32, #tpu.memory_space<hbm>> -> memref<1024xi32, #tpu.memory_space<hbm>>
    %dma_start3A_279 = arith.constant 0 : i32
    %dma_start3A_280 = tpu.memref_slice %arg6[%dma_start3A_272, %dma_start3A_279] : memref<2x1024xi32, #tpu.memory_space<vmem>> -> memref<1x1024xi32, #tpu.memory_space<vmem>>
    %dma_start3A_281 = tpu.memref_squeeze %dma_start3A_280 : memref<1x1024xi32, #tpu.memory_space<vmem>> -> memref<1024xi32, #tpu.memory_space<vmem>>
    %dma_start3A_282 = arith.constant 1024 : i32
    %dma_start3A_283 = tpu.memref_slice %arg3[%select_n3A_240, %dma_start3A_282] : memref<8x32768xi32, #tpu.memory_space<hbm>> -> memref<1x1024xi32, #tpu.memory_space<hbm>>
    %dma_start3A_284 = tpu.memref_squeeze %dma_start3A_283 : memref<1x1024xi32, #tpu.memory_space<hbm>> -> memref<1024xi32, #tpu.memory_space<hbm>>
    tpu.enqueue_dma source(%dma_start3A_284 : memref<1024xi32, #tpu.memory_space<hbm>>) target(%dma_start3A_281 : memref<1024xi32, #tpu.memory_space<vmem>>) target_semaphore(%arg9 : memref<!tpu.dma_semaphore, #tpu.memory_space<semaphore_mem>>)
    %dma_wait3A_285 = arith.constant 0 : i32
    %dma_wait3A_286 = arith.constant 0 : i32
    %dma_wait3A_287 = tpu.memref_slice %arg6[%dma_wait3A_285, %dma_wait3A_286] : memref<2x1024xi32, #tpu.memory_space<vmem>> -> memref<1x1024xi32, #tpu.memory_space<vmem>>
    %dma_wait3A_288 = tpu.memref_squeeze %dma_wait3A_287 : memref<1x1024xi32, #tpu.memory_space<vmem>> -> memref<1024xi32, #tpu.memory_space<vmem>>
    %dma_wait3A_289 = arith.constant 0 : i32
    %dma_wait3A_290 = tpu.memref_slice %arg3[%select_n3A_240, %dma_wait3A_289] : memref<8x32768xi32, #tpu.memory_space<hbm>> -> memref<1x1024xi32, #tpu.memory_space<hbm>>
    %dma_wait3A_291 = tpu.memref_squeeze %dma_wait3A_290 : memref<1x1024xi32, #tpu.memory_space<hbm>> -> memref<1024xi32, #tpu.memory_space<hbm>>
    %dma_wait3A_292 = arith.constant 0 : i32
    %dma_wait3A_293 = tpu.memref_slice %arg6[%dma_wait3A_285, %dma_wait3A_292] : memref<2x1024xi32, #tpu.memory_space<vmem>> -> memref<1x1024xi32, #tpu.memory_space<vmem>>
    %dma_wait3A_294 = tpu.memref_squeeze %dma_wait3A_293 : memref<1x1024xi32, #tpu.memory_space<vmem>> -> memref<1024xi32, #tpu.memory_space<vmem>>
    %dma_wait3A_295 = arith.constant 0 : i32
    %dma_wait3A_296 = tpu.memref_slice %arg3[%select_n3A_240, %dma_wait3A_295] : memref<8x32768xi32, #tpu.memory_space<hbm>> -> memref<1x1024xi32, #tpu.memory_space<hbm>>
    %dma_wait3A_297 = tpu.memref_squeeze %dma_wait3A_296 : memref<1x1024xi32, #tpu.memory_space<hbm>> -> memref<1024xi32, #tpu.memory_space<hbm>>
    tpu.wait_dma2 semaphore(%arg8 : memref<!tpu.dma_semaphore, #tpu.memory_space<semaphore_mem>>) src(%dma_wait3A_297 : memref<1024xi32, #tpu.memory_space<hbm>>) dst(%dma_wait3A_294 : memref<1024xi32, #tpu.memory_space<vmem>>)
    %parallel_loop3A_298 = arith.constant 0 : i32
    %parallel_loop3A_299 = arith.constant 64 : i32
    %parallel_loop3A_300 = arith.constant 1 : i32
    scf.for %parallel_loop3A_443 = %parallel_loop3A_298 to %parallel_loop3A_299 step %parallel_loop3A_300  : i32 {
      %parallel_loop3A_444 = arith.constant 16 : i32
      %parallel_loop3A_445 = arith.muli %parallel_loop3A_443, %parallel_loop3A_444 : i32
      %parallel_loop3A_446 = arith.constant 0 : i32
      %parallel_loop3A_447 = arith.index_cast %parallel_loop3A_446 : i32 to index
      %parallel_loop3A_448 = arith.index_cast %parallel_loop3A_445 : i32 to index
      %parallel_loop3A_449 = tpu.vector_load %arg6[%parallel_loop3A_447, %parallel_loop3A_448] {strides = array<i32>} : memref<2x1024xi32, #tpu.memory_space<vmem>>, vector<16xi32>,
      %parallel_loop3A_450 = arith.constant 0 : i32
      %parallel_loop3A_451 = vector.broadcast %parallel_loop3A_450 : i32 to vector<16xi32>
      %parallel_loop3A_452 = tpu.vector_load_idx %arg5[%parallel_loop3A_451, %parallel_loop3A_449] : memref<16x4096xf32, #tpu.memory_space<vmem>>[vector<16xi32>, vector<16xi32>], vector<16xf32>,
      %parallel_loop3A_453 = arith.constant 16 : i32
      %parallel_loop3A_454 = arith.muli %parallel_loop3A_443, %parallel_loop3A_453 : i32
      %parallel_loop3A_455 = arith.constant 0 : i32
      %parallel_loop3A_456 = arith.constant 0 : i32
      %parallel_loop3A_457 = arith.index_cast %parallel_loop3A_455 : i32 to index
      %parallel_loop3A_458 = arith.index_cast %parallel_loop3A_456 : i32 to index
      %parallel_loop3A_459 = arith.index_cast %parallel_loop3A_454 : i32 to index
      %parallel_loop3A_460 = tpu.vector_load %arg7[%parallel_loop3A_457, %parallel_loop3A_458, %parallel_loop3A_459] {strides = array<i32>} : memref<2x16x1024xf32, #tpu.memory_space<vmem>>, vector<16xf32>,
      tpu.vector_store %arg7[%parallel_loop3A_457, %parallel_loop3A_458, %parallel_loop3A_459], %parallel_loop3A_452 {strides = array<i32>} : memref<2x16x1024xf32, #tpu.memory_space<vmem>>, vector<16xf32>,
      %parallel_loop3A_461 = arith.constant 1 : i32
      %parallel_loop3A_462 = vector.broadcast %parallel_loop3A_461 : i32 to vector<16xi32>
      %parallel_loop3A_463 = tpu.vector_load_idx %arg5[%parallel_loop3A_462, %parallel_loop3A_449] : memref<16x4096xf32, #tpu.memory_space<vmem>>[vector<16xi32>, vector<16xi32>], vector<16xf32>,
      %parallel_loop3A_464 = arith.constant 16 : i32
      %parallel_loop3A_465 = arith.muli %parallel_loop3A_443, %parallel_loop3A_464 : i32
      %parallel_loop3A_466 = arith.constant 0 : i32
      %parallel_loop3A_467 = arith.constant 1 : i32
      %parallel_loop3A_468 = arith.index_cast %parallel_loop3A_466 : i32 to index
      %parallel_loop3A_469 = arith.index_cast %parallel_loop3A_467 : i32 to index
      %parallel_loop3A_470 = arith.index_cast %parallel_loop3A_465 : i32 to index
      %parallel_loop3A_471 = tpu.vector_load %arg7[%parallel_loop3A_468, %parallel_loop3A_469, %parallel_loop3A_470] {strides = array<i32>} : memref<2x16x1024xf32, #tpu.memory_space<vmem>>, vector<16xf32>,
      tpu.vector_store %arg7[%parallel_loop3A_468, %parallel_loop3A_469, %parallel_loop3A_470], %parallel_loop3A_463 {strides = array<i32>} : memref<2x16x1024xf32, #tpu.memory_space<vmem>>, vector<16xf32>,
      %parallel_loop3A_472 = arith.constant 2 : i32
      %parallel_loop3A_473 = vector.broadcast %parallel_loop3A_472 : i32 to vector<16xi32>
      %parallel_loop3A_474 = tpu.vector_load_idx %arg5[%parallel_loop3A_473, %parallel_loop3A_449] : memref<16x4096xf32, #tpu.memory_space<vmem>>[vector<16xi32>, vector<16xi32>], vector<16xf32>,
      %parallel_loop3A_475 = arith.constant 16 : i32
      %parallel_loop3A_476 = arith.muli %parallel_loop3A_443, %parallel_loop3A_475 : i32
      %parallel_loop3A_477 = arith.constant 0 : i32
      %parallel_loop3A_478 = arith.constant 2 : i32
      %parallel_loop3A_479 = arith.index_cast %parallel_loop3A_477 : i32 to index
      %parallel_loop3A_480 = arith.index_cast %parallel_loop3A_478 : i32 to index
      %parallel_loop3A_481 = arith.index_cast %parallel_loop3A_476 : i32 to index
      %parallel_loop3A_482 = tpu.vector_load %arg7[%parallel_loop3A_479, %parallel_loop3A_480, %parallel_loop3A_481] {strides = array<i32>} : memref<2x16x1024xf32, #tpu.memory_space<vmem>>, vector<16xf32>,
      tpu.vector_store %arg7[%parallel_loop3A_479, %parallel_loop3A_480, %parallel_loop3A_481], %parallel_loop3A_474 {strides = array<i32>} : memref<2x16x1024xf32, #tpu.memory_space<vmem>>, vector<16xf32>,
      %parallel_loop3A_483 = arith.constant 3 : i32
      %parallel_loop3A_484 = vector.broadcast %parallel_loop3A_483 : i32 to vector<16xi32>
      %parallel_loop3A_485 = tpu.vector_load_idx %arg5[%parallel_loop3A_484, %parallel_loop3A_449] : memref<16x4096xf32, #tpu.memory_space<vmem>>[vector<16xi32>, vector<16xi32>], vector<16xf32>,
      %parallel_loop3A_486 = arith.constant 16 : i32
      %parallel_loop3A_487 = arith.muli %parallel_loop3A_443, %parallel_loop3A_486 : i32
      %parallel_loop3A_488 = arith.constant 0 : i32
      %parallel_loop3A_489 = arith.constant 3 : i32
      %parallel_loop3A_490 = arith.index_cast %parallel_loop3A_488 : i32 to index
      %parallel_loop3A_491 = arith.index_cast %parallel_loop3A_489 : i32 to index
      %parallel_loop3A_492 = arith.index_cast %parallel_loop3A_487 : i32 to index
      %parallel_loop3A_493 = tpu.vector_load %arg7[%parallel_loop3A_490, %parallel_loop3A_491, %parallel_loop3A_492] {strides = array<i32>} : memref<2x16x1024xf32, #tpu.memory_space<vmem>>, vector<16xf32>,
      tpu.vector_store %arg7[%parallel_loop3A_490, %parallel_loop3A_491, %parallel_loop3A_492], %parallel_loop3A_485 {strides = array<i32>} : memref<2x16x1024xf32, #tpu.memory_space<vmem>>, vector<16xf32>,
      %parallel_loop3A_494 = arith.constant 4 : i32
      %parallel_loop3A_495 = vector.broadcast %parallel_loop3A_494 : i32 to vector<16xi32>
      %parallel_loop3A_496 = tpu.vector_load_idx %arg5[%parallel_loop3A_495, %parallel_loop3A_449] : memref<16x4096xf32, #tpu.memory_space<vmem>>[vector<16xi32>, vector<16xi32>], vector<16xf32>,
      %parallel_loop3A_497 = arith.constant 16 : i32
      %parallel_loop3A_498 = arith.muli %parallel_loop3A_443, %parallel_loop3A_497 : i32
      %parallel_loop3A_499 = arith.constant 0 : i32
      %parallel_loop3A_500 = arith.constant 4 : i32
      %parallel_loop3A_501 = arith.index_cast %parallel_loop3A_499 : i32 to index
      %parallel_loop3A_502 = arith.index_cast %parallel_loop3A_500 : i32 to index
      %parallel_loop3A_503 = arith.index_cast %parallel_loop3A_498 : i32 to index
      %parallel_loop3A_504 = tpu.vector_load %arg7[%parallel_loop3A_501, %parallel_loop3A_502, %parallel_loop3A_503] {strides = array<i32>} : memref<2x16x1024xf32, #tpu.memory_space<vmem>>, vector<16xf32>,
      tpu.vector_store %arg7[%parallel_loop3A_501, %parallel_loop3A_502, %parallel_loop3A_503], %parallel_loop3A_496 {strides = array<i32>} : memref<2x16x1024xf32, #tpu.memory_space<vmem>>, vector<16xf32>,
      %parallel_loop3A_505 = arith.constant 5 : i32
      %parallel_loop3A_506 = vector.broadcast %parallel_loop3A_505 : i32 to vector<16xi32>
      %parallel_loop3A_507 = tpu.vector_load_idx %arg5[%parallel_loop3A_506, %parallel_loop3A_449] : memref<16x4096xf32, #tpu.memory_space<vmem>>[vector<16xi32>, vector<16xi32>], vector<16xf32>,
      %parallel_loop3A_508 = arith.constant 16 : i32
      %parallel_loop3A_509 = arith.muli %parallel_loop3A_443, %parallel_loop3A_508 : i32
      %parallel_loop3A_510 = arith.constant 0 : i32
      %parallel_loop3A_511 = arith.constant 5 : i32
      %parallel_loop3A_512 = arith.index_cast %parallel_loop3A_510 : i32 to index
      %parallel_loop3A_513 = arith.index_cast %parallel_loop3A_511 : i32 to index
      %parallel_loop3A_514 = arith.index_cast %parallel_loop3A_509 : i32 to index
      %parallel_loop3A_515 = tpu.vector_load %arg7[%parallel_loop3A_512, %parallel_loop3A_513, %parallel_loop3A_514] {strides = array<i32>} : memref<2x16x1024xf32, #tpu.memory_space<vmem>>, vector<16xf32>,
      tpu.vector_store %arg7[%parallel_loop3A_512, %parallel_loop3A_513, %parallel_loop3A_514], %parallel_loop3A_507 {strides = array<i32>} : memref<2x16x1024xf32, #tpu.memory_space<vmem>>, vector<16xf32>,
      %parallel_loop3A_516 = arith.constant 6 : i32
      %parallel_loop3A_517 = vector.broadcast %parallel_loop3A_516 : i32 to vector<16xi32>
      %parallel_loop3A_518 = tpu.vector_load_idx %arg5[%parallel_loop3A_517, %parallel_loop3A_449] : memref<16x4096xf32, #tpu.memory_space<vmem>>[vector<16xi32>, vector<16xi32>], vector<16xf32>,
      %parallel_loop3A_519 = arith.constant 16 : i32
      %parallel_loop3A_520 = arith.muli %parallel_loop3A_443, %parallel_loop3A_519 : i32
      %parallel_loop3A_521 = arith.constant 0 : i32
      %parallel_loop3A_522 = arith.constant 6 : i32
      %parallel_loop3A_523 = arith.index_cast %parallel_loop3A_521 : i32 to index
      %parallel_loop3A_524 = arith.index_cast %parallel_loop3A_522 : i32 to index
      %parallel_loop3A_525 = arith.index_cast %parallel_loop3A_520 : i32 to index
      %parallel_loop3A_526 = tpu.vector_load %arg7[%parallel_loop3A_523, %parallel_loop3A_524, %parallel_loop3A_525] {strides = array<i32>} : memref<2x16x1024xf32, #tpu.memory_space<vmem>>, vector<16xf32>,
      tpu.vector_store %arg7[%parallel_loop3A_523, %parallel_loop3A_524, %parallel_loop3A_525], %parallel_loop3A_518 {strides = array<i32>} : memref<2x16x1024xf32, #tpu.memory_space<vmem>>, vector<16xf32>,
      %parallel_loop3A_527 = arith.constant 7 : i32
      %parallel_loop3A_528 = vector.broadcast %parallel_loop3A_527 : i32 to vector<16xi32>
      %parallel_loop3A_529 = tpu.vector_load_idx %arg5[%parallel_loop3A_528, %parallel_loop3A_449] : memref<16x4096xf32, #tpu.memory_space<vmem>>[vector<16xi32>, vector<16xi32>], vector<16xf32>,
      %parallel_loop3A_530 = arith.constant 16 : i32
      %parallel_loop3A_531 = arith.muli %parallel_loop3A_443, %parallel_loop3A_530 : i32
      %parallel_loop3A_532 = arith.constant 0 : i32
      %parallel_loop3A_533 = arith.constant 7 : i32
      %parallel_loop3A_534 = arith.index_cast %parallel_loop3A_532 : i32 to index
      %parallel_loop3A_535 = arith.index_cast %parallel_loop3A_533 : i32 to index
      %parallel_loop3A_536 = arith.index_cast %parallel_loop3A_531 : i32 to index
      %parallel_loop3A_537 = tpu.vector_load %arg7[%parallel_loop3A_534, %parallel_loop3A_535, %parallel_loop3A_536] {strides = array<i32>} : memref<2x16x1024xf32, #tpu.memory_space<vmem>>, vector<16xf32>,
      tpu.vector_store %arg7[%parallel_loop3A_534, %parallel_loop3A_535, %parallel_loop3A_536], %parallel_loop3A_529 {strides = array<i32>} : memref<2x16x1024xf32, #tpu.memory_space<vmem>>, vector<16xf32>,
      %parallel_loop3A_538 = arith.constant 8 : i32
      %parallel_loop3A_539 = vector.broadcast %parallel_loop3A_538 : i32 to vector<16xi32>
      %parallel_loop3A_540 = tpu.vector_load_idx %arg5[%parallel_loop3A_539, %parallel_loop3A_449] : memref<16x4096xf32, #tpu.memory_space<vmem>>[vector<16xi32>, vector<16xi32>], vector<16xf32>,
      %parallel_loop3A_541 = arith.constant 16 : i32
      %parallel_loop3A_542 = arith.muli %parallel_loop3A_443, %parallel_loop3A_541 : i32
      %parallel_loop3A_543 = arith.constant 0 : i32
      %parallel_loop3A_544 = arith.constant 8 : i32
      %parallel_loop3A_545 = arith.index_cast %parallel_loop3A_543 : i32 to index
      %parallel_loop3A_546 = arith.index_cast %parallel_loop3A_544 : i32 to index
      %parallel_loop3A_547 = arith.index_cast %parallel_loop3A_542 : i32 to index
      %parallel_loop3A_548 = tpu.vector_load %arg7[%parallel_loop3A_545, %parallel_loop3A_546, %parallel_loop3A_547] {strides = array<i32>} : memref<2x16x1024xf32, #tpu.memory_space<vmem>>, vector<16xf32>,
      tpu.vector_store %arg7[%parallel_loop3A_545, %parallel_loop3A_546, %parallel_loop3A_547], %parallel_loop3A_540 {strides = array<i32>} : memref<2x16x1024xf32, #tpu.memory_space<vmem>>, vector<16xf32>,
      %parallel_loop3A_549 = arith.constant 9 : i32
      %parallel_loop3A_550 = vector.broadcast %parallel_loop3A_549 : i32 to vector<16xi32>
      %parallel_loop3A_551 = tpu.vector_load_idx %arg5[%parallel_loop3A_550, %parallel_loop3A_449] : memref<16x4096xf32, #tpu.memory_space<vmem>>[vector<16xi32>, vector<16xi32>], vector<16xf32>,
      %parallel_loop3A_552 = arith.constant 16 : i32
      %parallel_loop3A_553 = arith.muli %parallel_loop3A_443, %parallel_loop3A_552 : i32
      %parallel_loop3A_554 = arith.constant 0 : i32
      %parallel_loop3A_555 = arith.constant 9 : i32
      %parallel_loop3A_556 = arith.index_cast %parallel_loop3A_554 : i32 to index
      %parallel_loop3A_557 = arith.index_cast %parallel_loop3A_555 : i32 to index
      %parallel_loop3A_558 = arith.index_cast %parallel_loop3A_553 : i32 to index
      %parallel_loop3A_559 = tpu.vector_load %arg7[%parallel_loop3A_556, %parallel_loop3A_557, %parallel_loop3A_558] {strides = array<i32>} : memref<2x16x1024xf32, #tpu.memory_space<vmem>>, vector<16xf32>,
      tpu.vector_store %arg7[%parallel_loop3A_556, %parallel_loop3A_557, %parallel_loop3A_558], %parallel_loop3A_551 {strides = array<i32>} : memref<2x16x1024xf32, #tpu.memory_space<vmem>>, vector<16xf32>,
      %parallel_loop3A_560 = arith.constant 10 : i32
      %parallel_loop3A_561 = vector.broadcast %parallel_loop3A_560 : i32 to vector<16xi32>
      %parallel_loop3A_562 = tpu.vector_load_idx %arg5[%parallel_loop3A_561, %parallel_loop3A_449] : memref<16x4096xf32, #tpu.memory_space<vmem>>[vector<16xi32>, vector<16xi32>], vector<16xf32>,
      %parallel_loop3A_563 = arith.constant 16 : i32
      %parallel_loop3A_564 = arith.muli %parallel_loop3A_443, %parallel_loop3A_563 : i32
      %parallel_loop3A_565 = arith.constant 0 : i32
      %parallel_loop3A_566 = arith.constant 10 : i32
      %parallel_loop3A_567 = arith.index_cast %parallel_loop3A_565 : i32 to index
      %parallel_loop3A_568 = arith.index_cast %parallel_loop3A_566 : i32 to index
      %parallel_loop3A_569 = arith.index_cast %parallel_loop3A_564 : i32 to index
      %parallel_loop3A_570 = tpu.vector_load %arg7[%parallel_loop3A_567, %parallel_loop3A_568, %parallel_loop3A_569] {strides = array<i32>} : memref<2x16x1024xf32, #tpu.memory_space<vmem>>, vector<16xf32>,
      tpu.vector_store %arg7[%parallel_loop3A_567, %parallel_loop3A_568, %parallel_loop3A_569], %parallel_loop3A_562 {strides = array<i32>} : memref<2x16x1024xf32, #tpu.memory_space<vmem>>, vector<16xf32>,
      %parallel_loop3A_571 = arith.constant 11 : i32
      %parallel_loop3A_572 = vector.broadcast %parallel_loop3A_571 : i32 to vector<16xi32>
      %parallel_loop3A_573 = tpu.vector_load_idx %arg5[%parallel_loop3A_572, %parallel_loop3A_449] : memref<16x4096xf32, #tpu.memory_space<vmem>>[vector<16xi32>, vector<16xi32>], vector<16xf32>,
      %parallel_loop3A_574 = arith.constant 16 : i32
      %parallel_loop3A_575 = arith.muli %parallel_loop3A_443, %parallel_loop3A_574 : i32
      %parallel_loop3A_576 = arith.constant 0 : i32
      %parallel_loop3A_577 = arith.constant 11 : i32
      %parallel_loop3A_578 = arith.index_cast %parallel_loop3A_576 : i32 to index
      %parallel_loop3A_579 = arith.index_cast %parallel_loop3A_577 : i32 to index
      %parallel_loop3A_580 = arith.index_cast %parallel_loop3A_575 : i32 to index
      %parallel_loop3A_581 = tpu.vector_load %arg7[%parallel_loop3A_578, %parallel_loop3A_579, %parallel_loop3A_580] {strides = array<i32>} : memref<2x16x1024xf32, #tpu.memory_space<vmem>>, vector<16xf32>,
      tpu.vector_store %arg7[%parallel_loop3A_578, %parallel_loop3A_579, %parallel_loop3A_580], %parallel_loop3A_573 {strides = array<i32>} : memref<2x16x1024xf32, #tpu.memory_space<vmem>>, vector<16xf32>,
      %parallel_loop3A_582 = arith.constant 12 : i32
      %parallel_loop3A_583 = vector.broadcast %parallel_loop3A_582 : i32 to vector<16xi32>
      %parallel_loop3A_584 = tpu.vector_load_idx %arg5[%parallel_loop3A_583, %parallel_loop3A_449] : memref<16x4096xf32, #tpu.memory_space<vmem>>[vector<16xi32>, vector<16xi32>], vector<16xf32>,
      %parallel_loop3A_585 = arith.constant 16 : i32
      %parallel_loop3A_586 = arith.muli %parallel_loop3A_443, %parallel_loop3A_585 : i32
      %parallel_loop3A_587 = arith.constant 0 : i32
      %parallel_loop3A_588 = arith.constant 12 : i32
      %parallel_loop3A_589 = arith.index_cast %parallel_loop3A_587 : i32 to index
      %parallel_loop3A_590 = arith.index_cast %parallel_loop3A_588 : i32 to index
      %parallel_loop3A_591 = arith.index_cast %parallel_loop3A_586 : i32 to index
      %parallel_loop3A_592 = tpu.vector_load %arg7[%parallel_loop3A_589, %parallel_loop3A_590, %parallel_loop3A_591] {strides = array<i32>} : memref<2x16x1024xf32, #tpu.memory_space<vmem>>, vector<16xf32>,
      tpu.vector_store %arg7[%parallel_loop3A_589, %parallel_loop3A_590, %parallel_loop3A_591], %parallel_loop3A_584 {strides = array<i32>} : memref<2x16x1024xf32, #tpu.memory_space<vmem>>, vector<16xf32>,
      %parallel_loop3A_593 = arith.constant 13 : i32
      %parallel_loop3A_594 = vector.broadcast %parallel_loop3A_593 : i32 to vector<16xi32>
      %parallel_loop3A_595 = tpu.vector_load_idx %arg5[%parallel_loop3A_594, %parallel_loop3A_449] : memref<16x4096xf32, #tpu.memory_space<vmem>>[vector<16xi32>, vector<16xi32>], vector<16xf32>,
      %parallel_loop3A_596 = arith.constant 16 : i32
      %parallel_loop3A_597 = arith.muli %parallel_loop3A_443, %parallel_loop3A_596 : i32
      %parallel_loop3A_598 = arith.constant 0 : i32
      %parallel_loop3A_599 = arith.constant 13 : i32
      %parallel_loop3A_600 = arith.index_cast %parallel_loop3A_598 : i32 to index
      %parallel_loop3A_601 = arith.index_cast %parallel_loop3A_599 : i32 to index
      %parallel_loop3A_602 = arith.index_cast %parallel_loop3A_597 : i32 to index
      %parallel_loop3A_603 = tpu.vector_load %arg7[%parallel_loop3A_600, %parallel_loop3A_601, %parallel_loop3A_602] {strides = array<i32>} : memref<2x16x1024xf32, #tpu.memory_space<vmem>>, vector<16xf32>,
      tpu.vector_store %arg7[%parallel_loop3A_600, %parallel_loop3A_601, %parallel_loop3A_602], %parallel_loop3A_595 {strides = array<i32>} : memref<2x16x1024xf32, #tpu.memory_space<vmem>>, vector<16xf32>,
      %parallel_loop3A_604 = arith.constant 14 : i32
      %parallel_loop3A_605 = vector.broadcast %parallel_loop3A_604 : i32 to vector<16xi32>
      %parallel_loop3A_606 = tpu.vector_load_idx %arg5[%parallel_loop3A_605, %parallel_loop3A_449] : memref<16x4096xf32, #tpu.memory_space<vmem>>[vector<16xi32>, vector<16xi32>], vector<16xf32>,
      %parallel_loop3A_607 = arith.constant 16 : i32
      %parallel_loop3A_608 = arith.muli %parallel_loop3A_443, %parallel_loop3A_607 : i32
      %parallel_loop3A_609 = arith.constant 0 : i32
      %parallel_loop3A_610 = arith.constant 14 : i32
      %parallel_loop3A_611 = arith.index_cast %parallel_loop3A_609 : i32 to index
      %parallel_loop3A_612 = arith.index_cast %parallel_loop3A_610 : i32 to index
      %parallel_loop3A_613 = arith.index_cast %parallel_loop3A_608 : i32 to index
      %parallel_loop3A_614 = tpu.vector_load %arg7[%parallel_loop3A_611, %parallel_loop3A_612, %parallel_loop3A_613] {strides = array<i32>} : memref<2x16x1024xf32, #tpu.memory_space<vmem>>, vector<16xf32>,
      tpu.vector_store %arg7[%parallel_loop3A_611, %parallel_loop3A_612, %parallel_loop3A_613], %parallel_loop3A_606 {strides = array<i32>} : memref<2x16x1024xf32, #tpu.memory_space<vmem>>, vector<16xf32>,
      %parallel_loop3A_615 = arith.constant 15 : i32
      %parallel_loop3A_616 = vector.broadcast %parallel_loop3A_615 : i32 to vector<16xi32>
      %parallel_loop3A_617 = tpu.vector_load_idx %arg5[%parallel_loop3A_616, %parallel_loop3A_449] : memref<16x4096xf32, #tpu.memory_space<vmem>>[vector<16xi32>, vector<16xi32>], vector<16xf32>,
      %parallel_loop3A_618 = arith.constant 16 : i32
      %parallel_loop3A_619 = arith.muli %parallel_loop3A_443, %parallel_loop3A_618 : i32
      %parallel_loop3A_620 = arith.constant 0 : i32
      %parallel_loop3A_621 = arith.constant 15 : i32
      %parallel_loop3A_622 = arith.index_cast %parallel_loop3A_620 : i32 to index
      %parallel_loop3A_623 = arith.index_cast %parallel_loop3A_621 : i32 to index
      %parallel_loop3A_624 = arith.index_cast %parallel_loop3A_619 : i32 to index
      %parallel_loop3A_625 = tpu.vector_load %arg7[%parallel_loop3A_622, %parallel_loop3A_623, %parallel_loop3A_624] {strides = array<i32>} : memref<2x16x1024xf32, #tpu.memory_space<vmem>>, vector<16xf32>,
      tpu.vector_store %arg7[%parallel_loop3A_622, %parallel_loop3A_623, %parallel_loop3A_624], %parallel_loop3A_617 {strides = array<i32>} : memref<2x16x1024xf32, #tpu.memory_space<vmem>>, vector<16xf32>,
    } {sc.loop_unroll_factor = 2 : i64, sc.parallel_access}
    %dma_start3A_301 = arith.constant 0 : i32
    %dma_start3A_302 = arith.constant 0 : i32
    %dma_start3A_303 = tpu.memref_slice %arg6[%dma_start3A_301, %dma_start3A_302] : memref<2x1024xi32, #tpu.memory_space<vmem>> -> memref<1x1024xi32, #tpu.memory_space<vmem>>
    %dma_start3A_304 = tpu.memref_squeeze %dma_start3A_303 : memref<1x1024xi32, #tpu.memory_space<vmem>> -> memref<1024xi32, #tpu.memory_space<vmem>>
    %dma_start3A_305 = arith.constant 2048 : i32
    %dma_start3A_306 = tpu.memref_slice %arg3[%select_n3A_240, %dma_start3A_305] : memref<8x32768xi32, #tpu.memory_space<hbm>> -> memref<1x1024xi32, #tpu.memory_space<hbm>>
    %dma_start3A_307 = tpu.memref_squeeze %dma_start3A_306 : memref<1x1024xi32, #tpu.memory_space<hbm>> -> memref<1024xi32, #tpu.memory_space<hbm>>
    %dma_start3A_308 = arith.constant 0 : i32
    %dma_start3A_309 = tpu.memref_slice %arg6[%dma_start3A_301, %dma_start3A_308] : memref<2x1024xi32, #tpu.memory_space<vmem>> -> memref<1x1024xi32, #tpu.memory_space<vmem>>
    %dma_start3A_310 = tpu.memref_squeeze %dma_start3A_309 : memref<1x1024xi32, #tpu.memory_space<vmem>> -> memref<1024xi32, #tpu.memory_space<vmem>>
    %dma_start3A_311 = arith.constant 2048 : i32
    %dma_start3A_312 = tpu.memref_slice %arg3[%select_n3A_240, %dma_start3A_311] : memref<8x32768xi32, #tpu.memory_space<hbm>> -> memref<1x1024xi32, #tpu.memory_space<hbm>>
    %dma_start3A_313 = tpu.memref_squeeze %dma_start3A_312 : memref<1x1024xi32, #tpu.memory_space<hbm>> -> memref<1024xi32, #tpu.memory_space<hbm>>
    tpu.enqueue_dma source(%dma_start3A_313 : memref<1024xi32, #tpu.memory_space<hbm>>) target(%dma_start3A_310 : memref<1024xi32, #tpu.memory_space<vmem>>) target_semaphore(%arg8 : memref<!tpu.dma_semaphore, #tpu.memory_space<semaphore_mem>>)
    %mul3A_314 = arith.constant 16 : i32
    %mul3A_315 = arith.muli %select_n3A_256, %mul3A_314 : i32
    %dma_start3A_316 = arith.constant 0 : i32
    %dma_start3A_317 = arith.constant 0 : i32
    %dma_start3A_318 = arith.constant 0 : i32
    %dma_start3A_319 = tpu.memref_slice %arg7[%dma_start3A_316, %dma_start3A_317, %dma_start3A_318] : memref<2x16x1024xf32, #tpu.memory_space<vmem>> -> memref<1x16x1024xf32, #tpu.memory_space<vmem>>
    %dma_start3A_320 = tpu.memref_squeeze %dma_start3A_319 : memref<1x16x1024xf32, #tpu.memory_space<vmem>> -> memref<16x1024xf32, #tpu.memory_space<vmem>>
    %dma_start3A_321 = arith.constant 0 : i32
    %dma_start3A_322 = tpu.memref_slice %arg4[%select_n3A_240, %mul3A_315, %dma_start3A_321] : memref<8x128x32768xf32, #tpu.memory_space<hbm>> -> memref<1x16x1024xf32, #tpu.memory_space<hbm>>
    %dma_start3A_323 = tpu.memref_squeeze %dma_start3A_322 : memref<1x16x1024xf32, #tpu.memory_space<hbm>> -> memref<16x1024xf32, #tpu.memory_space<hbm>>
    %dma_start3A_324 = arith.constant 0 : i32
    %dma_start3A_325 = tpu.memref_slice %arg4[%select_n3A_240, %mul3A_315, %dma_start3A_324] : memref<8x128x32768xf32, #tpu.memory_space<hbm>> -> memref<1x16x1024xf32, #tpu.memory_space<hbm>>
    %dma_start3A_326 = tpu.memref_squeeze %dma_start3A_325 : memref<1x16x1024xf32, #tpu.memory_space<hbm>> -> memref<16x1024xf32, #tpu.memory_space<hbm>>
    %dma_start3A_327 = arith.constant 0 : i32
    %dma_start3A_328 = arith.constant 0 : i32
    %dma_start3A_329 = tpu.memref_slice %arg7[%dma_start3A_316, %dma_start3A_327, %dma_start3A_328] : memref<2x16x1024xf32, #tpu.memory_space<vmem>> -> memref<1x16x1024xf32, #tpu.memory_space<vmem>>
    %dma_start3A_330 = tpu.memref_squeeze %dma_start3A_329 : memref<1x16x1024xf32, #tpu.memory_space<vmem>> -> memref<16x1024xf32, #tpu.memory_space<vmem>>
    tpu.enqueue_dma source(%dma_start3A_330 : memref<16x1024xf32, #tpu.memory_space<vmem>>) target(%dma_start3A_326 : memref<16x1024xf32, #tpu.memory_space<hbm>>) target_semaphore(%arg10 : memref<!tpu.dma_semaphore, #tpu.memory_space<semaphore_mem>>)
    %dma_wait3A_331 = arith.constant 1 : i32
    %dma_wait3A_332 = arith.constant 0 : i32
    %dma_wait3A_333 = tpu.memref_slice %arg6[%dma_wait3A_331, %dma_wait3A_332] : memref<2x1024xi32, #tpu.memory_space<vmem>> -> memref<1x1024xi32, #tpu.memory_space<vmem>>
    %dma_wait3A_334 = tpu.memref_squeeze %dma_wait3A_333 : memref<1x1024xi32, #tpu.memory_space<vmem>> -> memref<1024xi32, #tpu.memory_space<vmem>>
    %dma_wait3A_335 = arith.constant 0 : i32
    %dma_wait3A_336 = tpu.memref_slice %arg3[%select_n3A_240, %dma_wait3A_335] : memref<8x32768xi32, #tpu.memory_space<hbm>> -> memref<1x1024xi32, #tpu.memory_space<hbm>>
    %dma_wait3A_337 = tpu.memref_squeeze %dma_wait3A_336 : memref<1x1024xi32, #tpu.memory_space<hbm>> -> memref<1024xi32, #tpu.memory_space<hbm>>
    %dma_wait3A_338 = arith.constant 0 : i32
    %dma_wait3A_339 = tpu.memref_slice %arg6[%dma_wait3A_331, %dma_wait3A_338] : memref<2x1024xi32, #tpu.memory_space<vmem>> -> memref<1x1024xi32, #tpu.memory_space<vmem>>
    %dma_wait3A_340 = tpu.memref_squeeze %dma_wait3A_339 : memref<1x1024xi32, #tpu.memory_space<vmem>> -> memref<1024xi32, #tpu.memory_space<vmem>>
    %dma_wait3A_341 = arith.constant 0 : i32
    %dma_wait3A_342 = tpu.memref_slice %arg3[%select_n3A_240, %dma_wait3A_341] : memref<8x32768xi32, #tpu.memory_space<hbm>> -> memref<1x1024xi32, #tpu.memory_space<hbm>>
    %dma_wait3A_343 = tpu.memref_squeeze %dma_wait3A_342 : memref<1x1024xi32, #tpu.memory_space<hbm>> -> memref<1024xi32, #tpu.memory_space<hbm>>
    tpu.wait_dma2 semaphore(%arg9 : memref<!tpu.dma_semaphore, #tpu.memory_space<semaphore_mem>>) src(%dma_wait3A_343 : memref<1024xi32, #tpu.memory_space<hbm>>) dst(%dma_wait3A_340 : memref<1024xi32, #tpu.memory_space<vmem>>)
    %parallel_loop3A_344 = arith.constant 0 : i32
    %parallel_loop3A_345 = arith.constant 64 : i32
    %parallel_loop3A_346 = arith.constant 1 : i32
    scf.for %parallel_loop3A_443 = %parallel_loop3A_344 to %parallel_loop3A_345 step %parallel_loop3A_346  : i32 {
      %parallel_loop3A_444 = arith.constant 16 : i32
      %parallel_loop3A_445 = arith.muli %parallel_loop3A_443, %parallel_loop3A_444 : i32
      %parallel_loop3A_446 = arith.constant 1 : i32
      %parallel_loop3A_447 = arith.index_cast %parallel_loop3A_446 : i32 to index
      %parallel_loop3A_448 = arith.index_cast %parallel_loop3A_445 : i32 to index
      %parallel_loop3A_449 = tpu.vector_load %arg6[%parallel_loop3A_447, %parallel_loop3A_448] {strides = array<i32>} : memref<2x1024xi32, #tpu.memory_space<vmem>>, vector<16xi32>,
      %parallel_loop3A_450 = arith.constant 0 : i32
      %parallel_loop3A_451 = vector.broadcast %parallel_loop3A_450 : i32 to vector<16xi32>
      %parallel_loop3A_452 = tpu.vector_load_idx %arg5[%parallel_loop3A_451, %parallel_loop3A_449] : memref<16x4096xf32, #tpu.memory_space<vmem>>[vector<16xi32>, vector<16xi32>], vector<16xf32>,
      %parallel_loop3A_453 = arith.constant 16 : i32
      %parallel_loop3A_454 = arith.muli %parallel_loop3A_443, %parallel_loop3A_453 : i32
      %parallel_loop3A_455 = arith.constant 1 : i32
      %parallel_loop3A_456 = arith.constant 0 : i32
      %parallel_loop3A_457 = arith.index_cast %parallel_loop3A_455 : i32 to index
      %parallel_loop3A_458 = arith.index_cast %parallel_loop3A_456 : i32 to index
      %parallel_loop3A_459 = arith.index_cast %parallel_loop3A_454 : i32 to index
      %parallel_loop3A_460 = tpu.vector_load %arg7[%parallel_loop3A_457, %parallel_loop3A_458, %parallel_loop3A_459] {strides = array<i32>} : memref<2x16x1024xf32, #tpu.memory_space<vmem>>, vector<16xf32>,
      tpu.vector_store %arg7[%parallel_loop3A_457, %parallel_loop3A_458, %parallel_loop3A_459], %parallel_loop3A_452 {strides = array<i32>} : memref<2x16x1024xf32, #tpu.memory_space<vmem>>, vector<16xf32>,
      %parallel_loop3A_461 = arith.constant 1 : i32
      %parallel_loop3A_462 = vector.broadcast %parallel_loop3A_461 : i32 to vector<16xi32>
      %parallel_loop3A_463 = tpu.vector_load_idx %arg5[%parallel_loop3A_462, %parallel_loop3A_449] : memref<16x4096xf32, #tpu.memory_space<vmem>>[vector<16xi32>, vector<16xi32>], vector<16xf32>,
      %parallel_loop3A_464 = arith.constant 16 : i32
      %parallel_loop3A_465 = arith.muli %parallel_loop3A_443, %parallel_loop3A_464 : i32
      %parallel_loop3A_466 = arith.constant 1 : i32
      %parallel_loop3A_467 = arith.constant 1 : i32
      %parallel_loop3A_468 = arith.index_cast %parallel_loop3A_466 : i32 to index
      %parallel_loop3A_469 = arith.index_cast %parallel_loop3A_467 : i32 to index
      %parallel_loop3A_470 = arith.index_cast %parallel_loop3A_465 : i32 to index
      %parallel_loop3A_471 = tpu.vector_load %arg7[%parallel_loop3A_468, %parallel_loop3A_469, %parallel_loop3A_470] {strides = array<i32>} : memref<2x16x1024xf32, #tpu.memory_space<vmem>>, vector<16xf32>,
      tpu.vector_store %arg7[%parallel_loop3A_468, %parallel_loop3A_469, %parallel_loop3A_470], %parallel_loop3A_463 {strides = array<i32>} : memref<2x16x1024xf32, #tpu.memory_space<vmem>>, vector<16xf32>,
      %parallel_loop3A_472 = arith.constant 2 : i32
      %parallel_loop3A_473 = vector.broadcast %parallel_loop3A_472 : i32 to vector<16xi32>
      %parallel_loop3A_474 = tpu.vector_load_idx %arg5[%parallel_loop3A_473, %parallel_loop3A_449] : memref<16x4096xf32, #tpu.memory_space<vmem>>[vector<16xi32>, vector<16xi32>], vector<16xf32>,
      %parallel_loop3A_475 = arith.constant 16 : i32
      %parallel_loop3A_476 = arith.muli %parallel_loop3A_443, %parallel_loop3A_475 : i32
      %parallel_loop3A_477 = arith.constant 1 : i32
      %parallel_loop3A_478 = arith.constant 2 : i32
      %parallel_loop3A_479 = arith.index_cast %parallel_loop3A_477 : i32 to index
      %parallel_loop3A_480 = arith.index_cast %parallel_loop3A_478 : i32 to index
      %parallel_loop3A_481 = arith.index_cast %parallel_loop3A_476 : i32 to index
      %parallel_loop3A_482 = tpu.vector_load %arg7[%parallel_loop3A_479, %parallel_loop3A_480, %parallel_loop3A_481] {strides = array<i32>} : memref<2x16x1024xf32, #tpu.memory_space<vmem>>, vector<16xf32>,
      tpu.vector_store %arg7[%parallel_loop3A_479, %parallel_loop3A_480, %parallel_loop3A_481], %parallel_loop3A_474 {strides = array<i32>} : memref<2x16x1024xf32, #tpu.memory_space<vmem>>, vector<16xf32>,
      %parallel_loop3A_483 = arith.constant 3 : i32
      %parallel_loop3A_484 = vector.broadcast %parallel_loop3A_483 : i32 to vector<16xi32>
      %parallel_loop3A_485 = tpu.vector_load_idx %arg5[%parallel_loop3A_484, %parallel_loop3A_449] : memref<16x4096xf32, #tpu.memory_space<vmem>>[vector<16xi32>, vector<16xi32>], vector<16xf32>,
      %parallel_loop3A_486 = arith.constant 16 : i32
      %parallel_loop3A_487 = arith.muli %parallel_loop3A_443, %parallel_loop3A_486 : i32
      %parallel_loop3A_488 = arith.constant 1 : i32
      %parallel_loop3A_489 = arith.constant 3 : i32
      %parallel_loop3A_490 = arith.index_cast %parallel_loop3A_488 : i32 to index
      %parallel_loop3A_491 = arith.index_cast %parallel_loop3A_489 : i32 to index
      %parallel_loop3A_492 = arith.index_cast %parallel_loop3A_487 : i32 to index
      %parallel_loop3A_493 = tpu.vector_load %arg7[%parallel_loop3A_490, %parallel_loop3A_491, %parallel_loop3A_492] {strides = array<i32>} : memref<2x16x1024xf32, #tpu.memory_space<vmem>>, vector<16xf32>,
      tpu.vector_store %arg7[%parallel_loop3A_490, %parallel_loop3A_491, %parallel_loop3A_492], %parallel_loop3A_485 {strides = array<i32>} : memref<2x16x1024xf32, #tpu.memory_space<vmem>>, vector<16xf32>,
      %parallel_loop3A_494 = arith.constant 4 : i32
      %parallel_loop3A_495 = vector.broadcast %parallel_loop3A_494 : i32 to vector<16xi32>
      %parallel_loop3A_496 = tpu.vector_load_idx %arg5[%parallel_loop3A_495, %parallel_loop3A_449] : memref<16x4096xf32, #tpu.memory_space<vmem>>[vector<16xi32>, vector<16xi32>], vector<16xf32>,
      %parallel_loop3A_497 = arith.constant 16 : i32
      %parallel_loop3A_498 = arith.muli %parallel_loop3A_443, %parallel_loop3A_497 : i32
      %parallel_loop3A_499 = arith.constant 1 : i32
      %parallel_loop3A_500 = arith.constant 4 : i32
      %parallel_loop3A_501 = arith.index_cast %parallel_loop3A_499 : i32 to index
      %parallel_loop3A_502 = arith.index_cast %parallel_loop3A_500 : i32 to index
      %parallel_loop3A_503 = arith.index_cast %parallel_loop3A_498 : i32 to index
      %parallel_loop3A_504 = tpu.vector_load %arg7[%parallel_loop3A_501, %parallel_loop3A_502, %parallel_loop3A_503] {strides = array<i32>} : memref<2x16x1024xf32, #tpu.memory_space<vmem>>, vector<16xf32>,
      tpu.vector_store %arg7[%parallel_loop3A_501, %parallel_loop3A_502, %parallel_loop3A_503], %parallel_loop3A_496 {strides = array<i32>} : memref<2x16x1024xf32, #tpu.memory_space<vmem>>, vector<16xf32>,
      %parallel_loop3A_505 = arith.constant 5 : i32
      %parallel_loop3A_506 = vector.broadcast %parallel_loop3A_505 : i32 to vector<16xi32>
      %parallel_loop3A_507 = tpu.vector_load_idx %arg5[%parallel_loop3A_506, %parallel_loop3A_449] : memref<16x4096xf32, #tpu.memory_space<vmem>>[vector<16xi32>, vector<16xi32>], vector<16xf32>,
      %parallel_loop3A_508 = arith.constant 16 : i32
      %parallel_loop3A_509 = arith.muli %parallel_loop3A_443, %parallel_loop3A_508 : i32
      %parallel_loop3A_510 = arith.constant 1 : i32
      %parallel_loop3A_511 = arith.constant 5 : i32
      %parallel_loop3A_512 = arith.index_cast %parallel_loop3A_510 : i32 to index
      %parallel_loop3A_513 = arith.index_cast %parallel_loop3A_511 : i32 to index
      %parallel_loop3A_514 = arith.index_cast %parallel_loop3A_509 : i32 to index
      %parallel_loop3A_515 = tpu.vector_load %arg7[%parallel_loop3A_512, %parallel_loop3A_513, %parallel_loop3A_514] {strides = array<i32>} : memref<2x16x1024xf32, #tpu.memory_space<vmem>>, vector<16xf32>,
      tpu.vector_store %arg7[%parallel_loop3A_512, %parallel_loop3A_513, %parallel_loop3A_514], %parallel_loop3A_507 {strides = array<i32>} : memref<2x16x1024xf32, #tpu.memory_space<vmem>>, vector<16xf32>,
      %parallel_loop3A_516 = arith.constant 6 : i32
      %parallel_loop3A_517 = vector.broadcast %parallel_loop3A_516 : i32 to vector<16xi32>
      %parallel_loop3A_518 = tpu.vector_load_idx %arg5[%parallel_loop3A_517, %parallel_loop3A_449] : memref<16x4096xf32, #tpu.memory_space<vmem>>[vector<16xi32>, vector<16xi32>], vector<16xf32>,
      %parallel_loop3A_519 = arith.constant 16 : i32
      %parallel_loop3A_520 = arith.muli %parallel_loop3A_443, %parallel_loop3A_519 : i32
      %parallel_loop3A_521 = arith.constant 1 : i32
      %parallel_loop3A_522 = arith.constant 6 : i32
      %parallel_loop3A_523 = arith.index_cast %parallel_loop3A_521 : i32 to index
      %parallel_loop3A_524 = arith.index_cast %parallel_loop3A_522 : i32 to index
      %parallel_loop3A_525 = arith.index_cast %parallel_loop3A_520 : i32 to index
      %parallel_loop3A_526 = tpu.vector_load %arg7[%parallel_loop3A_523, %parallel_loop3A_524, %parallel_loop3A_525] {strides = array<i32>} : memref<2x16x1024xf32, #tpu.memory_space<vmem>>, vector<16xf32>,
      tpu.vector_store %arg7[%parallel_loop3A_523, %parallel_loop3A_524, %parallel_loop3A_525], %parallel_loop3A_518 {strides = array<i32>} : memref<2x16x1024xf32, #tpu.memory_space<vmem>>, vector<16xf32>,
      %parallel_loop3A_527 = arith.constant 7 : i32
      %parallel_loop3A_528 = vector.broadcast %parallel_loop3A_527 : i32 to vector<16xi32>
      %parallel_loop3A_529 = tpu.vector_load_idx %arg5[%parallel_loop3A_528, %parallel_loop3A_449] : memref<16x4096xf32, #tpu.memory_space<vmem>>[vector<16xi32>, vector<16xi32>], vector<16xf32>,
      %parallel_loop3A_530 = arith.constant 16 : i32
      %parallel_loop3A_531 = arith.muli %parallel_loop3A_443, %parallel_loop3A_530 : i32
      %parallel_loop3A_532 = arith.constant 1 : i32
      %parallel_loop3A_533 = arith.constant 7 : i32
      %parallel_loop3A_534 = arith.index_cast %parallel_loop3A_532 : i32 to index
      %parallel_loop3A_535 = arith.index_cast %parallel_loop3A_533 : i32 to index
      %parallel_loop3A_536 = arith.index_cast %parallel_loop3A_531 : i32 to index
      %parallel_loop3A_537 = tpu.vector_load %arg7[%parallel_loop3A_534, %parallel_loop3A_535, %parallel_loop3A_536] {strides = array<i32>} : memref<2x16x1024xf32, #tpu.memory_space<vmem>>, vector<16xf32>,
      tpu.vector_store %arg7[%parallel_loop3A_534, %parallel_loop3A_535, %parallel_loop3A_536], %parallel_loop3A_529 {strides = array<i32>} : memref<2x16x1024xf32, #tpu.memory_space<vmem>>, vector<16xf32>,
      %parallel_loop3A_538 = arith.constant 8 : i32
      %parallel_loop3A_539 = vector.broadcast %parallel_loop3A_538 : i32 to vector<16xi32>
      %parallel_loop3A_540 = tpu.vector_load_idx %arg5[%parallel_loop3A_539, %parallel_loop3A_449] : memref<16x4096xf32, #tpu.memory_space<vmem>>[vector<16xi32>, vector<16xi32>], vector<16xf32>,
      %parallel_loop3A_541 = arith.constant 16 : i32
      %parallel_loop3A_542 = arith.muli %parallel_loop3A_443, %parallel_loop3A_541 : i32
      %parallel_loop3A_543 = arith.constant 1 : i32
      %parallel_loop3A_544 = arith.constant 8 : i32
      %parallel_loop3A_545 = arith.index_cast %parallel_loop3A_543 : i32 to index
      %parallel_loop3A_546 = arith.index_cast %parallel_loop3A_544 : i32 to index
      %parallel_loop3A_547 = arith.index_cast %parallel_loop3A_542 : i32 to index
      %parallel_loop3A_548 = tpu.vector_load %arg7[%parallel_loop3A_545, %parallel_loop3A_546, %parallel_loop3A_547] {strides = array<i32>} : memref<2x16x1024xf32, #tpu.memory_space<vmem>>, vector<16xf32>,
      tpu.vector_store %arg7[%parallel_loop3A_545, %parallel_loop3A_546, %parallel_loop3A_547], %parallel_loop3A_540 {strides = array<i32>} : memref<2x16x1024xf32, #tpu.memory_space<vmem>>, vector<16xf32>,
      %parallel_loop3A_549 = arith.constant 9 : i32
      %parallel_loop3A_550 = vector.broadcast %parallel_loop3A_549 : i32 to vector<16xi32>
      %parallel_loop3A_551 = tpu.vector_load_idx %arg5[%parallel_loop3A_550, %parallel_loop3A_449] : memref<16x4096xf32, #tpu.memory_space<vmem>>[vector<16xi32>, vector<16xi32>], vector<16xf32>,
      %parallel_loop3A_552 = arith.constant 16 : i32
      %parallel_loop3A_553 = arith.muli %parallel_loop3A_443, %parallel_loop3A_552 : i32
      %parallel_loop3A_554 = arith.constant 1 : i32
      %parallel_loop3A_555 = arith.constant 9 : i32
      %parallel_loop3A_556 = arith.index_cast %parallel_loop3A_554 : i32 to index
      %parallel_loop3A_557 = arith.index_cast %parallel_loop3A_555 : i32 to index
      %parallel_loop3A_558 = arith.index_cast %parallel_loop3A_553 : i32 to index
      %parallel_loop3A_559 = tpu.vector_load %arg7[%parallel_loop3A_556, %parallel_loop3A_557, %parallel_loop3A_558] {strides = array<i32>} : memref<2x16x1024xf32, #tpu.memory_space<vmem>>, vector<16xf32>,
      tpu.vector_store %arg7[%parallel_loop3A_556, %parallel_loop3A_557, %parallel_loop3A_558], %parallel_loop3A_551 {strides = array<i32>} : memref<2x16x1024xf32, #tpu.memory_space<vmem>>, vector<16xf32>,
      %parallel_loop3A_560 = arith.constant 10 : i32
      %parallel_loop3A_561 = vector.broadcast %parallel_loop3A_560 : i32 to vector<16xi32>
      %parallel_loop3A_562 = tpu.vector_load_idx %arg5[%parallel_loop3A_561, %parallel_loop3A_449] : memref<16x4096xf32, #tpu.memory_space<vmem>>[vector<16xi32>, vector<16xi32>], vector<16xf32>,
      %parallel_loop3A_563 = arith.constant 16 : i32
      %parallel_loop3A_564 = arith.muli %parallel_loop3A_443, %parallel_loop3A_563 : i32
      %parallel_loop3A_565 = arith.constant 1 : i32
      %parallel_loop3A_566 = arith.constant 10 : i32
      %parallel_loop3A_567 = arith.index_cast %parallel_loop3A_565 : i32 to index
      %parallel_loop3A_568 = arith.index_cast %parallel_loop3A_566 : i32 to index
      %parallel_loop3A_569 = arith.index_cast %parallel_loop3A_564 : i32 to index
      %parallel_loop3A_570 = tpu.vector_load %arg7[%parallel_loop3A_567, %parallel_loop3A_568, %parallel_loop3A_569] {strides = array<i32>} : memref<2x16x1024xf32, #tpu.memory_space<vmem>>, vector<16xf32>,
      tpu.vector_store %arg7[%parallel_loop3A_567, %parallel_loop3A_568, %parallel_loop3A_569], %parallel_loop3A_562 {strides = array<i32>} : memref<2x16x1024xf32, #tpu.memory_space<vmem>>, vector<16xf32>,
      %parallel_loop3A_571 = arith.constant 11 : i32
      %parallel_loop3A_572 = vector.broadcast %parallel_loop3A_571 : i32 to vector<16xi32>
      %parallel_loop3A_573 = tpu.vector_load_idx %arg5[%parallel_loop3A_572, %parallel_loop3A_449] : memref<16x4096xf32, #tpu.memory_space<vmem>>[vector<16xi32>, vector<16xi32>], vector<16xf32>,
      %parallel_loop3A_574 = arith.constant 16 : i32
      %parallel_loop3A_575 = arith.muli %parallel_loop3A_443, %parallel_loop3A_574 : i32
      %parallel_loop3A_576 = arith.constant 1 : i32
      %parallel_loop3A_577 = arith.constant 11 : i32
      %parallel_loop3A_578 = arith.index_cast %parallel_loop3A_576 : i32 to index
      %parallel_loop3A_579 = arith.index_cast %parallel_loop3A_577 : i32 to index
      %parallel_loop3A_580 = arith.index_cast %parallel_loop3A_575 : i32 to index
      %parallel_loop3A_581 = tpu.vector_load %arg7[%parallel_loop3A_578, %parallel_loop3A_579, %parallel_loop3A_580] {strides = array<i32>} : memref<2x16x1024xf32, #tpu.memory_space<vmem>>, vector<16xf32>,
      tpu.vector_store %arg7[%parallel_loop3A_578, %parallel_loop3A_579, %parallel_loop3A_580], %parallel_loop3A_573 {strides = array<i32>} : memref<2x16x1024xf32, #tpu.memory_space<vmem>>, vector<16xf32>,
      %parallel_loop3A_582 = arith.constant 12 : i32
      %parallel_loop3A_583 = vector.broadcast %parallel_loop3A_582 : i32 to vector<16xi32>
      %parallel_loop3A_584 = tpu.vector_load_idx %arg5[%parallel_loop3A_583, %parallel_loop3A_449] : memref<16x4096xf32, #tpu.memory_space<vmem>>[vector<16xi32>, vector<16xi32>], vector<16xf32>,
      %parallel_loop3A_585 = arith.constant 16 : i32
      %parallel_loop3A_586 = arith.muli %parallel_loop3A_443, %parallel_loop3A_585 : i32
      %parallel_loop3A_587 = arith.constant 1 : i32
      %parallel_loop3A_588 = arith.constant 12 : i32
      %parallel_loop3A_589 = arith.index_cast %parallel_loop3A_587 : i32 to index
      %parallel_loop3A_590 = arith.index_cast %parallel_loop3A_588 : i32 to index
      %parallel_loop3A_591 = arith.index_cast %parallel_loop3A_586 : i32 to index
      %parallel_loop3A_592 = tpu.vector_load %arg7[%parallel_loop3A_589, %parallel_loop3A_590, %parallel_loop3A_591] {strides = array<i32>} : memref<2x16x1024xf32, #tpu.memory_space<vmem>>, vector<16xf32>,
      tpu.vector_store %arg7[%parallel_loop3A_589, %parallel_loop3A_590, %parallel_loop3A_591], %parallel_loop3A_584 {strides = array<i32>} : memref<2x16x1024xf32, #tpu.memory_space<vmem>>, vector<16xf32>,
      %parallel_loop3A_593 = arith.constant 13 : i32
      %parallel_loop3A_594 = vector.broadcast %parallel_loop3A_593 : i32 to vector<16xi32>
      %parallel_loop3A_595 = tpu.vector_load_idx %arg5[%parallel_loop3A_594, %parallel_loop3A_449] : memref<16x4096xf32, #tpu.memory_space<vmem>>[vector<16xi32>, vector<16xi32>], vector<16xf32>,
      %parallel_loop3A_596 = arith.constant 16 : i32
      %parallel_loop3A_597 = arith.muli %parallel_loop3A_443, %parallel_loop3A_596 : i32
      %parallel_loop3A_598 = arith.constant 1 : i32
      %parallel_loop3A_599 = arith.constant 13 : i32
      %parallel_loop3A_600 = arith.index_cast %parallel_loop3A_598 : i32 to index
      %parallel_loop3A_601 = arith.index_cast %parallel_loop3A_599 : i32 to index
      %parallel_loop3A_602 = arith.index_cast %parallel_loop3A_597 : i32 to index
      %parallel_loop3A_603 = tpu.vector_load %arg7[%parallel_loop3A_600, %parallel_loop3A_601, %parallel_loop3A_602] {strides = array<i32>} : memref<2x16x1024xf32, #tpu.memory_space<vmem>>, vector<16xf32>,
      tpu.vector_store %arg7[%parallel_loop3A_600, %parallel_loop3A_601, %parallel_loop3A_602], %parallel_loop3A_595 {strides = array<i32>} : memref<2x16x1024xf32, #tpu.memory_space<vmem>>, vector<16xf32>,
      %parallel_loop3A_604 = arith.constant 14 : i32
      %parallel_loop3A_605 = vector.broadcast %parallel_loop3A_604 : i32 to vector<16xi32>
      %parallel_loop3A_606 = tpu.vector_load_idx %arg5[%parallel_loop3A_605, %parallel_loop3A_449] : memref<16x4096xf32, #tpu.memory_space<vmem>>[vector<16xi32>, vector<16xi32>], vector<16xf32>,
      %parallel_loop3A_607 = arith.constant 16 : i32
      %parallel_loop3A_608 = arith.muli %parallel_loop3A_443, %parallel_loop3A_607 : i32
      %parallel_loop3A_609 = arith.constant 1 : i32
      %parallel_loop3A_610 = arith.constant 14 : i32
      %parallel_loop3A_611 = arith.index_cast %parallel_loop3A_609 : i32 to index
      %parallel_loop3A_612 = arith.index_cast %parallel_loop3A_610 : i32 to index
      %parallel_loop3A_613 = arith.index_cast %parallel_loop3A_608 : i32 to index
      %parallel_loop3A_614 = tpu.vector_load %arg7[%parallel_loop3A_611, %parallel_loop3A_612, %parallel_loop3A_613] {strides = array<i32>} : memref<2x16x1024xf32, #tpu.memory_space<vmem>>, vector<16xf32>,
      tpu.vector_store %arg7[%parallel_loop3A_611, %parallel_loop3A_612, %parallel_loop3A_613], %parallel_loop3A_606 {strides = array<i32>} : memref<2x16x1024xf32, #tpu.memory_space<vmem>>, vector<16xf32>,
      %parallel_loop3A_615 = arith.constant 15 : i32
      %parallel_loop3A_616 = vector.broadcast %parallel_loop3A_615 : i32 to vector<16xi32>
      %parallel_loop3A_617 = tpu.vector_load_idx %arg5[%parallel_loop3A_616, %parallel_loop3A_449] : memref<16x4096xf32, #tpu.memory_space<vmem>>[vector<16xi32>, vector<16xi32>], vector<16xf32>,
      %parallel_loop3A_618 = arith.constant 16 : i32
      %parallel_loop3A_619 = arith.muli %parallel_loop3A_443, %parallel_loop3A_618 : i32
      %parallel_loop3A_620 = arith.constant 1 : i32
      %parallel_loop3A_621 = arith.constant 15 : i32
      %parallel_loop3A_622 = arith.index_cast %parallel_loop3A_620 : i32 to index
      %parallel_loop3A_623 = arith.index_cast %parallel_loop3A_621 : i32 to index
      %parallel_loop3A_624 = arith.index_cast %parallel_loop3A_619 : i32 to index
      %parallel_loop3A_625 = tpu.vector_load %arg7[%parallel_loop3A_622, %parallel_loop3A_623, %parallel_loop3A_624] {strides = array<i32>} : memref<2x16x1024xf32, #tpu.memory_space<vmem>>, vector<16xf32>,
      tpu.vector_store %arg7[%parallel_loop3A_622, %parallel_loop3A_623, %parallel_loop3A_624], %parallel_loop3A_617 {strides = array<i32>} : memref<2x16x1024xf32, #tpu.memory_space<vmem>>, vector<16xf32>,
    } {sc.loop_unroll_factor = 2 : i64, sc.parallel_access}
    %dma_start3A_347 = arith.constant 1 : i32
    %dma_start3A_348 = arith.constant 0 : i32
    %dma_start3A_349 = tpu.memref_slice %arg6[%dma_start3A_347, %dma_start3A_348] : memref<2x1024xi32, #tpu.memory_space<vmem>> -> memref<1x1024xi32, #tpu.memory_space<vmem>>
    %dma_start3A_350 = tpu.memref_squeeze %dma_start3A_349 : memref<1x1024xi32, #tpu.memory_space<vmem>> -> memref<1024xi32, #tpu.memory_space<vmem>>
    %dma_start3A_351 = arith.constant 3072 : i32
    %dma_start3A_352 = tpu.memref_slice %arg3[%select_n3A_240, %dma_start3A_351] : memref<8x32768xi32, #tpu.memory_space<hbm>> -> memref<1x1024xi32, #tpu.memory_space<hbm>>
    %dma_start3A_353 = tpu.memref_squeeze %dma_start3A_352 : memref<1x1024xi32, #tpu.memory_space<hbm>> -> memref<1024xi32, #tpu.memory_space<hbm>>
    %dma_start3A_354 = arith.constant 0 : i32
    %dma_start3A_355 = tpu.memref_slice %arg6[%dma_start3A_347, %dma_start3A_354] : memref<2x1024xi32, #tpu.memory_space<vmem>> -> memref<1x1024xi32, #tpu.memory_space<vmem>>
    %dma_start3A_356 = tpu.memref_squeeze %dma_start3A_355 : memref<1x1024xi32, #tpu.memory_space<vmem>> -> memref<1024xi32, #tpu.memory_space<vmem>>
    %dma_start3A_357 = arith.constant 3072 : i32
    %dma_start3A_358 = tpu.memref_slice %arg3[%select_n3A_240, %dma_start3A_357] : memref<8x32768xi32, #tpu.memory_space<hbm>> -> memref<1x1024xi32, #tpu.memory_space<hbm>>
    %dma_start3A_359 = tpu.memref_squeeze %dma_start3A_358 : memref<1x1024xi32, #tpu.memory_space<hbm>> -> memref<1024xi32, #tpu.memory_space<hbm>>
    tpu.enqueue_dma source(%dma_start3A_359 : memref<1024xi32, #tpu.memory_space<hbm>>) target(%dma_start3A_356 : memref<1024xi32, #tpu.memory_space<vmem>>) target_semaphore(%arg9 : memref<!tpu.dma_semaphore, #tpu.memory_space<semaphore_mem>>)
    %mul3A_360 = arith.constant 16 : i32
    %mul3A_361 = arith.muli %select_n3A_256, %mul3A_360 : i32
    %dma_start3A_362 = arith.constant 1 : i32
    %dma_start3A_363 = arith.constant 0 : i32
    %dma_start3A_364 = arith.constant 0 : i32
    %dma_start3A_365 = tpu.memref_slice %arg7[%dma_start3A_362, %dma_start3A_363, %dma_start3A_364] : memref<2x16x1024xf32, #tpu.memory_space<vmem>> -> memref<1x16x1024xf32, #tpu.memory_space<vmem>>
    %dma_start3A_366 = tpu.memref_squeeze %dma_start3A_365 : memref<1x16x1024xf32, #tpu.memory_space<vmem>> -> memref<16x1024xf32, #tpu.memory_space<vmem>>
    %dma_start3A_367 = arith.constant 1024 : i32
    %dma_start3A_368 = tpu.memref_slice %arg4[%select_n3A_240, %mul3A_361, %dma_start3A_367] : memref<8x128x32768xf32, #tpu.memory_space<hbm>> -> memref<1x16x1024xf32, #tpu.memory_space<hbm>>
    %dma_start3A_369 = tpu.memref_squeeze %dma_start3A_368 : memref<1x16x1024xf32, #tpu.memory_space<hbm>> -> memref<16x1024xf32, #tpu.memory_space<hbm>>
    %dma_start3A_370 = arith.constant 1024 : i32
    %dma_start3A_371 = tpu.memref_slice %arg4[%select_n3A_240, %mul3A_361, %dma_start3A_370] : memref<8x128x32768xf32, #tpu.memory_space<hbm>> -> memref<1x16x1024xf32, #tpu.memory_space<hbm>>
    %dma_start3A_372 = tpu.memref_squeeze %dma_start3A_371 : memref<1x16x1024xf32, #tpu.memory_space<hbm>> -> memref<16x1024xf32, #tpu.memory_space<hbm>>
    %dma_start3A_373 = arith.constant 0 : i32
    %dma_start3A_374 = arith.constant 0 : i32
    %dma_start3A_375 = tpu.memref_slice %arg7[%dma_start3A_362, %dma_start3A_373, %dma_start3A_374] : memref<2x16x1024xf32, #tpu.memory_space<vmem>> -> memref<1x16x1024xf32, #tpu.memory_space<vmem>>
    %dma_start3A_376 = tpu.memref_squeeze %dma_start3A_375 : memref<1x16x1024xf32, #tpu.memory_space<vmem>> -> memref<16x1024xf32, #tpu.memory_space<vmem>>
    tpu.enqueue_dma source(%dma_start3A_376 : memref<16x1024xf32, #tpu.memory_space<vmem>>) target(%dma_start3A_372 : memref<16x1024xf32, #tpu.memory_space<hbm>>) target_semaphore(%arg11 : memref<!tpu.dma_semaphore, #tpu.memory_space<semaphore_mem>>)
    %scan3A_377 = arith.constant 0 : i32
    %scan3A_378 = arith.constant 1 : i32
    %scan3A_379 = arith.constant 15 : i32
    %scan3A_380 = arith.addi %scan3A_378, %scan3A_379 : i32
    %scan3A_381 = arith.constant 1 : i32
    scf.for %scan3A_443 = %scan3A_378 to %scan3A_380 step %scan3A_381  : i32 {
      %mul3A_444 = arith.constant 2 : i32
      %mul3A_445 = arith.muli %mul3A_444, %scan3A_443 : i32
      %add3A_446 = arith.constant 0 : i32
      %add3A_447 = arith.addi %mul3A_445, %add3A_446 : i32
      %dma_wait3A_448 = arith.constant 0 : i32
      %dma_wait3A_449 = arith.constant 0 : i32
      %dma_wait3A_450 = tpu.memref_slice %arg6[%dma_wait3A_448, %dma_wait3A_449] : memref<2x1024xi32, #tpu.memory_space<vmem>> -> memref<1x1024xi32, #tpu.memory_space<vmem>>
      %dma_wait3A_451 = tpu.memref_squeeze %dma_wait3A_450 : memref<1x1024xi32, #tpu.memory_space<vmem>> -> memref<1024xi32, #tpu.memory_space<vmem>>
      %dma_wait3A_452 = arith.constant 0 : i32
      %dma_wait3A_453 = tpu.memref_slice %arg3[%select_n3A_240, %dma_wait3A_452] : memref<8x32768xi32, #tpu.memory_space<hbm>> -> memref<1x1024xi32, #tpu.memory_space<hbm>>
      %dma_wait3A_454 = tpu.memref_squeeze %dma_wait3A_453 : memref<1x1024xi32, #tpu.memory_space<hbm>> -> memref<1024xi32, #tpu.memory_space<hbm>>
      %dma_wait3A_455 = arith.constant 0 : i32
      %dma_wait3A_456 = tpu.memref_slice %arg6[%dma_wait3A_448, %dma_wait3A_455] : memref<2x1024xi32, #tpu.memory_space<vmem>> -> memref<1x1024xi32, #tpu.memory_space<vmem>>
      %dma_wait3A_457 = tpu.memref_squeeze %dma_wait3A_456 : memref<1x1024xi32, #tpu.memory_space<vmem>> -> memref<1024xi32, #tpu.memory_space<vmem>>
      %dma_wait3A_458 = arith.constant 0 : i32
      %dma_wait3A_459 = tpu.memref_slice %arg3[%select_n3A_240, %dma_wait3A_458] : memref<8x32768xi32, #tpu.memory_space<hbm>> -> memref<1x1024xi32, #tpu.memory_space<hbm>>
      %dma_wait3A_460 = tpu.memref_squeeze %dma_wait3A_459 : memref<1x1024xi32, #tpu.memory_space<hbm>> -> memref<1024xi32, #tpu.memory_space<hbm>>
      tpu.wait_dma2 semaphore(%arg8 : memref<!tpu.dma_semaphore, #tpu.memory_space<semaphore_mem>>) src(%dma_wait3A_460 : memref<1024xi32, #tpu.memory_space<hbm>>) dst(%dma_wait3A_457 : memref<1024xi32, #tpu.memory_space<vmem>>)
      %mul3A_461 = arith.constant 16 : i32
      %mul3A_462 = arith.muli %select_n3A_256, %mul3A_461 : i32
      %dma_wait3A_463 = arith.constant 0 : i32
      %dma_wait3A_464 = arith.constant 0 : i32
      %dma_wait3A_465 = arith.constant 0 : i32
      %dma_wait3A_466 = tpu.memref_slice %arg7[%dma_wait3A_463, %dma_wait3A_464, %dma_wait3A_465] : memref<2x16x1024xf32, #tpu.memory_space<vmem>> -> memref<1x16x1024xf32, #tpu.memory_space<vmem>>
      %dma_wait3A_467 = tpu.memref_squeeze %dma_wait3A_466 : memref<1x16x1024xf32, #tpu.memory_space<vmem>> -> memref<16x1024xf32, #tpu.memory_space<vmem>>
      %dma_wait3A_468 = arith.constant 0 : i32
      %dma_wait3A_469 = tpu.memref_slice %arg4[%select_n3A_240, %mul3A_462, %dma_wait3A_468] : memref<8x128x32768xf32, #tpu.memory_space<hbm>> -> memref<1x16x1024xf32, #tpu.memory_space<hbm>>
      %dma_wait3A_470 = tpu.memref_squeeze %dma_wait3A_469 : memref<1x16x1024xf32, #tpu.memory_space<hbm>> -> memref<16x1024xf32, #tpu.memory_space<hbm>>
      %dma_wait3A_471 = arith.constant 0 : i32
      %dma_wait3A_472 = tpu.memref_slice %arg4[%select_n3A_240, %mul3A_462, %dma_wait3A_471] : memref<8x128x32768xf32, #tpu.memory_space<hbm>> -> memref<1x16x1024xf32, #tpu.memory_space<hbm>>
      %dma_wait3A_473 = tpu.memref_squeeze %dma_wait3A_472 : memref<1x16x1024xf32, #tpu.memory_space<hbm>> -> memref<16x1024xf32, #tpu.memory_space<hbm>>
      %dma_wait3A_474 = arith.constant 0 : i32
      %dma_wait3A_475 = arith.constant 0 : i32
      %dma_wait3A_476 = tpu.memref_slice %arg7[%dma_wait3A_463, %dma_wait3A_474, %dma_wait3A_475] : memref<2x16x1024xf32, #tpu.memory_space<vmem>> -> memref<1x16x1024xf32, #tpu.memory_space<vmem>>
      %dma_wait3A_477 = tpu.memref_squeeze %dma_wait3A_476 : memref<1x16x1024xf32, #tpu.memory_space<vmem>> -> memref<16x1024xf32, #tpu.memory_space<vmem>>
      tpu.wait_dma2 semaphore(%arg10 : memref<!tpu.dma_semaphore, #tpu.memory_space<semaphore_mem>>) src(%dma_wait3A_477 : memref<16x1024xf32, #tpu.memory_space<vmem>>) dst(%dma_wait3A_473 : memref<16x1024xf32, #tpu.memory_space<hbm>>)
      %parallel_loop3A_478 = arith.constant 0 : i32
      %parallel_loop3A_479 = arith.constant 64 : i32
      %parallel_loop3A_480 = arith.constant 1 : i32
      scf.for %parallel_loop3A_583 = %parallel_loop3A_478 to %parallel_loop3A_479 step %parallel_loop3A_480  : i32 {
        %parallel_loop3A_584 = arith.constant 16 : i32
        %parallel_loop3A_585 = arith.muli %parallel_loop3A_583, %parallel_loop3A_584 : i32
        %parallel_loop3A_586 = arith.constant 0 : i32
        %parallel_loop3A_587 = arith.index_cast %parallel_loop3A_586 : i32 to index
        %parallel_loop3A_588 = arith.index_cast %parallel_loop3A_585 : i32 to index
        %parallel_loop3A_589 = tpu.vector_load %arg6[%parallel_loop3A_587, %parallel_loop3A_588] {strides = array<i32>} : memref<2x1024xi32, #tpu.memory_space<vmem>>, vector<16xi32>,
        %parallel_loop3A_590 = arith.constant 0 : i32
        %parallel_loop3A_591 = vector.broadcast %parallel_loop3A_590 : i32 to vector<16xi32>
        %parallel_loop3A_592 = tpu.vector_load_idx %arg5[%parallel_loop3A_591, %parallel_loop3A_589] : memref<16x4096xf32, #tpu.memory_space<vmem>>[vector<16xi32>, vector<16xi32>], vector<16xf32>,
        %parallel_loop3A_593 = arith.constant 16 : i32
        %parallel_loop3A_594 = arith.muli %parallel_loop3A_583, %parallel_loop3A_593 : i32
        %parallel_loop3A_595 = arith.constant 0 : i32
        %parallel_loop3A_596 = arith.constant 0 : i32
        %parallel_loop3A_597 = arith.index_cast %parallel_loop3A_595 : i32 to index
        %parallel_loop3A_598 = arith.index_cast %parallel_loop3A_596 : i32 to index
        %parallel_loop3A_599 = arith.index_cast %parallel_loop3A_594 : i32 to index
        %parallel_loop3A_600 = tpu.vector_load %arg7[%parallel_loop3A_597, %parallel_loop3A_598, %parallel_loop3A_599] {strides = array<i32>} : memref<2x16x1024xf32, #tpu.memory_space<vmem>>, vector<16xf32>,
        tpu.vector_store %arg7[%parallel_loop3A_597, %parallel_loop3A_598, %parallel_loop3A_599], %parallel_loop3A_592 {strides = array<i32>} : memref<2x16x1024xf32, #tpu.memory_space<vmem>>, vector<16xf32>,
        %parallel_loop3A_601 = arith.constant 1 : i32
        %parallel_loop3A_602 = vector.broadcast %parallel_loop3A_601 : i32 to vector<16xi32>
        %parallel_loop3A_603 = tpu.vector_load_idx %arg5[%parallel_loop3A_602, %parallel_loop3A_589] : memref<16x4096xf32, #tpu.memory_space<vmem>>[vector<16xi32>, vector<16xi32>], vector<16xf32>,
        %parallel_loop3A_604 = arith.constant 16 : i32
        %parallel_loop3A_605 = arith.muli %parallel_loop3A_583, %parallel_loop3A_604 : i32
        %parallel_loop3A_606 = arith.constant 0 : i32
        %parallel_loop3A_607 = arith.constant 1 : i32
        %parallel_loop3A_608 = arith.index_cast %parallel_loop3A_606 : i32 to index
        %parallel_loop3A_609 = arith.index_cast %parallel_loop3A_607 : i32 to index
        %parallel_loop3A_610 = arith.index_cast %parallel_loop3A_605 : i32 to index
        %parallel_loop3A_611 = tpu.vector_load %arg7[%parallel_loop3A_608, %parallel_loop3A_609, %parallel_loop3A_610] {strides = array<i32>} : memref<2x16x1024xf32, #tpu.memory_space<vmem>>, vector<16xf32>,
        tpu.vector_store %arg7[%parallel_loop3A_608, %parallel_loop3A_609, %parallel_loop3A_610], %parallel_loop3A_603 {strides = array<i32>} : memref<2x16x1024xf32, #tpu.memory_space<vmem>>, vector<16xf32>,
        %parallel_loop3A_612 = arith.constant 2 : i32
        %parallel_loop3A_613 = vector.broadcast %parallel_loop3A_612 : i32 to vector<16xi32>
        %parallel_loop3A_614 = tpu.vector_load_idx %arg5[%parallel_loop3A_613, %parallel_loop3A_589] : memref<16x4096xf32, #tpu.memory_space<vmem>>[vector<16xi32>, vector<16xi32>], vector<16xf32>,
        %parallel_loop3A_615 = arith.constant 16 : i32
        %parallel_loop3A_616 = arith.muli %parallel_loop3A_583, %parallel_loop3A_615 : i32
        %parallel_loop3A_617 = arith.constant 0 : i32
        %parallel_loop3A_618 = arith.constant 2 : i32
        %parallel_loop3A_619 = arith.index_cast %parallel_loop3A_617 : i32 to index
        %parallel_loop3A_620 = arith.index_cast %parallel_loop3A_618 : i32 to index
        %parallel_loop3A_621 = arith.index_cast %parallel_loop3A_616 : i32 to index
        %parallel_loop3A_622 = tpu.vector_load %arg7[%parallel_loop3A_619, %parallel_loop3A_620, %parallel_loop3A_621] {strides = array<i32>} : memref<2x16x1024xf32, #tpu.memory_space<vmem>>, vector<16xf32>,
        tpu.vector_store %arg7[%parallel_loop3A_619, %parallel_loop3A_620, %parallel_loop3A_621], %parallel_loop3A_614 {strides = array<i32>} : memref<2x16x1024xf32, #tpu.memory_space<vmem>>, vector<16xf32>,
        %parallel_loop3A_623 = arith.constant 3 : i32
        %parallel_loop3A_624 = vector.broadcast %parallel_loop3A_623 : i32 to vector<16xi32>
        %parallel_loop3A_625 = tpu.vector_load_idx %arg5[%parallel_loop3A_624, %parallel_loop3A_589] : memref<16x4096xf32, #tpu.memory_space<vmem>>[vector<16xi32>, vector<16xi32>], vector<16xf32>,
        %parallel_loop3A_626 = arith.constant 16 : i32
        %parallel_loop3A_627 = arith.muli %parallel_loop3A_583, %parallel_loop3A_626 : i32
        %parallel_loop3A_628 = arith.constant 0 : i32
        %parallel_loop3A_629 = arith.constant 3 : i32
        %parallel_loop3A_630 = arith.index_cast %parallel_loop3A_628 : i32 to index
        %parallel_loop3A_631 = arith.index_cast %parallel_loop3A_629 : i32 to index
        %parallel_loop3A_632 = arith.index_cast %parallel_loop3A_627 : i32 to index
        %parallel_loop3A_633 = tpu.vector_load %arg7[%parallel_loop3A_630, %parallel_loop3A_631, %parallel_loop3A_632] {strides = array<i32>} : memref<2x16x1024xf32, #tpu.memory_space<vmem>>, vector<16xf32>,
        tpu.vector_store %arg7[%parallel_loop3A_630, %parallel_loop3A_631, %parallel_loop3A_632], %parallel_loop3A_625 {strides = array<i32>} : memref<2x16x1024xf32, #tpu.memory_space<vmem>>, vector<16xf32>,
        %parallel_loop3A_634 = arith.constant 4 : i32
        %parallel_loop3A_635 = vector.broadcast %parallel_loop3A_634 : i32 to vector<16xi32>
        %parallel_loop3A_636 = tpu.vector_load_idx %arg5[%parallel_loop3A_635, %parallel_loop3A_589] : memref<16x4096xf32, #tpu.memory_space<vmem>>[vector<16xi32>, vector<16xi32>], vector<16xf32>,
        %parallel_loop3A_637 = arith.constant 16 : i32
        %parallel_loop3A_638 = arith.muli %parallel_loop3A_583, %parallel_loop3A_637 : i32
        %parallel_loop3A_639 = arith.constant 0 : i32
        %parallel_loop3A_640 = arith.constant 4 : i32
        %parallel_loop3A_641 = arith.index_cast %parallel_loop3A_639 : i32 to index
        %parallel_loop3A_642 = arith.index_cast %parallel_loop3A_640 : i32 to index
        %parallel_loop3A_643 = arith.index_cast %parallel_loop3A_638 : i32 to index
        %parallel_loop3A_644 = tpu.vector_load %arg7[%parallel_loop3A_641, %parallel_loop3A_642, %parallel_loop3A_643] {strides = array<i32>} : memref<2x16x1024xf32, #tpu.memory_space<vmem>>, vector<16xf32>,
        tpu.vector_store %arg7[%parallel_loop3A_641, %parallel_loop3A_642, %parallel_loop3A_643], %parallel_loop3A_636 {strides = array<i32>} : memref<2x16x1024xf32, #tpu.memory_space<vmem>>, vector<16xf32>,
        %parallel_loop3A_645 = arith.constant 5 : i32
        %parallel_loop3A_646 = vector.broadcast %parallel_loop3A_645 : i32 to vector<16xi32>
        %parallel_loop3A_647 = tpu.vector_load_idx %arg5[%parallel_loop3A_646, %parallel_loop3A_589] : memref<16x4096xf32, #tpu.memory_space<vmem>>[vector<16xi32>, vector<16xi32>], vector<16xf32>,
        %parallel_loop3A_648 = arith.constant 16 : i32
        %parallel_loop3A_649 = arith.muli %parallel_loop3A_583, %parallel_loop3A_648 : i32
        %parallel_loop3A_650 = arith.constant 0 : i32
        %parallel_loop3A_651 = arith.constant 5 : i32
        %parallel_loop3A_652 = arith.index_cast %parallel_loop3A_650 : i32 to index
        %parallel_loop3A_653 = arith.index_cast %parallel_loop3A_651 : i32 to index
        %parallel_loop3A_654 = arith.index_cast %parallel_loop3A_649 : i32 to index
        %parallel_loop3A_655 = tpu.vector_load %arg7[%parallel_loop3A_652, %parallel_loop3A_653, %parallel_loop3A_654] {strides = array<i32>} : memref<2x16x1024xf32, #tpu.memory_space<vmem>>, vector<16xf32>,
        tpu.vector_store %arg7[%parallel_loop3A_652, %parallel_loop3A_653, %parallel_loop3A_654], %parallel_loop3A_647 {strides = array<i32>} : memref<2x16x1024xf32, #tpu.memory_space<vmem>>, vector<16xf32>,
        %parallel_loop3A_656 = arith.constant 6 : i32
        %parallel_loop3A_657 = vector.broadcast %parallel_loop3A_656 : i32 to vector<16xi32>
        %parallel_loop3A_658 = tpu.vector_load_idx %arg5[%parallel_loop3A_657, %parallel_loop3A_589] : memref<16x4096xf32, #tpu.memory_space<vmem>>[vector<16xi32>, vector<16xi32>], vector<16xf32>,
        %parallel_loop3A_659 = arith.constant 16 : i32
        %parallel_loop3A_660 = arith.muli %parallel_loop3A_583, %parallel_loop3A_659 : i32
        %parallel_loop3A_661 = arith.constant 0 : i32
        %parallel_loop3A_662 = arith.constant 6 : i32
        %parallel_loop3A_663 = arith.index_cast %parallel_loop3A_661 : i32 to index
        %parallel_loop3A_664 = arith.index_cast %parallel_loop3A_662 : i32 to index
        %parallel_loop3A_665 = arith.index_cast %parallel_loop3A_660 : i32 to index
        %parallel_loop3A_666 = tpu.vector_load %arg7[%parallel_loop3A_663, %parallel_loop3A_664, %parallel_loop3A_665] {strides = array<i32>} : memref<2x16x1024xf32, #tpu.memory_space<vmem>>, vector<16xf32>,
        tpu.vector_store %arg7[%parallel_loop3A_663, %parallel_loop3A_664, %parallel_loop3A_665], %parallel_loop3A_658 {strides = array<i32>} : memref<2x16x1024xf32, #tpu.memory_space<vmem>>, vector<16xf32>,
        %parallel_loop3A_667 = arith.constant 7 : i32
        %parallel_loop3A_668 = vector.broadcast %parallel_loop3A_667 : i32 to vector<16xi32>
        %parallel_loop3A_669 = tpu.vector_load_idx %arg5[%parallel_loop3A_668, %parallel_loop3A_589] : memref<16x4096xf32, #tpu.memory_space<vmem>>[vector<16xi32>, vector<16xi32>], vector<16xf32>,
        %parallel_loop3A_670 = arith.constant 16 : i32
        %parallel_loop3A_671 = arith.muli %parallel_loop3A_583, %parallel_loop3A_670 : i32
        %parallel_loop3A_672 = arith.constant 0 : i32
        %parallel_loop3A_673 = arith.constant 7 : i32
        %parallel_loop3A_674 = arith.index_cast %parallel_loop3A_672 : i32 to index
        %parallel_loop3A_675 = arith.index_cast %parallel_loop3A_673 : i32 to index
        %parallel_loop3A_676 = arith.index_cast %parallel_loop3A_671 : i32 to index
        %parallel_loop3A_677 = tpu.vector_load %arg7[%parallel_loop3A_674, %parallel_loop3A_675, %parallel_loop3A_676] {strides = array<i32>} : memref<2x16x1024xf32, #tpu.memory_space<vmem>>, vector<16xf32>,
        tpu.vector_store %arg7[%parallel_loop3A_674, %parallel_loop3A_675, %parallel_loop3A_676], %parallel_loop3A_669 {strides = array<i32>} : memref<2x16x1024xf32, #tpu.memory_space<vmem>>, vector<16xf32>,
        %parallel_loop3A_678 = arith.constant 8 : i32
        %parallel_loop3A_679 = vector.broadcast %parallel_loop3A_678 : i32 to vector<16xi32>
        %parallel_loop3A_680 = tpu.vector_load_idx %arg5[%parallel_loop3A_679, %parallel_loop3A_589] : memref<16x4096xf32, #tpu.memory_space<vmem>>[vector<16xi32>, vector<16xi32>], vector<16xf32>,
        %parallel_loop3A_681 = arith.constant 16 : i32
        %parallel_loop3A_682 = arith.muli %parallel_loop3A_583, %parallel_loop3A_681 : i32
        %parallel_loop3A_683 = arith.constant 0 : i32
        %parallel_loop3A_684 = arith.constant 8 : i32
        %parallel_loop3A_685 = arith.index_cast %parallel_loop3A_683 : i32 to index
        %parallel_loop3A_686 = arith.index_cast %parallel_loop3A_684 : i32 to index
        %parallel_loop3A_687 = arith.index_cast %parallel_loop3A_682 : i32 to index
        %parallel_loop3A_688 = tpu.vector_load %arg7[%parallel_loop3A_685, %parallel_loop3A_686, %parallel_loop3A_687] {strides = array<i32>} : memref<2x16x1024xf32, #tpu.memory_space<vmem>>, vector<16xf32>,
        tpu.vector_store %arg7[%parallel_loop3A_685, %parallel_loop3A_686, %parallel_loop3A_687], %parallel_loop3A_680 {strides = array<i32>} : memref<2x16x1024xf32, #tpu.memory_space<vmem>>, vector<16xf32>,
        %parallel_loop3A_689 = arith.constant 9 : i32
        %parallel_loop3A_690 = vector.broadcast %parallel_loop3A_689 : i32 to vector<16xi32>
        %parallel_loop3A_691 = tpu.vector_load_idx %arg5[%parallel_loop3A_690, %parallel_loop3A_589] : memref<16x4096xf32, #tpu.memory_space<vmem>>[vector<16xi32>, vector<16xi32>], vector<16xf32>,
        %parallel_loop3A_692 = arith.constant 16 : i32
        %parallel_loop3A_693 = arith.muli %parallel_loop3A_583, %parallel_loop3A_692 : i32
        %parallel_loop3A_694 = arith.constant 0 : i32
        %parallel_loop3A_695 = arith.constant 9 : i32
        %parallel_loop3A_696 = arith.index_cast %parallel_loop3A_694 : i32 to index
        %parallel_loop3A_697 = arith.index_cast %parallel_loop3A_695 : i32 to index
        %parallel_loop3A_698 = arith.index_cast %parallel_loop3A_693 : i32 to index
        %parallel_loop3A_699 = tpu.vector_load %arg7[%parallel_loop3A_696, %parallel_loop3A_697, %parallel_loop3A_698] {strides = array<i32>} : memref<2x16x1024xf32, #tpu.memory_space<vmem>>, vector<16xf32>,
        tpu.vector_store %arg7[%parallel_loop3A_696, %parallel_loop3A_697, %parallel_loop3A_698], %parallel_loop3A_691 {strides = array<i32>} : memref<2x16x1024xf32, #tpu.memory_space<vmem>>, vector<16xf32>,
        %parallel_loop3A_700 = arith.constant 10 : i32
        %parallel_loop3A_701 = vector.broadcast %parallel_loop3A_700 : i32 to vector<16xi32>
        %parallel_loop3A_702 = tpu.vector_load_idx %arg5[%parallel_loop3A_701, %parallel_loop3A_589] : memref<16x4096xf32, #tpu.memory_space<vmem>>[vector<16xi32>, vector<16xi32>], vector<16xf32>,
        %parallel_loop3A_703 = arith.constant 16 : i32
        %parallel_loop3A_704 = arith.muli %parallel_loop3A_583, %parallel_loop3A_703 : i32
        %parallel_loop3A_705 = arith.constant 0 : i32
        %parallel_loop3A_706 = arith.constant 10 : i32
        %parallel_loop3A_707 = arith.index_cast %parallel_loop3A_705 : i32 to index
        %parallel_loop3A_708 = arith.index_cast %parallel_loop3A_706 : i32 to index
        %parallel_loop3A_709 = arith.index_cast %parallel_loop3A_704 : i32 to index
        %parallel_loop3A_710 = tpu.vector_load %arg7[%parallel_loop3A_707, %parallel_loop3A_708, %parallel_loop3A_709] {strides = array<i32>} : memref<2x16x1024xf32, #tpu.memory_space<vmem>>, vector<16xf32>,
        tpu.vector_store %arg7[%parallel_loop3A_707, %parallel_loop3A_708, %parallel_loop3A_709], %parallel_loop3A_702 {strides = array<i32>} : memref<2x16x1024xf32, #tpu.memory_space<vmem>>, vector<16xf32>,
        %parallel_loop3A_711 = arith.constant 11 : i32
        %parallel_loop3A_712 = vector.broadcast %parallel_loop3A_711 : i32 to vector<16xi32>
        %parallel_loop3A_713 = tpu.vector_load_idx %arg5[%parallel_loop3A_712, %parallel_loop3A_589] : memref<16x4096xf32, #tpu.memory_space<vmem>>[vector<16xi32>, vector<16xi32>], vector<16xf32>,
        %parallel_loop3A_714 = arith.constant 16 : i32
        %parallel_loop3A_715 = arith.muli %parallel_loop3A_583, %parallel_loop3A_714 : i32
        %parallel_loop3A_716 = arith.constant 0 : i32
        %parallel_loop3A_717 = arith.constant 11 : i32
        %parallel_loop3A_718 = arith.index_cast %parallel_loop3A_716 : i32 to index
        %parallel_loop3A_719 = arith.index_cast %parallel_loop3A_717 : i32 to index
        %parallel_loop3A_720 = arith.index_cast %parallel_loop3A_715 : i32 to index
        %parallel_loop3A_721 = tpu.vector_load %arg7[%parallel_loop3A_718, %parallel_loop3A_719, %parallel_loop3A_720] {strides = array<i32>} : memref<2x16x1024xf32, #tpu.memory_space<vmem>>, vector<16xf32>,
        tpu.vector_store %arg7[%parallel_loop3A_718, %parallel_loop3A_719, %parallel_loop3A_720], %parallel_loop3A_713 {strides = array<i32>} : memref<2x16x1024xf32, #tpu.memory_space<vmem>>, vector<16xf32>,
        %parallel_loop3A_722 = arith.constant 12 : i32
        %parallel_loop3A_723 = vector.broadcast %parallel_loop3A_722 : i32 to vector<16xi32>
        %parallel_loop3A_724 = tpu.vector_load_idx %arg5[%parallel_loop3A_723, %parallel_loop3A_589] : memref<16x4096xf32, #tpu.memory_space<vmem>>[vector<16xi32>, vector<16xi32>], vector<16xf32>,
        %parallel_loop3A_725 = arith.constant 16 : i32
        %parallel_loop3A_726 = arith.muli %parallel_loop3A_583, %parallel_loop3A_725 : i32
        %parallel_loop3A_727 = arith.constant 0 : i32
        %parallel_loop3A_728 = arith.constant 12 : i32
        %parallel_loop3A_729 = arith.index_cast %parallel_loop3A_727 : i32 to index
        %parallel_loop3A_730 = arith.index_cast %parallel_loop3A_728 : i32 to index
        %parallel_loop3A_731 = arith.index_cast %parallel_loop3A_726 : i32 to index
        %parallel_loop3A_732 = tpu.vector_load %arg7[%parallel_loop3A_729, %parallel_loop3A_730, %parallel_loop3A_731] {strides = array<i32>} : memref<2x16x1024xf32, #tpu.memory_space<vmem>>, vector<16xf32>,
        tpu.vector_store %arg7[%parallel_loop3A_729, %parallel_loop3A_730, %parallel_loop3A_731], %parallel_loop3A_724 {strides = array<i32>} : memref<2x16x1024xf32, #tpu.memory_space<vmem>>, vector<16xf32>,
        %parallel_loop3A_733 = arith.constant 13 : i32
        %parallel_loop3A_734 = vector.broadcast %parallel_loop3A_733 : i32 to vector<16xi32>
        %parallel_loop3A_735 = tpu.vector_load_idx %arg5[%parallel_loop3A_734, %parallel_loop3A_589] : memref<16x4096xf32, #tpu.memory_space<vmem>>[vector<16xi32>, vector<16xi32>], vector<16xf32>,
        %parallel_loop3A_736 = arith.constant 16 : i32
        %parallel_loop3A_737 = arith.muli %parallel_loop3A_583, %parallel_loop3A_736 : i32
        %parallel_loop3A_738 = arith.constant 0 : i32
        %parallel_loop3A_739 = arith.constant 13 : i32
        %parallel_loop3A_740 = arith.index_cast %parallel_loop3A_738 : i32 to index
        %parallel_loop3A_741 = arith.index_cast %parallel_loop3A_739 : i32 to index
        %parallel_loop3A_742 = arith.index_cast %parallel_loop3A_737 : i32 to index
        %parallel_loop3A_743 = tpu.vector_load %arg7[%parallel_loop3A_740, %parallel_loop3A_741, %parallel_loop3A_742] {strides = array<i32>} : memref<2x16x1024xf32, #tpu.memory_space<vmem>>, vector<16xf32>,
        tpu.vector_store %arg7[%parallel_loop3A_740, %parallel_loop3A_741, %parallel_loop3A_742], %parallel_loop3A_735 {strides = array<i32>} : memref<2x16x1024xf32, #tpu.memory_space<vmem>>, vector<16xf32>,
        %parallel_loop3A_744 = arith.constant 14 : i32
        %parallel_loop3A_745 = vector.broadcast %parallel_loop3A_744 : i32 to vector<16xi32>
        %parallel_loop3A_746 = tpu.vector_load_idx %arg5[%parallel_loop3A_745, %parallel_loop3A_589] : memref<16x4096xf32, #tpu.memory_space<vmem>>[vector<16xi32>, vector<16xi32>], vector<16xf32>,
        %parallel_loop3A_747 = arith.constant 16 : i32
        %parallel_loop3A_748 = arith.muli %parallel_loop3A_583, %parallel_loop3A_747 : i32
        %parallel_loop3A_749 = arith.constant 0 : i32
        %parallel_loop3A_750 = arith.constant 14 : i32
        %parallel_loop3A_751 = arith.index_cast %parallel_loop3A_749 : i32 to index
        %parallel_loop3A_752 = arith.index_cast %parallel_loop3A_750 : i32 to index
        %parallel_loop3A_753 = arith.index_cast %parallel_loop3A_748 : i32 to index
        %parallel_loop3A_754 = tpu.vector_load %arg7[%parallel_loop3A_751, %parallel_loop3A_752, %parallel_loop3A_753] {strides = array<i32>} : memref<2x16x1024xf32, #tpu.memory_space<vmem>>, vector<16xf32>,
        tpu.vector_store %arg7[%parallel_loop3A_751, %parallel_loop3A_752, %parallel_loop3A_753], %parallel_loop3A_746 {strides = array<i32>} : memref<2x16x1024xf32, #tpu.memory_space<vmem>>, vector<16xf32>,
        %parallel_loop3A_755 = arith.constant 15 : i32
        %parallel_loop3A_756 = vector.broadcast %parallel_loop3A_755 : i32 to vector<16xi32>
        %parallel_loop3A_757 = tpu.vector_load_idx %arg5[%parallel_loop3A_756, %parallel_loop3A_589] : memref<16x4096xf32, #tpu.memory_space<vmem>>[vector<16xi32>, vector<16xi32>], vector<16xf32>,
        %parallel_loop3A_758 = arith.constant 16 : i32
        %parallel_loop3A_759 = arith.muli %parallel_loop3A_583, %parallel_loop3A_758 : i32
        %parallel_loop3A_760 = arith.constant 0 : i32
        %parallel_loop3A_761 = arith.constant 15 : i32
        %parallel_loop3A_762 = arith.index_cast %parallel_loop3A_760 : i32 to index
        %parallel_loop3A_763 = arith.index_cast %parallel_loop3A_761 : i32 to index
        %parallel_loop3A_764 = arith.index_cast %parallel_loop3A_759 : i32 to index
        %parallel_loop3A_765 = tpu.vector_load %arg7[%parallel_loop3A_762, %parallel_loop3A_763, %parallel_loop3A_764] {strides = array<i32>} : memref<2x16x1024xf32, #tpu.memory_space<vmem>>, vector<16xf32>,
        tpu.vector_store %arg7[%parallel_loop3A_762, %parallel_loop3A_763, %parallel_loop3A_764], %parallel_loop3A_757 {strides = array<i32>} : memref<2x16x1024xf32, #tpu.memory_space<vmem>>, vector<16xf32>,
      } {sc.loop_unroll_factor = 2 : i64, sc.parallel_access}
      %add3A_481 = arith.constant 2 : i32
      %add3A_482 = arith.addi %add3A_447, %add3A_481 : i32
      %min3A = arith.constant 31 : i32
      %min3A_483 = arith.minsi %add3A_482, %min3A : i32
      %mul3A_484 = arith.constant 1024 : i32
      %mul3A_485 = arith.muli %min3A_483, %mul3A_484 : i32
      %dma_start3A_486 = arith.constant 0 : i32
      %dma_start3A_487 = arith.constant 0 : i32
      %dma_start3A_488 = tpu.memref_slice %arg6[%dma_start3A_486, %dma_start3A_487] : memref<2x1024xi32, #tpu.memory_space<vmem>> -> memref<1x1024xi32, #tpu.memory_space<vmem>>
      %dma_start3A_489 = tpu.memref_squeeze %dma_start3A_488 : memref<1x1024xi32, #tpu.memory_space<vmem>> -> memref<1024xi32, #tpu.memory_space<vmem>>
      %dma_start3A_490 = tpu.memref_slice %arg3[%select_n3A_240, %mul3A_485] : memref<8x32768xi32, #tpu.memory_space<hbm>> -> memref<1x1024xi32, #tpu.memory_space<hbm>>
      %dma_start3A_491 = tpu.memref_squeeze %dma_start3A_490 : memref<1x1024xi32, #tpu.memory_space<hbm>> -> memref<1024xi32, #tpu.memory_space<hbm>>
      %dma_start3A_492 = arith.constant 0 : i32
      %dma_start3A_493 = tpu.memref_slice %arg6[%dma_start3A_486, %dma_start3A_492] : memref<2x1024xi32, #tpu.memory_space<vmem>> -> memref<1x1024xi32, #tpu.memory_space<vmem>>
      %dma_start3A_494 = tpu.memref_squeeze %dma_start3A_493 : memref<1x1024xi32, #tpu.memory_space<vmem>> -> memref<1024xi32, #tpu.memory_space<vmem>>
      %dma_start3A_495 = tpu.memref_slice %arg3[%select_n3A_240, %mul3A_485] : memref<8x32768xi32, #tpu.memory_space<hbm>> -> memref<1x1024xi32, #tpu.memory_space<hbm>>
      %dma_start3A_496 = tpu.memref_squeeze %dma_start3A_495 : memref<1x1024xi32, #tpu.memory_space<hbm>> -> memref<1024xi32, #tpu.memory_space<hbm>>
      tpu.enqueue_dma source(%dma_start3A_496 : memref<1024xi32, #tpu.memory_space<hbm>>) target(%dma_start3A_494 : memref<1024xi32, #tpu.memory_space<vmem>>) target_semaphore(%arg8 : memref<!tpu.dma_semaphore, #tpu.memory_space<semaphore_mem>>)
      %mul3A_497 = arith.constant 16 : i32
      %mul3A_498 = arith.muli %select_n3A_256, %mul3A_497 : i32
      %mul3A_499 = arith.constant 1024 : i32
      %mul3A_500 = arith.muli %add3A_447, %mul3A_499 : i32
      %dma_start3A_501 = arith.constant 0 : i32
      %dma_start3A_502 = arith.constant 0 : i32
      %dma_start3A_503 = arith.constant 0 : i32
      %dma_start3A_504 = tpu.memref_slice %arg7[%dma_start3A_501, %dma_start3A_502, %dma_start3A_503] : memref<2x16x1024xf32, #tpu.memory_space<vmem>> -> memref<1x16x1024xf32, #tpu.memory_space<vmem>>
      %dma_start3A_505 = tpu.memref_squeeze %dma_start3A_504 : memref<1x16x1024xf32, #tpu.memory_space<vmem>> -> memref<16x1024xf32, #tpu.memory_space<vmem>>
      %dma_start3A_506 = tpu.memref_slice %arg4[%select_n3A_240, %mul3A_498, %mul3A_500] : memref<8x128x32768xf32, #tpu.memory_space<hbm>> -> memref<1x16x1024xf32, #tpu.memory_space<hbm>>
      %dma_start3A_507 = tpu.memref_squeeze %dma_start3A_506 : memref<1x16x1024xf32, #tpu.memory_space<hbm>> -> memref<16x1024xf32, #tpu.memory_space<hbm>>
      %dma_start3A_508 = tpu.memref_slice %arg4[%select_n3A_240, %mul3A_498, %mul3A_500] : memref<8x128x32768xf32, #tpu.memory_space<hbm>> -> memref<1x16x1024xf32, #tpu.memory_space<hbm>>
      %dma_start3A_509 = tpu.memref_squeeze %dma_start3A_508 : memref<1x16x1024xf32, #tpu.memory_space<hbm>> -> memref<16x1024xf32, #tpu.memory_space<hbm>>
      %dma_start3A_510 = arith.constant 0 : i32
      %dma_start3A_511 = arith.constant 0 : i32
      %dma_start3A_512 = tpu.memref_slice %arg7[%dma_start3A_501, %dma_start3A_510, %dma_start3A_511] : memref<2x16x1024xf32, #tpu.memory_space<vmem>> -> memref<1x16x1024xf32, #tpu.memory_space<vmem>>
      %dma_start3A_513 = tpu.memref_squeeze %dma_start3A_512 : memref<1x16x1024xf32, #tpu.memory_space<vmem>> -> memref<16x1024xf32, #tpu.memory_space<vmem>>
      tpu.enqueue_dma source(%dma_start3A_513 : memref<16x1024xf32, #tpu.memory_space<vmem>>) target(%dma_start3A_509 : memref<16x1024xf32, #tpu.memory_space<hbm>>) target_semaphore(%arg10 : memref<!tpu.dma_semaphore, #tpu.memory_space<semaphore_mem>>)
      %add3A_514 = arith.constant 1 : i32
      %add3A_515 = arith.addi %mul3A_445, %add3A_514 : i32
      %dma_wait3A_516 = arith.constant 1 : i32
      %dma_wait3A_517 = arith.constant 0 : i32
      %dma_wait3A_518 = tpu.memref_slice %arg6[%dma_wait3A_516, %dma_wait3A_517] : memref<2x1024xi32, #tpu.memory_space<vmem>> -> memref<1x1024xi32, #tpu.memory_space<vmem>>
      %dma_wait3A_519 = tpu.memref_squeeze %dma_wait3A_518 : memref<1x1024xi32, #tpu.memory_space<vmem>> -> memref<1024xi32, #tpu.memory_space<vmem>>
      %dma_wait3A_520 = arith.constant 0 : i32
      %dma_wait3A_521 = tpu.memref_slice %arg3[%select_n3A_240, %dma_wait3A_520] : memref<8x32768xi32, #tpu.memory_space<hbm>> -> memref<1x1024xi32, #tpu.memory_space<hbm>>
      %dma_wait3A_522 = tpu.memref_squeeze %dma_wait3A_521 : memref<1x1024xi32, #tpu.memory_space<hbm>> -> memref<1024xi32, #tpu.memory_space<hbm>>
      %dma_wait3A_523 = arith.constant 0 : i32
      %dma_wait3A_524 = tpu.memref_slice %arg6[%dma_wait3A_516, %dma_wait3A_523] : memref<2x1024xi32, #tpu.memory_space<vmem>> -> memref<1x1024xi32, #tpu.memory_space<vmem>>
      %dma_wait3A_525 = tpu.memref_squeeze %dma_wait3A_524 : memref<1x1024xi32, #tpu.memory_space<vmem>> -> memref<1024xi32, #tpu.memory_space<vmem>>
      %dma_wait3A_526 = arith.constant 0 : i32
      %dma_wait3A_527 = tpu.memref_slice %arg3[%select_n3A_240, %dma_wait3A_526] : memref<8x32768xi32, #tpu.memory_space<hbm>> -> memref<1x1024xi32, #tpu.memory_space<hbm>>
      %dma_wait3A_528 = tpu.memref_squeeze %dma_wait3A_527 : memref<1x1024xi32, #tpu.memory_space<hbm>> -> memref<1024xi32, #tpu.memory_space<hbm>>
      tpu.wait_dma2 semaphore(%arg9 : memref<!tpu.dma_semaphore, #tpu.memory_space<semaphore_mem>>) src(%dma_wait3A_528 : memref<1024xi32, #tpu.memory_space<hbm>>) dst(%dma_wait3A_525 : memref<1024xi32, #tpu.memory_space<vmem>>)
      %mul3A_529 = arith.constant 16 : i32
      %mul3A_530 = arith.muli %select_n3A_256, %mul3A_529 : i32
      %dma_wait3A_531 = arith.constant 1 : i32
      %dma_wait3A_532 = arith.constant 0 : i32
      %dma_wait3A_533 = arith.constant 0 : i32
      %dma_wait3A_534 = tpu.memref_slice %arg7[%dma_wait3A_531, %dma_wait3A_532, %dma_wait3A_533] : memref<2x16x1024xf32, #tpu.memory_space<vmem>> -> memref<1x16x1024xf32, #tpu.memory_space<vmem>>
      %dma_wait3A_535 = tpu.memref_squeeze %dma_wait3A_534 : memref<1x16x1024xf32, #tpu.memory_space<vmem>> -> memref<16x1024xf32, #tpu.memory_space<vmem>>
      %dma_wait3A_536 = arith.constant 0 : i32
      %dma_wait3A_537 = tpu.memref_slice %arg4[%select_n3A_240, %mul3A_530, %dma_wait3A_536] : memref<8x128x32768xf32, #tpu.memory_space<hbm>> -> memref<1x16x1024xf32, #tpu.memory_space<hbm>>
      %dma_wait3A_538 = tpu.memref_squeeze %dma_wait3A_537 : memref<1x16x1024xf32, #tpu.memory_space<hbm>> -> memref<16x1024xf32, #tpu.memory_space<hbm>>
      %dma_wait3A_539 = arith.constant 0 : i32
      %dma_wait3A_540 = tpu.memref_slice %arg4[%select_n3A_240, %mul3A_530, %dma_wait3A_539] : memref<8x128x32768xf32, #tpu.memory_space<hbm>> -> memref<1x16x1024xf32, #tpu.memory_space<hbm>>
      %dma_wait3A_541 = tpu.memref_squeeze %dma_wait3A_540 : memref<1x16x1024xf32, #tpu.memory_space<hbm>> -> memref<16x1024xf32, #tpu.memory_space<hbm>>
      %dma_wait3A_542 = arith.constant 0 : i32
      %dma_wait3A_543 = arith.constant 0 : i32
      %dma_wait3A_544 = tpu.memref_slice %arg7[%dma_wait3A_531, %dma_wait3A_542, %dma_wait3A_543] : memref<2x16x1024xf32, #tpu.memory_space<vmem>> -> memref<1x16x1024xf32, #tpu.memory_space<vmem>>
      %dma_wait3A_545 = tpu.memref_squeeze %dma_wait3A_544 : memref<1x16x1024xf32, #tpu.memory_space<vmem>> -> memref<16x1024xf32, #tpu.memory_space<vmem>>
      tpu.wait_dma2 semaphore(%arg11 : memref<!tpu.dma_semaphore, #tpu.memory_space<semaphore_mem>>) src(%dma_wait3A_545 : memref<16x1024xf32, #tpu.memory_space<vmem>>) dst(%dma_wait3A_541 : memref<16x1024xf32, #tpu.memory_space<hbm>>)
      %parallel_loop3A_546 = arith.constant 0 : i32
      %parallel_loop3A_547 = arith.constant 64 : i32
      %parallel_loop3A_548 = arith.constant 1 : i32
      scf.for %parallel_loop3A_583 = %parallel_loop3A_546 to %parallel_loop3A_547 step %parallel_loop3A_548  : i32 {
        %parallel_loop3A_584 = arith.constant 16 : i32
        %parallel_loop3A_585 = arith.muli %parallel_loop3A_583, %parallel_loop3A_584 : i32
        %parallel_loop3A_586 = arith.constant 1 : i32
        %parallel_loop3A_587 = arith.index_cast %parallel_loop3A_586 : i32 to index
        %parallel_loop3A_588 = arith.index_cast %parallel_loop3A_585 : i32 to index
        %parallel_loop3A_589 = tpu.vector_load %arg6[%parallel_loop3A_587, %parallel_loop3A_588] {strides = array<i32>} : memref<2x1024xi32, #tpu.memory_space<vmem>>, vector<16xi32>,
        %parallel_loop3A_590 = arith.constant 0 : i32
        %parallel_loop3A_591 = vector.broadcast %parallel_loop3A_590 : i32 to vector<16xi32>
        %parallel_loop3A_592 = tpu.vector_load_idx %arg5[%parallel_loop3A_591, %parallel_loop3A_589] : memref<16x4096xf32, #tpu.memory_space<vmem>>[vector<16xi32>, vector<16xi32>], vector<16xf32>,
        %parallel_loop3A_593 = arith.constant 16 : i32
        %parallel_loop3A_594 = arith.muli %parallel_loop3A_583, %parallel_loop3A_593 : i32
        %parallel_loop3A_595 = arith.constant 1 : i32
        %parallel_loop3A_596 = arith.constant 0 : i32
        %parallel_loop3A_597 = arith.index_cast %parallel_loop3A_595 : i32 to index
        %parallel_loop3A_598 = arith.index_cast %parallel_loop3A_596 : i32 to index
        %parallel_loop3A_599 = arith.index_cast %parallel_loop3A_594 : i32 to index
        %parallel_loop3A_600 = tpu.vector_load %arg7[%parallel_loop3A_597, %parallel_loop3A_598, %parallel_loop3A_599] {strides = array<i32>} : memref<2x16x1024xf32, #tpu.memory_space<vmem>>, vector<16xf32>,
        tpu.vector_store %arg7[%parallel_loop3A_597, %parallel_loop3A_598, %parallel_loop3A_599], %parallel_loop3A_592 {strides = array<i32>} : memref<2x16x1024xf32, #tpu.memory_space<vmem>>, vector<16xf32>,
        %parallel_loop3A_601 = arith.constant 1 : i32
        %parallel_loop3A_602 = vector.broadcast %parallel_loop3A_601 : i32 to vector<16xi32>
        %parallel_loop3A_603 = tpu.vector_load_idx %arg5[%parallel_loop3A_602, %parallel_loop3A_589] : memref<16x4096xf32, #tpu.memory_space<vmem>>[vector<16xi32>, vector<16xi32>], vector<16xf32>,
        %parallel_loop3A_604 = arith.constant 16 : i32
        %parallel_loop3A_605 = arith.muli %parallel_loop3A_583, %parallel_loop3A_604 : i32
        %parallel_loop3A_606 = arith.constant 1 : i32
        %parallel_loop3A_607 = arith.constant 1 : i32
        %parallel_loop3A_608 = arith.index_cast %parallel_loop3A_606 : i32 to index
        %parallel_loop3A_609 = arith.index_cast %parallel_loop3A_607 : i32 to index
        %parallel_loop3A_610 = arith.index_cast %parallel_loop3A_605 : i32 to index
        %parallel_loop3A_611 = tpu.vector_load %arg7[%parallel_loop3A_608, %parallel_loop3A_609, %parallel_loop3A_610] {strides = array<i32>} : memref<2x16x1024xf32, #tpu.memory_space<vmem>>, vector<16xf32>,
        tpu.vector_store %arg7[%parallel_loop3A_608, %parallel_loop3A_609, %parallel_loop3A_610], %parallel_loop3A_603 {strides = array<i32>} : memref<2x16x1024xf32, #tpu.memory_space<vmem>>, vector<16xf32>,
        %parallel_loop3A_612 = arith.constant 2 : i32
        %parallel_loop3A_613 = vector.broadcast %parallel_loop3A_612 : i32 to vector<16xi32>
        %parallel_loop3A_614 = tpu.vector_load_idx %arg5[%parallel_loop3A_613, %parallel_loop3A_589] : memref<16x4096xf32, #tpu.memory_space<vmem>>[vector<16xi32>, vector<16xi32>], vector<16xf32>,
        %parallel_loop3A_615 = arith.constant 16 : i32
        %parallel_loop3A_616 = arith.muli %parallel_loop3A_583, %parallel_loop3A_615 : i32
        %parallel_loop3A_617 = arith.constant 1 : i32
        %parallel_loop3A_618 = arith.constant 2 : i32
        %parallel_loop3A_619 = arith.index_cast %parallel_loop3A_617 : i32 to index
        %parallel_loop3A_620 = arith.index_cast %parallel_loop3A_618 : i32 to index
        %parallel_loop3A_621 = arith.index_cast %parallel_loop3A_616 : i32 to index
        %parallel_loop3A_622 = tpu.vector_load %arg7[%parallel_loop3A_619, %parallel_loop3A_620, %parallel_loop3A_621] {strides = array<i32>} : memref<2x16x1024xf32, #tpu.memory_space<vmem>>, vector<16xf32>,
        tpu.vector_store %arg7[%parallel_loop3A_619, %parallel_loop3A_620, %parallel_loop3A_621], %parallel_loop3A_614 {strides = array<i32>} : memref<2x16x1024xf32, #tpu.memory_space<vmem>>, vector<16xf32>,
        %parallel_loop3A_623 = arith.constant 3 : i32
        %parallel_loop3A_624 = vector.broadcast %parallel_loop3A_623 : i32 to vector<16xi32>
        %parallel_loop3A_625 = tpu.vector_load_idx %arg5[%parallel_loop3A_624, %parallel_loop3A_589] : memref<16x4096xf32, #tpu.memory_space<vmem>>[vector<16xi32>, vector<16xi32>], vector<16xf32>,
        %parallel_loop3A_626 = arith.constant 16 : i32
        %parallel_loop3A_627 = arith.muli %parallel_loop3A_583, %parallel_loop3A_626 : i32
        %parallel_loop3A_628 = arith.constant 1 : i32
        %parallel_loop3A_629 = arith.constant 3 : i32
        %parallel_loop3A_630 = arith.index_cast %parallel_loop3A_628 : i32 to index
        %parallel_loop3A_631 = arith.index_cast %parallel_loop3A_629 : i32 to index
        %parallel_loop3A_632 = arith.index_cast %parallel_loop3A_627 : i32 to index
        %parallel_loop3A_633 = tpu.vector_load %arg7[%parallel_loop3A_630, %parallel_loop3A_631, %parallel_loop3A_632] {strides = array<i32>} : memref<2x16x1024xf32, #tpu.memory_space<vmem>>, vector<16xf32>,
        tpu.vector_store %arg7[%parallel_loop3A_630, %parallel_loop3A_631, %parallel_loop3A_632], %parallel_loop3A_625 {strides = array<i32>} : memref<2x16x1024xf32, #tpu.memory_space<vmem>>, vector<16xf32>,
        %parallel_loop3A_634 = arith.constant 4 : i32
        %parallel_loop3A_635 = vector.broadcast %parallel_loop3A_634 : i32 to vector<16xi32>
        %parallel_loop3A_636 = tpu.vector_load_idx %arg5[%parallel_loop3A_635, %parallel_loop3A_589] : memref<16x4096xf32, #tpu.memory_space<vmem>>[vector<16xi32>, vector<16xi32>], vector<16xf32>,
        %parallel_loop3A_637 = arith.constant 16 : i32
        %parallel_loop3A_638 = arith.muli %parallel_loop3A_583, %parallel_loop3A_637 : i32
        %parallel_loop3A_639 = arith.constant 1 : i32
        %parallel_loop3A_640 = arith.constant 4 : i32
        %parallel_loop3A_641 = arith.index_cast %parallel_loop3A_639 : i32 to index
        %parallel_loop3A_642 = arith.index_cast %parallel_loop3A_640 : i32 to index
        %parallel_loop3A_643 = arith.index_cast %parallel_loop3A_638 : i32 to index
        %parallel_loop3A_644 = tpu.vector_load %arg7[%parallel_loop3A_641, %parallel_loop3A_642, %parallel_loop3A_643] {strides = array<i32>} : memref<2x16x1024xf32, #tpu.memory_space<vmem>>, vector<16xf32>,
        tpu.vector_store %arg7[%parallel_loop3A_641, %parallel_loop3A_642, %parallel_loop3A_643], %parallel_loop3A_636 {strides = array<i32>} : memref<2x16x1024xf32, #tpu.memory_space<vmem>>, vector<16xf32>,
        %parallel_loop3A_645 = arith.constant 5 : i32
        %parallel_loop3A_646 = vector.broadcast %parallel_loop3A_645 : i32 to vector<16xi32>
        %parallel_loop3A_647 = tpu.vector_load_idx %arg5[%parallel_loop3A_646, %parallel_loop3A_589] : memref<16x4096xf32, #tpu.memory_space<vmem>>[vector<16xi32>, vector<16xi32>], vector<16xf32>,
        %parallel_loop3A_648 = arith.constant 16 : i32
        %parallel_loop3A_649 = arith.muli %parallel_loop3A_583, %parallel_loop3A_648 : i32
        %parallel_loop3A_650 = arith.constant 1 : i32
        %parallel_loop3A_651 = arith.constant 5 : i32
        %parallel_loop3A_652 = arith.index_cast %parallel_loop3A_650 : i32 to index
        %parallel_loop3A_653 = arith.index_cast %parallel_loop3A_651 : i32 to index
        %parallel_loop3A_654 = arith.index_cast %parallel_loop3A_649 : i32 to index
        %parallel_loop3A_655 = tpu.vector_load %arg7[%parallel_loop3A_652, %parallel_loop3A_653, %parallel_loop3A_654] {strides = array<i32>} : memref<2x16x1024xf32, #tpu.memory_space<vmem>>, vector<16xf32>,
        tpu.vector_store %arg7[%parallel_loop3A_652, %parallel_loop3A_653, %parallel_loop3A_654], %parallel_loop3A_647 {strides = array<i32>} : memref<2x16x1024xf32, #tpu.memory_space<vmem>>, vector<16xf32>,
        %parallel_loop3A_656 = arith.constant 6 : i32
        %parallel_loop3A_657 = vector.broadcast %parallel_loop3A_656 : i32 to vector<16xi32>
        %parallel_loop3A_658 = tpu.vector_load_idx %arg5[%parallel_loop3A_657, %parallel_loop3A_589] : memref<16x4096xf32, #tpu.memory_space<vmem>>[vector<16xi32>, vector<16xi32>], vector<16xf32>,
        %parallel_loop3A_659 = arith.constant 16 : i32
        %parallel_loop3A_660 = arith.muli %parallel_loop3A_583, %parallel_loop3A_659 : i32
        %parallel_loop3A_661 = arith.constant 1 : i32
        %parallel_loop3A_662 = arith.constant 6 : i32
        %parallel_loop3A_663 = arith.index_cast %parallel_loop3A_661 : i32 to index
        %parallel_loop3A_664 = arith.index_cast %parallel_loop3A_662 : i32 to index
        %parallel_loop3A_665 = arith.index_cast %parallel_loop3A_660 : i32 to index
        %parallel_loop3A_666 = tpu.vector_load %arg7[%parallel_loop3A_663, %parallel_loop3A_664, %parallel_loop3A_665] {strides = array<i32>} : memref<2x16x1024xf32, #tpu.memory_space<vmem>>, vector<16xf32>,
        tpu.vector_store %arg7[%parallel_loop3A_663, %parallel_loop3A_664, %parallel_loop3A_665], %parallel_loop3A_658 {strides = array<i32>} : memref<2x16x1024xf32, #tpu.memory_space<vmem>>, vector<16xf32>,
        %parallel_loop3A_667 = arith.constant 7 : i32
        %parallel_loop3A_668 = vector.broadcast %parallel_loop3A_667 : i32 to vector<16xi32>
        %parallel_loop3A_669 = tpu.vector_load_idx %arg5[%parallel_loop3A_668, %parallel_loop3A_589] : memref<16x4096xf32, #tpu.memory_space<vmem>>[vector<16xi32>, vector<16xi32>], vector<16xf32>,
        %parallel_loop3A_670 = arith.constant 16 : i32
        %parallel_loop3A_671 = arith.muli %parallel_loop3A_583, %parallel_loop3A_670 : i32
        %parallel_loop3A_672 = arith.constant 1 : i32
        %parallel_loop3A_673 = arith.constant 7 : i32
        %parallel_loop3A_674 = arith.index_cast %parallel_loop3A_672 : i32 to index
        %parallel_loop3A_675 = arith.index_cast %parallel_loop3A_673 : i32 to index
        %parallel_loop3A_676 = arith.index_cast %parallel_loop3A_671 : i32 to index
        %parallel_loop3A_677 = tpu.vector_load %arg7[%parallel_loop3A_674, %parallel_loop3A_675, %parallel_loop3A_676] {strides = array<i32>} : memref<2x16x1024xf32, #tpu.memory_space<vmem>>, vector<16xf32>,
        tpu.vector_store %arg7[%parallel_loop3A_674, %parallel_loop3A_675, %parallel_loop3A_676], %parallel_loop3A_669 {strides = array<i32>} : memref<2x16x1024xf32, #tpu.memory_space<vmem>>, vector<16xf32>,
        %parallel_loop3A_678 = arith.constant 8 : i32
        %parallel_loop3A_679 = vector.broadcast %parallel_loop3A_678 : i32 to vector<16xi32>
        %parallel_loop3A_680 = tpu.vector_load_idx %arg5[%parallel_loop3A_679, %parallel_loop3A_589] : memref<16x4096xf32, #tpu.memory_space<vmem>>[vector<16xi32>, vector<16xi32>], vector<16xf32>,
        %parallel_loop3A_681 = arith.constant 16 : i32
        %parallel_loop3A_682 = arith.muli %parallel_loop3A_583, %parallel_loop3A_681 : i32
        %parallel_loop3A_683 = arith.constant 1 : i32
        %parallel_loop3A_684 = arith.constant 8 : i32
        %parallel_loop3A_685 = arith.index_cast %parallel_loop3A_683 : i32 to index
        %parallel_loop3A_686 = arith.index_cast %parallel_loop3A_684 : i32 to index
        %parallel_loop3A_687 = arith.index_cast %parallel_loop3A_682 : i32 to index
        %parallel_loop3A_688 = tpu.vector_load %arg7[%parallel_loop3A_685, %parallel_loop3A_686, %parallel_loop3A_687] {strides = array<i32>} : memref<2x16x1024xf32, #tpu.memory_space<vmem>>, vector<16xf32>,
        tpu.vector_store %arg7[%parallel_loop3A_685, %parallel_loop3A_686, %parallel_loop3A_687], %parallel_loop3A_680 {strides = array<i32>} : memref<2x16x1024xf32, #tpu.memory_space<vmem>>, vector<16xf32>,
        %parallel_loop3A_689 = arith.constant 9 : i32
        %parallel_loop3A_690 = vector.broadcast %parallel_loop3A_689 : i32 to vector<16xi32>
        %parallel_loop3A_691 = tpu.vector_load_idx %arg5[%parallel_loop3A_690, %parallel_loop3A_589] : memref<16x4096xf32, #tpu.memory_space<vmem>>[vector<16xi32>, vector<16xi32>], vector<16xf32>,
        %parallel_loop3A_692 = arith.constant 16 : i32
        %parallel_loop3A_693 = arith.muli %parallel_loop3A_583, %parallel_loop3A_692 : i32
        %parallel_loop3A_694 = arith.constant 1 : i32
        %parallel_loop3A_695 = arith.constant 9 : i32
        %parallel_loop3A_696 = arith.index_cast %parallel_loop3A_694 : i32 to index
        %parallel_loop3A_697 = arith.index_cast %parallel_loop3A_695 : i32 to index
        %parallel_loop3A_698 = arith.index_cast %parallel_loop3A_693 : i32 to index
        %parallel_loop3A_699 = tpu.vector_load %arg7[%parallel_loop3A_696, %parallel_loop3A_697, %parallel_loop3A_698] {strides = array<i32>} : memref<2x16x1024xf32, #tpu.memory_space<vmem>>, vector<16xf32>,
        tpu.vector_store %arg7[%parallel_loop3A_696, %parallel_loop3A_697, %parallel_loop3A_698], %parallel_loop3A_691 {strides = array<i32>} : memref<2x16x1024xf32, #tpu.memory_space<vmem>>, vector<16xf32>,
        %parallel_loop3A_700 = arith.constant 10 : i32
        %parallel_loop3A_701 = vector.broadcast %parallel_loop3A_700 : i32 to vector<16xi32>
        %parallel_loop3A_702 = tpu.vector_load_idx %arg5[%parallel_loop3A_701, %parallel_loop3A_589] : memref<16x4096xf32, #tpu.memory_space<vmem>>[vector<16xi32>, vector<16xi32>], vector<16xf32>,
        %parallel_loop3A_703 = arith.constant 16 : i32
        %parallel_loop3A_704 = arith.muli %parallel_loop3A_583, %parallel_loop3A_703 : i32
        %parallel_loop3A_705 = arith.constant 1 : i32
        %parallel_loop3A_706 = arith.constant 10 : i32
        %parallel_loop3A_707 = arith.index_cast %parallel_loop3A_705 : i32 to index
        %parallel_loop3A_708 = arith.index_cast %parallel_loop3A_706 : i32 to index
        %parallel_loop3A_709 = arith.index_cast %parallel_loop3A_704 : i32 to index
        %parallel_loop3A_710 = tpu.vector_load %arg7[%parallel_loop3A_707, %parallel_loop3A_708, %parallel_loop3A_709] {strides = array<i32>} : memref<2x16x1024xf32, #tpu.memory_space<vmem>>, vector<16xf32>,
        tpu.vector_store %arg7[%parallel_loop3A_707, %parallel_loop3A_708, %parallel_loop3A_709], %parallel_loop3A_702 {strides = array<i32>} : memref<2x16x1024xf32, #tpu.memory_space<vmem>>, vector<16xf32>,
        %parallel_loop3A_711 = arith.constant 11 : i32
        %parallel_loop3A_712 = vector.broadcast %parallel_loop3A_711 : i32 to vector<16xi32>
        %parallel_loop3A_713 = tpu.vector_load_idx %arg5[%parallel_loop3A_712, %parallel_loop3A_589] : memref<16x4096xf32, #tpu.memory_space<vmem>>[vector<16xi32>, vector<16xi32>], vector<16xf32>,
        %parallel_loop3A_714 = arith.constant 16 : i32
        %parallel_loop3A_715 = arith.muli %parallel_loop3A_583, %parallel_loop3A_714 : i32
        %parallel_loop3A_716 = arith.constant 1 : i32
        %parallel_loop3A_717 = arith.constant 11 : i32
        %parallel_loop3A_718 = arith.index_cast %parallel_loop3A_716 : i32 to index
        %parallel_loop3A_719 = arith.index_cast %parallel_loop3A_717 : i32 to index
        %parallel_loop3A_720 = arith.index_cast %parallel_loop3A_715 : i32 to index
        %parallel_loop3A_721 = tpu.vector_load %arg7[%parallel_loop3A_718, %parallel_loop3A_719, %parallel_loop3A_720] {strides = array<i32>} : memref<2x16x1024xf32, #tpu.memory_space<vmem>>, vector<16xf32>,
        tpu.vector_store %arg7[%parallel_loop3A_718, %parallel_loop3A_719, %parallel_loop3A_720], %parallel_loop3A_713 {strides = array<i32>} : memref<2x16x1024xf32, #tpu.memory_space<vmem>>, vector<16xf32>,
        %parallel_loop3A_722 = arith.constant 12 : i32
        %parallel_loop3A_723 = vector.broadcast %parallel_loop3A_722 : i32 to vector<16xi32>
        %parallel_loop3A_724 = tpu.vector_load_idx %arg5[%parallel_loop3A_723, %parallel_loop3A_589] : memref<16x4096xf32, #tpu.memory_space<vmem>>[vector<16xi32>, vector<16xi32>], vector<16xf32>,
        %parallel_loop3A_725 = arith.constant 16 : i32
        %parallel_loop3A_726 = arith.muli %parallel_loop3A_583, %parallel_loop3A_725 : i32
        %parallel_loop3A_727 = arith.constant 1 : i32
        %parallel_loop3A_728 = arith.constant 12 : i32
        %parallel_loop3A_729 = arith.index_cast %parallel_loop3A_727 : i32 to index
        %parallel_loop3A_730 = arith.index_cast %parallel_loop3A_728 : i32 to index
        %parallel_loop3A_731 = arith.index_cast %parallel_loop3A_726 : i32 to index
        %parallel_loop3A_732 = tpu.vector_load %arg7[%parallel_loop3A_729, %parallel_loop3A_730, %parallel_loop3A_731] {strides = array<i32>} : memref<2x16x1024xf32, #tpu.memory_space<vmem>>, vector<16xf32>,
        tpu.vector_store %arg7[%parallel_loop3A_729, %parallel_loop3A_730, %parallel_loop3A_731], %parallel_loop3A_724 {strides = array<i32>} : memref<2x16x1024xf32, #tpu.memory_space<vmem>>, vector<16xf32>,
        %parallel_loop3A_733 = arith.constant 13 : i32
        %parallel_loop3A_734 = vector.broadcast %parallel_loop3A_733 : i32 to vector<16xi32>
        %parallel_loop3A_735 = tpu.vector_load_idx %arg5[%parallel_loop3A_734, %parallel_loop3A_589] : memref<16x4096xf32, #tpu.memory_space<vmem>>[vector<16xi32>, vector<16xi32>], vector<16xf32>,
        %parallel_loop3A_736 = arith.constant 16 : i32
        %parallel_loop3A_737 = arith.muli %parallel_loop3A_583, %parallel_loop3A_736 : i32
        %parallel_loop3A_738 = arith.constant 1 : i32
        %parallel_loop3A_739 = arith.constant 13 : i32
        %parallel_loop3A_740 = arith.index_cast %parallel_loop3A_738 : i32 to index
        %parallel_loop3A_741 = arith.index_cast %parallel_loop3A_739 : i32 to index
        %parallel_loop3A_742 = arith.index_cast %parallel_loop3A_737 : i32 to index
        %parallel_loop3A_743 = tpu.vector_load %arg7[%parallel_loop3A_740, %parallel_loop3A_741, %parallel_loop3A_742] {strides = array<i32>} : memref<2x16x1024xf32, #tpu.memory_space<vmem>>, vector<16xf32>,
        tpu.vector_store %arg7[%parallel_loop3A_740, %parallel_loop3A_741, %parallel_loop3A_742], %parallel_loop3A_735 {strides = array<i32>} : memref<2x16x1024xf32, #tpu.memory_space<vmem>>, vector<16xf32>,
        %parallel_loop3A_744 = arith.constant 14 : i32
        %parallel_loop3A_745 = vector.broadcast %parallel_loop3A_744 : i32 to vector<16xi32>
        %parallel_loop3A_746 = tpu.vector_load_idx %arg5[%parallel_loop3A_745, %parallel_loop3A_589] : memref<16x4096xf32, #tpu.memory_space<vmem>>[vector<16xi32>, vector<16xi32>], vector<16xf32>,
        %parallel_loop3A_747 = arith.constant 16 : i32
        %parallel_loop3A_748 = arith.muli %parallel_loop3A_583, %parallel_loop3A_747 : i32
        %parallel_loop3A_749 = arith.constant 1 : i32
        %parallel_loop3A_750 = arith.constant 14 : i32
        %parallel_loop3A_751 = arith.index_cast %parallel_loop3A_749 : i32 to index
        %parallel_loop3A_752 = arith.index_cast %parallel_loop3A_750 : i32 to index
        %parallel_loop3A_753 = arith.index_cast %parallel_loop3A_748 : i32 to index
        %parallel_loop3A_754 = tpu.vector_load %arg7[%parallel_loop3A_751, %parallel_loop3A_752, %parallel_loop3A_753] {strides = array<i32>} : memref<2x16x1024xf32, #tpu.memory_space<vmem>>, vector<16xf32>,
        tpu.vector_store %arg7[%parallel_loop3A_751, %parallel_loop3A_752, %parallel_loop3A_753], %parallel_loop3A_746 {strides = array<i32>} : memref<2x16x1024xf32, #tpu.memory_space<vmem>>, vector<16xf32>,
        %parallel_loop3A_755 = arith.constant 15 : i32
        %parallel_loop3A_756 = vector.broadcast %parallel_loop3A_755 : i32 to vector<16xi32>
        %parallel_loop3A_757 = tpu.vector_load_idx %arg5[%parallel_loop3A_756, %parallel_loop3A_589] : memref<16x4096xf32, #tpu.memory_space<vmem>>[vector<16xi32>, vector<16xi32>], vector<16xf32>,
        %parallel_loop3A_758 = arith.constant 16 : i32
        %parallel_loop3A_759 = arith.muli %parallel_loop3A_583, %parallel_loop3A_758 : i32
        %parallel_loop3A_760 = arith.constant 1 : i32
        %parallel_loop3A_761 = arith.constant 15 : i32
        %parallel_loop3A_762 = arith.index_cast %parallel_loop3A_760 : i32 to index
        %parallel_loop3A_763 = arith.index_cast %parallel_loop3A_761 : i32 to index
        %parallel_loop3A_764 = arith.index_cast %parallel_loop3A_759 : i32 to index
        %parallel_loop3A_765 = tpu.vector_load %arg7[%parallel_loop3A_762, %parallel_loop3A_763, %parallel_loop3A_764] {strides = array<i32>} : memref<2x16x1024xf32, #tpu.memory_space<vmem>>, vector<16xf32>,
        tpu.vector_store %arg7[%parallel_loop3A_762, %parallel_loop3A_763, %parallel_loop3A_764], %parallel_loop3A_757 {strides = array<i32>} : memref<2x16x1024xf32, #tpu.memory_space<vmem>>, vector<16xf32>,
      } {sc.loop_unroll_factor = 2 : i64, sc.parallel_access}
      %add3A_549 = arith.constant 2 : i32
      %add3A_550 = arith.addi %add3A_515, %add3A_549 : i32
      %min3A_551 = arith.constant 31 : i32
      %min3A_552 = arith.minsi %add3A_550, %min3A_551 : i32
      %mul3A_553 = arith.constant 1024 : i32
      %mul3A_554 = arith.muli %min3A_552, %mul3A_553 : i32
      %dma_start3A_555 = arith.constant 1 : i32
      %dma_start3A_556 = arith.constant 0 : i32
      %dma_start3A_557 = tpu.memref_slice %arg6[%dma_start3A_555, %dma_start3A_556] : memref<2x1024xi32, #tpu.memory_space<vmem>> -> memref<1x1024xi32, #tpu.memory_space<vmem>>
      %dma_start3A_558 = tpu.memref_squeeze %dma_start3A_557 : memref<1x1024xi32, #tpu.memory_space<vmem>> -> memref<1024xi32, #tpu.memory_space<vmem>>
      %dma_start3A_559 = tpu.memref_slice %arg3[%select_n3A_240, %mul3A_554] : memref<8x32768xi32, #tpu.memory_space<hbm>> -> memref<1x1024xi32, #tpu.memory_space<hbm>>
      %dma_start3A_560 = tpu.memref_squeeze %dma_start3A_559 : memref<1x1024xi32, #tpu.memory_space<hbm>> -> memref<1024xi32, #tpu.memory_space<hbm>>
      %dma_start3A_561 = arith.constant 0 : i32
      %dma_start3A_562 = tpu.memref_slice %arg6[%dma_start3A_555, %dma_start3A_561] : memref<2x1024xi32, #tpu.memory_space<vmem>> -> memref<1x1024xi32, #tpu.memory_space<vmem>>
      %dma_start3A_563 = tpu.memref_squeeze %dma_start3A_562 : memref<1x1024xi32, #tpu.memory_space<vmem>> -> memref<1024xi32, #tpu.memory_space<vmem>>
      %dma_start3A_564 = tpu.memref_slice %arg3[%select_n3A_240, %mul3A_554] : memref<8x32768xi32, #tpu.memory_space<hbm>> -> memref<1x1024xi32, #tpu.memory_space<hbm>>
      %dma_start3A_565 = tpu.memref_squeeze %dma_start3A_564 : memref<1x1024xi32, #tpu.memory_space<hbm>> -> memref<1024xi32, #tpu.memory_space<hbm>>
      tpu.enqueue_dma source(%dma_start3A_565 : memref<1024xi32, #tpu.memory_space<hbm>>) target(%dma_start3A_563 : memref<1024xi32, #tpu.memory_space<vmem>>) target_semaphore(%arg9 : memref<!tpu.dma_semaphore, #tpu.memory_space<semaphore_mem>>)
      %mul3A_566 = arith.constant 16 : i32
      %mul3A_567 = arith.muli %select_n3A_256, %mul3A_566 : i32
      %mul3A_568 = arith.constant 1024 : i32
      %mul3A_569 = arith.muli %add3A_515, %mul3A_568 : i32
      %dma_start3A_570 = arith.constant 1 : i32
      %dma_start3A_571 = arith.constant 0 : i32
      %dma_start3A_572 = arith.constant 0 : i32
      %dma_start3A_573 = tpu.memref_slice %arg7[%dma_start3A_570, %dma_start3A_571, %dma_start3A_572] : memref<2x16x1024xf32, #tpu.memory_space<vmem>> -> memref<1x16x1024xf32, #tpu.memory_space<vmem>>
      %dma_start3A_574 = tpu.memref_squeeze %dma_start3A_573 : memref<1x16x1024xf32, #tpu.memory_space<vmem>> -> memref<16x1024xf32, #tpu.memory_space<vmem>>
      %dma_start3A_575 = tpu.memref_slice %arg4[%select_n3A_240, %mul3A_567, %mul3A_569] : memref<8x128x32768xf32, #tpu.memory_space<hbm>> -> memref<1x16x1024xf32, #tpu.memory_space<hbm>>
      %dma_start3A_576 = tpu.memref_squeeze %dma_start3A_575 : memref<1x16x1024xf32, #tpu.memory_space<hbm>> -> memref<16x1024xf32, #tpu.memory_space<hbm>>
      %dma_start3A_577 = tpu.memref_slice %arg4[%select_n3A_240, %mul3A_567, %mul3A_569] : memref<8x128x32768xf32, #tpu.memory_space<hbm>> -> memref<1x16x1024xf32, #tpu.memory_space<hbm>>
      %dma_start3A_578 = tpu.memref_squeeze %dma_start3A_577 : memref<1x16x1024xf32, #tpu.memory_space<hbm>> -> memref<16x1024xf32, #tpu.memory_space<hbm>>
      %dma_start3A_579 = arith.constant 0 : i32
      %dma_start3A_580 = arith.constant 0 : i32
      %dma_start3A_581 = tpu.memref_slice %arg7[%dma_start3A_570, %dma_start3A_579, %dma_start3A_580] : memref<2x16x1024xf32, #tpu.memory_space<vmem>> -> memref<1x16x1024xf32, #tpu.memory_space<vmem>>
      %dma_start3A_582 = tpu.memref_squeeze %dma_start3A_581 : memref<1x16x1024xf32, #tpu.memory_space<vmem>> -> memref<16x1024xf32, #tpu.memory_space<vmem>>
      tpu.enqueue_dma source(%dma_start3A_582 : memref<16x1024xf32, #tpu.memory_space<vmem>>) target(%dma_start3A_578 : memref<16x1024xf32, #tpu.memory_space<hbm>>) target_semaphore(%arg11 : memref<!tpu.dma_semaphore, #tpu.memory_space<semaphore_mem>>)
    }
    %scan3A_382 = arith.constant 15 : i32
    %dma_wait3A_383 = arith.constant 0 : i32
    %dma_wait3A_384 = arith.constant 0 : i32
    %dma_wait3A_385 = tpu.memref_slice %arg6[%dma_wait3A_383, %dma_wait3A_384] : memref<2x1024xi32, #tpu.memory_space<vmem>> -> memref<1x1024xi32, #tpu.memory_space<vmem>>
    %dma_wait3A_386 = tpu.memref_squeeze %dma_wait3A_385 : memref<1x1024xi32, #tpu.memory_space<vmem>> -> memref<1024xi32, #tpu.memory_space<vmem>>
    %dma_wait3A_387 = arith.constant 0 : i32
    %dma_wait3A_388 = tpu.memref_slice %arg3[%select_n3A_240, %dma_wait3A_387] : memref<8x32768xi32, #tpu.memory_space<hbm>> -> memref<1x1024xi32, #tpu.memory_space<hbm>>
    %dma_wait3A_389 = tpu.memref_squeeze %dma_wait3A_388 : memref<1x1024xi32, #tpu.memory_space<hbm>> -> memref<1024xi32, #tpu.memory_space<hbm>>
    %dma_wait3A_390 = arith.constant 0 : i32
    %dma_wait3A_391 = tpu.memref_slice %arg6[%dma_wait3A_383, %dma_wait3A_390] : memref<2x1024xi32, #tpu.memory_space<vmem>> -> memref<1x1024xi32, #tpu.memory_space<vmem>>
    %dma_wait3A_392 = tpu.memref_squeeze %dma_wait3A_391 : memref<1x1024xi32, #tpu.memory_space<vmem>> -> memref<1024xi32, #tpu.memory_space<vmem>>
    %dma_wait3A_393 = arith.constant 0 : i32
    %dma_wait3A_394 = tpu.memref_slice %arg3[%select_n3A_240, %dma_wait3A_393] : memref<8x32768xi32, #tpu.memory_space<hbm>> -> memref<1x1024xi32, #tpu.memory_space<hbm>>
    %dma_wait3A_395 = tpu.memref_squeeze %dma_wait3A_394 : memref<1x1024xi32, #tpu.memory_space<hbm>> -> memref<1024xi32, #tpu.memory_space<hbm>>
    tpu.wait_dma2 semaphore(%arg8 : memref<!tpu.dma_semaphore, #tpu.memory_space<semaphore_mem>>) src(%dma_wait3A_395 : memref<1024xi32, #tpu.memory_space<hbm>>) dst(%dma_wait3A_392 : memref<1024xi32, #tpu.memory_space<vmem>>)
    %mul3A_396 = arith.constant 16 : i32
    %mul3A_397 = arith.muli %select_n3A_256, %mul3A_396 : i32
    %dma_wait3A_398 = arith.constant 0 : i32
    %dma_wait3A_399 = arith.constant 0 : i32
    %dma_wait3A_400 = arith.constant 0 : i32
    %dma_wait3A_401 = tpu.memref_slice %arg7[%dma_wait3A_398, %dma_wait3A_399, %dma_wait3A_400] : memref<2x16x1024xf32, #tpu.memory_space<vmem>> -> memref<1x16x1024xf32, #tpu.memory_space<vmem>>
    %dma_wait3A_402 = tpu.memref_squeeze %dma_wait3A_401 : memref<1x16x1024xf32, #tpu.memory_space<vmem>> -> memref<16x1024xf32, #tpu.memory_space<vmem>>
    %dma_wait3A_403 = arith.constant 0 : i32
    %dma_wait3A_404 = tpu.memref_slice %arg4[%select_n3A_240, %mul3A_397, %dma_wait3A_403] : memref<8x128x32768xf32, #tpu.memory_space<hbm>> -> memref<1x16x1024xf32, #tpu.memory_space<hbm>>
    %dma_wait3A_405 = tpu.memref_squeeze %dma_wait3A_404 : memref<1x16x1024xf32, #tpu.memory_space<hbm>> -> memref<16x1024xf32, #tpu.memory_space<hbm>>
    %dma_wait3A_406 = arith.constant 0 : i32
    %dma_wait3A_407 = tpu.memref_slice %arg4[%select_n3A_240, %mul3A_397, %dma_wait3A_406] : memref<8x128x32768xf32, #tpu.memory_space<hbm>> -> memref<1x16x1024xf32, #tpu.memory_space<hbm>>
    %dma_wait3A_408 = tpu.memref_squeeze %dma_wait3A_407 : memref<1x16x1024xf32, #tpu.memory_space<hbm>> -> memref<16x1024xf32, #tpu.memory_space<hbm>>
    %dma_wait3A_409 = arith.constant 0 : i32
    %dma_wait3A_410 = arith.constant 0 : i32
    %dma_wait3A_411 = tpu.memref_slice %arg7[%dma_wait3A_398, %dma_wait3A_409, %dma_wait3A_410] : memref<2x16x1024xf32, #tpu.memory_space<vmem>> -> memref<1x16x1024xf32, #tpu.memory_space<vmem>>
    %dma_wait3A_412 = tpu.memref_squeeze %dma_wait3A_411 : memref<1x16x1024xf32, #tpu.memory_space<vmem>> -> memref<16x1024xf32, #tpu.memory_space<vmem>>
    tpu.wait_dma2 semaphore(%arg10 : memref<!tpu.dma_semaphore, #tpu.memory_space<semaphore_mem>>) src(%dma_wait3A_412 : memref<16x1024xf32, #tpu.memory_space<vmem>>) dst(%dma_wait3A_408 : memref<16x1024xf32, #tpu.memory_space<hbm>>)
    %dma_wait3A_413 = arith.constant 1 : i32
    %dma_wait3A_414 = arith.constant 0 : i32
    %dma_wait3A_415 = tpu.memref_slice %arg6[%dma_wait3A_413, %dma_wait3A_414] : memref<2x1024xi32, #tpu.memory_space<vmem>> -> memref<1x1024xi32, #tpu.memory_space<vmem>>
    %dma_wait3A_416 = tpu.memref_squeeze %dma_wait3A_415 : memref<1x1024xi32, #tpu.memory_space<vmem>> -> memref<1024xi32, #tpu.memory_space<vmem>>
    %dma_wait3A_417 = arith.constant 0 : i32
    %dma_wait3A_418 = tpu.memref_slice %arg3[%select_n3A_240, %dma_wait3A_417] : memref<8x32768xi32, #tpu.memory_space<hbm>> -> memref<1x1024xi32, #tpu.memory_space<hbm>>
    %dma_wait3A_419 = tpu.memref_squeeze %dma_wait3A_418 : memref<1x1024xi32, #tpu.memory_space<hbm>> -> memref<1024xi32, #tpu.memory_space<hbm>>
    %dma_wait3A_420 = arith.constant 0 : i32
    %dma_wait3A_421 = tpu.memref_slice %arg6[%dma_wait3A_413, %dma_wait3A_420] : memref<2x1024xi32, #tpu.memory_space<vmem>> -> memref<1x1024xi32, #tpu.memory_space<vmem>>
    %dma_wait3A_422 = tpu.memref_squeeze %dma_wait3A_421 : memref<1x1024xi32, #tpu.memory_space<vmem>> -> memref<1024xi32, #tpu.memory_space<vmem>>
    %dma_wait3A_423 = arith.constant 0 : i32
    %dma_wait3A_424 = tpu.memref_slice %arg3[%select_n3A_240, %dma_wait3A_423] : memref<8x32768xi32, #tpu.memory_space<hbm>> -> memref<1x1024xi32, #tpu.memory_space<hbm>>
    %dma_wait3A_425 = tpu.memref_squeeze %dma_wait3A_424 : memref<1x1024xi32, #tpu.memory_space<hbm>> -> memref<1024xi32, #tpu.memory_space<hbm>>
    tpu.wait_dma2 semaphore(%arg9 : memref<!tpu.dma_semaphore, #tpu.memory_space<semaphore_mem>>) src(%dma_wait3A_425 : memref<1024xi32, #tpu.memory_space<hbm>>) dst(%dma_wait3A_422 : memref<1024xi32, #tpu.memory_space<vmem>>)
    %mul3A_426 = arith.constant 16 : i32
    %mul3A_427 = arith.muli %select_n3A_256, %mul3A_426 : i32
    %dma_wait3A_428 = arith.constant 1 : i32
    %dma_wait3A_429 = arith.constant 0 : i32
    %dma_wait3A_430 = arith.constant 0 : i32
    %dma_wait3A_431 = tpu.memref_slice %arg7[%dma_wait3A_428, %dma_wait3A_429, %dma_wait3A_430] : memref<2x16x1024xf32, #tpu.memory_space<vmem>> -> memref<1x16x1024xf32, #tpu.memory_space<vmem>>
    %dma_wait3A_432 = tpu.memref_squeeze %dma_wait3A_431 : memref<1x16x1024xf32, #tpu.memory_space<vmem>> -> memref<16x1024xf32, #tpu.memory_space<vmem>>
    %dma_wait3A_433 = arith.constant 0 : i32
    %dma_wait3A_434 = tpu.memref_slice %arg4[%select_n3A_240, %mul3A_427, %dma_wait3A_433] : memref<8x128x32768xf32, #tpu.memory_space<hbm>> -> memref<1x16x1024xf32, #tpu.memory_space<hbm>>
    %dma_wait3A_435 = tpu.memref_squeeze %dma_wait3A_434 : memref<1x16x1024xf32, #tpu.memory_space<hbm>> -> memref<16x1024xf32, #tpu.memory_space<hbm>>
    %dma_wait3A_436 = arith.constant 0 : i32
    %dma_wait3A_437 = tpu.memref_slice %arg4[%select_n3A_240, %mul3A_427, %dma_wait3A_436] : memref<8x128x32768xf32, #tpu.memory_space<hbm>> -> memref<1x16x1024xf32, #tpu.memory_space<hbm>>
    %dma_wait3A_438 = tpu.memref_squeeze %dma_wait3A_437 : memref<1x16x1024xf32, #tpu.memory_space<hbm>> -> memref<16x1024xf32, #tpu.memory_space<hbm>>
    %dma_wait3A_439 = arith.constant 0 : i32
    %dma_wait3A_440 = arith.constant 0 : i32
    %dma_wait3A_441 = tpu.memref_slice %arg7[%dma_wait3A_428, %dma_wait3A_439, %dma_wait3A_440] : memref<2x16x1024xf32, #tpu.memory_space<vmem>> -> memref<1x16x1024xf32, #tpu.memory_space<vmem>>
    %dma_wait3A_442 = tpu.memref_squeeze %dma_wait3A_441 : memref<1x16x1024xf32, #tpu.memory_space<vmem>> -> memref<16x1024xf32, #tpu.memory_space<vmem>>
    tpu.wait_dma2 semaphore(%arg11 : memref<!tpu.dma_semaphore, #tpu.memory_space<semaphore_mem>>) src(%dma_wait3A_442 : memref<16x1024xf32, #tpu.memory_space<vmem>>) dst(%dma_wait3A_438 : memref<16x1024xf32, #tpu.memory_space<hbm>>)
    return
  }
}

</mosaic_0001>

<sc_bundles>
// kernel: kernel.3.cloned.1.call-start
scs
__scs_entry_jumppad:
0x0: {  	(pc) =	sbr.rel $0x88, $3  }
0x1: {  	(tag) =	ssettag $0x0;
	lr =	simm.s32 $0x1  }
0x2: {  	[smem:$0x3F9F] =	sst lr;
	_ =	strace $0xD0000000  }
0x3: {  	_ = 	snop  }
0x4: {  	_ = 	snop  }
0x5: {  	_ = 	snop  }
0x6: {  	_ = 	snop  }
0x7: {  	_ = 	snop  }
__scs_overlays_trampoline_lowered:
0x8: {  	[smem:$0x3FAE] =	sst s0  }
0x9: {  	[smem:$0x3FAF] =	sst s1  }
0xa: {  	[smem:$0x3FB0] =	sst s2  }
0xb: {  	[smem:$0x3FB1] =	sst s3  }
0xc: {  	[smem:$0x3FB2] =	sst s4  }
0xd: {  	[smem:$0x3FB3] =	sst s5  }
0xe: {  	[smem:$0x3FB4] =	sst s6  }
0xf: {  	[smem:$0x3FB5] =	sst s7  }
0x10: {  	[smem:$0x3FB6] =	sst s8  }
0x11: {  	[smem:$0x3FB7] =	sst s9;
	s0 =	simm.s32 @!p0 $0x0  }
0x12: {  	s1 =	sld [smem:$0x3F9D];
	s0 =	simm.s32 @p0 $0x1  }
0x13: {  	[smem:$0x3FB8] =	sst s0;
	s0 =	simm.s32 @!p1 $0x0  }
0x14: {  	s2 =	sld [smem:$0x3F9C];
	s0 =	simm.s32 @p1 $0x1  }
0x15: {  	[smem:$0x3FB9] =	sst s0;
	s0 =	simm.s32 @!p2 $0x0  }
0x16: {  	s3 =	sld [smem:$0x3FDB];
	s0 =	simm.s32 @p2 $0x1  }
0x17: {  	s4 =	simm.s32 $0x1BF5;
	[smem:$0x3FBB] =	sst s0  }
0x18: {  	s0 =	sld [smem:$0x3F9E];
	_ =	swait.ge [sflag:s4], $0x0  }
0x19: {  	s7 =	sld [smem:$0x3F9F]  }
0x1a: {  	s8 =	sadd.s32 $0xFFFFE003, lr  }
0x1b: {  	s9 =	sadd.s32 $0xFFFFFEF7, lr;
	s5 =	simm.s32 $0xFFFFFFFF;
	p2 =	slt.u32 s8, $0xFFFFF086  }
0x1c: {  	p1 =	slt.u32 s9, $0xF7A;
	s5 =	simm.s32 @!p2 $0x0  }
0x1d: {  	s5 =	simm.s32 @p1 $0x1;
	p0 =	seq.s32 s7, s2  }
0x1e: {  	s7 =	smul.u32 @!p0 $0xF7A, s2;
	p2 =	seq.s32 @!p0 s5, $0x0  }
0x1f: {  	s9 =	smul.u32 $0xF7A, s1;
	s8 =	simm.s32 @!p0 $0x1BF5;
	p2 =	por !p2, p0  }
0x20: {  	[sflag:s8] =	ssyncset.s32 @!p0 $0xFFFFF086;
	s6 =	sadd.s32 @!p0 s3, s7;
	s7 =	simm.s32 @!p0 $0x108  }
0x21: {  	s3 =	sadd.s32 s3, s9;
	s6 =	sadd.s32 @!p0 $0x88, s6;
	s7 =	simm.s32 @p2 $0x1082  }
0x22: {  	[simem:s7], [sflag:s8] =	dma.local @!p0 [hbm:s6], $0xF7A  }
0x23: {  	s9 =	sor.u32 $0xD0000000, s2;
	s6 =	simm.s32 $0x108;
	_ =	swait.ge @!p0 [sflag:s8], $0x0  }
0x24: {  	s3 =	sadd.s32 $0x88, s3;
	s6 =	simm.s32 @!p1 $0x1082;
	[sflag:s4] =	ssyncset.s32 $0xFFFFF086  }
0x25: {  	[simem:s6], [sflag:s4] =	dma.local [hbm:s3], $0xF7A  }
0x26: {  	[smem:$0x3F9F] =	sst s1;
	(tag) =	ssettag s2;
	_ =	strace s9  }
0x27: {  	s1 =	sld [smem:$0x3FAF]  }
0x28: {  	s2 =	sld [smem:$0x3FB0]  }
0x29: {  	s4 =	sld [smem:$0x3FB2]  }
0x2a: {  	p0 =	seq.s32 s5, $0x0;
	s5 =	sld [smem:$0x3FB3]  }
0x2b: {  	s6 =	sld [smem:$0x3FB4]  }
0x2c: {  	s7 =	sld [smem:$0x3FB5]  }
0x2d: {  	s3 =	simm.s32 $0x108;
	s8 =	sld [smem:$0x3FB6]  }
0x2e: {  	s3 =	simm.s32 @!p0 $0x1082;
	s9 =	sld [smem:$0x3FB7]  }
0x2f: {  	lr =	sadd.s32 s0, s3;
	s0 =	sld [smem:$0x3FAE]  }
0x30: {  	s3 =	sld [smem:$0x3FB1]  }
0x31: {  	[smem:$0x3FBA] =	sst s10  }
0x32: {  	s10 =	sld [smem:$0x3FB8];
	_ =	sdelay $0x3  }
0x33: {  	p0 =	seq.s32 s10, $0x1;
	s10 =	sld [smem:$0x3FBA];
	_ =	sdelay $0x3  }
0x34: {  	[smem:$0x3FBA] =	sst s10  }
0x35: {  	s10 =	sld [smem:$0x3FB9];
	_ =	sdelay $0x3  }
0x36: {  	p1 =	seq.s32 s10, $0x1;
	s10 =	sld [smem:$0x3FBA];
	_ =	sdelay $0x3  }
0x37: {  	[smem:$0x3FBA] =	sst s10  }
0x38: {  	s10 =	sld [smem:$0x3FBB]  }
0x39: {  	_ = 	snop;
	(pc) =	sbr.ind lr, $3  }
0x3a: {  	_ = 	snop  }
0x3b: {  	_ = 	snop  }
0x3c: {  	p2 =	seq.s32 s10, $0x1;
	s10 =	sld [smem:$0x3FBA]  }
0x3d: {  	_ =	shalt  }
0x3e: {  	_ =	shalt  }
0x3f: {  	_ =	shalt  }
0x40: {  	_ =	shalt  }
0x41: {  	_ =	shalt  }
0x42: {  	_ =	shalt  }
0x43: {  	_ =	shalt  }
0x44: {  	_ =	shalt  }
0x45: {  	_ =	shalt  }
0x46: {  	_ =	shalt  }
0x47: {  	_ =	shalt  }
0x48: {  	_ =	shalt  }
0x49: {  	_ =	shalt  }
0x4a: {  	_ =	shalt  }
0x4b: {  	_ =	shalt  }
0x4c: {  	_ =	shalt  }
0x4d: {  	_ =	shalt  }
0x4e: {  	_ =	shalt  }
0x4f: {  	_ =	shalt  }
0x50: {  	_ =	shalt  }
0x51: {  	_ =	shalt  }
0x52: {  	_ =	shalt  }
0x53: {  	_ =	shalt  }
0x54: {  	_ =	shalt  }
0x55: {  	_ =	shalt  }
0x56: {  	_ =	shalt  }
0x57: {  	_ =	shalt  }
0x58: {  	_ =	shalt  }
0x59: {  	_ =	shalt  }
0x5a: {  	_ =	shalt  }
0x5b: {  	_ =	shalt  }
0x5c: {  	_ =	shalt  }
0x5d: {  	_ =	shalt  }
0x5e: {  	_ =	shalt  }
0x5f: {  	_ =	shalt  }
0x60: {  	_ =	shalt  }
0x61: {  	_ =	shalt  }
0x62: {  	_ =	shalt  }
0x63: {  	_ =	shalt  }
0x64: {  	_ =	shalt  }
0x65: {  	_ =	shalt  }
0x66: {  	_ =	shalt  }
0x67: {  	_ =	shalt  }
0x68: {  	_ =	shalt  }
0x69: {  	_ =	shalt  }
0x6a: {  	_ =	shalt  }
0x6b: {  	_ =	shalt  }
0x6c: {  	_ =	shalt  }
0x6d: {  	_ =	shalt  }
0x6e: {  	_ =	shalt  }
0x6f: {  	_ =	shalt  }
0x70: {  	_ =	shalt  }
0x71: {  	_ =	shalt  }
0x72: {  	_ =	shalt  }
0x73: {  	_ =	shalt  }
0x74: {  	_ =	shalt  }
0x75: {  	_ =	shalt  }
0x76: {  	_ =	shalt  }
0x77: {  	_ =	shalt  }
0x78: {  	_ =	shalt  }
0x79: {  	_ =	shalt  }
0x7a: {  	_ =	shalt  }
0x7b: {  	_ =	shalt  }
0x7c: {  	_ =	shalt  }
0x7d: {  	_ =	shalt  }
0x7e: {  	_ =	shalt  }
0x7f: {  	_ =	shalt  }
0x80: {  	_ =	shalt  }
0x81: {  	_ =	shalt  }
0x82: {  	_ =	shalt  }
0x83: {  	_ =	shalt  }
0x84: {  	_ =	shalt  }
0x85: {  	_ =	shalt  }
0x86: {  	_ =	shalt  }
0x87: {  	_ =	shalt  }
.Lfunc_end0:
.L_simem_size_0:
called_computation_lowered:
.L_overlay_start_0:
0x88: {  	s2 =	sld [smem:$0x3FD9]  }
0x89: {  	s3 =	sld [smem:$0x3FFE];
	_ =	sdelay $0x1  }
0x8a: {  	s1 =	srdreg.scid  }
0x8b: {  	s0 =	sand.u32 $0x1, s1  }
0x8c: {  	s17 =	sshll.u32 s0, $0xA;
	s2 =	sadd.s32 s3, s2  }
0x8d: {  	s2 =	sadd.s32 s2, s17  }
0x8e: {  	[smem:$0x3FC6] =	sst s2  }
0x8f: {  	_ = 	snop  }
0x90: {  	s2 =	sld [smem:$0x3FC9]  }
0x91: {  	s18 =	sld [smem:$0x3FD0];
	(tm) =	ssettm $0x1  }
0x92: {  	s4 =	sld [smem:$0x3FFB];
	_ =	sdelay $0x3  }
0x93: {  	_ =	strace s4  }
0x94: {  	s4 =	sld [smem:$0x3FFC];
	_ =	sdelay $0x3  }
0x95: {  	_ =	strace s4  }
0x96: {  	s4 =	sld [smem:$0x3FFD];
	_ =	sdelay $0x3  }
0x97: {  	_ =	strace s4  }
0x98: {  	_ =	strace $0x8FFFFFFF  }
0x99: {  	s19 =	sld [smem:$0x3FDB];
	_ =	sdelay $0x1  }
0x9a: {  	s5 =	simm.s32 $_scs_section_size  }
0x9b: {  	s6 =	simm.s32 $_size__tile_overlayer_lowered;
	s7 =	simm.s32 $_tile_overlayer_lowered  }
0x9c: {  	s22 =	simm.s32 $0x1BFF;
	s21 =	sshll.u32 s7, $0x1;
	s4 =	sadd.s32 s5, s19  }
0x9d: {  	s8 =	simm.s32 $0x0;
	s20 =	sshll.u32 s6, $0x1;
	s6 =	sadd.s32 s21, s4  }
0x9e: {  	[timem:s8], [sflag:s22] =	dma.local [hbm:s6], s20  }
0x9f: {  	_ =	swait.ge [sflag:s22], s20  }
0xa0: {  	s5 =	ssub.s32 $0x0, s20;
	[sflag:s22] =	ssyncset.done $0x0  }
0xa1: {  	[sflag:s22] =	ssyncadd.s32 s5;
	_ =	sdelay $0x1  }
0xa2: {  	s23 =	simm.s32 $0x1B8B  }
0xa3: {  	_ =	swait.ge [sflag:s23], $0x1  }
0xa4: {  	[sflag:s23] =	ssyncset.done $0x0  }
0xa5: {  	s25 =	simm.s32 $0x1B8E;
	s24 =	sld [smem:$0x3FFE];
	[sflag:s23] =	ssyncadd.s32 $0xFFFFFFFF  }
0xa6: {  	s26 =	simm.s32 $execute0_lowered;
	[smem:$0x3FD2] =	sst s25  }
0xa7: {  	s6 =	sshll.u32 s26, $0x1;
	_ =	strace $0x80000046;
	[dreg:$0x1] =	wrdreg $0xFFFFFFFF  }
0xa8: {  	s28 =	simm.s32 $_size_execute0_lowered;
	s4 =	sadd.s32 s4, s6;
	[dreg:$0x0] =	wrdreg $0x0  }
0xa9: {  	s6 =	sshll.u32 s28, $0x1;
	[dreg:$0x2] =	wrdreg s4  }
0xaa: {  	[dreg:$0x3] =	wrdreg s6  }
0xab: {  	[dreg:$0x4] =	wrdreg $0xC0  }
0xac: {  	_ =	task [dreg:s8], $0x5FFFF  }
0xad: {  	[dreg:$0x1] =	wrdreg $0xFFFFFFFF  }
0xae: {  	[dreg:$0x0] =	wrdreg $0x60  }
0xaf: {  	[dreg:$0x2] =	wrdreg s2  }
0xb0: {  	[dreg:$0x3] =	wrdreg s24  }
0xb1: {  	[dreg:$0x4] =	wrdreg s18  }
0xb2: {  	[dreg:$0x5] =	wrdreg $0x9  }
0xb3: {  	_ =	task.clear_ibuf [dreg:s8], $0x6FFFF;
	_ =	strace $0x90000046  }
0xb4: {  	s29 =	simm.s32 $0x9;
	_ =	strace $0x80000048  }
0xb5: {  	_ =	swait.ge [sflag:s29], $0x1  }
0xb6: {  	[sflag:s29] =	ssyncadd.s32 $0xFFFFFFFF  }
0xb7: {  	_ =	strace $0x90000048  }
0xb8: {  	_ =	sfence  }
0xb9: {  	s30 =	sld [smem:$0x0];
	_ =	sdelay $0x2  }
0xba: {  	s31 =	sshll.u32 s1, $0xD;
	s1 =	sshrl.u32 s1, $0x2  }
0xbb: {  	s3 =	sand.u32 $0x4000, s31;
	s1 =	sadd.s32 s1, s30  }
0xbc: {  	s0 =	sor.u32 s3, s0;
	s1 =	sshll.u32 s1, $0x11  }
0xbd: {  	s0 =	sor.u32 s1, s0  }
0xbe: {  	s0 =	sadd.s32 $0x8F2B, s0  }
0xbf: {  	[sflag:s0] =	ssyncadd.remote.s32 $0x1  }
0xc0: {  	_ =	sfence.sel $0xFFFF  }
0xc1: {  	[dreg:$0x0] =	wrdreg $0xFFFFFFFF;
	(pc) =	sbr.abs _section_cstart, $3  }
0xc2: {  	[dreg:$0x1] =	wrdreg $0xFFFFFFFF  }
0xc3: {  	_ =	task.clear_ibuf [dreg:s8], $0x2FFFF;
	_ =	strace $0x9FFFFFFF  }
0xc4: {  	(tm) =	ssettm $0x7FFFFFFF  }
0xc5: {  	_ =	shalt  }
tec
execute0_lowered:
.L_overlay_start_1:
0x0: {  	(tag) =	ssettag $0x1  }
0x1: {  	s0 =	rddreg [dreg:$0x0]  }
0x2: {  	s2 =	rddreg [dreg:$0x1]  }
0x3: {  	s1 =	rddreg [dreg:$0x2];
	s3 =	simm.s32 $0x0  }
0x4: {  	s4 =	srdreg.scid;
	s7 =	stileid.u32;
	s28 =	simm.s32 $0x10000  }
0x5: {  	s29 =	simm.s32 $0x10400;
	s30 =	simm.s32 $0x1;
	s31 =	simm.s32 $0x400  }
0x6: {  	[smem:$0x7FF] =	sst s3;
	s5 =	sand.u32 $0x1, s4;
	s6 =	sshll.u32 s7, $0x1  }
0x7: {  	s4 =	sadd.s32 $0x400, s2;
	s8 =	sshrl.u32 s7, $0x2;
	s24 =	sadd.s32 $0x480, s2  }
0x8: {  	s26 =	sadd.s32 $0x500, s2;
	s2 =	sadd.s32 $0x580, s2;
	s16 =	sadd.s32 $0x80, s1  }
0x9: {  	_ =	strace $0x80000047;
	s6 =	sor.u32 s5, s6;
	s5 =	ssub.s32 $0x2, s5  }
0xa: {  	s9 =	sshll.u32 s8, $0x10;
	s21 =	sshll.u32 s8, $0xF;
	s22 =	sshll.u32 s8, $0xC  }
0xb: {  	s23 =	sshll.u32 s8, $0x16;
	s8 =	sor.u32 $0x4, s8;
	s20 =	sand.u32 $0x7, s6  }
0xc: {  	s10 =	sshrl.u32 s5, $0x1;
	s9 =	sadd.s32 s0, s9;
	s12 =	sadd.s32 s4, s22  }
0xd: {  	s25 =	sadd.s32 s22, s24;
	s14 =	sadd.s32 s22, s26;
	s6 =	sshll.u32 s6, $0x4  }
0xe: {  	s17 =	sshll.u32 s8, $0x10;
	s18 =	sshll.u32 s8, $0xC;
	s19 =	sshll.u32 s8, $0x16  }
0xf: {  	s8 =	sshll.u32 s8, $0xF;
	s11 =	sshll.u32 s20, $0xD;
	[dreg:$0x5] =	wrdreg s12  }
0x10: {  	s5 =	ssub.s32 s5, s10;
	s7 =	sshll.u32 s20, $0x13;
	[dreg:$0x6] =	wrdreg s25  }
0x11: {  	[dreg:$0x7] =	wrdreg s14;
	s10 =	sadd.s32 s22, s2;
	s6 =	sand.u32 $0x70, s6  }
0x12: {  	s0 =	sadd.s32 s0, s17;
	s20 =	sadd.s32 s4, s18;
	[dreg:$0x9] =	wrdreg s10  }
0x13: {  	s14 =	sor.u32 $0xC00, s21;
	s22 =	sadd.s32 s18, s26;
	[dreg:$0xc] =	wrdreg s20  }
0x14: {  	s9 =	sadd.s32 s11, s9;
	s7 =	sor.u32 s23, s7;
	[dreg:$0xe] =	wrdreg s22  }
0x15: {  	s26 =	smax.u32 s5, $0x1;
	[dreg:$0x4] =	wrdreg s9;
	s13 =	sshrl.u32 s7, $0x3  }
0x16: {  	s5 =	simm.s32 $0x2;
	[dreg:$0x12] =	wrdreg s26;
	s15 =	sadd.s32 s1, s13  }
0x17: {  	s10 =	simm.s32 $0x0;
	s13 =	sadd.s32 s13, s16;
	[dreg:$0x8] =	wrdreg s15  }
0x18: {  	s26 =	simm.s32 $0x5;
	s9 =	simm.s32 $0x4;
	[dreg:$0xa] =	wrdreg s13  }
0x19: {  	s15 =	sshll.u32 s6, $0x9;
	s13 =	sor.u32 $0x800, s21;
	s21 =	sadd.s32 s18, s24  }
0x1a: {  	s6 =	sshll.u32 s6, $0xF;
	s0 =	sadd.s32 s15, s0;
	[dreg:$0xd] =	wrdreg s21  }
0x1b: {  	s17 =	sor.u32 s19, s6;
	s6 =	simm.s32 $0x14800;
	[dreg:$0xb] =	wrdreg s0  }
0x1c: {  	s23 =	sshrl.u32 s17, $0x3;
	s0 =	sadd.s32 s18, s2;
	s2 =	simm.s32 $0x10800  }
0x1d: {  	[dreg:$0xf] =	wrdreg s0;
	s24 =	sadd.s32 s1, s23;
	s25 =	sadd.s32 s23, s16  }
0x1e: {  	s23 =	sor.u32 $0x800, s8;
	s0 =	simm.s32 $0x8000;
	[dreg:$0x10] =	wrdreg s24  }
0x1f: {  	[dreg:$0x11] =	wrdreg s25;
	s24 =	sor.u32 $0xC00, s8;
	s8 =	simm.s32 $0x3  }
.LBB2_1:
0x20: {  	s11 =	rddreg [dreg:$0x4]  }
0x21: {  	[tilespmem:s3], [sflag:$0x5] =	stream.linear.gather [hbm4b:s11+s3], $0x10000, $0x38;
	[tilespmem:$0x18800] =	vst v63  }
0x22: {  	_ =	swait.ge [sflag:s26], $0x10000  }
0x23: {  	[sflag:s26] =	ssyncset.done $0x0  }
0x24: {  	s21 =	rddreg [dreg:$0x5];
	[sflag:s26] =	ssyncadd.s32 $0xFFFF0000  }
0x25: {  	[tilespmem:s28], [sflag:$0x1] =	stream.linear.gather [hbm4b:s21+s3], $0x400, $0x38;
	[tilespmem:$0x18800] =	vst v63  }
0x26: {  	s22 =	rddreg [dreg:$0x6]  }
0x27: {  	[tilespmem:s29], [sflag:$0x2] =	stream.linear.gather [hbm4b:s22+s3], $0x400, $0x38;
	[tilespmem:$0x18800] =	vst v63  }
0x28: {  	_ =	swait.ge [sflag:s30], $0x400  }
0x29: {  	[sflag:s30] =	ssyncset.done $0x0  }
0x2a: {  	s25 =	simm.s32 $0x10010;
	[sflag:s30] =	ssyncadd.s32 $0xFFFFFC00  }
0x2b: {  	v4 =	vld [tilespmem:s25+$0x0];
	_ =	sdelay $0x3  }
0x2c: {  	v3 =	vld [tilespmem:s25+$0xFFFFFFF0];
	_ =	sdelay $0x3  }
0x2d: {  	v0 =	vld.idx.msk [tilespmem:v4+s3+$0x0], $0xffff  }
0x2e: {  	v1 =	vadd.s32 $0x1000, v4;
	_ =	sdelay $0x2  }
0x2f: {  	s11 =	simm.s32 $0x12800;
	v2 =	vld.idx.msk [tilespmem:v3+s3+$0x0], $0xffff  }
0x30: {  	v5 =	vadd.s32 $0x1000, v3;
	[tilespmem:s11+$0xFFFFE010] =	vst v0  }
0x31: {  	v0 =	vld.idx.msk [tilespmem:v1+s3+$0x0], $0xffff  }
0x32: {  	v1 =	vadd.s32 $0x2000, v4;
	_ =	sdelay $0x1  }
0x33: {  	[tilespmem:s11+$0xFFFFE000] =	vst v2  }
0x34: {  	v2 =	vld.idx.msk [tilespmem:v5+s3+$0x0], $0xffff  }
0x35: {  	v5 =	vadd.s32 $0x2000, v3;
	[tilespmem:s11+$0xFFFFE410] =	vst v0  }
0x36: {  	v0 =	vld.idx.msk [tilespmem:v1+s3+$0x0], $0xffff  }
0x37: {  	v1 =	vadd.s32 $0x3000, v4;
	_ =	sdelay $0x1  }
0x38: {  	[tilespmem:s11+$0xFFFFE400] =	vst v2  }
0x39: {  	v6 =	vld.idx.msk [tilespmem:v5+s3+$0x0], $0xffff  }
0x3a: {  	v7 =	vadd.s32 $0x3000, v3;
	[tilespmem:s11+$0xFFFFE810] =	vst v0  }
0x3b: {  	v1 =	vld.idx.msk [tilespmem:v1+s3+$0x0], $0xffff  }
0x3c: {  	v2 =	vadd.s32 $0x4000, v4  }
0x3d: {  	s12 =	simm.s32 $0x10030  }
0x3e: {  	v0 =	vld [tilespmem:s12+$0x0];
	[tilespmem:s11+$0xFFFFE800] =	vst v6  }
0x3f: {  	v6 =	vld.idx.msk [tilespmem:v7+s3+$0x0], $0xffff  }
0x40: {  	v7 =	vadd.s32 $0x4000, v3;
	[tilespmem:s11+$0xFFFFEC10] =	vst v1  }
0x41: {  	v1 =	vld.idx.msk [tilespmem:v2+s3+$0x0], $0xffff  }
0x42: {  	v5 =	vld [tilespmem:s12+$0xFFFFFFF0];
	v2 =	vadd.s32 $0x5000, v4;
	_ =	sdelay $0x1  }
0x43: {  	[tilespmem:s11+$0xFFFFEC00] =	vst v6  }
0x44: {  	v7 =	vld.idx.msk [tilespmem:v7+s3+$0x0], $0xffff  }
0x45: {  	v11 =	vadd.s32 $0x5000, v3;
	v8 =	vld.idx.msk [tilespmem:v0+s3+$0x0], $0xffff;
	[tilespmem:s11+$0xFFFFF010] =	vst v1  }
0x46: {  	v1 =	vld.idx.msk [tilespmem:v2+s3+$0x0], $0xffff;
	v2 =	vadd.s32 $0x1000, v0;
	_ =	sdelay $0x1  }
0x47: {  	v9 =	vadd.s32 $0x6000, v4  }
0x48: {  	s12 =	simm.s32 $0x12820;
	v10 =	vld.idx.msk [tilespmem:v5+s3+$0x0], $0xffff;
	[tilespmem:s11+$0xFFFFF000] =	vst v7  }
0x49: {  	v6 =	vadd.s32 $0x1000, v5;
	[tilespmem:s12+$0xFFFFE010] =	vst v8;
	v7 =	vld.idx.msk [tilespmem:v11+s3+$0x0], $0xffff  }
0x4a: {  	v11 =	vadd.s32 $0x6000, v3;
	v2 =	vld.idx.msk [tilespmem:v2+s3+$0x0], $0xffff  }
0x4b: {  	v8 =	vadd.s32 $0x2000, v0;
	[tilespmem:s11+$0xFFFFF410] =	vst v1  }
0x4c: {  	v1 =	vld.idx.msk [tilespmem:v9+s3+$0x0], $0xffff  }
0x4d: {  	[tilespmem:s12+$0xFFFFE000] =	vst v10;
	v9 =	vadd.s32 $0x7000, v4  }
0x4e: {  	v6 =	vld.idx.msk [tilespmem:v6+s3+$0x0], $0xffff;
	[tilespmem:s11+$0xFFFFF400] =	vst v7  }
0x4f: {  	v10 =	vadd.s32 $0x2000, v5;
	v7 =	vld.idx.msk [tilespmem:v11+s3+$0x0], $0xffff;
	[tilespmem:s12+$0xFFFFE410] =	vst v2  }
0x50: {  	v11 =	vadd.s32 $0x7000, v3;
	v2 =	vld.idx.msk [tilespmem:v8+s3+$0x0], $0xffff  }
0x51: {  	[tilespmem:s11+$0xFFFFF810] =	vst v1;
	v8 =	vadd.s32 $0x3000, v0  }
0x52: {  	v1 =	vld.idx.msk [tilespmem:v9+s3+$0x0], $0xffff  }
0x53: {  	[tilespmem:s12+$0xFFFFE400] =	vst v6;
	v6 =	vadd.s32 $0x8000, v4  }
0x54: {  	[tilespmem:s11+$0xFFFFF800] =	vst v7;
	v9 =	vld.idx.msk [tilespmem:v10+s3+$0x0], $0xffff  }
0x55: {  	v10 =	vadd.s32 $0x3000, v5;
	v11 =	vld.idx.msk [tilespmem:v11+s3+$0x0], $0xffff;
	[tilespmem:s12+$0xFFFFE810] =	vst v2  }
0x56: {  	s15 =	simm.s32 $0x10050;
	v2 =	vld.idx.msk [tilespmem:v8+s3+$0x0], $0xffff  }
0x57: {  	v12 =	vadd.s32 $0x4000, v0;
	[tilespmem:s11+$0xFFFFFC10] =	vst v1;
	v1 =	vld [tilespmem:s15+$0x0]  }
0x58: {  	v13 =	vadd.s32 $0x8000, v3;
	v6 =	vld.idx.msk [tilespmem:v6+s3+$0x0], $0xffff  }
0x59: {  	[tilespmem:s12+$0xFFFFE800] =	vst v9;
	v9 =	vadd.s32 $0x9000, v4;
	v8 =	vld [tilespmem:s15+$0xFFFFFFF0]  }
0x5a: {  	v10 =	vld.idx.msk [tilespmem:v10+s3+$0x0], $0xffff  }
0x5b: {  	v7 =	vadd.s32 $0x4000, v5;
	[tilespmem:s12+$0xFFFFEC10] =	vst v2  }
0x5c: {  	[tilespmem:s11+$0xFFFFFC00] =	vst v11;
	v2 =	vld.idx.msk [tilespmem:v12+s3+$0x0], $0xffff  }
0x5d: {  	[tilespmem:s11+$0x10] =	vst v6;
	v12 =	vld.idx.msk [tilespmem:v13+s3+$0x0], $0xffff  }
0x5e: {  	v6 =	vld.idx.msk [tilespmem:v9+s3+$0x0], $0xffff;
	v9 =	vadd.s32 $0x5000, v0  }
0x5f: {  	[tilespmem:s12+$0xFFFFEC00] =	vst v10;
	v13 =	vadd.s32 $0x9000, v3  }
0x60: {  	v10 =	vadd.s32 $0xA000, v4;
	v7 =	vld.idx.msk [tilespmem:v7+s3+$0x0], $0xffff  }
0x61: {  	v11 =	vadd.s32 $0x5000, v5;
	v15 =	vld.idx.msk [tilespmem:v8+s3+$0x0], $0xffff;
	[tilespmem:s12+$0xFFFFF010] =	vst v2  }
0x62: {  	v16 =	vadd.s32 $0x1000, v8;
	v14 =	vld.idx.msk [tilespmem:v1+s3+$0x0], $0xffff;
	[tilespmem:s11+$0x0] =	vst v12  }
0x63: {  	v2 =	vld.idx.msk [tilespmem:v9+s3+$0x0], $0xffff;
	[tilespmem:s11+$0x410] =	vst v6;
	v6 =	vadd.s32 $0x1000, v1  }
0x64: {  	v13 =	vld.idx.msk [tilespmem:v13+s3+$0x0], $0xffff  }
0x65: {  	s15 =	simm.s32 $0x12840;
	[tilespmem:s12+$0xFFFFF000] =	vst v7;
	v9 =	vld.idx.msk [tilespmem:v10+s3+$0x0], $0xffff;
	v10 =	vadd.s32 $0x6000, v0  }
0x66: {  	v7 =	vadd.s32 $0xB000, v4;
	v11 =	vld.idx.msk [tilespmem:v11+s3+$0x0], $0xffff;
	[tilespmem:s15+$0xFFFFE000] =	vst v15  }
0x67: {  	v12 =	vadd.s32 $0x6000, v5;
	[tilespmem:s15+$0xFFFFE010] =	vst v14;
	v15 =	vld.idx.msk [tilespmem:v16+s3+$0x0], $0xffff  }
0x68: {  	s16 =	simm.s32 $0x10070;
	v14 =	vadd.s32 $0xA000, v3;
	v6 =	vld.idx.msk [tilespmem:v6+s3+$0x0], $0xffff;
	[tilespmem:s12+$0xFFFFF410] =	vst v2  }
0x69: {  	v27 =	vld [tilespmem:s16+$0xFFFFFFF0];
	v16 =	vadd.s32 $0x2000, v8;
	[tilespmem:s11+$0x400] =	vst v13  }
0x6a: {  	v2 =	vld.idx.msk [tilespmem:v10+s3+$0x0], $0xffff;
	[tilespmem:s11+$0x810] =	vst v9;
	v9 =	vadd.s32 $0x2000, v1  }
0x6b: {  	v10 =	vadd.s32 $0x7000, v0;
	[tilespmem:s12+$0xFFFFF400] =	vst v11;
	v7 =	vld.idx.msk [tilespmem:v7+s3+$0x0], $0xffff  }
0x6c: {  	v11 =	vadd.s32 $0xC000, v4;
	v12 =	vld.idx.msk [tilespmem:v12+s3+$0x0], $0xffff;
	[tilespmem:s15+$0xFFFFE400] =	vst v15  }
0x6d: {  	v13 =	vadd.s32 $0x7000, v5;
	[tilespmem:s15+$0xFFFFE410] =	vst v6;
	v6 =	vld.idx.msk [tilespmem:v14+s3+$0x0], $0xffff  }
0x6e: {  	v15 =	vld.idx.msk [tilespmem:v16+s3+$0x0], $0xffff;
	v14 =	vadd.s32 $0xB000, v3  }
0x6f: {  	v16 =	vadd.s32 $0x3000, v8;
	v9 =	vld.idx.msk [tilespmem:v9+s3+$0x0], $0xffff;
	[tilespmem:s12+$0xFFFFF810] =	vst v2  }
0x70: {  	v2 =	vld.idx.msk [tilespmem:v10+s3+$0x0], $0xffff;
	[tilespmem:s11+$0xC10] =	vst v7;
	v7 =	vadd.s32 $0x3000, v1  }
0x71: {  	[tilespmem:s12+$0xFFFFF800] =	vst v12;
	v10 =	vld.idx.msk [tilespmem:v11+s3+$0x0], $0xffff  }
0x72: {  	v11 =	vadd.s32 $0x8000, v0;
	v13 =	vld.idx.msk [tilespmem:v13+s3+$0x0], $0xffff;
	[tilespmem:s11+$0x800] =	vst v6  }
0x73: {  	v12 =	vadd.s32 $0xD000, v4;
	[tilespmem:s15+$0xFFFFE800] =	vst v15;
	v6 =	vld.idx.msk [tilespmem:v14+s3+$0x0], $0xffff  }
0x74: {  	[tilespmem:s15+$0xFFFFE810] =	vst v9;
	v14 =	vld.idx.msk [tilespmem:v16+s3+$0x0], $0xffff  }
0x75: {  	v16 =	vadd.s32 $0x8000, v5;
	v7 =	vld.idx.msk [tilespmem:v7+s3+$0x0], $0xffff  }
0x76: {  	v17 =	vadd.s32 $0x4000, v8;
	[tilespmem:s12+$0xFFFFFC10] =	vst v2;
	v2 =	vld [tilespmem:s16+$0x0]  }
0x77: {  	v9 =	vld.idx.msk [tilespmem:v11+s3+$0x0], $0xffff;
	[tilespmem:s11+$0x1010] =	vst v10;
	v10 =	vadd.s32 $0x4000, v1  }
0x78: {  	[tilespmem:s12+$0xFFFFFC00] =	vst v13;
	v11 =	vld.idx.msk [tilespmem:v12+s3+$0x0], $0xffff;
	v12 =	vadd.s32 $0x9000, v0  }
0x79: {  	v15 =	vadd.s32 $0xE000, v4;
	[tilespmem:s15+$0xFFFFEC00] =	vst v14  }
0x7a: {  	v13 =	vld.idx.msk [tilespmem:v16+s3+$0x0], $0xffff;
	[tilespmem:s11+$0xC00] =	vst v6  }
0x7b: {  	[tilespmem:s15+$0xFFFFEC10] =	vst v7;
	v6 =	vld.idx.msk [tilespmem:v17+s3+$0x0], $0xffff  }
0x7c: {  	v7 =	vadd.s32 $0xC000, v3;
	v10 =	vld.idx.msk [tilespmem:v10+s3+$0x0], $0xffff;
	[tilespmem:s12+$0x10] =	vst v9  }
0x7d: {  	v9 =	vld.idx.msk [tilespmem:v12+s3+$0x0], $0xffff;
	[tilespmem:s11+$0x1410] =	vst v11;
	v11 =	vadd.s32 $0x5000, v1  }
0x7e: {  	v14 =	vadd.s32 $0xA000, v0;
	v12 =	vld.idx.msk [tilespmem:v15+s3+$0x0], $0xffff  }
0x7f: {  	v15 =	vadd.s32 $0x5000, v8;
	v16 =	vld.idx.msk [tilespmem:v2+s3+$0x0], $0xffff  }
0x80: {  	v4 =	vadd.s32 $0xF000, v4;
	[tilespmem:s12+$0x0] =	vst v13;
	v13 =	vld.idx.msk [tilespmem:v27+s3+$0x0], $0xffff  }
0x81: {  	v7 =	vld.idx.msk [tilespmem:v7+s3+$0x0], $0xffff;
	[tilespmem:s15+$0xFFFFF010] =	vst v10;
	v10 =	vadd.s32 $0x9000, v5  }
0x82: {  	v17 =	vadd.s32 $0xD000, v3;
	v11 =	vld.idx.msk [tilespmem:v11+s3+$0x0], $0xffff;
	[tilespmem:s12+$0x410] =	vst v9  }
0x83: {  	[tilespmem:s15+$0xFFFFF000] =	vst v6;
	v9 =	vadd.s32 $0x1000, v2;
	v14 =	vld.idx.msk [tilespmem:v14+s3+$0x0], $0xffff  }
0x84: {  	s16 =	simm.s32 $0x12860;
	[tilespmem:s11+$0x1810] =	vst v12;
	v12 =	vadd.s32 $0x6000, v1;
	v15 =	vld.idx.msk [tilespmem:v15+s3+$0x0], $0xffff  }
0x85: {  	v6 =	vadd.s32 $0xB000, v0;
	[tilespmem:s16+$0xFFFFE010] =	vst v16;
	v4 =	vld.idx.msk [tilespmem:v4+s3+$0x0], $0xffff  }
0x86: {  	v16 =	vadd.s32 $0x6000, v8;
	[tilespmem:s11+$0x1000] =	vst v7;
	v10 =	vld.idx.msk [tilespmem:v10+s3+$0x0], $0xffff  }
0x87: {  	[tilespmem:s16+$0xFFFFE000] =	vst v13;
	v7 =	vadd.s32 $0x1000, v27;
	v13 =	vld.idx.msk [tilespmem:v17+s3+$0x0], $0xffff  }
0x88: {  	v9 =	vld.idx.msk [tilespmem:v9+s3+$0x0], $0xffff;
	[tilespmem:s15+$0xFFFFF410] =	vst v11;
	v11 =	vadd.s32 $0xA000, v5  }
0x89: {  	v17 =	vadd.s32 $0xE000, v3;
	v12 =	vld.idx.msk [tilespmem:v12+s3+$0x0], $0xffff;
	[tilespmem:s12+$0x810] =	vst v14  }
0x8a: {  	v14 =	vadd.s32 $0x2000, v2;
	[tilespmem:s15+$0xFFFFF400] =	vst v15;
	v6 =	vld.idx.msk [tilespmem:v6+s3+$0x0], $0xffff  }
0x8b: {  	[tilespmem:s11+$0x1C10] =	vst v4;
	v4 =	vadd.s32 $0x7000, v1;
	v16 =	vld.idx.msk [tilespmem:v16+s3+$0x0], $0xffff  }
0x8c: {  	v15 =	vadd.s32 $0xC000, v0;
	v7 =	vld.idx.msk [tilespmem:v7+s3+$0x0], $0xffff;
	[tilespmem:s12+$0x400] =	vst v10  }
0x8d: {  	v18 =	vadd.s32 $0x7000, v8;
	[tilespmem:s11+$0x1400] =	vst v13;
	v11 =	vld.idx.msk [tilespmem:v11+s3+$0x0], $0xffff  }
0x8e: {  	v30 =	vadd.s32 $0xF000, v3;
	v37 =	vadd.s32 $0x3000, v27;
	v10 =	vadd.s32 $0x2000, v27;
	[tilespmem:s16+$0xFFFFE410] =	vst v9;
	v32 =	vld.idx.msk [tilespmem:v17+s3+$0x0], $0xffff  }
0x8f: {  	v26 =	vadd.s32 $0x4000, v27;
	v24 =	vadd.s32 $0x5000, v27;
	v20 =	vld.idx.msk [tilespmem:v14+s3+$0x0], $0xffff;
	[tilespmem:s15+$0xFFFFF810] =	vst v12;
	v12 =	vadd.s32 $0xB000, v5  }
0x90: {  	v23 =	vadd.s32 $0x6000, v27;
	v25 =	vadd.s32 $0x8000, v27;
	v22 =	vadd.s32 $0x3000, v2;
	v21 =	vld.idx.msk [tilespmem:v4+s3+$0x0], $0xffff;
	[tilespmem:s12+$0xC10] =	vst v6  }
0x91: {  	v35 =	vadd.s32 $0xD000, v0;
	v19 =	vadd.s32 $0x8000, v8;
	v31 =	vadd.s32 $0x8000, v1;
	[tilespmem:s15+$0xFFFFF800] =	vst v16;
	v29 =	vld.idx.msk [tilespmem:v15+s3+$0x0], $0xffff  }
0x92: {  	v3 =	vadd.s32 $0xF000, v5;
	v13 =	vadd.s32 $0xC000, v8;
	v9 =	vadd.s32 $0xC000, v5;
	[tilespmem:s16+$0xFFFFE400] =	vst v7;
	v36 =	vld.idx.msk [tilespmem:v18+s3+$0x0], $0xffff  }
0x93: {  	v17 =	vadd.s32 $0x9000, v8;
	v14 =	vadd.s32 $0xB000, v8;
	v6 =	vadd.s32 $0xD000, v5;
	v34 =	vld.idx.msk [tilespmem:v10+s3+$0x0], $0xffff;
	[tilespmem:s12+$0x800] =	vst v11  }
0x94: {  	v4 =	vadd.s32 $0xE000, v5;
	v5 =	vadd.s32 $0xF000, v8;
	v16 =	vadd.s32 $0xC000, v27;
	[tilespmem:s16+$0xFFFFE810] =	vst v20;
	v28 =	vld.idx.msk [tilespmem:v12+s3+$0x0], $0xffff  }
0x95: {  	v15 =	vadd.s32 $0xA000, v8;
	v7 =	vadd.s32 $0xE000, v8;
	v18 =	vadd.s32 $0xB000, v27;
	v33 =	vld.idx.msk [tilespmem:v22+s3+$0x0], $0xffff;
	[tilespmem:s15+$0xFFFFFC10] =	vst v21  }
0x96: {  	v10 =	vadd.s32 $0xD000, v8;
	v8 =	vadd.s32 $0xF000, v27;
	v11 =	vadd.s32 $0xE000, v27;
	v31 =	vld.idx.msk [tilespmem:v31+s3+$0x0], $0xffff;
	[tilespmem:s12+$0x1010] =	vst v29  }
0x97: {  	[tilespmem:s11+$0x1800] =	vst v32;
	v32 =	vadd.s32 $0x9000, v1;
	v20 =	vadd.s32 $0xA000, v27;
	v29 =	vld.idx.msk [tilespmem:v35+s3+$0x0], $0xffff;
	v35 =	vadd.s32 $0x4000, v2  }
0x98: {  	v12 =	vadd.s32 $0xD000, v27;
	v22 =	vadd.s32 $0x7000, v27;
	v21 =	vadd.s32 $0x9000, v27;
	v27 =	vld.idx.msk [tilespmem:v30+s3+$0x0], $0xffff;
	[tilespmem:s16+$0xFFFFE800] =	vst v34  }
0x99: {  	s18 =	simm.s32 $0x6;
	s19 =	simm.s32 $0x10090;
	v30 =	vadd.s32 $0xE000, v0;
	[tilespmem:s15+$0xFFFFFC00] =	vst v36;
	v34 =	vld.idx.msk [tilespmem:v37+s3+$0x0], $0xffff  }
.LBB2_2:
0x9a: {  	v36 =	vld [tilespmem:s19+$0x0];
	s18 =	sadd.s32 $0x2, s18;
	[tilespmem:s12+$0xC00] =	vst v28  }
0x9b: {  	v28 =	vld [tilespmem:s19+$0xFFFFFFF0];
	p0 =	slt.u32 s18, $0x3E;
	[tilespmem:s16+$0xFFFFEC10] =	vst v33  }
0x9c: {  	v33 =	vld.idx.msk [tilespmem:v35+s3+$0x0], $0xffff;
	[tilespmem:s15+$0x10] =	vst v31  }
0x9d: {  	v31 =	vld.idx.msk [tilespmem:v32+s3+$0x0], $0xffff;
	[tilespmem:s12+$0x1410] =	vst v29  }
0x9e: {  	v29 =	vadd.s32 $0x5000, v2;
	v30 =	vld.idx.msk [tilespmem:v30+s3+$0x0], $0xffff;
	[tilespmem:s11+$0x1C00] =	vst v27;
	s11 =	smov.u32 s12;
	s12 =	smov.u32 s15;
	s15 =	smov.u32 s16  }
0x9f: {  	v32 =	vadd.s32 $0xA000, v1;
	[tilespmem:s16+$0xFFFFEC00] =	vst v34;
	v27 =	vld.idx.msk [tilespmem:v19+s3+$0x0], $0xffff;
	v19 =	vmov v25  }
0xa0: {  	v38 =	vadd.s32 $0xF000, v0;
	v0 =	vmovc v1;
	v1 =	vmovc v2;
	v34 =	vadd.s32 $0x1000, v28;
	v35 =	vadd.s32 $0x2000, v28;
	v37 =	vld.idx.msk [tilespmem:v26+s3+$0x0], $0xffff  }
0xa1: {  	v2 =	vmovc v36;
	v39 =	vadd.s32 $0x3000, v28;
	v26 =	vadd.s32 $0x4000, v28;
	v40 =	vadd.s32 $0x5000, v28;
	v41 =	vld.idx.msk [tilespmem:v9+s3+$0x0], $0xffff;
	v9 =	vmovc v13  }
0xa2: {  	v42 =	vadd.s32 $0x6000, v28;
	v43 =	vadd.s32 $0x7000, v28;
	v25 =	vadd.s32 $0x8000, v28;
	v13 =	vmovc v16;
	v36 =	vld.idx.msk [tilespmem:v36+s3+$0x0], $0xffff;
	[tilespmem:s16+$0xFFFFF010] =	vst v33  }
0xa3: {  	v44 =	vadd.s32 $0xA000, v28;
	v45 =	vadd.s32 $0xB000, v28;
	v33 =	vadd.s32 $0x9000, v28;
	v29 =	vld.idx.msk [tilespmem:v29+s3+$0x0], $0xffff;
	[tilespmem:s12+$0x410] =	vst v31  }
0xa4: {  	v46 =	vadd.s32 $0x1000, v2;
	v16 =	vadd.s32 $0xC000, v28;
	v31 =	vadd.s32 $0xD000, v28;
	v32 =	vld.idx.msk [tilespmem:v32+s3+$0x0], $0xffff;
	[tilespmem:s11+$0x1810] =	vst v30  }
0xa5: {  	v48 =	vadd.s32 $0x6000, v1;
	v47 =	vadd.s32 $0xF000, v28;
	v30 =	vadd.s32 $0xE000, v28;
	[tilespmem:s12+$0x0] =	vst v27;
	v27 =	vld.idx.msk [tilespmem:v38+s3+$0x0], $0xffff  }
0xa6: {  	v28 =	vld.idx.msk [tilespmem:v28+s3+$0x0], $0xffff;
	[tilespmem:s16+$0xFFFFF000] =	vst v37;
	v37 =	vadd.s32 $0xB000, v0  }
0xa7: {  	s16 =	sadd.s32 $0x20, s16;
	v38 =	vld.idx.msk [tilespmem:v24+s3+$0x0], $0xffff;
	[tilespmem:s11+$0x1000] =	vst v41;
	v24 =	vmov v40  }
0xa8: {  	[tilespmem:s16+$0xFFFFE010] =	vst v36;
	v36 =	vld.idx.msk [tilespmem:v17+s3+$0x0], $0xffff;
	v17 =	vmov v21;
	v21 =	vmov v33  }
0xa9: {  	v33 =	vld.idx.msk [tilespmem:v46+s3+$0x0], $0xffff;
	[tilespmem:s15+$0xFFFFF410] =	vst v29  }
0xaa: {  	v29 =	vld.idx.msk [tilespmem:v48+s3+$0x0], $0xffff;
	[tilespmem:s12+$0x810] =	vst v32  }
0xab: {  	v32 =	vadd.s32 $0x2000, v2;
	v37 =	vld.idx.msk [tilespmem:v37+s3+$0x0], $0xffff;
	[tilespmem:s11+$0x1C10] =	vst v27  }
0xac: {  	v27 =	vadd.s32 $0x7000, v1;
	[tilespmem:s16+$0xFFFFE000] =	vst v28;
	v28 =	vld.idx.msk [tilespmem:v6+s3+$0x0], $0xffff;
	v6 =	vmovc v10;
	v10 =	vmov v12;
	v12 =	vmov v31  }
0xad: {  	v31 =	vld.idx.msk [tilespmem:v34+s3+$0x0], $0xffff;
	[tilespmem:s15+$0xFFFFF400] =	vst v38;
	v34 =	vadd.s32 $0xC000, v0  }
0xae: {  	v38 =	vld.idx.msk [tilespmem:v23+s3+$0x0], $0xffff;
	[tilespmem:s12+$0x400] =	vst v36;
	v23 =	vmov v42  }
0xaf: {  	[tilespmem:s16+$0xFFFFE410] =	vst v33;
	v33 =	vld.idx.msk [tilespmem:v15+s3+$0x0], $0xffff;
	v15 =	vmov v20;
	v20 =	vmov v44  }
0xb0: {  	v32 =	vld.idx.msk [tilespmem:v32+s3+$0x0], $0xffff;
	[tilespmem:s15+$0xFFFFF810] =	vst v29  }
0xb1: {  	v27 =	vld.idx.msk [tilespmem:v27+s3+$0x0], $0xffff;
	[tilespmem:s12+$0xC10] =	vst v37  }
0xb2: {  	v29 =	vadd.s32 $0x3000, v2;
	v34 =	vld.idx.msk [tilespmem:v34+s3+$0x0], $0xffff;
	[tilespmem:s11+$0x1400] =	vst v28  }
0xb3: {  	[tilespmem:s16+$0xFFFFE400] =	vst v31;
	v31 =	vadd.s32 $0x8000, v1;
	v36 =	vld.idx.msk [tilespmem:v4+s3+$0x0], $0xffff;
	v4 =	vmovc v7;
	v7 =	vmov v11;
	v11 =	vmov v30  }
0xb4: {  	v37 =	vadd.s32 $0xD000, v0;
	v30 =	vld.idx.msk [tilespmem:v35+s3+$0x0], $0xffff;
	[tilespmem:s15+$0xFFFFF800] =	vst v38  }
0xb5: {  	v38 =	vld.idx.msk [tilespmem:v22+s3+$0x0], $0xffff;
	[tilespmem:s12+$0x800] =	vst v33;
	v22 =	vmov v43  }
0xb6: {  	[tilespmem:s16+$0xFFFFE810] =	vst v32;
	v28 =	vld.idx.msk [tilespmem:v14+s3+$0x0], $0xffff;
	v14 =	vmov v18;
	v18 =	vmov v45  }
.Ltmp0:
0xb7: {  	v33 =	vld.idx.msk [tilespmem:v29+s3+$0x0], $0xffff;
	[tilespmem:s15+$0xFFFFFC10] =	vst v27;
	(pc) =	sbr.rel @p0 .LBB2_2-.Ltmp0, $4  }
0xb8: {  	v31 =	vld.idx.msk [tilespmem:v31+s3+$0x0], $0xffff;
	[tilespmem:s12+$0x1010] =	vst v34  }
0xb9: {  	v35 =	vadd.s32 $0x4000, v2;
	v29 =	vld.idx.msk [tilespmem:v37+s3+$0x0], $0xffff;
	[tilespmem:s11+$0x1800] =	vst v36  }
0xba: {  	v32 =	vadd.s32 $0x9000, v1;
	[tilespmem:s16+$0xFFFFE800] =	vst v30;
	v27 =	vld.idx.msk [tilespmem:v3+s3+$0x0], $0xffff;
	v3 =	vmovc v5;
	v5 =	vmov v8;
	v8 =	vmov v47  }
0xbb: {  	s19 =	sadd.s32 $0x20, s19;
	v30 =	vadd.s32 $0xE000, v0;
	v34 =	vld.idx.msk [tilespmem:v39+s3+$0x0], $0xffff;
	[tilespmem:s15+$0xFFFFFC00] =	vst v38  }
0xbc: {  	_ =	sdelay $0x2  }
0xbd: {  	[tilespmem:s16+$0xFFFFEC10] =	vst v33  }
0xbe: {  	v33 =	vld.idx.msk [tilespmem:v35+s3+$0x0], $0xffff;
	[tilespmem:s16+$0xFFFFEC00] =	vst v34  }
0xbf: {  	v60 =	vadd.s32 $0x5000, v2;
	v26 =	vld.idx.msk [tilespmem:v26+s3+$0x0], $0xffff;
	_ =	sdelay $0x3  }
0xc0: {  	[tilespmem:s16+$0xFFFFF010] =	vst v33  }
0xc1: {  	v33 =	vld.idx.msk [tilespmem:v60+s3+$0x0], $0xffff;
	[tilespmem:s16+$0xFFFFF000] =	vst v26  }
0xc2: {  	v26 =	vadd.s32 $0x6000, v2;
	v24 =	vld.idx.msk [tilespmem:v24+s3+$0x0], $0xffff;
	_ =	sdelay $0x3  }
0xc3: {  	[tilespmem:s16+$0xFFFFF410] =	vst v33  }
0xc4: {  	v26 =	vld.idx.msk [tilespmem:v26+s3+$0x0], $0xffff;
	[tilespmem:s16+$0xFFFFF400] =	vst v24  }
0xc5: {  	v24 =	vadd.s32 $0x7000, v2;
	v23 =	vld.idx.msk [tilespmem:v23+s3+$0x0], $0xffff;
	_ =	sdelay $0x3  }
0xc6: {  	[tilespmem:s16+$0xFFFFF810] =	vst v26  }
0xc7: {  	v24 =	vld.idx.msk [tilespmem:v24+s3+$0x0], $0xffff;
	[tilespmem:s16+$0xFFFFF800] =	vst v23  }
0xc8: {  	v23 =	vadd.s32 $0x8000, v2;
	v22 =	vld.idx.msk [tilespmem:v22+s3+$0x0], $0xffff;
	_ =	sdelay $0x2  }
0xc9: {  	v19 =	vld.idx.msk [tilespmem:v19+s3+$0x0], $0xffff  }
0xca: {  	[tilespmem:s16+$0xFFFFFC10] =	vst v24  }
0xcb: {  	v23 =	vld.idx.msk [tilespmem:v23+s3+$0x0], $0xffff;
	[tilespmem:s16+$0xFFFFFC00] =	vst v22  }
0xcc: {  	v22 =	vadd.s32 $0x9000, v2;
	v24 =	vld.idx.msk [tilespmem:v25+s3+$0x0], $0xffff;
	_ =	sdelay $0x1  }
0xcd: {  	[tilespmem:s15+$0x0] =	vst v19  }
0xce: {  	[tilespmem:s15+$0x10] =	vst v31;
	v17 =	vld.idx.msk [tilespmem:v17+s3+$0x0], $0xffff  }
0xcf: {  	v25 =	vld.idx.msk [tilespmem:v32+s3+$0x0], $0xffff;
	[tilespmem:s16+$0x10] =	vst v23  }
0xd0: {  	v19 =	vadd.s32 $0xA000, v1;
	v22 =	vld.idx.msk [tilespmem:v22+s3+$0x0], $0xffff;
	[tilespmem:s16+$0x0] =	vst v24  }
0xd1: {  	v23 =	vadd.s32 $0xA000, v2;
	v21 =	vld.idx.msk [tilespmem:v21+s3+$0x0], $0xffff;
	_ =	sdelay $0x1  }
0xd2: {  	[tilespmem:s15+$0x400] =	vst v17  }
0xd3: {  	v15 =	vld.idx.msk [tilespmem:v15+s3+$0x0], $0xffff;
	[tilespmem:s15+$0x410] =	vst v25  }
0xd4: {  	v19 =	vld.idx.msk [tilespmem:v19+s3+$0x0], $0xffff;
	[tilespmem:s16+$0x410] =	vst v22  }
0xd5: {  	v17 =	vadd.s32 $0xB000, v1;
	v22 =	vld.idx.msk [tilespmem:v23+s3+$0x0], $0xffff;
	[tilespmem:s16+$0x400] =	vst v21  }
0xd6: {  	v21 =	vadd.s32 $0xB000, v2;
	v20 =	vld.idx.msk [tilespmem:v20+s3+$0x0], $0xffff;
	_ =	sdelay $0x1  }
0xd7: {  	[tilespmem:s15+$0x800] =	vst v15  }
0xd8: {  	v14 =	vld.idx.msk [tilespmem:v14+s3+$0x0], $0xffff;
	[tilespmem:s15+$0x810] =	vst v19  }
0xd9: {  	v17 =	vld.idx.msk [tilespmem:v17+s3+$0x0], $0xffff;
	[tilespmem:s16+$0x810] =	vst v22  }
0xda: {  	v15 =	vadd.s32 $0xC000, v1;
	v19 =	vld.idx.msk [tilespmem:v21+s3+$0x0], $0xffff;
	[tilespmem:s16+$0x800] =	vst v20  }
0xdb: {  	v20 =	vadd.s32 $0xC000, v2;
	v18 =	vld.idx.msk [tilespmem:v18+s3+$0x0], $0xffff  }
0xdc: {  	[tilespmem:s12+$0xC00] =	vst v28  }
0xdd: {  	v9 =	vld.idx.msk [tilespmem:v9+s3+$0x0], $0xffff;
	[tilespmem:s15+$0xC00] =	vst v14  }
0xde: {  	v13 =	vld.idx.msk [tilespmem:v13+s3+$0x0], $0xffff;
	[tilespmem:s15+$0xC10] =	vst v17  }
0xdf: {  	v15 =	vld.idx.msk [tilespmem:v15+s3+$0x0], $0xffff;
	[tilespmem:s16+$0xC10] =	vst v19  }
0xe0: {  	v14 =	vadd.s32 $0xD000, v1;
	v17 =	vld.idx.msk [tilespmem:v20+s3+$0x0], $0xffff;
	[tilespmem:s16+$0xC00] =	vst v18  }
0xe1: {  	[tilespmem:s12+$0x1410] =	vst v29;
	v18 =	vadd.s32 $0xD000, v2;
	v16 =	vld.idx.msk [tilespmem:v16+s3+$0x0], $0xffff  }
0xe2: {  	[tilespmem:s12+$0x1000] =	vst v9  }
0xe3: {  	v6 =	vld.idx.msk [tilespmem:v6+s3+$0x0], $0xffff;
	[tilespmem:s15+$0x1000] =	vst v13  }
0xe4: {  	v10 =	vld.idx.msk [tilespmem:v10+s3+$0x0], $0xffff;
	[tilespmem:s15+$0x1010] =	vst v15  }
0xe5: {  	v9 =	vld.idx.msk [tilespmem:v14+s3+$0x0], $0xffff;
	[tilespmem:s16+$0x1010] =	vst v17  }
0xe6: {  	v13 =	vadd.s32 $0xE000, v1;
	v14 =	vld.idx.msk [tilespmem:v18+s3+$0x0], $0xffff;
	[tilespmem:s16+$0x1000] =	vst v16  }
0xe7: {  	[tilespmem:s11+$0x1C00] =	vst v27;
	v15 =	vadd.s32 $0xE000, v2;
	v12 =	vld.idx.msk [tilespmem:v12+s3+$0x0], $0xffff  }
0xe8: {  	[tilespmem:s12+$0x1400] =	vst v6;
	v16 =	vld.idx.msk [tilespmem:v30+s3+$0x0], $0xffff  }
0xe9: {  	v0 =	vadd.s32 $0xF000, v0;
	v4 =	vld.idx.msk [tilespmem:v4+s3+$0x0], $0xffff;
	[tilespmem:s15+$0x1400] =	vst v10  }
0xea: {  	v7 =	vld.idx.msk [tilespmem:v7+s3+$0x0], $0xffff;
	[tilespmem:s15+$0x1410] =	vst v9  }
0xeb: {  	v6 =	vld.idx.msk [tilespmem:v13+s3+$0x0], $0xffff;
	[tilespmem:s16+$0x1410] =	vst v14  }
0xec: {  	v1 =	vadd.s32 $0xF000, v1;
	v9 =	vld.idx.msk [tilespmem:v15+s3+$0x0], $0xffff;
	[tilespmem:s16+$0x1400] =	vst v12  }
0xed: {  	v2 =	vadd.s32 $0xF000, v2;
	[tilespmem:s12+$0x1810] =	vst v16;
	v10 =	vld.idx.msk [tilespmem:v11+s3+$0x0], $0xffff  }
0xee: {  	[tilespmem:s12+$0x1800] =	vst v4;
	v0 =	vld.idx.msk [tilespmem:v0+s3+$0x0], $0xffff  }
0xef: {  	v3 =	vld.idx.msk [tilespmem:v3+s3+$0x0], $0xffff;
	[tilespmem:s15+$0x1800] =	vst v7  }
0xf0: {  	v4 =	vld.idx.msk [tilespmem:v5+s3+$0x0], $0xffff;
	[tilespmem:s15+$0x1810] =	vst v6  }
0xf1: {  	v1 =	vld.idx.msk [tilespmem:v1+s3+$0x0], $0xffff;
	[tilespmem:s16+$0x1810] =	vst v9  }
0xf2: {  	v2 =	vld.idx.msk [tilespmem:v2+s3+$0x0], $0xffff;
	[tilespmem:s16+$0x1800] =	vst v10  }
0xf3: {  	[tilespmem:s12+$0x1C10] =	vst v0;
	v0 =	vld.idx.msk [tilespmem:v8+s3+$0x0], $0xffff  }
0xf4: {  	[tilespmem:s12+$0x1C00] =	vst v3  }
0xf5: {  	[tilespmem:s15+$0x1C00] =	vst v4  }
0xf6: {  	[tilespmem:s15+$0x1C10] =	vst v1  }
0xf7: {  	[tilespmem:s16+$0x1C10] =	vst v2  }
0xf8: {  	[tilespmem:s16+$0x1C00] =	vst v0  }
0xf9: {  	s22 =	simm.s32 $0x0;
	s12 =	rddreg [dreg:$0x7]  }
0xfa: {  	[tilespmem:s28], [sflag:$0x1] =	stream.linear.gather [hbm4b:s12+s22], $0x400, $0x38;
	[tilespmem:$0x18800] =	vst v63  }
0xfb: {  	s25 =	rddreg [dreg:$0x8]  }
0xfc: {  	[hbm4b:s25+s31] =	stream.strided.scatter [tilespmem:s2], [sflag:$0x3], $0x4000, s0, s31, $0x38;
	[tilespmem:$0x18800] =	vst v63  }
0xfd: {  	_ =	swait.ge [sflag:s5], $0x400  }
0xfe: {  	[sflag:s5] =	ssyncset.done $0x0  }
0xff: {  	s12 =	simm.s32 $0x0;
	[sflag:s5] =	ssyncadd.s32 $0xFFFFFC00  }
0x100: {  	v4 =	vld [tilespmem:s12+$0x10410];
	_ =	sdelay $0x3  }
0x101: {  	v3 =	vld [tilespmem:s12+$0x10400];
	_ =	sdelay $0x3  }
0x102: {  	v0 =	vld.idx.msk [tilespmem:v4+s3+$0x0], $0xffff  }
0x103: {  	v1 =	vadd.s32 $0x1000, v4;
	_ =	sdelay $0x2  }
0x104: {  	v2 =	vld.idx.msk [tilespmem:v3+s3+$0x0], $0xffff  }
0x105: {  	v5 =	vadd.s32 $0x1000, v3;
	[tilespmem:s12+$0x14810] =	vst v0  }
0x106: {  	v0 =	vld.idx.msk [tilespmem:v1+s3+$0x0], $0xffff  }
0x107: {  	v1 =	vadd.s32 $0x2000, v4;
	_ =	sdelay $0x1  }
0x108: {  	[tilespmem:s12+$0x14800] =	vst v2  }
0x109: {  	v2 =	vld.idx.msk [tilespmem:v5+s3+$0x0], $0xffff  }
0x10a: {  	v5 =	vadd.s32 $0x2000, v3;
	[tilespmem:s12+$0x14C10] =	vst v0  }
0x10b: {  	v0 =	vld.idx.msk [tilespmem:v1+s3+$0x0], $0xffff  }
0x10c: {  	v1 =	vadd.s32 $0x3000, v4;
	_ =	sdelay $0x1  }
0x10d: {  	[tilespmem:s12+$0x14C00] =	vst v2  }
0x10e: {  	v6 =	vld.idx.msk [tilespmem:v5+s3+$0x0], $0xffff  }
0x10f: {  	v7 =	vadd.s32 $0x3000, v3;
	[tilespmem:s12+$0x15010] =	vst v0  }
0x110: {  	v1 =	vld.idx.msk [tilespmem:v1+s3+$0x0], $0xffff  }
0x111: {  	v2 =	vadd.s32 $0x4000, v4  }
0x112: {  	s11 =	simm.s32 $0x20  }
0x113: {  	v0 =	vld [tilespmem:s11+$0x10410];
	[tilespmem:s12+$0x15000] =	vst v6  }
0x114: {  	v6 =	vld.idx.msk [tilespmem:v7+s3+$0x0], $0xffff  }
0x115: {  	v7 =	vadd.s32 $0x4000, v3;
	[tilespmem:s12+$0x15410] =	vst v1  }
0x116: {  	v1 =	vld.idx.msk [tilespmem:v2+s3+$0x0], $0xffff  }
0x117: {  	v5 =	vld [tilespmem:s11+$0x10400];
	v2 =	vadd.s32 $0x5000, v4;
	_ =	sdelay $0x1  }
0x118: {  	[tilespmem:s12+$0x15400] =	vst v6  }
0x119: {  	v7 =	vld.idx.msk [tilespmem:v7+s3+$0x0], $0xffff  }
0x11a: {  	v11 =	vadd.s32 $0x5000, v3;
	v8 =	vld.idx.msk [tilespmem:v0+s3+$0x0], $0xffff;
	[tilespmem:s12+$0x15810] =	vst v1  }
0x11b: {  	v1 =	vld.idx.msk [tilespmem:v2+s3+$0x0], $0xffff;
	v2 =	vadd.s32 $0x1000, v0;
	_ =	sdelay $0x1  }
0x11c: {  	v9 =	vadd.s32 $0x6000, v4  }
0x11d: {  	v10 =	vld.idx.msk [tilespmem:v5+s3+$0x0], $0xffff;
	[tilespmem:s12+$0x15800] =	vst v7  }
0x11e: {  	v6 =	vadd.s32 $0x1000, v5;
	[tilespmem:s11+$0x14810] =	vst v8;
	v7 =	vld.idx.msk [tilespmem:v11+s3+$0x0], $0xffff  }
0x11f: {  	v11 =	vadd.s32 $0x6000, v3;
	v2 =	vld.idx.msk [tilespmem:v2+s3+$0x0], $0xffff  }
0x120: {  	v8 =	vadd.s32 $0x2000, v0;
	[tilespmem:s12+$0x15C10] =	vst v1  }
0x121: {  	v1 =	vld.idx.msk [tilespmem:v9+s3+$0x0], $0xffff  }
0x122: {  	[tilespmem:s11+$0x14800] =	vst v10;
	v9 =	vadd.s32 $0x7000, v4  }
0x123: {  	v6 =	vld.idx.msk [tilespmem:v6+s3+$0x0], $0xffff;
	[tilespmem:s12+$0x15C00] =	vst v7  }
0x124: {  	v10 =	vadd.s32 $0x2000, v5;
	v7 =	vld.idx.msk [tilespmem:v11+s3+$0x0], $0xffff;
	[tilespmem:s11+$0x14C10] =	vst v2  }
0x125: {  	v11 =	vadd.s32 $0x7000, v3;
	v2 =	vld.idx.msk [tilespmem:v8+s3+$0x0], $0xffff  }
0x126: {  	[tilespmem:s12+$0x16010] =	vst v1;
	v8 =	vadd.s32 $0x3000, v0  }
0x127: {  	v1 =	vld.idx.msk [tilespmem:v9+s3+$0x0], $0xffff  }
0x128: {  	[tilespmem:s11+$0x14C00] =	vst v6;
	v6 =	vadd.s32 $0x8000, v4  }
0x129: {  	[tilespmem:s12+$0x16000] =	vst v7;
	v9 =	vld.idx.msk [tilespmem:v10+s3+$0x0], $0xffff  }
0x12a: {  	v10 =	vadd.s32 $0x3000, v5;
	v11 =	vld.idx.msk [tilespmem:v11+s3+$0x0], $0xffff;
	[tilespmem:s11+$0x15010] =	vst v2  }
0x12b: {  	s15 =	simm.s32 $0x40;
	v2 =	vld.idx.msk [tilespmem:v8+s3+$0x0], $0xffff  }
0x12c: {  	v12 =	vadd.s32 $0x4000, v0;
	[tilespmem:s12+$0x16410] =	vst v1;
	v1 =	vld [tilespmem:s15+$0x10410]  }
0x12d: {  	v13 =	vadd.s32 $0x8000, v3;
	v6 =	vld.idx.msk [tilespmem:v6+s3+$0x0], $0xffff  }
0x12e: {  	[tilespmem:s11+$0x15000] =	vst v9;
	v9 =	vadd.s32 $0x9000, v4;
	v8 =	vld [tilespmem:s15+$0x10400]  }
0x12f: {  	v10 =	vld.idx.msk [tilespmem:v10+s3+$0x0], $0xffff  }
0x130: {  	v7 =	vadd.s32 $0x4000, v5;
	[tilespmem:s11+$0x15410] =	vst v2  }
0x131: {  	[tilespmem:s12+$0x16400] =	vst v11;
	v2 =	vld.idx.msk [tilespmem:v12+s3+$0x0], $0xffff  }
0x132: {  	[tilespmem:s12+$0x16810] =	vst v6;
	v12 =	vld.idx.msk [tilespmem:v13+s3+$0x0], $0xffff  }
0x133: {  	v6 =	vld.idx.msk [tilespmem:v9+s3+$0x0], $0xffff;
	v9 =	vadd.s32 $0x5000, v0  }
0x134: {  	[tilespmem:s11+$0x15400] =	vst v10;
	v13 =	vadd.s32 $0x9000, v3  }
0x135: {  	v10 =	vadd.s32 $0xA000, v4;
	v7 =	vld.idx.msk [tilespmem:v7+s3+$0x0], $0xffff  }
0x136: {  	v11 =	vadd.s32 $0x5000, v5;
	v15 =	vld.idx.msk [tilespmem:v8+s3+$0x0], $0xffff;
	[tilespmem:s11+$0x15810] =	vst v2  }
0x137: {  	v16 =	vadd.s32 $0x1000, v8;
	v14 =	vld.idx.msk [tilespmem:v1+s3+$0x0], $0xffff;
	[tilespmem:s12+$0x16800] =	vst v12  }
0x138: {  	v2 =	vld.idx.msk [tilespmem:v9+s3+$0x0], $0xffff;
	[tilespmem:s12+$0x16C10] =	vst v6;
	v6 =	vadd.s32 $0x1000, v1  }
0x139: {  	v13 =	vld.idx.msk [tilespmem:v13+s3+$0x0], $0xffff  }
0x13a: {  	[tilespmem:s11+$0x15800] =	vst v7;
	v9 =	vld.idx.msk [tilespmem:v10+s3+$0x0], $0xffff;
	v10 =	vadd.s32 $0x6000, v0  }
0x13b: {  	v7 =	vadd.s32 $0xB000, v4;
	v11 =	vld.idx.msk [tilespmem:v11+s3+$0x0], $0xffff;
	[tilespmem:s15+$0x14800] =	vst v15  }
0x13c: {  	v12 =	vadd.s32 $0x6000, v5;
	[tilespmem:s15+$0x14810] =	vst v14;
	v15 =	vld.idx.msk [tilespmem:v16+s3+$0x0], $0xffff  }
0x13d: {  	s16 =	simm.s32 $0x60;
	v14 =	vadd.s32 $0xA000, v3;
	v6 =	vld.idx.msk [tilespmem:v6+s3+$0x0], $0xffff;
	[tilespmem:s11+$0x15C10] =	vst v2  }
0x13e: {  	v29 =	vld [tilespmem:s16+$0x10400];
	v16 =	vadd.s32 $0x2000, v8;
	[tilespmem:s12+$0x16C00] =	vst v13  }
0x13f: {  	v2 =	vld.idx.msk [tilespmem:v10+s3+$0x0], $0xffff;
	[tilespmem:s12+$0x17010] =	vst v9;
	v9 =	vadd.s32 $0x2000, v1  }
0x140: {  	v10 =	vadd.s32 $0x7000, v0;
	[tilespmem:s11+$0x15C00] =	vst v11;
	v7 =	vld.idx.msk [tilespmem:v7+s3+$0x0], $0xffff  }
0x141: {  	v11 =	vadd.s32 $0xC000, v4;
	v12 =	vld.idx.msk [tilespmem:v12+s3+$0x0], $0xffff;
	[tilespmem:s15+$0x14C00] =	vst v15  }
0x142: {  	v13 =	vadd.s32 $0x7000, v5;
	[tilespmem:s15+$0x14C10] =	vst v6;
	v6 =	vld.idx.msk [tilespmem:v14+s3+$0x0], $0xffff  }
0x143: {  	v15 =	vld.idx.msk [tilespmem:v16+s3+$0x0], $0xffff;
	v14 =	vadd.s32 $0xB000, v3  }
0x144: {  	v16 =	vadd.s32 $0x3000, v8;
	v9 =	vld.idx.msk [tilespmem:v9+s3+$0x0], $0xffff;
	[tilespmem:s11+$0x16010] =	vst v2  }
0x145: {  	v2 =	vld.idx.msk [tilespmem:v10+s3+$0x0], $0xffff;
	[tilespmem:s12+$0x17410] =	vst v7;
	v7 =	vadd.s32 $0x3000, v1  }
0x146: {  	[tilespmem:s11+$0x16000] =	vst v12;
	v10 =	vld.idx.msk [tilespmem:v11+s3+$0x0], $0xffff  }
0x147: {  	v11 =	vadd.s32 $0x8000, v0;
	v13 =	vld.idx.msk [tilespmem:v13+s3+$0x0], $0xffff;
	[tilespmem:s12+$0x17000] =	vst v6  }
0x148: {  	v12 =	vadd.s32 $0xD000, v4;
	[tilespmem:s15+$0x15000] =	vst v15;
	v6 =	vld.idx.msk [tilespmem:v14+s3+$0x0], $0xffff  }
0x149: {  	[tilespmem:s15+$0x15010] =	vst v9;
	v14 =	vld.idx.msk [tilespmem:v16+s3+$0x0], $0xffff  }
0x14a: {  	v16 =	vadd.s32 $0x8000, v5;
	v7 =	vld.idx.msk [tilespmem:v7+s3+$0x0], $0xffff  }
0x14b: {  	v17 =	vadd.s32 $0x4000, v8;
	[tilespmem:s11+$0x16410] =	vst v2;
	v2 =	vld [tilespmem:s16+$0x10410]  }
0x14c: {  	v9 =	vld.idx.msk [tilespmem:v11+s3+$0x0], $0xffff;
	[tilespmem:s12+$0x17810] =	vst v10;
	v10 =	vadd.s32 $0x4000, v1  }
0x14d: {  	[tilespmem:s11+$0x16400] =	vst v13;
	v11 =	vld.idx.msk [tilespmem:v12+s3+$0x0], $0xffff;
	v12 =	vadd.s32 $0x9000, v0  }
0x14e: {  	v15 =	vadd.s32 $0xE000, v4;
	[tilespmem:s15+$0x15400] =	vst v14  }
0x14f: {  	v13 =	vld.idx.msk [tilespmem:v16+s3+$0x0], $0xffff;
	[tilespmem:s12+$0x17400] =	vst v6  }
0x150: {  	[tilespmem:s15+$0x15410] =	vst v7;
	v6 =	vld.idx.msk [tilespmem:v17+s3+$0x0], $0xffff  }
0x151: {  	v7 =	vadd.s32 $0xC000, v3;
	v10 =	vld.idx.msk [tilespmem:v10+s3+$0x0], $0xffff;
	[tilespmem:s11+$0x16810] =	vst v9  }
0x152: {  	v9 =	vld.idx.msk [tilespmem:v12+s3+$0x0], $0xffff;
	[tilespmem:s12+$0x17C10] =	vst v11;
	v11 =	vadd.s32 $0x5000, v1  }
0x153: {  	v14 =	vadd.s32 $0xA000, v0;
	v12 =	vld.idx.msk [tilespmem:v15+s3+$0x0], $0xffff  }
0x154: {  	v15 =	vadd.s32 $0x5000, v8;
	v16 =	vld.idx.msk [tilespmem:v2+s3+$0x0], $0xffff  }
0x155: {  	v4 =	vadd.s32 $0xF000, v4;
	[tilespmem:s11+$0x16800] =	vst v13;
	v13 =	vld.idx.msk [tilespmem:v29+s3+$0x0], $0xffff  }
0x156: {  	v7 =	vld.idx.msk [tilespmem:v7+s3+$0x0], $0xffff;
	[tilespmem:s15+$0x15810] =	vst v10;
	v10 =	vadd.s32 $0x9000, v5  }
0x157: {  	v17 =	vadd.s32 $0xD000, v3;
	v11 =	vld.idx.msk [tilespmem:v11+s3+$0x0], $0xffff;
	[tilespmem:s11+$0x16C10] =	vst v9  }
0x158: {  	[tilespmem:s15+$0x15800] =	vst v6;
	v9 =	vadd.s32 $0x1000, v2;
	v14 =	vld.idx.msk [tilespmem:v14+s3+$0x0], $0xffff  }
0x159: {  	[tilespmem:s12+$0x18010] =	vst v12;
	v12 =	vadd.s32 $0x6000, v1;
	v15 =	vld.idx.msk [tilespmem:v15+s3+$0x0], $0xffff  }
0x15a: {  	v6 =	vadd.s32 $0xB000, v0;
	[tilespmem:s16+$0x14810] =	vst v16;
	v4 =	vld.idx.msk [tilespmem:v4+s3+$0x0], $0xffff  }
0x15b: {  	v16 =	vadd.s32 $0x6000, v8;
	[tilespmem:s12+$0x17800] =	vst v7;
	v10 =	vld.idx.msk [tilespmem:v10+s3+$0x0], $0xffff  }
0x15c: {  	[tilespmem:s16+$0x14800] =	vst v13;
	v7 =	vadd.s32 $0x1000, v29;
	v17 =	vld.idx.msk [tilespmem:v17+s3+$0x0], $0xffff  }
0x15d: {  	v9 =	vld.idx.msk [tilespmem:v9+s3+$0x0], $0xffff;
	[tilespmem:s15+$0x15C10] =	vst v11;
	v11 =	vadd.s32 $0xA000, v5  }
0x15e: {  	v20 =	vadd.s32 $0xE000, v3;
	v12 =	vld.idx.msk [tilespmem:v12+s3+$0x0], $0xffff;
	[tilespmem:s11+$0x17010] =	vst v14  }
0x15f: {  	v14 =	vadd.s32 $0x2000, v2;
	[tilespmem:s15+$0x15C00] =	vst v15;
	v18 =	vld.idx.msk [tilespmem:v6+s3+$0x0], $0xffff  }
0x160: {  	v13 =	vadd.s32 $0x7000, v1;
	[tilespmem:s12+$0x18410] =	vst v4;
	v16 =	vld.idx.msk [tilespmem:v16+s3+$0x0], $0xffff  }
0x161: {  	v36 =	vadd.s32 $0xF000, v3;
	v27 =	vadd.s32 $0x3000, v29;
	v15 =	vadd.s32 $0xC000, v0;
	v7 =	vld.idx.msk [tilespmem:v7+s3+$0x0], $0xffff;
	[tilespmem:s11+$0x16C00] =	vst v10  }
0x162: {  	v26 =	vadd.s32 $0x4000, v29;
	v24 =	vadd.s32 $0x5000, v29;
	v22 =	vadd.s32 $0x7000, v8;
	[tilespmem:s12+$0x17C00] =	vst v17;
	v11 =	vld.idx.msk [tilespmem:v11+s3+$0x0], $0xffff  }
0x163: {  	v25 =	vadd.s32 $0x8000, v29;
	v21 =	vadd.s32 $0xB000, v5;
	v10 =	vadd.s32 $0x2000, v29;
	[tilespmem:s16+$0x14C10] =	vst v9;
	v62 =	vld.idx.msk [tilespmem:v20+s3+$0x0], $0xffff  }
0x164: {  	v63 =	vadd.s32 $0xD000, v0;
	v19 =	vadd.s32 $0x8000, v8;
	v61 =	vadd.s32 $0x8000, v1;
	v23 =	vld.idx.msk [tilespmem:v14+s3+$0x0], $0xffff;
	[tilespmem:s15+$0x16010] =	vst v12  }
0x165: {  	v3 =	vadd.s32 $0xF000, v5;
	v6 =	vadd.s32 $0xD000, v5;
	v12 =	vld.idx.msk [tilespmem:v13+s3+$0x0], $0xffff;
	[tilespmem:s11+$0x17410] =	vst v18;
	v18 =	vadd.s32 $0x3000, v2  }
0x166: {  	v4 =	vadd.s32 $0xE000, v5;
	v17 =	vadd.s32 $0x9000, v8;
	v9 =	vadd.s32 $0xC000, v5;
	[tilespmem:s15+$0x16000] =	vst v16;
	v30 =	vld.idx.msk [tilespmem:v15+s3+$0x0], $0xffff  }
0x167: {  	v5 =	vadd.s32 $0xF000, v8;
	v20 =	vadd.s32 $0xA000, v29;
	v14 =	vadd.s32 $0xB000, v8;
	[tilespmem:s16+$0x14C00] =	vst v7;
	v31 =	vld.idx.msk [tilespmem:v22+s3+$0x0], $0xffff  }
0x168: {  	v13 =	vadd.s32 $0xC000, v8;
	v16 =	vadd.s32 $0xC000, v29;
	v15 =	vadd.s32 $0xA000, v8;
	v37 =	vld.idx.msk [tilespmem:v10+s3+$0x0], $0xffff;
	[tilespmem:s11+$0x17000] =	vst v11  }
0x169: {  	v7 =	vadd.s32 $0xE000, v8;
	v22 =	vadd.s32 $0x7000, v29;
	v10 =	vadd.s32 $0xD000, v8;
	[tilespmem:s16+$0x15010] =	vst v23;
	v28 =	vld.idx.msk [tilespmem:v21+s3+$0x0], $0xffff  }
0x16a: {  	v8 =	vadd.s32 $0xF000, v29;
	v11 =	vadd.s32 $0xE000, v29;
	[tilespmem:s12+$0x18000] =	vst v62;
	v23 =	vadd.s32 $0x6000, v29;
	v34 =	vld.idx.msk [tilespmem:v18+s3+$0x0], $0xffff  }
0x16b: {  	v21 =	vadd.s32 $0x9000, v29;
	[tilespmem:s15+$0x16410] =	vst v12;
	v18 =	vadd.s32 $0xB000, v29;
	v12 =	vadd.s32 $0xD000, v29;
	v29 =	vld.idx.msk [tilespmem:v36+s3+$0x0], $0xffff  }
0x16c: {  	v35 =	vadd.s32 $0x4000, v2;
	v32 =	vld.idx.msk [tilespmem:v61+s3+$0x0], $0xffff;
	[tilespmem:s11+$0x17810] =	vst v30  }
0x16d: {  	s18 =	simm.s32 $0x6;
	s19 =	simm.s32 $0x200;
	v33 =	vadd.s32 $0x9000, v1;
	v30 =	vld.idx.msk [tilespmem:v63+s3+$0x0], $0xffff;
	[tilespmem:s16+$0x15000] =	vst v37  }
.LBB2_4:
0x16e: {  	s20 =	sshra.s32 s19, $0x2;
	s18 =	sadd.s32 $0x2, s18;
	v27 =	vld.idx.msk [tilespmem:v27+s3+$0x0], $0xffff;
	[tilespmem:s15+$0x16400] =	vst v31;
	v31 =	vadd.s32 $0xE000, v0  }
0x16f: {  	v36 =	vld [tilespmem:s20+$0x10410];
	p0 =	slt.u32 s18, $0x3E;
	[tilespmem:s11+$0x17400] =	vst v28  }
0x170: {  	v28 =	vld [tilespmem:s20+$0x10400];
	[tilespmem:s16+$0x15410] =	vst v34  }
0x171: {  	v34 =	vld.idx.msk [tilespmem:v35+s3+$0x0], $0xffff;
	[tilespmem:s15+$0x16810] =	vst v32  }
0x172: {  	v32 =	vld.idx.msk [tilespmem:v33+s3+$0x0], $0xffff;
	[tilespmem:s11+$0x17C10] =	vst v30  }
0x173: {  	v30 =	vadd.s32 $0x5000, v2;
	v31 =	vld.idx.msk [tilespmem:v31+s3+$0x0], $0xffff;
	[tilespmem:s12+$0x18400] =	vst v29;
	s12 =	smov.u32 s11;
	s11 =	smov.u32 s15;
	s15 =	smov.u32 s16  }
0x174: {  	v33 =	vadd.s32 $0xA000, v1;
	s16 =	smov.u32 s20;
	[tilespmem:s15+$0x15400] =	vst v27;
	v29 =	vld.idx.msk [tilespmem:v19+s3+$0x0], $0xffff;
	v19 =	vmov v25  }
0x175: {  	v39 =	vadd.s32 $0xF000, v0;
	v0 =	vmovc v1;
	v1 =	vmovc v2;
	v35 =	vadd.s32 $0x1000, v28;
	v37 =	vadd.s32 $0x2000, v28;
	v38 =	vld.idx.msk [tilespmem:v26+s3+$0x0], $0xffff  }
0x176: {  	v2 =	vmovc v36;
	v27 =	vadd.s32 $0x3000, v28;
	v26 =	vadd.s32 $0x4000, v28;
	v40 =	vadd.s32 $0x5000, v28;
	v41 =	vld.idx.msk [tilespmem:v9+s3+$0x0], $0xffff;
	v9 =	vmovc v13  }
0x177: {  	v42 =	vadd.s32 $0x6000, v28;
	v43 =	vadd.s32 $0x7000, v28;
	v25 =	vadd.s32 $0x8000, v28;
	v13 =	vmovc v16;
	v36 =	vld.idx.msk [tilespmem:v36+s3+$0x0], $0xffff;
	[tilespmem:s15+$0x15810] =	vst v34  }
0x178: {  	v44 =	vadd.s32 $0xA000, v28;
	v45 =	vadd.s32 $0xB000, v28;
	v34 =	vadd.s32 $0x9000, v28;
	v30 =	vld.idx.msk [tilespmem:v30+s3+$0x0], $0xffff;
	[tilespmem:s11+$0x16C10] =	vst v32  }
0x179: {  	v46 =	vadd.s32 $0x1000, v2;
	v16 =	vadd.s32 $0xC000, v28;
	v32 =	vadd.s32 $0xD000, v28;
	v33 =	vld.idx.msk [tilespmem:v33+s3+$0x0], $0xffff;
	[tilespmem:s12+$0x18010] =	vst v31  }
0x17a: {  	v48 =	vadd.s32 $0x6000, v1;
	v47 =	vadd.s32 $0xF000, v28;
	v31 =	vadd.s32 $0xE000, v28;
	[tilespmem:s11+$0x16800] =	vst v29;
	v29 =	vld.idx.msk [tilespmem:v39+s3+$0x0], $0xffff  }
0x17b: {  	v28 =	vld.idx.msk [tilespmem:v28+s3+$0x0], $0xffff;
	[tilespmem:s15+$0x15800] =	vst v38;
	v38 =	vadd.s32 $0xB000, v0  }
0x17c: {  	v39 =	vld.idx.msk [tilespmem:v24+s3+$0x0], $0xffff;
	[tilespmem:s12+$0x17800] =	vst v41;
	v24 =	vmov v40  }
0x17d: {  	[tilespmem:s16+$0x14810] =	vst v36;
	v36 =	vld.idx.msk [tilespmem:v17+s3+$0x0], $0xffff;
	v17 =	vmov v21;
	v21 =	vmov v34  }
0x17e: {  	v34 =	vld.idx.msk [tilespmem:v46+s3+$0x0], $0xffff;
	[tilespmem:s15+$0x15C10] =	vst v30  }
0x17f: {  	v30 =	vld.idx.msk [tilespmem:v48+s3+$0x0], $0xffff;
	[tilespmem:s11+$0x17010] =	vst v33  }
0x180: {  	v33 =	vadd.s32 $0x2000, v2;
	v38 =	vld.idx.msk [tilespmem:v38+s3+$0x0], $0xffff;
	[tilespmem:s12+$0x18410] =	vst v29  }
0x181: {  	[tilespmem:s16+$0x14800] =	vst v28;
	v28 =	vadd.s32 $0x7000, v1;
	v29 =	vld.idx.msk [tilespmem:v6+s3+$0x0], $0xffff;
	v6 =	vmovc v10;
	v10 =	vmov v12;
	v12 =	vmov v32  }
0x182: {  	v32 =	vld.idx.msk [tilespmem:v35+s3+$0x0], $0xffff;
	[tilespmem:s15+$0x15C00] =	vst v39;
	v35 =	vadd.s32 $0xC000, v0  }
0x183: {  	v39 =	vld.idx.msk [tilespmem:v23+s3+$0x0], $0xffff;
	[tilespmem:s11+$0x16C00] =	vst v36;
	v23 =	vmov v42  }
0x184: {  	[tilespmem:s16+$0x14C10] =	vst v34;
	v34 =	vld.idx.msk [tilespmem:v15+s3+$0x0], $0xffff;
	v15 =	vmov v20;
	v20 =	vmov v44  }
0x185: {  	v33 =	vld.idx.msk [tilespmem:v33+s3+$0x0], $0xffff;
	[tilespmem:s15+$0x16010] =	vst v30  }
0x186: {  	v30 =	vld.idx.msk [tilespmem:v28+s3+$0x0], $0xffff;
	[tilespmem:s11+$0x17410] =	vst v38  }
0x187: {  	v36 =	vadd.s32 $0x3000, v2;
	v35 =	vld.idx.msk [tilespmem:v35+s3+$0x0], $0xffff;
	[tilespmem:s12+$0x17C00] =	vst v29  }
0x188: {  	v29 =	vadd.s32 $0x8000, v1;
	[tilespmem:s16+$0x14C00] =	vst v32;
	v38 =	vld.idx.msk [tilespmem:v4+s3+$0x0], $0xffff;
	v4 =	vmovc v7;
	v7 =	vmov v11;
	v11 =	vmov v31  }
0x189: {  	v37 =	vld.idx.msk [tilespmem:v37+s3+$0x0], $0xffff;
	[tilespmem:s15+$0x16000] =	vst v39;
	v39 =	vadd.s32 $0xD000, v0  }
0x18a: {  	v31 =	vld.idx.msk [tilespmem:v22+s3+$0x0], $0xffff;
	[tilespmem:s11+$0x17000] =	vst v34;
	v22 =	vmov v43  }
.Ltmp1:
0x18b: {  	[tilespmem:s16+$0x15010] =	vst v33;
	v28 =	vld.idx.msk [tilespmem:v14+s3+$0x0], $0xffff;
	v14 =	vmov v18;
	v18 =	vmov v45;
	(pc) =	sbr.rel @p0 .LBB2_4-.Ltmp1, $4  }
0x18c: {  	v34 =	vld.idx.msk [tilespmem:v36+s3+$0x0], $0xffff;
	[tilespmem:s15+$0x16410] =	vst v30  }
0x18d: {  	v32 =	vld.idx.msk [tilespmem:v29+s3+$0x0], $0xffff;
	[tilespmem:s11+$0x17810] =	vst v35  }
0x18e: {  	v35 =	vadd.s32 $0x4000, v2;
	v30 =	vld.idx.msk [tilespmem:v39+s3+$0x0], $0xffff;
	[tilespmem:s12+$0x18000] =	vst v38  }
0x18f: {  	s19 =	sadd.s32 $0x80, s19;
	v33 =	vadd.s32 $0x9000, v1;
	[tilespmem:s16+$0x15000] =	vst v37;
	v29 =	vld.idx.msk [tilespmem:v3+s3+$0x0], $0xffff;
	v3 =	vmovc v5;
	v5 =	vmov v8;
	v8 =	vmov v47  }
0x190: {  	_ =	sdelay $0x3  }
0x191: {  	v27 =	vld.idx.msk [tilespmem:v27+s3+$0x0], $0xffff;
	_ =	sdelay $0x3  }
0x192: {  	[tilespmem:s16+$0x15410] =	vst v34  }
0x193: {  	v34 =	vld.idx.msk [tilespmem:v35+s3+$0x0], $0xffff;
	[tilespmem:s16+$0x15400] =	vst v27  }
0x194: {  	v35 =	vadd.s32 $0x5000, v2;
	v26 =	vld.idx.msk [tilespmem:v26+s3+$0x0], $0xffff;
	_ =	sdelay $0x3  }
0x195: {  	[tilespmem:s16+$0x15810] =	vst v34  }
0x196: {  	v27 =	vld.idx.msk [tilespmem:v35+s3+$0x0], $0xffff;
	[tilespmem:s16+$0x15800] =	vst v26  }
0x197: {  	v36 =	vadd.s32 $0x6000, v2;
	v24 =	vld.idx.msk [tilespmem:v24+s3+$0x0], $0xffff;
	_ =	sdelay $0x3  }
0x198: {  	[tilespmem:s16+$0x15C10] =	vst v27  }
0x199: {  	v26 =	vld.idx.msk [tilespmem:v36+s3+$0x0], $0xffff;
	[tilespmem:s16+$0x15C00] =	vst v24  }
0x19a: {  	v37 =	vadd.s32 $0x7000, v2;
	v23 =	vld.idx.msk [tilespmem:v23+s3+$0x0], $0xffff;
	_ =	sdelay $0x3  }
0x19b: {  	[tilespmem:s16+$0x16010] =	vst v26  }
0x19c: {  	v24 =	vld.idx.msk [tilespmem:v37+s3+$0x0], $0xffff;
	[tilespmem:s16+$0x16000] =	vst v23  }
0x19d: {  	v38 =	vadd.s32 $0x8000, v2;
	v22 =	vld.idx.msk [tilespmem:v22+s3+$0x0], $0xffff;
	_ =	sdelay $0x2  }
0x19e: {  	[tilespmem:s15+$0x16400] =	vst v31  }
0x19f: {  	v19 =	vld.idx.msk [tilespmem:v19+s3+$0x0], $0xffff;
	[tilespmem:s16+$0x16410] =	vst v24  }
0x1a0: {  	v23 =	vld.idx.msk [tilespmem:v38+s3+$0x0], $0xffff;
	[tilespmem:s16+$0x16400] =	vst v22  }
0x1a1: {  	v39 =	vadd.s32 $0x9000, v2;
	v40 =	vld.idx.msk [tilespmem:v25+s3+$0x0], $0xffff;
	_ =	sdelay $0x1  }
0x1a2: {  	[tilespmem:s15+$0x16810] =	vst v32  }
0x1a3: {  	v41 =	vld.idx.msk [tilespmem:v33+s3+$0x0], $0xffff;
	[tilespmem:s15+$0x16800] =	vst v19  }
0x1a4: {  	v42 =	vadd.s32 $0xA000, v1;
	v17 =	vld.idx.msk [tilespmem:v17+s3+$0x0], $0xffff;
	[tilespmem:s16+$0x16810] =	vst v23  }
0x1a5: {  	v22 =	vld.idx.msk [tilespmem:v39+s3+$0x0], $0xffff;
	[tilespmem:s16+$0x16800] =	vst v40  }
0x1a6: {  	v43 =	vadd.s32 $0xA000, v2;
	v21 =	vld.idx.msk [tilespmem:v21+s3+$0x0], $0xffff;
	_ =	sdelay $0x1  }
0x1a7: {  	[tilespmem:s15+$0x16C10] =	vst v41  }
0x1a8: {  	v19 =	vld.idx.msk [tilespmem:v42+s3+$0x0], $0xffff;
	[tilespmem:s15+$0x16C00] =	vst v17  }
0x1a9: {  	v44 =	vadd.s32 $0xB000, v1;
	v15 =	vld.idx.msk [tilespmem:v15+s3+$0x0], $0xffff;
	[tilespmem:s16+$0x16C10] =	vst v22  }
0x1aa: {  	v22 =	vld.idx.msk [tilespmem:v43+s3+$0x0], $0xffff;
	[tilespmem:s16+$0x16C00] =	vst v21  }
0x1ab: {  	v45 =	vadd.s32 $0xB000, v2;
	v20 =	vld.idx.msk [tilespmem:v20+s3+$0x0], $0xffff;
	_ =	sdelay $0x1  }
0x1ac: {  	[tilespmem:s15+$0x17010] =	vst v19  }
0x1ad: {  	v17 =	vld.idx.msk [tilespmem:v44+s3+$0x0], $0xffff;
	[tilespmem:s15+$0x17000] =	vst v15  }
0x1ae: {  	v46 =	vadd.s32 $0xC000, v1;
	v14 =	vld.idx.msk [tilespmem:v14+s3+$0x0], $0xffff;
	[tilespmem:s16+$0x17010] =	vst v22  }
0x1af: {  	v47 =	vld.idx.msk [tilespmem:v45+s3+$0x0], $0xffff;
	[tilespmem:s16+$0x17000] =	vst v20  }
0x1b0: {  	v48 =	vadd.s32 $0xC000, v2;
	v18 =	vld.idx.msk [tilespmem:v18+s3+$0x0], $0xffff  }
0x1b1: {  	[tilespmem:s11+$0x17400] =	vst v28  }
0x1b2: {  	v9 =	vld.idx.msk [tilespmem:v9+s3+$0x0], $0xffff;
	[tilespmem:s15+$0x17410] =	vst v17  }
0x1b3: {  	v15 =	vld.idx.msk [tilespmem:v46+s3+$0x0], $0xffff;
	[tilespmem:s15+$0x17400] =	vst v14  }
0x1b4: {  	v49 =	vadd.s32 $0xD000, v1;
	v13 =	vld.idx.msk [tilespmem:v13+s3+$0x0], $0xffff;
	[tilespmem:s16+$0x17410] =	vst v47  }
0x1b5: {  	v50 =	vld.idx.msk [tilespmem:v48+s3+$0x0], $0xffff;
	[tilespmem:s16+$0x17400] =	vst v18  }
0x1b6: {  	v51 =	vadd.s32 $0xD000, v2;
	[tilespmem:s11+$0x17C10] =	vst v30;
	v16 =	vld.idx.msk [tilespmem:v16+s3+$0x0], $0xffff  }
0x1b7: {  	[tilespmem:s11+$0x17800] =	vst v9  }
0x1b8: {  	v52 =	vadd.s32 $0xE000, v0;
	v6 =	vld.idx.msk [tilespmem:v6+s3+$0x0], $0xffff;
	[tilespmem:s15+$0x17810] =	vst v15  }
0x1b9: {  	v14 =	vld.idx.msk [tilespmem:v49+s3+$0x0], $0xffff;
	[tilespmem:s15+$0x17800] =	vst v13  }
0x1ba: {  	v53 =	vadd.s32 $0xE000, v1;
	v10 =	vld.idx.msk [tilespmem:v10+s3+$0x0], $0xffff;
	[tilespmem:s16+$0x17810] =	vst v50  }
0x1bb: {  	v54 =	vld.idx.msk [tilespmem:v51+s3+$0x0], $0xffff;
	[tilespmem:s16+$0x17800] =	vst v16  }
0x1bc: {  	v55 =	vadd.s32 $0xE000, v2;
	[tilespmem:s12+$0x18400] =	vst v29;
	v12 =	vld.idx.msk [tilespmem:v12+s3+$0x0], $0xffff  }
0x1bd: {  	v9 =	vld.idx.msk [tilespmem:v52+s3+$0x0], $0xffff;
	[tilespmem:s11+$0x17C00] =	vst v6  }
0x1be: {  	v56 =	vadd.s32 $0xF000, v0;
	v4 =	vld.idx.msk [tilespmem:v4+s3+$0x0], $0xffff;
	[tilespmem:s15+$0x17C10] =	vst v14  }
0x1bf: {  	v57 =	vld.idx.msk [tilespmem:v53+s3+$0x0], $0xffff;
	[tilespmem:s15+$0x17C00] =	vst v10  }
0x1c0: {  	v58 =	vadd.s32 $0xF000, v1;
	v7 =	vld.idx.msk [tilespmem:v7+s3+$0x0], $0xffff;
	[tilespmem:s16+$0x17C10] =	vst v54  }
0x1c1: {  	v59 =	vld.idx.msk [tilespmem:v55+s3+$0x0], $0xffff;
	[tilespmem:s16+$0x17C00] =	vst v12  }
0x1c2: {  	v60 =	vadd.s32 $0xF000, v2;
	[tilespmem:s11+$0x18010] =	vst v9;
	v61 =	vld.idx.msk [tilespmem:v11+s3+$0x0], $0xffff  }
0x1c3: {  	v0 =	vld.idx.msk [tilespmem:v56+s3+$0x0], $0xffff;
	[tilespmem:s11+$0x18000] =	vst v4  }
0x1c4: {  	v3 =	vld.idx.msk [tilespmem:v3+s3+$0x0], $0xffff;
	[tilespmem:s15+$0x18010] =	vst v57  }
0x1c5: {  	v1 =	vld.idx.msk [tilespmem:v58+s3+$0x0], $0xffff;
	[tilespmem:s15+$0x18000] =	vst v7  }
0x1c6: {  	v62 =	vld.idx.msk [tilespmem:v5+s3+$0x0], $0xffff;
	[tilespmem:s16+$0x18010] =	vst v59  }
0x1c7: {  	v2 =	vld.idx.msk [tilespmem:v60+s3+$0x0], $0xffff;
	[tilespmem:s16+$0x18000] =	vst v61  }
0x1c8: {  	[tilespmem:s11+$0x18410] =	vst v0;
	v63 =	vld.idx.msk [tilespmem:v8+s3+$0x0], $0xffff  }
0x1c9: {  	[tilespmem:s11+$0x18400] =	vst v3  }
0x1ca: {  	[tilespmem:s15+$0x18410] =	vst v1  }
0x1cb: {  	[tilespmem:s15+$0x18400] =	vst v62  }
0x1cc: {  	[tilespmem:s16+$0x18410] =	vst v2  }
0x1cd: {  	[tilespmem:s16+$0x18400] =	vst v63  }
0x1ce: {  	s11 =	rddreg [dreg:$0x9]  }
0x1cf: {  	[tilespmem:s29], [sflag:$0x2] =	stream.linear.gather [hbm4b:s11+s3], $0x400, $0x38;
	[tilespmem:$0x18800] =	vst v63  }
0x1d0: {  	s25 =	rddreg [dreg:$0xa];
	s11 =	simm.s32 $0x1  }
0x1d1: {  	[hbm4b:s25+s31] =	stream.strided.scatter [tilespmem:s6], [sflag:$0x4], $0x4000, s0, s31, $0x38;
	[tilespmem:$0x18800] =	vst v63  }
.LBB2_6:
0x1d2: {  	_ =	swait.ge [sflag:s30], $0x400  }
0x1d3: {  	[sflag:s30] =	ssyncset.done $0x0  }
0x1d4: {  	[sflag:s30] =	ssyncadd.s32 $0xFFFFFC00  }
0x1d5: {  	_ =	swait.ge [sflag:s8], $0x4000  }
0x1d6: {  	[sflag:s8] =	ssyncset.done $0x0  }
0x1d7: {  	s12 =	simm.s32 $0x10010;
	[sflag:s8] =	ssyncadd.s32 $0xFFFFC000  }
0x1d8: {  	v4 =	vld [tilespmem:s12+$0x0];
	_ =	sdelay $0x3  }
0x1d9: {  	v3 =	vld [tilespmem:s12+$0xFFFFFFF0];
	_ =	sdelay $0x3  }
0x1da: {  	v0 =	vld.idx.msk [tilespmem:v4+s3+$0x0], $0xffff  }
0x1db: {  	v1 =	vadd.s32 $0x1000, v4;
	_ =	sdelay $0x2  }
0x1dc: {  	s12 =	simm.s32 $0x12800;
	v2 =	vld.idx.msk [tilespmem:v3+s3+$0x0], $0xffff  }
0x1dd: {  	v5 =	vadd.s32 $0x1000, v3;
	[tilespmem:s12+$0xFFFFE010] =	vst v0  }
0x1de: {  	v0 =	vld.idx.msk [tilespmem:v1+s3+$0x0], $0xffff  }
0x1df: {  	v1 =	vadd.s32 $0x2000, v4;
	_ =	sdelay $0x1  }
0x1e0: {  	[tilespmem:s12+$0xFFFFE000] =	vst v2  }
0x1e1: {  	v2 =	vld.idx.msk [tilespmem:v5+s3+$0x0], $0xffff  }
0x1e2: {  	v5 =	vadd.s32 $0x2000, v3;
	[tilespmem:s12+$0xFFFFE410] =	vst v0  }
0x1e3: {  	v0 =	vld.idx.msk [tilespmem:v1+s3+$0x0], $0xffff  }
0x1e4: {  	v1 =	vadd.s32 $0x3000, v4;
	_ =	sdelay $0x1  }
0x1e5: {  	[tilespmem:s12+$0xFFFFE400] =	vst v2  }
0x1e6: {  	v6 =	vld.idx.msk [tilespmem:v5+s3+$0x0], $0xffff  }
0x1e7: {  	v7 =	vadd.s32 $0x3000, v3;
	[tilespmem:s12+$0xFFFFE810] =	vst v0  }
0x1e8: {  	v1 =	vld.idx.msk [tilespmem:v1+s3+$0x0], $0xffff  }
0x1e9: {  	v2 =	vadd.s32 $0x4000, v4  }
0x1ea: {  	s15 =	simm.s32 $0x10030  }
0x1eb: {  	v0 =	vld [tilespmem:s15+$0x0];
	[tilespmem:s12+$0xFFFFE800] =	vst v6  }
0x1ec: {  	v6 =	vld.idx.msk [tilespmem:v7+s3+$0x0], $0xffff  }
0x1ed: {  	v7 =	vadd.s32 $0x4000, v3;
	[tilespmem:s12+$0xFFFFEC10] =	vst v1  }
0x1ee: {  	v1 =	vld.idx.msk [tilespmem:v2+s3+$0x0], $0xffff  }
0x1ef: {  	v5 =	vld [tilespmem:s15+$0xFFFFFFF0];
	v2 =	vadd.s32 $0x5000, v4;
	_ =	sdelay $0x1  }
0x1f0: {  	[tilespmem:s12+$0xFFFFEC00] =	vst v6  }
0x1f1: {  	v7 =	vld.idx.msk [tilespmem:v7+s3+$0x0], $0xffff  }
0x1f2: {  	v11 =	vadd.s32 $0x5000, v3;
	v8 =	vld.idx.msk [tilespmem:v0+s3+$0x0], $0xffff;
	[tilespmem:s12+$0xFFFFF010] =	vst v1  }
0x1f3: {  	v1 =	vld.idx.msk [tilespmem:v2+s3+$0x0], $0xffff;
	v2 =	vadd.s32 $0x1000, v0;
	_ =	sdelay $0x1  }
0x1f4: {  	v9 =	vadd.s32 $0x6000, v4  }
0x1f5: {  	s15 =	simm.s32 $0x12820;
	v10 =	vld.idx.msk [tilespmem:v5+s3+$0x0], $0xffff;
	[tilespmem:s12+$0xFFFFF000] =	vst v7  }
0x1f6: {  	v6 =	vadd.s32 $0x1000, v5;
	[tilespmem:s15+$0xFFFFE010] =	vst v8;
	v7 =	vld.idx.msk [tilespmem:v11+s3+$0x0], $0xffff  }
0x1f7: {  	v11 =	vadd.s32 $0x6000, v3;
	v2 =	vld.idx.msk [tilespmem:v2+s3+$0x0], $0xffff  }
0x1f8: {  	v8 =	vadd.s32 $0x2000, v0;
	[tilespmem:s12+$0xFFFFF410] =	vst v1  }
0x1f9: {  	v1 =	vld.idx.msk [tilespmem:v9+s3+$0x0], $0xffff  }
0x1fa: {  	[tilespmem:s15+$0xFFFFE000] =	vst v10;
	v9 =	vadd.s32 $0x7000, v4  }
0x1fb: {  	v6 =	vld.idx.msk [tilespmem:v6+s3+$0x0], $0xffff;
	[tilespmem:s12+$0xFFFFF400] =	vst v7  }
0x1fc: {  	v10 =	vadd.s32 $0x2000, v5;
	v7 =	vld.idx.msk [tilespmem:v11+s3+$0x0], $0xffff;
	[tilespmem:s15+$0xFFFFE410] =	vst v2  }
0x1fd: {  	v11 =	vadd.s32 $0x7000, v3;
	v2 =	vld.idx.msk [tilespmem:v8+s3+$0x0], $0xffff  }
0x1fe: {  	[tilespmem:s12+$0xFFFFF810] =	vst v1;
	v8 =	vadd.s32 $0x3000, v0  }
0x1ff: {  	v1 =	vld.idx.msk [tilespmem:v9+s3+$0x0], $0xffff  }
0x200: {  	[tilespmem:s15+$0xFFFFE400] =	vst v6;
	v6 =	vadd.s32 $0x8000, v4  }
0x201: {  	[tilespmem:s12+$0xFFFFF800] =	vst v7;
	v9 =	vld.idx.msk [tilespmem:v10+s3+$0x0], $0xffff  }
0x202: {  	v10 =	vadd.s32 $0x3000, v5;
	v11 =	vld.idx.msk [tilespmem:v11+s3+$0x0], $0xffff;
	[tilespmem:s15+$0xFFFFE810] =	vst v2  }
0x203: {  	s16 =	simm.s32 $0x10050;
	v2 =	vld.idx.msk [tilespmem:v8+s3+$0x0], $0xffff  }
0x204: {  	v12 =	vadd.s32 $0x4000, v0;
	[tilespmem:s12+$0xFFFFFC10] =	vst v1;
	v1 =	vld [tilespmem:s16+$0x0]  }
0x205: {  	v13 =	vadd.s32 $0x8000, v3;
	v6 =	vld.idx.msk [tilespmem:v6+s3+$0x0], $0xffff  }
0x206: {  	[tilespmem:s15+$0xFFFFE800] =	vst v9;
	v9 =	vadd.s32 $0x9000, v4;
	v8 =	vld [tilespmem:s16+$0xFFFFFFF0]  }
0x207: {  	v10 =	vld.idx.msk [tilespmem:v10+s3+$0x0], $0xffff  }
0x208: {  	v7 =	vadd.s32 $0x4000, v5;
	[tilespmem:s15+$0xFFFFEC10] =	vst v2  }
0x209: {  	[tilespmem:s12+$0xFFFFFC00] =	vst v11;
	v2 =	vld.idx.msk [tilespmem:v12+s3+$0x0], $0xffff  }
0x20a: {  	[tilespmem:s12+$0x10] =	vst v6;
	v12 =	vld.idx.msk [tilespmem:v13+s3+$0x0], $0xffff  }
0x20b: {  	v6 =	vld.idx.msk [tilespmem:v9+s3+$0x0], $0xffff;
	v9 =	vadd.s32 $0x5000, v0  }
0x20c: {  	[tilespmem:s15+$0xFFFFEC00] =	vst v10;
	v13 =	vadd.s32 $0x9000, v3  }
0x20d: {  	v10 =	vadd.s32 $0xA000, v4;
	v7 =	vld.idx.msk [tilespmem:v7+s3+$0x0], $0xffff  }
0x20e: {  	v11 =	vadd.s32 $0x5000, v5;
	v15 =	vld.idx.msk [tilespmem:v8+s3+$0x0], $0xffff;
	[tilespmem:s15+$0xFFFFF010] =	vst v2  }
0x20f: {  	v16 =	vadd.s32 $0x1000, v8;
	v14 =	vld.idx.msk [tilespmem:v1+s3+$0x0], $0xffff;
	[tilespmem:s12+$0x0] =	vst v12  }
0x210: {  	v2 =	vld.idx.msk [tilespmem:v9+s3+$0x0], $0xffff;
	[tilespmem:s12+$0x410] =	vst v6;
	v6 =	vadd.s32 $0x1000, v1  }
0x211: {  	v13 =	vld.idx.msk [tilespmem:v13+s3+$0x0], $0xffff  }
0x212: {  	s16 =	simm.s32 $0x12840;
	[tilespmem:s15+$0xFFFFF000] =	vst v7;
	v9 =	vld.idx.msk [tilespmem:v10+s3+$0x0], $0xffff;
	v10 =	vadd.s32 $0x6000, v0  }
0x213: {  	v7 =	vadd.s32 $0xB000, v4;
	v11 =	vld.idx.msk [tilespmem:v11+s3+$0x0], $0xffff;
	[tilespmem:s16+$0xFFFFE000] =	vst v15  }
0x214: {  	v12 =	vadd.s32 $0x6000, v5;
	[tilespmem:s16+$0xFFFFE010] =	vst v14;
	v15 =	vld.idx.msk [tilespmem:v16+s3+$0x0], $0xffff  }
0x215: {  	s18 =	simm.s32 $0x10070;
	v14 =	vadd.s32 $0xA000, v3;
	v6 =	vld.idx.msk [tilespmem:v6+s3+$0x0], $0xffff;
	[tilespmem:s15+$0xFFFFF410] =	vst v2  }
0x216: {  	v27 =	vld [tilespmem:s18+$0xFFFFFFF0];
	v16 =	vadd.s32 $0x2000, v8;
	[tilespmem:s12+$0x400] =	vst v13  }
0x217: {  	v2 =	vld.idx.msk [tilespmem:v10+s3+$0x0], $0xffff;
	[tilespmem:s12+$0x810] =	vst v9;
	v9 =	vadd.s32 $0x2000, v1  }
0x218: {  	v10 =	vadd.s32 $0x7000, v0;
	[tilespmem:s15+$0xFFFFF400] =	vst v11;
	v7 =	vld.idx.msk [tilespmem:v7+s3+$0x0], $0xffff  }
0x219: {  	v11 =	vadd.s32 $0xC000, v4;
	v12 =	vld.idx.msk [tilespmem:v12+s3+$0x0], $0xffff;
	[tilespmem:s16+$0xFFFFE400] =	vst v15  }
0x21a: {  	v13 =	vadd.s32 $0x7000, v5;
	[tilespmem:s16+$0xFFFFE410] =	vst v6;
	v6 =	vld.idx.msk [tilespmem:v14+s3+$0x0], $0xffff  }
0x21b: {  	v15 =	vld.idx.msk [tilespmem:v16+s3+$0x0], $0xffff;
	v14 =	vadd.s32 $0xB000, v3  }
0x21c: {  	v16 =	vadd.s32 $0x3000, v8;
	v9 =	vld.idx.msk [tilespmem:v9+s3+$0x0], $0xffff;
	[tilespmem:s15+$0xFFFFF810] =	vst v2  }
0x21d: {  	v2 =	vld.idx.msk [tilespmem:v10+s3+$0x0], $0xffff;
	[tilespmem:s12+$0xC10] =	vst v7;
	v7 =	vadd.s32 $0x3000, v1  }
0x21e: {  	[tilespmem:s15+$0xFFFFF800] =	vst v12;
	v10 =	vld.idx.msk [tilespmem:v11+s3+$0x0], $0xffff  }
0x21f: {  	v11 =	vadd.s32 $0x8000, v0;
	v13 =	vld.idx.msk [tilespmem:v13+s3+$0x0], $0xffff;
	[tilespmem:s12+$0x800] =	vst v6  }
0x220: {  	v12 =	vadd.s32 $0xD000, v4;
	[tilespmem:s16+$0xFFFFE800] =	vst v15;
	v6 =	vld.idx.msk [tilespmem:v14+s3+$0x0], $0xffff  }
0x221: {  	[tilespmem:s16+$0xFFFFE810] =	vst v9;
	v14 =	vld.idx.msk [tilespmem:v16+s3+$0x0], $0xffff  }
0x222: {  	v16 =	vadd.s32 $0x8000, v5;
	v7 =	vld.idx.msk [tilespmem:v7+s3+$0x0], $0xffff  }
0x223: {  	v17 =	vadd.s32 $0x4000, v8;
	[tilespmem:s15+$0xFFFFFC10] =	vst v2;
	v2 =	vld [tilespmem:s18+$0x0]  }
0x224: {  	v9 =	vld.idx.msk [tilespmem:v11+s3+$0x0], $0xffff;
	[tilespmem:s12+$0x1010] =	vst v10;
	v10 =	vadd.s32 $0x4000, v1  }
0x225: {  	[tilespmem:s15+$0xFFFFFC00] =	vst v13;
	v11 =	vld.idx.msk [tilespmem:v12+s3+$0x0], $0xffff;
	v12 =	vadd.s32 $0x9000, v0  }
0x226: {  	v15 =	vadd.s32 $0xE000, v4;
	[tilespmem:s16+$0xFFFFEC00] =	vst v14  }
0x227: {  	v13 =	vld.idx.msk [tilespmem:v16+s3+$0x0], $0xffff;
	[tilespmem:s12+$0xC00] =	vst v6  }
0x228: {  	[tilespmem:s16+$0xFFFFEC10] =	vst v7;
	v6 =	vld.idx.msk [tilespmem:v17+s3+$0x0], $0xffff  }
0x229: {  	v7 =	vadd.s32 $0xC000, v3;
	v10 =	vld.idx.msk [tilespmem:v10+s3+$0x0], $0xffff;
	[tilespmem:s15+$0x10] =	vst v9  }
0x22a: {  	v9 =	vld.idx.msk [tilespmem:v12+s3+$0x0], $0xffff;
	[tilespmem:s12+$0x1410] =	vst v11;
	v11 =	vadd.s32 $0x5000, v1  }
0x22b: {  	v14 =	vadd.s32 $0xA000, v0;
	v12 =	vld.idx.msk [tilespmem:v15+s3+$0x0], $0xffff  }
0x22c: {  	v15 =	vadd.s32 $0x5000, v8;
	v16 =	vld.idx.msk [tilespmem:v2+s3+$0x0], $0xffff  }
0x22d: {  	v4 =	vadd.s32 $0xF000, v4;
	[tilespmem:s15+$0x0] =	vst v13;
	v13 =	vld.idx.msk [tilespmem:v27+s3+$0x0], $0xffff  }
0x22e: {  	v7 =	vld.idx.msk [tilespmem:v7+s3+$0x0], $0xffff;
	[tilespmem:s16+$0xFFFFF010] =	vst v10;
	v10 =	vadd.s32 $0x9000, v5  }
0x22f: {  	v17 =	vadd.s32 $0xD000, v3;
	v11 =	vld.idx.msk [tilespmem:v11+s3+$0x0], $0xffff;
	[tilespmem:s15+$0x410] =	vst v9  }
0x230: {  	[tilespmem:s16+$0xFFFFF000] =	vst v6;
	v9 =	vadd.s32 $0x1000, v2;
	v14 =	vld.idx.msk [tilespmem:v14+s3+$0x0], $0xffff  }
0x231: {  	s18 =	simm.s32 $0x12860;
	[tilespmem:s12+$0x1810] =	vst v12;
	v12 =	vadd.s32 $0x6000, v1;
	v15 =	vld.idx.msk [tilespmem:v15+s3+$0x0], $0xffff  }
0x232: {  	v6 =	vadd.s32 $0xB000, v0;
	[tilespmem:s18+$0xFFFFE010] =	vst v16;
	v4 =	vld.idx.msk [tilespmem:v4+s3+$0x0], $0xffff  }
0x233: {  	v16 =	vadd.s32 $0x6000, v8;
	[tilespmem:s12+$0x1000] =	vst v7;
	v10 =	vld.idx.msk [tilespmem:v10+s3+$0x0], $0xffff  }
0x234: {  	[tilespmem:s18+$0xFFFFE000] =	vst v13;
	v7 =	vadd.s32 $0x1000, v27;
	v13 =	vld.idx.msk [tilespmem:v17+s3+$0x0], $0xffff  }
0x235: {  	v9 =	vld.idx.msk [tilespmem:v9+s3+$0x0], $0xffff;
	[tilespmem:s16+$0xFFFFF410] =	vst v11;
	v11 =	vadd.s32 $0xA000, v5  }
0x236: {  	v17 =	vadd.s32 $0xE000, v3;
	v12 =	vld.idx.msk [tilespmem:v12+s3+$0x0], $0xffff;
	[tilespmem:s15+$0x810] =	vst v14  }
0x237: {  	v14 =	vadd.s32 $0x2000, v2;
	[tilespmem:s16+$0xFFFFF400] =	vst v15;
	v6 =	vld.idx.msk [tilespmem:v6+s3+$0x0], $0xffff  }
0x238: {  	[tilespmem:s12+$0x1C10] =	vst v4;
	v4 =	vadd.s32 $0x7000, v1;
	v16 =	vld.idx.msk [tilespmem:v16+s3+$0x0], $0xffff  }
0x239: {  	v15 =	vadd.s32 $0xC000, v0;
	v7 =	vld.idx.msk [tilespmem:v7+s3+$0x0], $0xffff;
	[tilespmem:s15+$0x400] =	vst v10  }
0x23a: {  	v18 =	vadd.s32 $0x7000, v8;
	[tilespmem:s12+$0x1400] =	vst v13;
	v11 =	vld.idx.msk [tilespmem:v11+s3+$0x0], $0xffff  }
0x23b: {  	v30 =	vadd.s32 $0xF000, v3;
	v37 =	vadd.s32 $0x3000, v27;
	v10 =	vadd.s32 $0x2000, v27;
	[tilespmem:s18+$0xFFFFE410] =	vst v9;
	v32 =	vld.idx.msk [tilespmem:v17+s3+$0x0], $0xffff  }
0x23c: {  	v26 =	vadd.s32 $0x4000, v27;
	v24 =	vadd.s32 $0x5000, v27;
	v20 =	vld.idx.msk [tilespmem:v14+s3+$0x0], $0xffff;
	[tilespmem:s16+$0xFFFFF810] =	vst v12;
	v12 =	vadd.s32 $0xB000, v5  }
0x23d: {  	v23 =	vadd.s32 $0x6000, v27;
	v25 =	vadd.s32 $0x8000, v27;
	v22 =	vadd.s32 $0x3000, v2;
	v21 =	vld.idx.msk [tilespmem:v4+s3+$0x0], $0xffff;
	[tilespmem:s15+$0xC10] =	vst v6  }
0x23e: {  	v35 =	vadd.s32 $0xD000, v0;
	v19 =	vadd.s32 $0x8000, v8;
	v31 =	vadd.s32 $0x8000, v1;
	[tilespmem:s16+$0xFFFFF800] =	vst v16;
	v29 =	vld.idx.msk [tilespmem:v15+s3+$0x0], $0xffff  }
0x23f: {  	v3 =	vadd.s32 $0xF000, v5;
	v13 =	vadd.s32 $0xC000, v8;
	v9 =	vadd.s32 $0xC000, v5;
	[tilespmem:s18+$0xFFFFE400] =	vst v7;
	v36 =	vld.idx.msk [tilespmem:v18+s3+$0x0], $0xffff  }
0x240: {  	v17 =	vadd.s32 $0x9000, v8;
	v14 =	vadd.s32 $0xB000, v8;
	v6 =	vadd.s32 $0xD000, v5;
	v34 =	vld.idx.msk [tilespmem:v10+s3+$0x0], $0xffff;
	[tilespmem:s15+$0x800] =	vst v11  }
0x241: {  	v4 =	vadd.s32 $0xE000, v5;
	v5 =	vadd.s32 $0xF000, v8;
	v16 =	vadd.s32 $0xC000, v27;
	[tilespmem:s18+$0xFFFFE810] =	vst v20;
	v28 =	vld.idx.msk [tilespmem:v12+s3+$0x0], $0xffff  }
0x242: {  	v15 =	vadd.s32 $0xA000, v8;
	v7 =	vadd.s32 $0xE000, v8;
	v18 =	vadd.s32 $0xB000, v27;
	v33 =	vld.idx.msk [tilespmem:v22+s3+$0x0], $0xffff;
	[tilespmem:s16+$0xFFFFFC10] =	vst v21  }
0x243: {  	v10 =	vadd.s32 $0xD000, v8;
	v8 =	vadd.s32 $0xF000, v27;
	v11 =	vadd.s32 $0xE000, v27;
	v31 =	vld.idx.msk [tilespmem:v31+s3+$0x0], $0xffff;
	[tilespmem:s15+$0x1010] =	vst v29  }
0x244: {  	[tilespmem:s12+$0x1800] =	vst v32;
	v32 =	vadd.s32 $0x9000, v1;
	v20 =	vadd.s32 $0xA000, v27;
	v29 =	vld.idx.msk [tilespmem:v35+s3+$0x0], $0xffff;
	v35 =	vadd.s32 $0x4000, v2  }
0x245: {  	v12 =	vadd.s32 $0xD000, v27;
	v22 =	vadd.s32 $0x7000, v27;
	v21 =	vadd.s32 $0x9000, v27;
	v27 =	vld.idx.msk [tilespmem:v30+s3+$0x0], $0xffff;
	[tilespmem:s18+$0xFFFFE800] =	vst v34  }
0x246: {  	s19 =	simm.s32 $0x6;
	s20 =	simm.s32 $0x10090;
	v30 =	vadd.s32 $0xE000, v0;
	[tilespmem:s16+$0xFFFFFC00] =	vst v36;
	v34 =	vld.idx.msk [tilespmem:v37+s3+$0x0], $0xffff  }
.LBB2_7:
0x247: {  	v36 =	vld [tilespmem:s20+$0x0];
	s19 =	sadd.s32 $0x2, s19;
	[tilespmem:s15+$0xC00] =	vst v28  }
0x248: {  	v28 =	vld [tilespmem:s20+$0xFFFFFFF0];
	p0 =	slt.u32 s19, $0x3E;
	[tilespmem:s18+$0xFFFFEC10] =	vst v33  }
0x249: {  	v33 =	vld.idx.msk [tilespmem:v35+s3+$0x0], $0xffff;
	[tilespmem:s16+$0x10] =	vst v31  }
0x24a: {  	v31 =	vld.idx.msk [tilespmem:v32+s3+$0x0], $0xffff;
	[tilespmem:s15+$0x1410] =	vst v29  }
0x24b: {  	v29 =	vadd.s32 $0x5000, v2;
	v30 =	vld.idx.msk [tilespmem:v30+s3+$0x0], $0xffff;
	[tilespmem:s12+$0x1C00] =	vst v27;
	s12 =	smov.u32 s15;
	s15 =	smov.u32 s16;
	s16 =	smov.u32 s18  }
0x24c: {  	v32 =	vadd.s32 $0xA000, v1;
	[tilespmem:s18+$0xFFFFEC00] =	vst v34;
	v27 =	vld.idx.msk [tilespmem:v19+s3+$0x0], $0xffff;
	v19 =	vmov v25  }
0x24d: {  	v38 =	vadd.s32 $0xF000, v0;
	v0 =	vmovc v1;
	v1 =	vmovc v2;
	v34 =	vadd.s32 $0x1000, v28;
	v35 =	vadd.s32 $0x2000, v28;
	v37 =	vld.idx.msk [tilespmem:v26+s3+$0x0], $0xffff  }
0x24e: {  	v2 =	vmovc v36;
	v39 =	vadd.s32 $0x3000, v28;
	v26 =	vadd.s32 $0x4000, v28;
	v40 =	vadd.s32 $0x5000, v28;
	v41 =	vld.idx.msk [tilespmem:v9+s3+$0x0], $0xffff;
	v9 =	vmovc v13  }
0x24f: {  	v42 =	vadd.s32 $0x6000, v28;
	v43 =	vadd.s32 $0x7000, v28;
	v25 =	vadd.s32 $0x8000, v28;
	v13 =	vmovc v16;
	v36 =	vld.idx.msk [tilespmem:v36+s3+$0x0], $0xffff;
	[tilespmem:s18+$0xFFFFF010] =	vst v33  }
0x250: {  	v44 =	vadd.s32 $0xA000, v28;
	v45 =	vadd.s32 $0xB000, v28;
	v33 =	vadd.s32 $0x9000, v28;
	v29 =	vld.idx.msk [tilespmem:v29+s3+$0x0], $0xffff;
	[tilespmem:s15+$0x410] =	vst v31  }
0x251: {  	v46 =	vadd.s32 $0x1000, v2;
	v16 =	vadd.s32 $0xC000, v28;
	v31 =	vadd.s32 $0xD000, v28;
	v32 =	vld.idx.msk [tilespmem:v32+s3+$0x0], $0xffff;
	[tilespmem:s12+$0x1810] =	vst v30  }
0x252: {  	v48 =	vadd.s32 $0x6000, v1;
	v47 =	vadd.s32 $0xF000, v28;
	v30 =	vadd.s32 $0xE000, v28;
	[tilespmem:s15+$0x0] =	vst v27;
	v27 =	vld.idx.msk [tilespmem:v38+s3+$0x0], $0xffff  }
0x253: {  	v28 =	vld.idx.msk [tilespmem:v28+s3+$0x0], $0xffff;
	[tilespmem:s18+$0xFFFFF000] =	vst v37;
	v37 =	vadd.s32 $0xB000, v0  }
0x254: {  	s18 =	sadd.s32 $0x20, s18;
	v38 =	vld.idx.msk [tilespmem:v24+s3+$0x0], $0xffff;
	[tilespmem:s12+$0x1000] =	vst v41;
	v24 =	vmov v40  }
0x255: {  	[tilespmem:s18+$0xFFFFE010] =	vst v36;
	v36 =	vld.idx.msk [tilespmem:v17+s3+$0x0], $0xffff;
	v17 =	vmov v21;
	v21 =	vmov v33  }
0x256: {  	v33 =	vld.idx.msk [tilespmem:v46+s3+$0x0], $0xffff;
	[tilespmem:s16+$0xFFFFF410] =	vst v29  }
0x257: {  	v29 =	vld.idx.msk [tilespmem:v48+s3+$0x0], $0xffff;
	[tilespmem:s15+$0x810] =	vst v32  }
0x258: {  	v32 =	vadd.s32 $0x2000, v2;
	v37 =	vld.idx.msk [tilespmem:v37+s3+$0x0], $0xffff;
	[tilespmem:s12+$0x1C10] =	vst v27  }
0x259: {  	v27 =	vadd.s32 $0x7000, v1;
	[tilespmem:s18+$0xFFFFE000] =	vst v28;
	v28 =	vld.idx.msk [tilespmem:v6+s3+$0x0], $0xffff;
	v6 =	vmovc v10;
	v10 =	vmov v12;
	v12 =	vmov v31  }
0x25a: {  	v31 =	vld.idx.msk [tilespmem:v34+s3+$0x0], $0xffff;
	[tilespmem:s16+$0xFFFFF400] =	vst v38;
	v34 =	vadd.s32 $0xC000, v0  }
0x25b: {  	v38 =	vld.idx.msk [tilespmem:v23+s3+$0x0], $0xffff;
	[tilespmem:s15+$0x400] =	vst v36;
	v23 =	vmov v42  }
0x25c: {  	[tilespmem:s18+$0xFFFFE410] =	vst v33;
	v33 =	vld.idx.msk [tilespmem:v15+s3+$0x0], $0xffff;
	v15 =	vmov v20;
	v20 =	vmov v44  }
0x25d: {  	v32 =	vld.idx.msk [tilespmem:v32+s3+$0x0], $0xffff;
	[tilespmem:s16+$0xFFFFF810] =	vst v29  }
0x25e: {  	v27 =	vld.idx.msk [tilespmem:v27+s3+$0x0], $0xffff;
	[tilespmem:s15+$0xC10] =	vst v37  }
0x25f: {  	v29 =	vadd.s32 $0x3000, v2;
	v34 =	vld.idx.msk [tilespmem:v34+s3+$0x0], $0xffff;
	[tilespmem:s12+$0x1400] =	vst v28  }
0x260: {  	[tilespmem:s18+$0xFFFFE400] =	vst v31;
	v31 =	vadd.s32 $0x8000, v1;
	v36 =	vld.idx.msk [tilespmem:v4+s3+$0x0], $0xffff;
	v4 =	vmovc v7;
	v7 =	vmov v11;
	v11 =	vmov v30  }
0x261: {  	v37 =	vadd.s32 $0xD000, v0;
	v30 =	vld.idx.msk [tilespmem:v35+s3+$0x0], $0xffff;
	[tilespmem:s16+$0xFFFFF800] =	vst v38  }
0x262: {  	v38 =	vld.idx.msk [tilespmem:v22+s3+$0x0], $0xffff;
	[tilespmem:s15+$0x800] =	vst v33;
	v22 =	vmov v43  }
0x263: {  	[tilespmem:s18+$0xFFFFE810] =	vst v32;
	v28 =	vld.idx.msk [tilespmem:v14+s3+$0x0], $0xffff;
	v14 =	vmov v18;
	v18 =	vmov v45  }
.Ltmp2:
0x264: {  	v33 =	vld.idx.msk [tilespmem:v29+s3+$0x0], $0xffff;
	[tilespmem:s16+$0xFFFFFC10] =	vst v27;
	(pc) =	sbr.rel @p0 .LBB2_7-.Ltmp2, $4  }
0x265: {  	v31 =	vld.idx.msk [tilespmem:v31+s3+$0x0], $0xffff;
	[tilespmem:s15+$0x1010] =	vst v34  }
0x266: {  	v35 =	vadd.s32 $0x4000, v2;
	v29 =	vld.idx.msk [tilespmem:v37+s3+$0x0], $0xffff;
	[tilespmem:s12+$0x1800] =	vst v36  }
0x267: {  	v32 =	vadd.s32 $0x9000, v1;
	[tilespmem:s18+$0xFFFFE800] =	vst v30;
	v27 =	vld.idx.msk [tilespmem:v3+s3+$0x0], $0xffff;
	v3 =	vmovc v5;
	v5 =	vmov v8;
	v8 =	vmov v47  }
0x268: {  	s20 =	sadd.s32 $0x20, s20;
	v30 =	vadd.s32 $0xE000, v0;
	v34 =	vld.idx.msk [tilespmem:v39+s3+$0x0], $0xffff;
	[tilespmem:s16+$0xFFFFFC00] =	vst v38  }
0x269: {  	_ =	sdelay $0x2  }
0x26a: {  	[tilespmem:s18+$0xFFFFEC10] =	vst v33  }
0x26b: {  	v33 =	vld.idx.msk [tilespmem:v35+s3+$0x0], $0xffff;
	[tilespmem:s18+$0xFFFFEC00] =	vst v34  }
0x26c: {  	v60 =	vadd.s32 $0x5000, v2;
	v26 =	vld.idx.msk [tilespmem:v26+s3+$0x0], $0xffff;
	_ =	sdelay $0x3  }
0x26d: {  	[tilespmem:s18+$0xFFFFF010] =	vst v33  }
0x26e: {  	v33 =	vld.idx.msk [tilespmem:v60+s3+$0x0], $0xffff;
	[tilespmem:s18+$0xFFFFF000] =	vst v26  }
0x26f: {  	v26 =	vadd.s32 $0x6000, v2;
	v24 =	vld.idx.msk [tilespmem:v24+s3+$0x0], $0xffff;
	_ =	sdelay $0x3  }
0x270: {  	[tilespmem:s18+$0xFFFFF410] =	vst v33  }
0x271: {  	v26 =	vld.idx.msk [tilespmem:v26+s3+$0x0], $0xffff;
	[tilespmem:s18+$0xFFFFF400] =	vst v24  }
0x272: {  	v24 =	vadd.s32 $0x7000, v2;
	v23 =	vld.idx.msk [tilespmem:v23+s3+$0x0], $0xffff;
	_ =	sdelay $0x3  }
0x273: {  	[tilespmem:s18+$0xFFFFF810] =	vst v26  }
0x274: {  	v24 =	vld.idx.msk [tilespmem:v24+s3+$0x0], $0xffff;
	[tilespmem:s18+$0xFFFFF800] =	vst v23  }
0x275: {  	v23 =	vadd.s32 $0x8000, v2;
	v22 =	vld.idx.msk [tilespmem:v22+s3+$0x0], $0xffff;
	_ =	sdelay $0x2  }
0x276: {  	v19 =	vld.idx.msk [tilespmem:v19+s3+$0x0], $0xffff  }
0x277: {  	[tilespmem:s18+$0xFFFFFC10] =	vst v24  }
0x278: {  	v23 =	vld.idx.msk [tilespmem:v23+s3+$0x0], $0xffff;
	[tilespmem:s18+$0xFFFFFC00] =	vst v22  }
0x279: {  	v22 =	vadd.s32 $0x9000, v2;
	v24 =	vld.idx.msk [tilespmem:v25+s3+$0x0], $0xffff;
	_ =	sdelay $0x1  }
0x27a: {  	[tilespmem:s16+$0x0] =	vst v19  }
0x27b: {  	[tilespmem:s16+$0x10] =	vst v31;
	v17 =	vld.idx.msk [tilespmem:v17+s3+$0x0], $0xffff  }
0x27c: {  	v25 =	vld.idx.msk [tilespmem:v32+s3+$0x0], $0xffff;
	[tilespmem:s18+$0x10] =	vst v23  }
0x27d: {  	v19 =	vadd.s32 $0xA000, v1;
	v22 =	vld.idx.msk [tilespmem:v22+s3+$0x0], $0xffff;
	[tilespmem:s18+$0x0] =	vst v24  }
0x27e: {  	v23 =	vadd.s32 $0xA000, v2;
	v21 =	vld.idx.msk [tilespmem:v21+s3+$0x0], $0xffff;
	_ =	sdelay $0x1  }
0x27f: {  	[tilespmem:s16+$0x400] =	vst v17  }
0x280: {  	v15 =	vld.idx.msk [tilespmem:v15+s3+$0x0], $0xffff;
	[tilespmem:s16+$0x410] =	vst v25  }
0x281: {  	v19 =	vld.idx.msk [tilespmem:v19+s3+$0x0], $0xffff;
	[tilespmem:s18+$0x410] =	vst v22  }
0x282: {  	v17 =	vadd.s32 $0xB000, v1;
	v22 =	vld.idx.msk [tilespmem:v23+s3+$0x0], $0xffff;
	[tilespmem:s18+$0x400] =	vst v21  }
0x283: {  	v21 =	vadd.s32 $0xB000, v2;
	v20 =	vld.idx.msk [tilespmem:v20+s3+$0x0], $0xffff;
	_ =	sdelay $0x1  }
0x284: {  	[tilespmem:s16+$0x800] =	vst v15  }
0x285: {  	v14 =	vld.idx.msk [tilespmem:v14+s3+$0x0], $0xffff;
	[tilespmem:s16+$0x810] =	vst v19  }
0x286: {  	v17 =	vld.idx.msk [tilespmem:v17+s3+$0x0], $0xffff;
	[tilespmem:s18+$0x810] =	vst v22  }
0x287: {  	v15 =	vadd.s32 $0xC000, v1;
	v19 =	vld.idx.msk [tilespmem:v21+s3+$0x0], $0xffff;
	[tilespmem:s18+$0x800] =	vst v20  }
0x288: {  	v20 =	vadd.s32 $0xC000, v2;
	v18 =	vld.idx.msk [tilespmem:v18+s3+$0x0], $0xffff  }
0x289: {  	[tilespmem:s15+$0xC00] =	vst v28  }
0x28a: {  	v9 =	vld.idx.msk [tilespmem:v9+s3+$0x0], $0xffff;
	[tilespmem:s16+$0xC00] =	vst v14  }
0x28b: {  	v13 =	vld.idx.msk [tilespmem:v13+s3+$0x0], $0xffff;
	[tilespmem:s16+$0xC10] =	vst v17  }
0x28c: {  	v15 =	vld.idx.msk [tilespmem:v15+s3+$0x0], $0xffff;
	[tilespmem:s18+$0xC10] =	vst v19  }
0x28d: {  	v14 =	vadd.s32 $0xD000, v1;
	v17 =	vld.idx.msk [tilespmem:v20+s3+$0x0], $0xffff;
	[tilespmem:s18+$0xC00] =	vst v18  }
0x28e: {  	[tilespmem:s15+$0x1410] =	vst v29;
	v18 =	vadd.s32 $0xD000, v2;
	v16 =	vld.idx.msk [tilespmem:v16+s3+$0x0], $0xffff  }
0x28f: {  	[tilespmem:s15+$0x1000] =	vst v9  }
0x290: {  	v6 =	vld.idx.msk [tilespmem:v6+s3+$0x0], $0xffff;
	[tilespmem:s16+$0x1000] =	vst v13  }
0x291: {  	v10 =	vld.idx.msk [tilespmem:v10+s3+$0x0], $0xffff;
	[tilespmem:s16+$0x1010] =	vst v15  }
0x292: {  	v9 =	vld.idx.msk [tilespmem:v14+s3+$0x0], $0xffff;
	[tilespmem:s18+$0x1010] =	vst v17  }
0x293: {  	v13 =	vadd.s32 $0xE000, v1;
	v14 =	vld.idx.msk [tilespmem:v18+s3+$0x0], $0xffff;
	[tilespmem:s18+$0x1000] =	vst v16  }
0x294: {  	[tilespmem:s12+$0x1C00] =	vst v27;
	v15 =	vadd.s32 $0xE000, v2;
	v12 =	vld.idx.msk [tilespmem:v12+s3+$0x0], $0xffff  }
0x295: {  	[tilespmem:s15+$0x1400] =	vst v6;
	v16 =	vld.idx.msk [tilespmem:v30+s3+$0x0], $0xffff  }
0x296: {  	v0 =	vadd.s32 $0xF000, v0;
	v4 =	vld.idx.msk [tilespmem:v4+s3+$0x0], $0xffff;
	[tilespmem:s16+$0x1400] =	vst v10  }
0x297: {  	v7 =	vld.idx.msk [tilespmem:v7+s3+$0x0], $0xffff;
	[tilespmem:s16+$0x1410] =	vst v9  }
0x298: {  	v6 =	vld.idx.msk [tilespmem:v13+s3+$0x0], $0xffff;
	[tilespmem:s18+$0x1410] =	vst v14  }
0x299: {  	v1 =	vadd.s32 $0xF000, v1;
	v9 =	vld.idx.msk [tilespmem:v15+s3+$0x0], $0xffff;
	[tilespmem:s18+$0x1400] =	vst v12  }
0x29a: {  	v2 =	vadd.s32 $0xF000, v2;
	[tilespmem:s15+$0x1810] =	vst v16;
	v10 =	vld.idx.msk [tilespmem:v11+s3+$0x0], $0xffff  }
0x29b: {  	[tilespmem:s15+$0x1800] =	vst v4;
	v0 =	vld.idx.msk [tilespmem:v0+s3+$0x0], $0xffff  }
0x29c: {  	v3 =	vld.idx.msk [tilespmem:v3+s3+$0x0], $0xffff;
	[tilespmem:s16+$0x1800] =	vst v7  }
0x29d: {  	v4 =	vld.idx.msk [tilespmem:v5+s3+$0x0], $0xffff;
	[tilespmem:s16+$0x1810] =	vst v6  }
0x29e: {  	v1 =	vld.idx.msk [tilespmem:v1+s3+$0x0], $0xffff;
	[tilespmem:s18+$0x1810] =	vst v9  }
0x29f: {  	v2 =	vld.idx.msk [tilespmem:v2+s3+$0x0], $0xffff;
	[tilespmem:s18+$0x1800] =	vst v10  }
0x2a0: {  	s12 =	sshll.u32 s11, $0x1;
	[tilespmem:s15+$0x1C10] =	vst v0;
	v0 =	vld.idx.msk [tilespmem:v8+s3+$0x0], $0xffff  }
0x2a1: {  	s20 =	smin.u32 s12, $0x1D;
	[tilespmem:s15+$0x1C00] =	vst v3  }
0x2a2: {  	[tilespmem:s16+$0x1C00] =	vst v4;
	s15 =	sshll.u32 s20, $0xA  }
0x2a3: {  	[tilespmem:s16+$0x1C10] =	vst v1;
	s15 =	sadd.s32 s15, s13  }
0x2a4: {  	s15 =	sshrl.u32 s15, $0x3;
	[tilespmem:s18+$0x1C10] =	vst v2  }
0x2a5: {  	s21 =	simm.s32 $0x0;
	s22 =	sshll.u32 s11, $0xB;
	s15 =	sadd.s32 s4, s15;
	[tilespmem:s18+$0x1C00] =	vst v0  }
0x2a6: {  	[tilespmem:s28], [sflag:$0x1] =	stream.linear.gather [hbm4b:s15+s21], $0x400, $0x38;
	[tilespmem:$0x18800] =	vst v63  }
0x2a7: {  	s15 =	sor.u32 s7, s22  }
0x2a8: {  	s15 =	sshrl.u32 s15, $0x3  }
0x2a9: {  	s25 =	sadd.s32 s1, s15  }
0x2aa: {  	[hbm4b:s25+s31] =	stream.strided.scatter [tilespmem:s2], [sflag:$0x3], $0x4000, s0, s31, $0x38;
	[tilespmem:$0x18800] =	vst v63  }
0x2ab: {  	_ =	swait.ge [sflag:s5], $0x400  }
0x2ac: {  	[sflag:s5] =	ssyncset.done $0x0  }
0x2ad: {  	[sflag:s5] =	ssyncadd.s32 $0xFFFFFC00  }
0x2ae: {  	_ =	swait.ge [sflag:s9], $0x4000  }
0x2af: {  	[sflag:s9] =	ssyncset.done $0x0  }
0x2b0: {  	s18 =	simm.s32 $0x0;
	[sflag:s9] =	ssyncadd.s32 $0xFFFFC000  }
0x2b1: {  	v4 =	vld [tilespmem:s18+$0x10410];
	_ =	sdelay $0x3  }
0x2b2: {  	v3 =	vld [tilespmem:s18+$0x10400];
	_ =	sdelay $0x3  }
0x2b3: {  	v0 =	vld.idx.msk [tilespmem:v4+s3+$0x0], $0xffff  }
0x2b4: {  	v1 =	vadd.s32 $0x1000, v4;
	_ =	sdelay $0x2  }
0x2b5: {  	v2 =	vld.idx.msk [tilespmem:v3+s3+$0x0], $0xffff  }
0x2b6: {  	v5 =	vadd.s32 $0x1000, v3;
	[tilespmem:s18+$0x14810] =	vst v0  }
0x2b7: {  	v0 =	vld.idx.msk [tilespmem:v1+s3+$0x0], $0xffff  }
0x2b8: {  	v1 =	vadd.s32 $0x2000, v4;
	_ =	sdelay $0x1  }
0x2b9: {  	[tilespmem:s18+$0x14800] =	vst v2  }
0x2ba: {  	v2 =	vld.idx.msk [tilespmem:v5+s3+$0x0], $0xffff  }
0x2bb: {  	v5 =	vadd.s32 $0x2000, v3;
	[tilespmem:s18+$0x14C10] =	vst v0  }
0x2bc: {  	v0 =	vld.idx.msk [tilespmem:v1+s3+$0x0], $0xffff  }
0x2bd: {  	v1 =	vadd.s32 $0x3000, v4;
	_ =	sdelay $0x1  }
0x2be: {  	[tilespmem:s18+$0x14C00] =	vst v2  }
0x2bf: {  	v6 =	vld.idx.msk [tilespmem:v5+s3+$0x0], $0xffff  }
0x2c0: {  	v7 =	vadd.s32 $0x3000, v3;
	[tilespmem:s18+$0x15010] =	vst v0  }
0x2c1: {  	v1 =	vld.idx.msk [tilespmem:v1+s3+$0x0], $0xffff  }
0x2c2: {  	v2 =	vadd.s32 $0x4000, v4  }
0x2c3: {  	s16 =	simm.s32 $0x20  }
0x2c4: {  	v0 =	vld [tilespmem:s16+$0x10410];
	[tilespmem:s18+$0x15000] =	vst v6  }
0x2c5: {  	v6 =	vld.idx.msk [tilespmem:v7+s3+$0x0], $0xffff  }
0x2c6: {  	v7 =	vadd.s32 $0x4000, v3;
	[tilespmem:s18+$0x15410] =	vst v1  }
0x2c7: {  	v1 =	vld.idx.msk [tilespmem:v2+s3+$0x0], $0xffff  }
0x2c8: {  	v5 =	vld [tilespmem:s16+$0x10400];
	v2 =	vadd.s32 $0x5000, v4;
	_ =	sdelay $0x1  }
0x2c9: {  	[tilespmem:s18+$0x15400] =	vst v6  }
0x2ca: {  	v7 =	vld.idx.msk [tilespmem:v7+s3+$0x0], $0xffff  }
0x2cb: {  	v11 =	vadd.s32 $0x5000, v3;
	v8 =	vld.idx.msk [tilespmem:v0+s3+$0x0], $0xffff;
	[tilespmem:s18+$0x15810] =	vst v1  }
0x2cc: {  	v1 =	vld.idx.msk [tilespmem:v2+s3+$0x0], $0xffff;
	v2 =	vadd.s32 $0x1000, v0;
	_ =	sdelay $0x1  }
0x2cd: {  	v9 =	vadd.s32 $0x6000, v4  }
0x2ce: {  	v10 =	vld.idx.msk [tilespmem:v5+s3+$0x0], $0xffff;
	[tilespmem:s18+$0x15800] =	vst v7  }
0x2cf: {  	v6 =	vadd.s32 $0x1000, v5;
	[tilespmem:s16+$0x14810] =	vst v8;
	v7 =	vld.idx.msk [tilespmem:v11+s3+$0x0], $0xffff  }
0x2d0: {  	v11 =	vadd.s32 $0x6000, v3;
	v2 =	vld.idx.msk [tilespmem:v2+s3+$0x0], $0xffff  }
0x2d1: {  	v8 =	vadd.s32 $0x2000, v0;
	[tilespmem:s18+$0x15C10] =	vst v1  }
0x2d2: {  	v1 =	vld.idx.msk [tilespmem:v9+s3+$0x0], $0xffff  }
0x2d3: {  	[tilespmem:s16+$0x14800] =	vst v10;
	v9 =	vadd.s32 $0x7000, v4  }
0x2d4: {  	v6 =	vld.idx.msk [tilespmem:v6+s3+$0x0], $0xffff;
	[tilespmem:s18+$0x15C00] =	vst v7  }
0x2d5: {  	v10 =	vadd.s32 $0x2000, v5;
	v7 =	vld.idx.msk [tilespmem:v11+s3+$0x0], $0xffff;
	[tilespmem:s16+$0x14C10] =	vst v2  }
0x2d6: {  	v11 =	vadd.s32 $0x7000, v3;
	v2 =	vld.idx.msk [tilespmem:v8+s3+$0x0], $0xffff  }
0x2d7: {  	[tilespmem:s18+$0x16010] =	vst v1;
	v8 =	vadd.s32 $0x3000, v0  }
0x2d8: {  	v1 =	vld.idx.msk [tilespmem:v9+s3+$0x0], $0xffff  }
0x2d9: {  	[tilespmem:s16+$0x14C00] =	vst v6;
	v6 =	vadd.s32 $0x8000, v4  }
0x2da: {  	[tilespmem:s18+$0x16000] =	vst v7;
	v9 =	vld.idx.msk [tilespmem:v10+s3+$0x0], $0xffff  }
0x2db: {  	v10 =	vadd.s32 $0x3000, v5;
	v11 =	vld.idx.msk [tilespmem:v11+s3+$0x0], $0xffff;
	[tilespmem:s16+$0x15010] =	vst v2  }
0x2dc: {  	s19 =	simm.s32 $0x40;
	v2 =	vld.idx.msk [tilespmem:v8+s3+$0x0], $0xffff  }
0x2dd: {  	v12 =	vadd.s32 $0x4000, v0;
	[tilespmem:s18+$0x16410] =	vst v1;
	v1 =	vld [tilespmem:s19+$0x10410]  }
0x2de: {  	v13 =	vadd.s32 $0x8000, v3;
	v6 =	vld.idx.msk [tilespmem:v6+s3+$0x0], $0xffff  }
0x2df: {  	[tilespmem:s16+$0x15000] =	vst v9;
	v9 =	vadd.s32 $0x9000, v4;
	v8 =	vld [tilespmem:s19+$0x10400]  }
0x2e0: {  	v10 =	vld.idx.msk [tilespmem:v10+s3+$0x0], $0xffff  }
0x2e1: {  	v7 =	vadd.s32 $0x4000, v5;
	[tilespmem:s16+$0x15410] =	vst v2  }
0x2e2: {  	[tilespmem:s18+$0x16400] =	vst v11;
	v2 =	vld.idx.msk [tilespmem:v12+s3+$0x0], $0xffff  }
0x2e3: {  	[tilespmem:s18+$0x16810] =	vst v6;
	v12 =	vld.idx.msk [tilespmem:v13+s3+$0x0], $0xffff  }
0x2e4: {  	v6 =	vld.idx.msk [tilespmem:v9+s3+$0x0], $0xffff;
	v9 =	vadd.s32 $0x5000, v0  }
0x2e5: {  	[tilespmem:s16+$0x15400] =	vst v10;
	v13 =	vadd.s32 $0x9000, v3  }
0x2e6: {  	v10 =	vadd.s32 $0xA000, v4;
	v7 =	vld.idx.msk [tilespmem:v7+s3+$0x0], $0xffff  }
0x2e7: {  	v11 =	vadd.s32 $0x5000, v5;
	v15 =	vld.idx.msk [tilespmem:v8+s3+$0x0], $0xffff;
	[tilespmem:s16+$0x15810] =	vst v2  }
0x2e8: {  	v16 =	vadd.s32 $0x1000, v8;
	v14 =	vld.idx.msk [tilespmem:v1+s3+$0x0], $0xffff;
	[tilespmem:s18+$0x16800] =	vst v12  }
0x2e9: {  	v2 =	vld.idx.msk [tilespmem:v9+s3+$0x0], $0xffff;
	[tilespmem:s18+$0x16C10] =	vst v6;
	v6 =	vadd.s32 $0x1000, v1  }
0x2ea: {  	v13 =	vld.idx.msk [tilespmem:v13+s3+$0x0], $0xffff  }
0x2eb: {  	[tilespmem:s16+$0x15800] =	vst v7;
	v9 =	vld.idx.msk [tilespmem:v10+s3+$0x0], $0xffff;
	v10 =	vadd.s32 $0x6000, v0  }
0x2ec: {  	v7 =	vadd.s32 $0xB000, v4;
	v11 =	vld.idx.msk [tilespmem:v11+s3+$0x0], $0xffff;
	[tilespmem:s19+$0x14800] =	vst v15  }
0x2ed: {  	v12 =	vadd.s32 $0x6000, v5;
	[tilespmem:s19+$0x14810] =	vst v14;
	v15 =	vld.idx.msk [tilespmem:v16+s3+$0x0], $0xffff  }
0x2ee: {  	s20 =	simm.s32 $0x60;
	v14 =	vadd.s32 $0xA000, v3;
	v6 =	vld.idx.msk [tilespmem:v6+s3+$0x0], $0xffff;
	[tilespmem:s16+$0x15C10] =	vst v2  }
0x2ef: {  	v29 =	vld [tilespmem:s20+$0x10400];
	v16 =	vadd.s32 $0x2000, v8;
	[tilespmem:s18+$0x16C00] =	vst v13  }
0x2f0: {  	v2 =	vld.idx.msk [tilespmem:v10+s3+$0x0], $0xffff;
	[tilespmem:s18+$0x17010] =	vst v9;
	v9 =	vadd.s32 $0x2000, v1  }
0x2f1: {  	v10 =	vadd.s32 $0x7000, v0;
	[tilespmem:s16+$0x15C00] =	vst v11;
	v7 =	vld.idx.msk [tilespmem:v7+s3+$0x0], $0xffff  }
0x2f2: {  	v11 =	vadd.s32 $0xC000, v4;
	v12 =	vld.idx.msk [tilespmem:v12+s3+$0x0], $0xffff;
	[tilespmem:s19+$0x14C00] =	vst v15  }
0x2f3: {  	v13 =	vadd.s32 $0x7000, v5;
	[tilespmem:s19+$0x14C10] =	vst v6;
	v6 =	vld.idx.msk [tilespmem:v14+s3+$0x0], $0xffff  }
0x2f4: {  	v15 =	vld.idx.msk [tilespmem:v16+s3+$0x0], $0xffff;
	v14 =	vadd.s32 $0xB000, v3  }
0x2f5: {  	v16 =	vadd.s32 $0x3000, v8;
	v9 =	vld.idx.msk [tilespmem:v9+s3+$0x0], $0xffff;
	[tilespmem:s16+$0x16010] =	vst v2  }
0x2f6: {  	v2 =	vld.idx.msk [tilespmem:v10+s3+$0x0], $0xffff;
	[tilespmem:s18+$0x17410] =	vst v7;
	v7 =	vadd.s32 $0x3000, v1  }
0x2f7: {  	[tilespmem:s16+$0x16000] =	vst v12;
	v10 =	vld.idx.msk [tilespmem:v11+s3+$0x0], $0xffff  }
0x2f8: {  	v11 =	vadd.s32 $0x8000, v0;
	v13 =	vld.idx.msk [tilespmem:v13+s3+$0x0], $0xffff;
	[tilespmem:s18+$0x17000] =	vst v6  }
0x2f9: {  	v12 =	vadd.s32 $0xD000, v4;
	[tilespmem:s19+$0x15000] =	vst v15;
	v6 =	vld.idx.msk [tilespmem:v14+s3+$0x0], $0xffff  }
0x2fa: {  	[tilespmem:s19+$0x15010] =	vst v9;
	v14 =	vld.idx.msk [tilespmem:v16+s3+$0x0], $0xffff  }
0x2fb: {  	v16 =	vadd.s32 $0x8000, v5;
	v7 =	vld.idx.msk [tilespmem:v7+s3+$0x0], $0xffff  }
0x2fc: {  	v17 =	vadd.s32 $0x4000, v8;
	[tilespmem:s16+$0x16410] =	vst v2;
	v2 =	vld [tilespmem:s20+$0x10410]  }
0x2fd: {  	v9 =	vld.idx.msk [tilespmem:v11+s3+$0x0], $0xffff;
	[tilespmem:s18+$0x17810] =	vst v10;
	v10 =	vadd.s32 $0x4000, v1  }
0x2fe: {  	[tilespmem:s16+$0x16400] =	vst v13;
	v11 =	vld.idx.msk [tilespmem:v12+s3+$0x0], $0xffff;
	v12 =	vadd.s32 $0x9000, v0  }
0x2ff: {  	v15 =	vadd.s32 $0xE000, v4;
	[tilespmem:s19+$0x15400] =	vst v14  }
0x300: {  	v13 =	vld.idx.msk [tilespmem:v16+s3+$0x0], $0xffff;
	[tilespmem:s18+$0x17400] =	vst v6  }
0x301: {  	[tilespmem:s19+$0x15410] =	vst v7;
	v6 =	vld.idx.msk [tilespmem:v17+s3+$0x0], $0xffff  }
0x302: {  	v7 =	vadd.s32 $0xC000, v3;
	v10 =	vld.idx.msk [tilespmem:v10+s3+$0x0], $0xffff;
	[tilespmem:s16+$0x16810] =	vst v9  }
0x303: {  	v9 =	vld.idx.msk [tilespmem:v12+s3+$0x0], $0xffff;
	[tilespmem:s18+$0x17C10] =	vst v11;
	v11 =	vadd.s32 $0x5000, v1  }
0x304: {  	v14 =	vadd.s32 $0xA000, v0;
	v12 =	vld.idx.msk [tilespmem:v15+s3+$0x0], $0xffff  }
0x305: {  	v15 =	vadd.s32 $0x5000, v8;
	v16 =	vld.idx.msk [tilespmem:v2+s3+$0x0], $0xffff  }
0x306: {  	v4 =	vadd.s32 $0xF000, v4;
	[tilespmem:s16+$0x16800] =	vst v13;
	v13 =	vld.idx.msk [tilespmem:v29+s3+$0x0], $0xffff  }
0x307: {  	v7 =	vld.idx.msk [tilespmem:v7+s3+$0x0], $0xffff;
	[tilespmem:s19+$0x15810] =	vst v10;
	v10 =	vadd.s32 $0x9000, v5  }
0x308: {  	v17 =	vadd.s32 $0xD000, v3;
	v11 =	vld.idx.msk [tilespmem:v11+s3+$0x0], $0xffff;
	[tilespmem:s16+$0x16C10] =	vst v9  }
0x309: {  	[tilespmem:s19+$0x15800] =	vst v6;
	v9 =	vadd.s32 $0x1000, v2;
	v14 =	vld.idx.msk [tilespmem:v14+s3+$0x0], $0xffff  }
0x30a: {  	[tilespmem:s18+$0x18010] =	vst v12;
	v12 =	vadd.s32 $0x6000, v1;
	v15 =	vld.idx.msk [tilespmem:v15+s3+$0x0], $0xffff  }
0x30b: {  	v6 =	vadd.s32 $0xB000, v0;
	[tilespmem:s20+$0x14810] =	vst v16;
	v4 =	vld.idx.msk [tilespmem:v4+s3+$0x0], $0xffff  }
0x30c: {  	v16 =	vadd.s32 $0x6000, v8;
	[tilespmem:s18+$0x17800] =	vst v7;
	v10 =	vld.idx.msk [tilespmem:v10+s3+$0x0], $0xffff  }
0x30d: {  	[tilespmem:s20+$0x14800] =	vst v13;
	v7 =	vadd.s32 $0x1000, v29;
	v17 =	vld.idx.msk [tilespmem:v17+s3+$0x0], $0xffff  }
0x30e: {  	v9 =	vld.idx.msk [tilespmem:v9+s3+$0x0], $0xffff;
	[tilespmem:s19+$0x15C10] =	vst v11;
	v11 =	vadd.s32 $0xA000, v5  }
0x30f: {  	v20 =	vadd.s32 $0xE000, v3;
	v12 =	vld.idx.msk [tilespmem:v12+s3+$0x0], $0xffff;
	[tilespmem:s16+$0x17010] =	vst v14  }
0x310: {  	v14 =	vadd.s32 $0x2000, v2;
	[tilespmem:s19+$0x15C00] =	vst v15;
	v18 =	vld.idx.msk [tilespmem:v6+s3+$0x0], $0xffff  }
0x311: {  	v13 =	vadd.s32 $0x7000, v1;
	[tilespmem:s18+$0x18410] =	vst v4;
	v16 =	vld.idx.msk [tilespmem:v16+s3+$0x0], $0xffff  }
0x312: {  	v36 =	vadd.s32 $0xF000, v3;
	v27 =	vadd.s32 $0x3000, v29;
	v15 =	vadd.s32 $0xC000, v0;
	v7 =	vld.idx.msk [tilespmem:v7+s3+$0x0], $0xffff;
	[tilespmem:s16+$0x16C00] =	vst v10  }
0x313: {  	v26 =	vadd.s32 $0x4000, v29;
	v24 =	vadd.s32 $0x5000, v29;
	v22 =	vadd.s32 $0x7000, v8;
	[tilespmem:s18+$0x17C00] =	vst v17;
	v11 =	vld.idx.msk [tilespmem:v11+s3+$0x0], $0xffff  }
0x314: {  	v25 =	vadd.s32 $0x8000, v29;
	v21 =	vadd.s32 $0xB000, v5;
	v10 =	vadd.s32 $0x2000, v29;
	[tilespmem:s20+$0x14C10] =	vst v9;
	v62 =	vld.idx.msk [tilespmem:v20+s3+$0x0], $0xffff  }
0x315: {  	v63 =	vadd.s32 $0xD000, v0;
	v19 =	vadd.s32 $0x8000, v8;
	v61 =	vadd.s32 $0x8000, v1;
	v23 =	vld.idx.msk [tilespmem:v14+s3+$0x0], $0xffff;
	[tilespmem:s19+$0x16010] =	vst v12  }
0x316: {  	v3 =	vadd.s32 $0xF000, v5;
	v6 =	vadd.s32 $0xD000, v5;
	v12 =	vld.idx.msk [tilespmem:v13+s3+$0x0], $0xffff;
	[tilespmem:s16+$0x17410] =	vst v18;
	v18 =	vadd.s32 $0x3000, v2  }
0x317: {  	v4 =	vadd.s32 $0xE000, v5;
	v17 =	vadd.s32 $0x9000, v8;
	v9 =	vadd.s32 $0xC000, v5;
	[tilespmem:s19+$0x16000] =	vst v16;
	v30 =	vld.idx.msk [tilespmem:v15+s3+$0x0], $0xffff  }
0x318: {  	v5 =	vadd.s32 $0xF000, v8;
	v20 =	vadd.s32 $0xA000, v29;
	v14 =	vadd.s32 $0xB000, v8;
	[tilespmem:s20+$0x14C00] =	vst v7;
	v31 =	vld.idx.msk [tilespmem:v22+s3+$0x0], $0xffff  }
0x319: {  	v13 =	vadd.s32 $0xC000, v8;
	v16 =	vadd.s32 $0xC000, v29;
	v15 =	vadd.s32 $0xA000, v8;
	v37 =	vld.idx.msk [tilespmem:v10+s3+$0x0], $0xffff;
	[tilespmem:s16+$0x17000] =	vst v11  }
0x31a: {  	v7 =	vadd.s32 $0xE000, v8;
	v22 =	vadd.s32 $0x7000, v29;
	v10 =	vadd.s32 $0xD000, v8;
	[tilespmem:s20+$0x15010] =	vst v23;
	v28 =	vld.idx.msk [tilespmem:v21+s3+$0x0], $0xffff  }
0x31b: {  	v8 =	vadd.s32 $0xF000, v29;
	v11 =	vadd.s32 $0xE000, v29;
	[tilespmem:s18+$0x18000] =	vst v62;
	v23 =	vadd.s32 $0x6000, v29;
	v34 =	vld.idx.msk [tilespmem:v18+s3+$0x0], $0xffff  }
0x31c: {  	v21 =	vadd.s32 $0x9000, v29;
	[tilespmem:s19+$0x16410] =	vst v12;
	v18 =	vadd.s32 $0xB000, v29;
	v12 =	vadd.s32 $0xD000, v29;
	v29 =	vld.idx.msk [tilespmem:v36+s3+$0x0], $0xffff  }
0x31d: {  	v35 =	vadd.s32 $0x4000, v2;
	v32 =	vld.idx.msk [tilespmem:v61+s3+$0x0], $0xffff;
	[tilespmem:s16+$0x17810] =	vst v30  }
0x31e: {  	s21 =	simm.s32 $0x6;
	s22 =	simm.s32 $0x200;
	v33 =	vadd.s32 $0x9000, v1;
	v30 =	vld.idx.msk [tilespmem:v63+s3+$0x0], $0xffff;
	[tilespmem:s20+$0x15000] =	vst v37  }
.LBB2_9:
0x31f: {  	s25 =	sshra.s32 s22, $0x2;
	s21 =	sadd.s32 $0x2, s21;
	v27 =	vld.idx.msk [tilespmem:v27+s3+$0x0], $0xffff;
	[tilespmem:s19+$0x16400] =	vst v31;
	v31 =	vadd.s32 $0xE000, v0  }
0x320: {  	v36 =	vld [tilespmem:s25+$0x10410];
	p0 =	slt.u32 s21, $0x3E;
	[tilespmem:s16+$0x17400] =	vst v28  }
0x321: {  	v28 =	vld [tilespmem:s25+$0x10400];
	[tilespmem:s20+$0x15410] =	vst v34  }
0x322: {  	v34 =	vld.idx.msk [tilespmem:v35+s3+$0x0], $0xffff;
	[tilespmem:s19+$0x16810] =	vst v32  }
0x323: {  	v32 =	vld.idx.msk [tilespmem:v33+s3+$0x0], $0xffff;
	[tilespmem:s16+$0x17C10] =	vst v30  }
0x324: {  	v30 =	vadd.s32 $0x5000, v2;
	v31 =	vld.idx.msk [tilespmem:v31+s3+$0x0], $0xffff;
	[tilespmem:s18+$0x18400] =	vst v29;
	s18 =	smov.u32 s16;
	s16 =	smov.u32 s19;
	s19 =	smov.u32 s20  }
0x325: {  	v33 =	vadd.s32 $0xA000, v1;
	s20 =	smov.u32 s25;
	[tilespmem:s19+$0x15400] =	vst v27;
	v29 =	vld.idx.msk [tilespmem:v19+s3+$0x0], $0xffff;
	v19 =	vmov v25  }
0x326: {  	v39 =	vadd.s32 $0xF000, v0;
	v0 =	vmovc v1;
	v1 =	vmovc v2;
	v35 =	vadd.s32 $0x1000, v28;
	v37 =	vadd.s32 $0x2000, v28;
	v38 =	vld.idx.msk [tilespmem:v26+s3+$0x0], $0xffff  }
0x327: {  	v2 =	vmovc v36;
	v27 =	vadd.s32 $0x3000, v28;
	v26 =	vadd.s32 $0x4000, v28;
	v40 =	vadd.s32 $0x5000, v28;
	v41 =	vld.idx.msk [tilespmem:v9+s3+$0x0], $0xffff;
	v9 =	vmovc v13  }
0x328: {  	v42 =	vadd.s32 $0x6000, v28;
	v43 =	vadd.s32 $0x7000, v28;
	v25 =	vadd.s32 $0x8000, v28;
	v13 =	vmovc v16;
	v36 =	vld.idx.msk [tilespmem:v36+s3+$0x0], $0xffff;
	[tilespmem:s19+$0x15810] =	vst v34  }
0x329: {  	v44 =	vadd.s32 $0xA000, v28;
	v45 =	vadd.s32 $0xB000, v28;
	v34 =	vadd.s32 $0x9000, v28;
	v30 =	vld.idx.msk [tilespmem:v30+s3+$0x0], $0xffff;
	[tilespmem:s16+$0x16C10] =	vst v32  }
0x32a: {  	v46 =	vadd.s32 $0x1000, v2;
	v16 =	vadd.s32 $0xC000, v28;
	v32 =	vadd.s32 $0xD000, v28;
	v33 =	vld.idx.msk [tilespmem:v33+s3+$0x0], $0xffff;
	[tilespmem:s18+$0x18010] =	vst v31  }
0x32b: {  	v48 =	vadd.s32 $0x6000, v1;
	v47 =	vadd.s32 $0xF000, v28;
	v31 =	vadd.s32 $0xE000, v28;
	[tilespmem:s16+$0x16800] =	vst v29;
	v29 =	vld.idx.msk [tilespmem:v39+s3+$0x0], $0xffff  }
0x32c: {  	v28 =	vld.idx.msk [tilespmem:v28+s3+$0x0], $0xffff;
	[tilespmem:s19+$0x15800] =	vst v38;
	v38 =	vadd.s32 $0xB000, v0  }
0x32d: {  	v39 =	vld.idx.msk [tilespmem:v24+s3+$0x0], $0xffff;
	[tilespmem:s18+$0x17800] =	vst v41;
	v24 =	vmov v40  }
0x32e: {  	[tilespmem:s20+$0x14810] =	vst v36;
	v36 =	vld.idx.msk [tilespmem:v17+s3+$0x0], $0xffff;
	v17 =	vmov v21;
	v21 =	vmov v34  }
0x32f: {  	v34 =	vld.idx.msk [tilespmem:v46+s3+$0x0], $0xffff;
	[tilespmem:s19+$0x15C10] =	vst v30  }
0x330: {  	v30 =	vld.idx.msk [tilespmem:v48+s3+$0x0], $0xffff;
	[tilespmem:s16+$0x17010] =	vst v33  }
0x331: {  	v33 =	vadd.s32 $0x2000, v2;
	v38 =	vld.idx.msk [tilespmem:v38+s3+$0x0], $0xffff;
	[tilespmem:s18+$0x18410] =	vst v29  }
0x332: {  	[tilespmem:s20+$0x14800] =	vst v28;
	v28 =	vadd.s32 $0x7000, v1;
	v29 =	vld.idx.msk [tilespmem:v6+s3+$0x0], $0xffff;
	v6 =	vmovc v10;
	v10 =	vmov v12;
	v12 =	vmov v32  }
0x333: {  	v32 =	vld.idx.msk [tilespmem:v35+s3+$0x0], $0xffff;
	[tilespmem:s19+$0x15C00] =	vst v39;
	v35 =	vadd.s32 $0xC000, v0  }
0x334: {  	v39 =	vld.idx.msk [tilespmem:v23+s3+$0x0], $0xffff;
	[tilespmem:s16+$0x16C00] =	vst v36;
	v23 =	vmov v42  }
0x335: {  	[tilespmem:s20+$0x14C10] =	vst v34;
	v34 =	vld.idx.msk [tilespmem:v15+s3+$0x0], $0xffff;
	v15 =	vmov v20;
	v20 =	vmov v44  }
0x336: {  	v33 =	vld.idx.msk [tilespmem:v33+s3+$0x0], $0xffff;
	[tilespmem:s19+$0x16010] =	vst v30  }
0x337: {  	v30 =	vld.idx.msk [tilespmem:v28+s3+$0x0], $0xffff;
	[tilespmem:s16+$0x17410] =	vst v38  }
0x338: {  	v36 =	vadd.s32 $0x3000, v2;
	v35 =	vld.idx.msk [tilespmem:v35+s3+$0x0], $0xffff;
	[tilespmem:s18+$0x17C00] =	vst v29  }
0x339: {  	v29 =	vadd.s32 $0x8000, v1;
	[tilespmem:s20+$0x14C00] =	vst v32;
	v38 =	vld.idx.msk [tilespmem:v4+s3+$0x0], $0xffff;
	v4 =	vmovc v7;
	v7 =	vmov v11;
	v11 =	vmov v31  }
0x33a: {  	v37 =	vld.idx.msk [tilespmem:v37+s3+$0x0], $0xffff;
	[tilespmem:s19+$0x16000] =	vst v39;
	v39 =	vadd.s32 $0xD000, v0  }
0x33b: {  	v31 =	vld.idx.msk [tilespmem:v22+s3+$0x0], $0xffff;
	[tilespmem:s16+$0x17000] =	vst v34;
	v22 =	vmov v43  }
.Ltmp3:
0x33c: {  	[tilespmem:s20+$0x15010] =	vst v33;
	v28 =	vld.idx.msk [tilespmem:v14+s3+$0x0], $0xffff;
	v14 =	vmov v18;
	v18 =	vmov v45;
	(pc) =	sbr.rel @p0 .LBB2_9-.Ltmp3, $4  }
0x33d: {  	v34 =	vld.idx.msk [tilespmem:v36+s3+$0x0], $0xffff;
	[tilespmem:s19+$0x16410] =	vst v30  }
0x33e: {  	v32 =	vld.idx.msk [tilespmem:v29+s3+$0x0], $0xffff;
	[tilespmem:s16+$0x17810] =	vst v35  }
0x33f: {  	v35 =	vadd.s32 $0x4000, v2;
	v30 =	vld.idx.msk [tilespmem:v39+s3+$0x0], $0xffff;
	[tilespmem:s18+$0x18000] =	vst v38  }
0x340: {  	s22 =	sadd.s32 $0x80, s22;
	v33 =	vadd.s32 $0x9000, v1;
	[tilespmem:s20+$0x15000] =	vst v37;
	v29 =	vld.idx.msk [tilespmem:v3+s3+$0x0], $0xffff;
	v3 =	vmovc v5;
	v5 =	vmov v8;
	v8 =	vmov v47  }
0x341: {  	_ =	sdelay $0x3  }
0x342: {  	v27 =	vld.idx.msk [tilespmem:v27+s3+$0x0], $0xffff;
	_ =	sdelay $0x3  }
0x343: {  	[tilespmem:s20+$0x15410] =	vst v34  }
0x344: {  	v34 =	vld.idx.msk [tilespmem:v35+s3+$0x0], $0xffff;
	[tilespmem:s20+$0x15400] =	vst v27  }
0x345: {  	v35 =	vadd.s32 $0x5000, v2;
	v26 =	vld.idx.msk [tilespmem:v26+s3+$0x0], $0xffff;
	_ =	sdelay $0x3  }
0x346: {  	[tilespmem:s20+$0x15810] =	vst v34  }
0x347: {  	v27 =	vld.idx.msk [tilespmem:v35+s3+$0x0], $0xffff;
	[tilespmem:s20+$0x15800] =	vst v26  }
0x348: {  	v36 =	vadd.s32 $0x6000, v2;
	v24 =	vld.idx.msk [tilespmem:v24+s3+$0x0], $0xffff;
	_ =	sdelay $0x3  }
0x349: {  	[tilespmem:s20+$0x15C10] =	vst v27  }
0x34a: {  	v26 =	vld.idx.msk [tilespmem:v36+s3+$0x0], $0xffff;
	[tilespmem:s20+$0x15C00] =	vst v24  }
0x34b: {  	v37 =	vadd.s32 $0x7000, v2;
	v23 =	vld.idx.msk [tilespmem:v23+s3+$0x0], $0xffff;
	_ =	sdelay $0x3  }
0x34c: {  	[tilespmem:s20+$0x16010] =	vst v26  }
0x34d: {  	v24 =	vld.idx.msk [tilespmem:v37+s3+$0x0], $0xffff;
	[tilespmem:s20+$0x16000] =	vst v23  }
0x34e: {  	v38 =	vadd.s32 $0x8000, v2;
	v22 =	vld.idx.msk [tilespmem:v22+s3+$0x0], $0xffff;
	_ =	sdelay $0x2  }
0x34f: {  	[tilespmem:s19+$0x16400] =	vst v31  }
0x350: {  	v19 =	vld.idx.msk [tilespmem:v19+s3+$0x0], $0xffff;
	[tilespmem:s20+$0x16410] =	vst v24  }
0x351: {  	v23 =	vld.idx.msk [tilespmem:v38+s3+$0x0], $0xffff;
	[tilespmem:s20+$0x16400] =	vst v22  }
0x352: {  	v39 =	vadd.s32 $0x9000, v2;
	v40 =	vld.idx.msk [tilespmem:v25+s3+$0x0], $0xffff;
	_ =	sdelay $0x1  }
0x353: {  	[tilespmem:s19+$0x16810] =	vst v32  }
0x354: {  	v41 =	vld.idx.msk [tilespmem:v33+s3+$0x0], $0xffff;
	[tilespmem:s19+$0x16800] =	vst v19  }
0x355: {  	v42 =	vadd.s32 $0xA000, v1;
	v17 =	vld.idx.msk [tilespmem:v17+s3+$0x0], $0xffff;
	[tilespmem:s20+$0x16810] =	vst v23  }
0x356: {  	v22 =	vld.idx.msk [tilespmem:v39+s3+$0x0], $0xffff;
	[tilespmem:s20+$0x16800] =	vst v40  }
0x357: {  	v43 =	vadd.s32 $0xA000, v2;
	v21 =	vld.idx.msk [tilespmem:v21+s3+$0x0], $0xffff;
	_ =	sdelay $0x1  }
0x358: {  	[tilespmem:s19+$0x16C10] =	vst v41  }
0x359: {  	v19 =	vld.idx.msk [tilespmem:v42+s3+$0x0], $0xffff;
	[tilespmem:s19+$0x16C00] =	vst v17  }
0x35a: {  	v44 =	vadd.s32 $0xB000, v1;
	v15 =	vld.idx.msk [tilespmem:v15+s3+$0x0], $0xffff;
	[tilespmem:s20+$0x16C10] =	vst v22  }
0x35b: {  	v22 =	vld.idx.msk [tilespmem:v43+s3+$0x0], $0xffff;
	[tilespmem:s20+$0x16C00] =	vst v21  }
0x35c: {  	v45 =	vadd.s32 $0xB000, v2;
	v20 =	vld.idx.msk [tilespmem:v20+s3+$0x0], $0xffff;
	_ =	sdelay $0x1  }
0x35d: {  	[tilespmem:s19+$0x17010] =	vst v19  }
0x35e: {  	v17 =	vld.idx.msk [tilespmem:v44+s3+$0x0], $0xffff;
	[tilespmem:s19+$0x17000] =	vst v15  }
0x35f: {  	v46 =	vadd.s32 $0xC000, v1;
	v14 =	vld.idx.msk [tilespmem:v14+s3+$0x0], $0xffff;
	[tilespmem:s20+$0x17010] =	vst v22  }
0x360: {  	v47 =	vld.idx.msk [tilespmem:v45+s3+$0x0], $0xffff;
	[tilespmem:s20+$0x17000] =	vst v20  }
0x361: {  	v48 =	vadd.s32 $0xC000, v2;
	v18 =	vld.idx.msk [tilespmem:v18+s3+$0x0], $0xffff  }
0x362: {  	[tilespmem:s16+$0x17400] =	vst v28  }
0x363: {  	v9 =	vld.idx.msk [tilespmem:v9+s3+$0x0], $0xffff;
	[tilespmem:s19+$0x17410] =	vst v17  }
0x364: {  	v15 =	vld.idx.msk [tilespmem:v46+s3+$0x0], $0xffff;
	[tilespmem:s19+$0x17400] =	vst v14  }
0x365: {  	v49 =	vadd.s32 $0xD000, v1;
	v13 =	vld.idx.msk [tilespmem:v13+s3+$0x0], $0xffff;
	[tilespmem:s20+$0x17410] =	vst v47  }
0x366: {  	v50 =	vld.idx.msk [tilespmem:v48+s3+$0x0], $0xffff;
	[tilespmem:s20+$0x17400] =	vst v18  }
0x367: {  	v51 =	vadd.s32 $0xD000, v2;
	[tilespmem:s16+$0x17C10] =	vst v30;
	v16 =	vld.idx.msk [tilespmem:v16+s3+$0x0], $0xffff  }
0x368: {  	[tilespmem:s16+$0x17800] =	vst v9  }
0x369: {  	v52 =	vadd.s32 $0xE000, v0;
	v6 =	vld.idx.msk [tilespmem:v6+s3+$0x0], $0xffff;
	[tilespmem:s19+$0x17810] =	vst v15  }
0x36a: {  	v14 =	vld.idx.msk [tilespmem:v49+s3+$0x0], $0xffff;
	[tilespmem:s19+$0x17800] =	vst v13  }
0x36b: {  	v53 =	vadd.s32 $0xE000, v1;
	v10 =	vld.idx.msk [tilespmem:v10+s3+$0x0], $0xffff;
	[tilespmem:s20+$0x17810] =	vst v50  }
0x36c: {  	v54 =	vld.idx.msk [tilespmem:v51+s3+$0x0], $0xffff;
	[tilespmem:s20+$0x17800] =	vst v16  }
0x36d: {  	v55 =	vadd.s32 $0xE000, v2;
	[tilespmem:s18+$0x18400] =	vst v29;
	v12 =	vld.idx.msk [tilespmem:v12+s3+$0x0], $0xffff  }
0x36e: {  	v9 =	vld.idx.msk [tilespmem:v52+s3+$0x0], $0xffff;
	[tilespmem:s16+$0x17C00] =	vst v6  }
0x36f: {  	v56 =	vadd.s32 $0xF000, v0;
	v4 =	vld.idx.msk [tilespmem:v4+s3+$0x0], $0xffff;
	[tilespmem:s19+$0x17C10] =	vst v14  }
0x370: {  	v57 =	vld.idx.msk [tilespmem:v53+s3+$0x0], $0xffff;
	[tilespmem:s19+$0x17C00] =	vst v10  }
0x371: {  	v58 =	vadd.s32 $0xF000, v1;
	v7 =	vld.idx.msk [tilespmem:v7+s3+$0x0], $0xffff;
	[tilespmem:s20+$0x17C10] =	vst v54  }
0x372: {  	v59 =	vld.idx.msk [tilespmem:v55+s3+$0x0], $0xffff;
	[tilespmem:s20+$0x17C00] =	vst v12  }
0x373: {  	v60 =	vadd.s32 $0xF000, v2;
	[tilespmem:s16+$0x18010] =	vst v9;
	v61 =	vld.idx.msk [tilespmem:v11+s3+$0x0], $0xffff  }
0x374: {  	v0 =	vld.idx.msk [tilespmem:v56+s3+$0x0], $0xffff;
	[tilespmem:s16+$0x18000] =	vst v4  }
0x375: {  	v3 =	vld.idx.msk [tilespmem:v3+s3+$0x0], $0xffff;
	[tilespmem:s19+$0x18010] =	vst v57  }
0x376: {  	v1 =	vld.idx.msk [tilespmem:v58+s3+$0x0], $0xffff;
	[tilespmem:s19+$0x18000] =	vst v7  }
0x377: {  	v62 =	vld.idx.msk [tilespmem:v5+s3+$0x0], $0xffff;
	[tilespmem:s20+$0x18010] =	vst v59  }
0x378: {  	v2 =	vld.idx.msk [tilespmem:v60+s3+$0x0], $0xffff;
	[tilespmem:s20+$0x18000] =	vst v61  }
0x379: {  	[tilespmem:s16+$0x18410] =	vst v0;
	v63 =	vld.idx.msk [tilespmem:v8+s3+$0x0], $0xffff  }
0x37a: {  	s12 =	smin.u32 s12, $0x1C;
	[tilespmem:s16+$0x18400] =	vst v3  }
0x37b: {  	s11 =	sadd.s32 $0x1, s11;
	s12 =	sshll.u32 s12, $0xA;
	[tilespmem:s19+$0x18410] =	vst v1  }
0x37c: {  	p0 =	sne.s32 s11, $0x10;
	s12 =	sadd.s32 s12, s14;
	[tilespmem:s19+$0x18400] =	vst v62  }
.Ltmp4:
0x37d: {  	s12 =	sshrl.u32 s12, $0x3;
	[tilespmem:s20+$0x18410] =	vst v2;
	(pc) =	sbr.rel @p0 .LBB2_6-.Ltmp4, $4  }
0x37e: {  	s25 =	sadd.s32 s15, s1;
	s12 =	sadd.s32 s4, s12;
	[tilespmem:s20+$0x18400] =	vst v63  }
0x37f: {  	[tilespmem:s29], [sflag:$0x2] =	stream.linear.gather [hbm4b:s12+s3], $0x400, $0x38;
	[tilespmem:$0x18800] =	vst v63  }
0x380: {  	s12 =	sadd.s32 $0x80, s25  }
0x381: {  	[hbm4b:s12+s31] =	stream.strided.scatter [tilespmem:s6], [sflag:$0x4], $0x4000, s0, s31, $0x38;
	[tilespmem:$0x18800] =	vst v63  }
0x382: {  	_ =	swait.ge [sflag:s30], $0x400  }
0x383: {  	[sflag:s30] =	ssyncset.done $0x0  }
0x384: {  	[sflag:s30] =	ssyncadd.s32 $0xFFFFFC00  }
0x385: {  	_ =	swait.ge [sflag:s8], $0x4000  }
0x386: {  	[sflag:s8] =	ssyncset.done $0x0  }
0x387: {  	[sflag:s8] =	ssyncadd.s32 $0xFFFFC000  }
0x388: {  	_ =	swait.ge [sflag:s5], $0x400  }
0x389: {  	[sflag:s5] =	ssyncset.done $0x0  }
0x38a: {  	[sflag:s5] =	ssyncadd.s32 $0xFFFFFC00  }
0x38b: {  	_ =	swait.ge [sflag:s9], $0x4000  }
0x38c: {  	[sflag:s9] =	ssyncset.done $0x0  }
0x38d: {  	s11 =	rddreg [dreg:$0xb];
	[sflag:s9] =	ssyncadd.s32 $0xFFFFC000  }
0x38e: {  	[tilespmem:s3], [sflag:$0x5] =	stream.linear.gather [hbm4b:s11+s3], $0x10000, $0x38;
	[tilespmem:$0x18800] =	vst v63  }
0x38f: {  	_ =	swait.ge [sflag:s26], $0x10000  }
0x390: {  	[sflag:s26] =	ssyncset.done $0x0  }
0x391: {  	s21 =	rddreg [dreg:$0xc];
	[sflag:s26] =	ssyncadd.s32 $0xFFFF0000  }
0x392: {  	[tilespmem:s28], [sflag:$0x1] =	stream.linear.gather [hbm4b:s21+s3], $0x400, $0x38;
	[tilespmem:$0x18800] =	vst v63  }
0x393: {  	s22 =	rddreg [dreg:$0xd]  }
0x394: {  	[tilespmem:s29], [sflag:$0x2] =	stream.linear.gather [hbm4b:s22+s3], $0x400, $0x38;
	[tilespmem:$0x18800] =	vst v63  }
0x395: {  	_ =	swait.ge [sflag:s30], $0x400  }
0x396: {  	[sflag:s30] =	ssyncset.done $0x0  }
0x397: {  	s25 =	simm.s32 $0x10010;
	[sflag:s30] =	ssyncadd.s32 $0xFFFFFC00  }
0x398: {  	v4 =	vld [tilespmem:s25+$0x0];
	_ =	sdelay $0x3  }
0x399: {  	v3 =	vld [tilespmem:s25+$0xFFFFFFF0];
	_ =	sdelay $0x3  }
0x39a: {  	v0 =	vld.idx.msk [tilespmem:v4+s3+$0x0], $0xffff  }
0x39b: {  	v1 =	vadd.s32 $0x1000, v4;
	_ =	sdelay $0x2  }
0x39c: {  	s11 =	simm.s32 $0x12800;
	v2 =	vld.idx.msk [tilespmem:v3+s3+$0x0], $0xffff  }
0x39d: {  	v5 =	vadd.s32 $0x1000, v3;
	[tilespmem:s11+$0xFFFFE010] =	vst v0  }
0x39e: {  	v0 =	vld.idx.msk [tilespmem:v1+s3+$0x0], $0xffff  }
0x39f: {  	v1 =	vadd.s32 $0x2000, v4;
	_ =	sdelay $0x1  }
0x3a0: {  	[tilespmem:s11+$0xFFFFE000] =	vst v2  }
0x3a1: {  	v2 =	vld.idx.msk [tilespmem:v5+s3+$0x0], $0xffff  }
0x3a2: {  	v5 =	vadd.s32 $0x2000, v3;
	[tilespmem:s11+$0xFFFFE410] =	vst v0  }
0x3a3: {  	v0 =	vld.idx.msk [tilespmem:v1+s3+$0x0], $0xffff  }
0x3a4: {  	v1 =	vadd.s32 $0x3000, v4;
	_ =	sdelay $0x1  }
0x3a5: {  	[tilespmem:s11+$0xFFFFE400] =	vst v2  }
0x3a6: {  	v6 =	vld.idx.msk [tilespmem:v5+s3+$0x0], $0xffff  }
0x3a7: {  	v7 =	vadd.s32 $0x3000, v3;
	[tilespmem:s11+$0xFFFFE810] =	vst v0  }
0x3a8: {  	v1 =	vld.idx.msk [tilespmem:v1+s3+$0x0], $0xffff  }
0x3a9: {  	v2 =	vadd.s32 $0x4000, v4  }
0x3aa: {  	s12 =	simm.s32 $0x10030  }
0x3ab: {  	v0 =	vld [tilespmem:s12+$0x0];
	[tilespmem:s11+$0xFFFFE800] =	vst v6  }
0x3ac: {  	v6 =	vld.idx.msk [tilespmem:v7+s3+$0x0], $0xffff  }
0x3ad: {  	v7 =	vadd.s32 $0x4000, v3;
	[tilespmem:s11+$0xFFFFEC10] =	vst v1  }
0x3ae: {  	v1 =	vld.idx.msk [tilespmem:v2+s3+$0x0], $0xffff  }
0x3af: {  	v5 =	vld [tilespmem:s12+$0xFFFFFFF0];
	v2 =	vadd.s32 $0x5000, v4;
	_ =	sdelay $0x1  }
0x3b0: {  	[tilespmem:s11+$0xFFFFEC00] =	vst v6  }
0x3b1: {  	v7 =	vld.idx.msk [tilespmem:v7+s3+$0x0], $0xffff  }
0x3b2: {  	v11 =	vadd.s32 $0x5000, v3;
	v8 =	vld.idx.msk [tilespmem:v0+s3+$0x0], $0xffff;
	[tilespmem:s11+$0xFFFFF010] =	vst v1  }
0x3b3: {  	v1 =	vld.idx.msk [tilespmem:v2+s3+$0x0], $0xffff;
	v2 =	vadd.s32 $0x1000, v0;
	_ =	sdelay $0x1  }
0x3b4: {  	v9 =	vadd.s32 $0x6000, v4  }
0x3b5: {  	s12 =	simm.s32 $0x12820;
	v10 =	vld.idx.msk [tilespmem:v5+s3+$0x0], $0xffff;
	[tilespmem:s11+$0xFFFFF000] =	vst v7  }
0x3b6: {  	v6 =	vadd.s32 $0x1000, v5;
	[tilespmem:s12+$0xFFFFE010] =	vst v8;
	v7 =	vld.idx.msk [tilespmem:v11+s3+$0x0], $0xffff  }
0x3b7: {  	v11 =	vadd.s32 $0x6000, v3;
	v2 =	vld.idx.msk [tilespmem:v2+s3+$0x0], $0xffff  }
0x3b8: {  	v8 =	vadd.s32 $0x2000, v0;
	[tilespmem:s11+$0xFFFFF410] =	vst v1  }
0x3b9: {  	v1 =	vld.idx.msk [tilespmem:v9+s3+$0x0], $0xffff  }
0x3ba: {  	[tilespmem:s12+$0xFFFFE000] =	vst v10;
	v9 =	vadd.s32 $0x7000, v4  }
0x3bb: {  	v6 =	vld.idx.msk [tilespmem:v6+s3+$0x0], $0xffff;
	[tilespmem:s11+$0xFFFFF400] =	vst v7  }
0x3bc: {  	v10 =	vadd.s32 $0x2000, v5;
	v7 =	vld.idx.msk [tilespmem:v11+s3+$0x0], $0xffff;
	[tilespmem:s12+$0xFFFFE410] =	vst v2  }
0x3bd: {  	v11 =	vadd.s32 $0x7000, v3;
	v2 =	vld.idx.msk [tilespmem:v8+s3+$0x0], $0xffff  }
0x3be: {  	[tilespmem:s11+$0xFFFFF810] =	vst v1;
	v8 =	vadd.s32 $0x3000, v0  }
0x3bf: {  	v1 =	vld.idx.msk [tilespmem:v9+s3+$0x0], $0xffff  }
0x3c0: {  	[tilespmem:s12+$0xFFFFE400] =	vst v6;
	v6 =	vadd.s32 $0x8000, v4  }
0x3c1: {  	[tilespmem:s11+$0xFFFFF800] =	vst v7;
	v9 =	vld.idx.msk [tilespmem:v10+s3+$0x0], $0xffff  }
0x3c2: {  	v10 =	vadd.s32 $0x3000, v5;
	v11 =	vld.idx.msk [tilespmem:v11+s3+$0x0], $0xffff;
	[tilespmem:s12+$0xFFFFE810] =	vst v2  }
0x3c3: {  	s15 =	simm.s32 $0x10050;
	v2 =	vld.idx.msk [tilespmem:v8+s3+$0x0], $0xffff  }
0x3c4: {  	v12 =	vadd.s32 $0x4000, v0;
	[tilespmem:s11+$0xFFFFFC10] =	vst v1;
	v1 =	vld [tilespmem:s15+$0x0]  }
0x3c5: {  	v13 =	vadd.s32 $0x8000, v3;
	v6 =	vld.idx.msk [tilespmem:v6+s3+$0x0], $0xffff  }
0x3c6: {  	[tilespmem:s12+$0xFFFFE800] =	vst v9;
	v9 =	vadd.s32 $0x9000, v4;
	v8 =	vld [tilespmem:s15+$0xFFFFFFF0]  }
0x3c7: {  	v10 =	vld.idx.msk [tilespmem:v10+s3+$0x0], $0xffff  }
0x3c8: {  	v7 =	vadd.s32 $0x4000, v5;
	[tilespmem:s12+$0xFFFFEC10] =	vst v2  }
0x3c9: {  	[tilespmem:s11+$0xFFFFFC00] =	vst v11;
	v2 =	vld.idx.msk [tilespmem:v12+s3+$0x0], $0xffff  }
0x3ca: {  	[tilespmem:s11+$0x10] =	vst v6;
	v12 =	vld.idx.msk [tilespmem:v13+s3+$0x0], $0xffff  }
0x3cb: {  	v6 =	vld.idx.msk [tilespmem:v9+s3+$0x0], $0xffff;
	v9 =	vadd.s32 $0x5000, v0  }
0x3cc: {  	[tilespmem:s12+$0xFFFFEC00] =	vst v10;
	v13 =	vadd.s32 $0x9000, v3  }
0x3cd: {  	v10 =	vadd.s32 $0xA000, v4;
	v7 =	vld.idx.msk [tilespmem:v7+s3+$0x0], $0xffff  }
0x3ce: {  	v11 =	vadd.s32 $0x5000, v5;
	v15 =	vld.idx.msk [tilespmem:v8+s3+$0x0], $0xffff;
	[tilespmem:s12+$0xFFFFF010] =	vst v2  }
0x3cf: {  	v16 =	vadd.s32 $0x1000, v8;
	v14 =	vld.idx.msk [tilespmem:v1+s3+$0x0], $0xffff;
	[tilespmem:s11+$0x0] =	vst v12  }
0x3d0: {  	v2 =	vld.idx.msk [tilespmem:v9+s3+$0x0], $0xffff;
	[tilespmem:s11+$0x410] =	vst v6;
	v6 =	vadd.s32 $0x1000, v1  }
0x3d1: {  	v13 =	vld.idx.msk [tilespmem:v13+s3+$0x0], $0xffff  }
0x3d2: {  	s15 =	simm.s32 $0x12840;
	[tilespmem:s12+$0xFFFFF000] =	vst v7;
	v9 =	vld.idx.msk [tilespmem:v10+s3+$0x0], $0xffff;
	v10 =	vadd.s32 $0x6000, v0  }
0x3d3: {  	v7 =	vadd.s32 $0xB000, v4;
	v11 =	vld.idx.msk [tilespmem:v11+s3+$0x0], $0xffff;
	[tilespmem:s15+$0xFFFFE000] =	vst v15  }
0x3d4: {  	v12 =	vadd.s32 $0x6000, v5;
	[tilespmem:s15+$0xFFFFE010] =	vst v14;
	v15 =	vld.idx.msk [tilespmem:v16+s3+$0x0], $0xffff  }
0x3d5: {  	s16 =	simm.s32 $0x10070;
	v14 =	vadd.s32 $0xA000, v3;
	v6 =	vld.idx.msk [tilespmem:v6+s3+$0x0], $0xffff;
	[tilespmem:s12+$0xFFFFF410] =	vst v2  }
0x3d6: {  	v27 =	vld [tilespmem:s16+$0xFFFFFFF0];
	v16 =	vadd.s32 $0x2000, v8;
	[tilespmem:s11+$0x400] =	vst v13  }
0x3d7: {  	v2 =	vld.idx.msk [tilespmem:v10+s3+$0x0], $0xffff;
	[tilespmem:s11+$0x810] =	vst v9;
	v9 =	vadd.s32 $0x2000, v1  }
0x3d8: {  	v10 =	vadd.s32 $0x7000, v0;
	[tilespmem:s12+$0xFFFFF400] =	vst v11;
	v7 =	vld.idx.msk [tilespmem:v7+s3+$0x0], $0xffff  }
0x3d9: {  	v11 =	vadd.s32 $0xC000, v4;
	v12 =	vld.idx.msk [tilespmem:v12+s3+$0x0], $0xffff;
	[tilespmem:s15+$0xFFFFE400] =	vst v15  }
0x3da: {  	v13 =	vadd.s32 $0x7000, v5;
	[tilespmem:s15+$0xFFFFE410] =	vst v6;
	v6 =	vld.idx.msk [tilespmem:v14+s3+$0x0], $0xffff  }
0x3db: {  	v15 =	vld.idx.msk [tilespmem:v16+s3+$0x0], $0xffff;
	v14 =	vadd.s32 $0xB000, v3  }
0x3dc: {  	v16 =	vadd.s32 $0x3000, v8;
	v9 =	vld.idx.msk [tilespmem:v9+s3+$0x0], $0xffff;
	[tilespmem:s12+$0xFFFFF810] =	vst v2  }
0x3dd: {  	v2 =	vld.idx.msk [tilespmem:v10+s3+$0x0], $0xffff;
	[tilespmem:s11+$0xC10] =	vst v7;
	v7 =	vadd.s32 $0x3000, v1  }
0x3de: {  	[tilespmem:s12+$0xFFFFF800] =	vst v12;
	v10 =	vld.idx.msk [tilespmem:v11+s3+$0x0], $0xffff  }
0x3df: {  	v11 =	vadd.s32 $0x8000, v0;
	v13 =	vld.idx.msk [tilespmem:v13+s3+$0x0], $0xffff;
	[tilespmem:s11+$0x800] =	vst v6  }
0x3e0: {  	v12 =	vadd.s32 $0xD000, v4;
	[tilespmem:s15+$0xFFFFE800] =	vst v15;
	v6 =	vld.idx.msk [tilespmem:v14+s3+$0x0], $0xffff  }
0x3e1: {  	[tilespmem:s15+$0xFFFFE810] =	vst v9;
	v14 =	vld.idx.msk [tilespmem:v16+s3+$0x0], $0xffff  }
0x3e2: {  	v16 =	vadd.s32 $0x8000, v5;
	v7 =	vld.idx.msk [tilespmem:v7+s3+$0x0], $0xffff  }
0x3e3: {  	v17 =	vadd.s32 $0x4000, v8;
	[tilespmem:s12+$0xFFFFFC10] =	vst v2;
	v2 =	vld [tilespmem:s16+$0x0]  }
0x3e4: {  	v9 =	vld.idx.msk [tilespmem:v11+s3+$0x0], $0xffff;
	[tilespmem:s11+$0x1010] =	vst v10;
	v10 =	vadd.s32 $0x4000, v1  }
0x3e5: {  	[tilespmem:s12+$0xFFFFFC00] =	vst v13;
	v11 =	vld.idx.msk [tilespmem:v12+s3+$0x0], $0xffff;
	v12 =	vadd.s32 $0x9000, v0  }
0x3e6: {  	v15 =	vadd.s32 $0xE000, v4;
	[tilespmem:s15+$0xFFFFEC00] =	vst v14  }
0x3e7: {  	v13 =	vld.idx.msk [tilespmem:v16+s3+$0x0], $0xffff;
	[tilespmem:s11+$0xC00] =	vst v6  }
0x3e8: {  	[tilespmem:s15+$0xFFFFEC10] =	vst v7;
	v6 =	vld.idx.msk [tilespmem:v17+s3+$0x0], $0xffff  }
0x3e9: {  	v7 =	vadd.s32 $0xC000, v3;
	v10 =	vld.idx.msk [tilespmem:v10+s3+$0x0], $0xffff;
	[tilespmem:s12+$0x10] =	vst v9  }
0x3ea: {  	v9 =	vld.idx.msk [tilespmem:v12+s3+$0x0], $0xffff;
	[tilespmem:s11+$0x1410] =	vst v11;
	v11 =	vadd.s32 $0x5000, v1  }
0x3eb: {  	v14 =	vadd.s32 $0xA000, v0;
	v12 =	vld.idx.msk [tilespmem:v15+s3+$0x0], $0xffff  }
0x3ec: {  	v15 =	vadd.s32 $0x5000, v8;
	v16 =	vld.idx.msk [tilespmem:v2+s3+$0x0], $0xffff  }
0x3ed: {  	v4 =	vadd.s32 $0xF000, v4;
	[tilespmem:s12+$0x0] =	vst v13;
	v13 =	vld.idx.msk [tilespmem:v27+s3+$0x0], $0xffff  }
0x3ee: {  	v7 =	vld.idx.msk [tilespmem:v7+s3+$0x0], $0xffff;
	[tilespmem:s15+$0xFFFFF010] =	vst v10;
	v10 =	vadd.s32 $0x9000, v5  }
0x3ef: {  	v17 =	vadd.s32 $0xD000, v3;
	v11 =	vld.idx.msk [tilespmem:v11+s3+$0x0], $0xffff;
	[tilespmem:s12+$0x410] =	vst v9  }
0x3f0: {  	[tilespmem:s15+$0xFFFFF000] =	vst v6;
	v9 =	vadd.s32 $0x1000, v2;
	v14 =	vld.idx.msk [tilespmem:v14+s3+$0x0], $0xffff  }
0x3f1: {  	s16 =	simm.s32 $0x12860;
	[tilespmem:s11+$0x1810] =	vst v12;
	v12 =	vadd.s32 $0x6000, v1;
	v15 =	vld.idx.msk [tilespmem:v15+s3+$0x0], $0xffff  }
0x3f2: {  	v6 =	vadd.s32 $0xB000, v0;
	[tilespmem:s16+$0xFFFFE010] =	vst v16;
	v4 =	vld.idx.msk [tilespmem:v4+s3+$0x0], $0xffff  }
0x3f3: {  	v16 =	vadd.s32 $0x6000, v8;
	[tilespmem:s11+$0x1000] =	vst v7;
	v10 =	vld.idx.msk [tilespmem:v10+s3+$0x0], $0xffff  }
0x3f4: {  	[tilespmem:s16+$0xFFFFE000] =	vst v13;
	v7 =	vadd.s32 $0x1000, v27;
	v13 =	vld.idx.msk [tilespmem:v17+s3+$0x0], $0xffff  }
0x3f5: {  	v9 =	vld.idx.msk [tilespmem:v9+s3+$0x0], $0xffff;
	[tilespmem:s15+$0xFFFFF410] =	vst v11;
	v11 =	vadd.s32 $0xA000, v5  }
0x3f6: {  	v17 =	vadd.s32 $0xE000, v3;
	v12 =	vld.idx.msk [tilespmem:v12+s3+$0x0], $0xffff;
	[tilespmem:s12+$0x810] =	vst v14  }
0x3f7: {  	v14 =	vadd.s32 $0x2000, v2;
	[tilespmem:s15+$0xFFFFF400] =	vst v15;
	v6 =	vld.idx.msk [tilespmem:v6+s3+$0x0], $0xffff  }
0x3f8: {  	[tilespmem:s11+$0x1C10] =	vst v4;
	v4 =	vadd.s32 $0x7000, v1;
	v16 =	vld.idx.msk [tilespmem:v16+s3+$0x0], $0xffff  }
0x3f9: {  	v15 =	vadd.s32 $0xC000, v0;
	v7 =	vld.idx.msk [tilespmem:v7+s3+$0x0], $0xffff;
	[tilespmem:s12+$0x400] =	vst v10  }
0x3fa: {  	v18 =	vadd.s32 $0x7000, v8;
	[tilespmem:s11+$0x1400] =	vst v13;
	v11 =	vld.idx.msk [tilespmem:v11+s3+$0x0], $0xffff  }
0x3fb: {  	v30 =	vadd.s32 $0xF000, v3;
	v37 =	vadd.s32 $0x3000, v27;
	v10 =	vadd.s32 $0x2000, v27;
	[tilespmem:s16+$0xFFFFE410] =	vst v9;
	v32 =	vld.idx.msk [tilespmem:v17+s3+$0x0], $0xffff  }
0x3fc: {  	v26 =	vadd.s32 $0x4000, v27;
	v24 =	vadd.s32 $0x5000, v27;
	v20 =	vld.idx.msk [tilespmem:v14+s3+$0x0], $0xffff;
	[tilespmem:s15+$0xFFFFF810] =	vst v12;
	v12 =	vadd.s32 $0xB000, v5  }
0x3fd: {  	v23 =	vadd.s32 $0x6000, v27;
	v25 =	vadd.s32 $0x8000, v27;
	v22 =	vadd.s32 $0x3000, v2;
	v21 =	vld.idx.msk [tilespmem:v4+s3+$0x0], $0xffff;
	[tilespmem:s12+$0xC10] =	vst v6  }
0x3fe: {  	v35 =	vadd.s32 $0xD000, v0;
	v19 =	vadd.s32 $0x8000, v8;
	v31 =	vadd.s32 $0x8000, v1;
	[tilespmem:s15+$0xFFFFF800] =	vst v16;
	v29 =	vld.idx.msk [tilespmem:v15+s3+$0x0], $0xffff  }
0x3ff: {  	v3 =	vadd.s32 $0xF000, v5;
	v13 =	vadd.s32 $0xC000, v8;
	v9 =	vadd.s32 $0xC000, v5;
	[tilespmem:s16+$0xFFFFE400] =	vst v7;
	v36 =	vld.idx.msk [tilespmem:v18+s3+$0x0], $0xffff  }
0x400: {  	v17 =	vadd.s32 $0x9000, v8;
	v14 =	vadd.s32 $0xB000, v8;
	v6 =	vadd.s32 $0xD000, v5;
	v34 =	vld.idx.msk [tilespmem:v10+s3+$0x0], $0xffff;
	[tilespmem:s12+$0x800] =	vst v11  }
0x401: {  	v4 =	vadd.s32 $0xE000, v5;
	v5 =	vadd.s32 $0xF000, v8;
	v16 =	vadd.s32 $0xC000, v27;
	[tilespmem:s16+$0xFFFFE810] =	vst v20;
	v28 =	vld.idx.msk [tilespmem:v12+s3+$0x0], $0xffff  }
0x402: {  	v15 =	vadd.s32 $0xA000, v8;
	v7 =	vadd.s32 $0xE000, v8;
	v18 =	vadd.s32 $0xB000, v27;
	v33 =	vld.idx.msk [tilespmem:v22+s3+$0x0], $0xffff;
	[tilespmem:s15+$0xFFFFFC10] =	vst v21  }
0x403: {  	v10 =	vadd.s32 $0xD000, v8;
	v8 =	vadd.s32 $0xF000, v27;
	v11 =	vadd.s32 $0xE000, v27;
	v31 =	vld.idx.msk [tilespmem:v31+s3+$0x0], $0xffff;
	[tilespmem:s12+$0x1010] =	vst v29  }
0x404: {  	[tilespmem:s11+$0x1800] =	vst v32;
	v32 =	vadd.s32 $0x9000, v1;
	v20 =	vadd.s32 $0xA000, v27;
	v29 =	vld.idx.msk [tilespmem:v35+s3+$0x0], $0xffff;
	v35 =	vadd.s32 $0x4000, v2  }
0x405: {  	v12 =	vadd.s32 $0xD000, v27;
	v22 =	vadd.s32 $0x7000, v27;
	v21 =	vadd.s32 $0x9000, v27;
	v27 =	vld.idx.msk [tilespmem:v30+s3+$0x0], $0xffff;
	[tilespmem:s16+$0xFFFFE800] =	vst v34  }
0x406: {  	s18 =	simm.s32 $0x6;
	s19 =	simm.s32 $0x10090;
	v30 =	vadd.s32 $0xE000, v0;
	[tilespmem:s15+$0xFFFFFC00] =	vst v36;
	v34 =	vld.idx.msk [tilespmem:v37+s3+$0x0], $0xffff  }
.LBB2_12:
0x407: {  	v36 =	vld [tilespmem:s19+$0x0];
	s18 =	sadd.s32 $0x2, s18;
	[tilespmem:s12+$0xC00] =	vst v28  }
0x408: {  	v28 =	vld [tilespmem:s19+$0xFFFFFFF0];
	p0 =	slt.u32 s18, $0x3E;
	[tilespmem:s16+$0xFFFFEC10] =	vst v33  }
0x409: {  	v33 =	vld.idx.msk [tilespmem:v35+s3+$0x0], $0xffff;
	[tilespmem:s15+$0x10] =	vst v31  }
0x40a: {  	v31 =	vld.idx.msk [tilespmem:v32+s3+$0x0], $0xffff;
	[tilespmem:s12+$0x1410] =	vst v29  }
0x40b: {  	v29 =	vadd.s32 $0x5000, v2;
	v30 =	vld.idx.msk [tilespmem:v30+s3+$0x0], $0xffff;
	[tilespmem:s11+$0x1C00] =	vst v27;
	s11 =	smov.u32 s12;
	s12 =	smov.u32 s15;
	s15 =	smov.u32 s16  }
0x40c: {  	v32 =	vadd.s32 $0xA000, v1;
	[tilespmem:s16+$0xFFFFEC00] =	vst v34;
	v27 =	vld.idx.msk [tilespmem:v19+s3+$0x0], $0xffff;
	v19 =	vmov v25  }
0x40d: {  	v38 =	vadd.s32 $0xF000, v0;
	v0 =	vmovc v1;
	v1 =	vmovc v2;
	v34 =	vadd.s32 $0x1000, v28;
	v35 =	vadd.s32 $0x2000, v28;
	v37 =	vld.idx.msk [tilespmem:v26+s3+$0x0], $0xffff  }
0x40e: {  	v2 =	vmovc v36;
	v39 =	vadd.s32 $0x3000, v28;
	v26 =	vadd.s32 $0x4000, v28;
	v40 =	vadd.s32 $0x5000, v28;
	v41 =	vld.idx.msk [tilespmem:v9+s3+$0x0], $0xffff;
	v9 =	vmovc v13  }
0x40f: {  	v42 =	vadd.s32 $0x6000, v28;
	v43 =	vadd.s32 $0x7000, v28;
	v25 =	vadd.s32 $0x8000, v28;
	v13 =	vmovc v16;
	v36 =	vld.idx.msk [tilespmem:v36+s3+$0x0], $0xffff;
	[tilespmem:s16+$0xFFFFF010] =	vst v33  }
0x410: {  	v44 =	vadd.s32 $0xA000, v28;
	v45 =	vadd.s32 $0xB000, v28;
	v33 =	vadd.s32 $0x9000, v28;
	v29 =	vld.idx.msk [tilespmem:v29+s3+$0x0], $0xffff;
	[tilespmem:s12+$0x410] =	vst v31  }
0x411: {  	v46 =	vadd.s32 $0x1000, v2;
	v16 =	vadd.s32 $0xC000, v28;
	v31 =	vadd.s32 $0xD000, v28;
	v32 =	vld.idx.msk [tilespmem:v32+s3+$0x0], $0xffff;
	[tilespmem:s11+$0x1810] =	vst v30  }
0x412: {  	v48 =	vadd.s32 $0x6000, v1;
	v47 =	vadd.s32 $0xF000, v28;
	v30 =	vadd.s32 $0xE000, v28;
	[tilespmem:s12+$0x0] =	vst v27;
	v27 =	vld.idx.msk [tilespmem:v38+s3+$0x0], $0xffff  }
0x413: {  	v28 =	vld.idx.msk [tilespmem:v28+s3+$0x0], $0xffff;
	[tilespmem:s16+$0xFFFFF000] =	vst v37;
	v37 =	vadd.s32 $0xB000, v0  }
0x414: {  	s16 =	sadd.s32 $0x20, s16;
	v38 =	vld.idx.msk [tilespmem:v24+s3+$0x0], $0xffff;
	[tilespmem:s11+$0x1000] =	vst v41;
	v24 =	vmov v40  }
0x415: {  	[tilespmem:s16+$0xFFFFE010] =	vst v36;
	v36 =	vld.idx.msk [tilespmem:v17+s3+$0x0], $0xffff;
	v17 =	vmov v21;
	v21 =	vmov v33  }
0x416: {  	v33 =	vld.idx.msk [tilespmem:v46+s3+$0x0], $0xffff;
	[tilespmem:s15+$0xFFFFF410] =	vst v29  }
0x417: {  	v29 =	vld.idx.msk [tilespmem:v48+s3+$0x0], $0xffff;
	[tilespmem:s12+$0x810] =	vst v32  }
0x418: {  	v32 =	vadd.s32 $0x2000, v2;
	v37 =	vld.idx.msk [tilespmem:v37+s3+$0x0], $0xffff;
	[tilespmem:s11+$0x1C10] =	vst v27  }
0x419: {  	v27 =	vadd.s32 $0x7000, v1;
	[tilespmem:s16+$0xFFFFE000] =	vst v28;
	v28 =	vld.idx.msk [tilespmem:v6+s3+$0x0], $0xffff;
	v6 =	vmovc v10;
	v10 =	vmov v12;
	v12 =	vmov v31  }
0x41a: {  	v31 =	vld.idx.msk [tilespmem:v34+s3+$0x0], $0xffff;
	[tilespmem:s15+$0xFFFFF400] =	vst v38;
	v34 =	vadd.s32 $0xC000, v0  }
0x41b: {  	v38 =	vld.idx.msk [tilespmem:v23+s3+$0x0], $0xffff;
	[tilespmem:s12+$0x400] =	vst v36;
	v23 =	vmov v42  }
0x41c: {  	[tilespmem:s16+$0xFFFFE410] =	vst v33;
	v33 =	vld.idx.msk [tilespmem:v15+s3+$0x0], $0xffff;
	v15 =	vmov v20;
	v20 =	vmov v44  }
0x41d: {  	v32 =	vld.idx.msk [tilespmem:v32+s3+$0x0], $0xffff;
	[tilespmem:s15+$0xFFFFF810] =	vst v29  }
0x41e: {  	v27 =	vld.idx.msk [tilespmem:v27+s3+$0x0], $0xffff;
	[tilespmem:s12+$0xC10] =	vst v37  }
0x41f: {  	v29 =	vadd.s32 $0x3000, v2;
	v34 =	vld.idx.msk [tilespmem:v34+s3+$0x0], $0xffff;
	[tilespmem:s11+$0x1400] =	vst v28  }
0x420: {  	[tilespmem:s16+$0xFFFFE400] =	vst v31;
	v31 =	vadd.s32 $0x8000, v1;
	v36 =	vld.idx.msk [tilespmem:v4+s3+$0x0], $0xffff;
	v4 =	vmovc v7;
	v7 =	vmov v11;
	v11 =	vmov v30  }
0x421: {  	v37 =	vadd.s32 $0xD000, v0;
	v30 =	vld.idx.msk [tilespmem:v35+s3+$0x0], $0xffff;
	[tilespmem:s15+$0xFFFFF800] =	vst v38  }
0x422: {  	v38 =	vld.idx.msk [tilespmem:v22+s3+$0x0], $0xffff;
	[tilespmem:s12+$0x800] =	vst v33;
	v22 =	vmov v43  }
0x423: {  	[tilespmem:s16+$0xFFFFE810] =	vst v32;
	v28 =	vld.idx.msk [tilespmem:v14+s3+$0x0], $0xffff;
	v14 =	vmov v18;
	v18 =	vmov v45  }
.Ltmp5:
0x424: {  	v33 =	vld.idx.msk [tilespmem:v29+s3+$0x0], $0xffff;
	[tilespmem:s15+$0xFFFFFC10] =	vst v27;
	(pc) =	sbr.rel @p0 .LBB2_12-.Ltmp5, $4  }
0x425: {  	v31 =	vld.idx.msk [tilespmem:v31+s3+$0x0], $0xffff;
	[tilespmem:s12+$0x1010] =	vst v34  }
0x426: {  	v35 =	vadd.s32 $0x4000, v2;
	v29 =	vld.idx.msk [tilespmem:v37+s3+$0x0], $0xffff;
	[tilespmem:s11+$0x1800] =	vst v36  }
0x427: {  	v32 =	vadd.s32 $0x9000, v1;
	[tilespmem:s16+$0xFFFFE800] =	vst v30;
	v27 =	vld.idx.msk [tilespmem:v3+s3+$0x0], $0xffff;
	v3 =	vmovc v5;
	v5 =	vmov v8;
	v8 =	vmov v47  }
0x428: {  	s19 =	sadd.s32 $0x20, s19;
	v30 =	vadd.s32 $0xE000, v0;
	v34 =	vld.idx.msk [tilespmem:v39+s3+$0x0], $0xffff;
	[tilespmem:s15+$0xFFFFFC00] =	vst v38  }
0x429: {  	_ =	sdelay $0x2  }
0x42a: {  	[tilespmem:s16+$0xFFFFEC10] =	vst v33  }
0x42b: {  	v33 =	vld.idx.msk [tilespmem:v35+s3+$0x0], $0xffff;
	[tilespmem:s16+$0xFFFFEC00] =	vst v34  }
0x42c: {  	v60 =	vadd.s32 $0x5000, v2;
	v26 =	vld.idx.msk [tilespmem:v26+s3+$0x0], $0xffff;
	_ =	sdelay $0x3  }
0x42d: {  	[tilespmem:s16+$0xFFFFF010] =	vst v33  }
0x42e: {  	v33 =	vld.idx.msk [tilespmem:v60+s3+$0x0], $0xffff;
	[tilespmem:s16+$0xFFFFF000] =	vst v26  }
0x42f: {  	v26 =	vadd.s32 $0x6000, v2;
	v24 =	vld.idx.msk [tilespmem:v24+s3+$0x0], $0xffff;
	_ =	sdelay $0x3  }
0x430: {  	[tilespmem:s16+$0xFFFFF410] =	vst v33  }
0x431: {  	v26 =	vld.idx.msk [tilespmem:v26+s3+$0x0], $0xffff;
	[tilespmem:s16+$0xFFFFF400] =	vst v24  }
0x432: {  	v24 =	vadd.s32 $0x7000, v2;
	v23 =	vld.idx.msk [tilespmem:v23+s3+$0x0], $0xffff;
	_ =	sdelay $0x3  }
0x433: {  	[tilespmem:s16+$0xFFFFF810] =	vst v26  }
0x434: {  	v24 =	vld.idx.msk [tilespmem:v24+s3+$0x0], $0xffff;
	[tilespmem:s16+$0xFFFFF800] =	vst v23  }
0x435: {  	v23 =	vadd.s32 $0x8000, v2;
	v22 =	vld.idx.msk [tilespmem:v22+s3+$0x0], $0xffff;
	_ =	sdelay $0x2  }
0x436: {  	v19 =	vld.idx.msk [tilespmem:v19+s3+$0x0], $0xffff  }
0x437: {  	[tilespmem:s16+$0xFFFFFC10] =	vst v24  }
0x438: {  	v23 =	vld.idx.msk [tilespmem:v23+s3+$0x0], $0xffff;
	[tilespmem:s16+$0xFFFFFC00] =	vst v22  }
0x439: {  	v22 =	vadd.s32 $0x9000, v2;
	v24 =	vld.idx.msk [tilespmem:v25+s3+$0x0], $0xffff;
	_ =	sdelay $0x1  }
0x43a: {  	[tilespmem:s15+$0x0] =	vst v19  }
0x43b: {  	[tilespmem:s15+$0x10] =	vst v31;
	v17 =	vld.idx.msk [tilespmem:v17+s3+$0x0], $0xffff  }
0x43c: {  	v25 =	vld.idx.msk [tilespmem:v32+s3+$0x0], $0xffff;
	[tilespmem:s16+$0x10] =	vst v23  }
0x43d: {  	v19 =	vadd.s32 $0xA000, v1;
	v22 =	vld.idx.msk [tilespmem:v22+s3+$0x0], $0xffff;
	[tilespmem:s16+$0x0] =	vst v24  }
0x43e: {  	v23 =	vadd.s32 $0xA000, v2;
	v21 =	vld.idx.msk [tilespmem:v21+s3+$0x0], $0xffff;
	_ =	sdelay $0x1  }
0x43f: {  	[tilespmem:s15+$0x400] =	vst v17  }
0x440: {  	v15 =	vld.idx.msk [tilespmem:v15+s3+$0x0], $0xffff;
	[tilespmem:s15+$0x410] =	vst v25  }
0x441: {  	v19 =	vld.idx.msk [tilespmem:v19+s3+$0x0], $0xffff;
	[tilespmem:s16+$0x410] =	vst v22  }
0x442: {  	v17 =	vadd.s32 $0xB000, v1;
	v22 =	vld.idx.msk [tilespmem:v23+s3+$0x0], $0xffff;
	[tilespmem:s16+$0x400] =	vst v21  }
0x443: {  	v21 =	vadd.s32 $0xB000, v2;
	v20 =	vld.idx.msk [tilespmem:v20+s3+$0x0], $0xffff;
	_ =	sdelay $0x1  }
0x444: {  	[tilespmem:s15+$0x800] =	vst v15  }
0x445: {  	v14 =	vld.idx.msk [tilespmem:v14+s3+$0x0], $0xffff;
	[tilespmem:s15+$0x810] =	vst v19  }
0x446: {  	v17 =	vld.idx.msk [tilespmem:v17+s3+$0x0], $0xffff;
	[tilespmem:s16+$0x810] =	vst v22  }
0x447: {  	v15 =	vadd.s32 $0xC000, v1;
	v19 =	vld.idx.msk [tilespmem:v21+s3+$0x0], $0xffff;
	[tilespmem:s16+$0x800] =	vst v20  }
0x448: {  	v20 =	vadd.s32 $0xC000, v2;
	v18 =	vld.idx.msk [tilespmem:v18+s3+$0x0], $0xffff  }
0x449: {  	[tilespmem:s12+$0xC00] =	vst v28  }
0x44a: {  	v9 =	vld.idx.msk [tilespmem:v9+s3+$0x0], $0xffff;
	[tilespmem:s15+$0xC00] =	vst v14  }
0x44b: {  	v13 =	vld.idx.msk [tilespmem:v13+s3+$0x0], $0xffff;
	[tilespmem:s15+$0xC10] =	vst v17  }
0x44c: {  	v15 =	vld.idx.msk [tilespmem:v15+s3+$0x0], $0xffff;
	[tilespmem:s16+$0xC10] =	vst v19  }
0x44d: {  	v14 =	vadd.s32 $0xD000, v1;
	v17 =	vld.idx.msk [tilespmem:v20+s3+$0x0], $0xffff;
	[tilespmem:s16+$0xC00] =	vst v18  }
0x44e: {  	[tilespmem:s12+$0x1410] =	vst v29;
	v18 =	vadd.s32 $0xD000, v2;
	v16 =	vld.idx.msk [tilespmem:v16+s3+$0x0], $0xffff  }
0x44f: {  	[tilespmem:s12+$0x1000] =	vst v9  }
0x450: {  	v6 =	vld.idx.msk [tilespmem:v6+s3+$0x0], $0xffff;
	[tilespmem:s15+$0x1000] =	vst v13  }
0x451: {  	v10 =	vld.idx.msk [tilespmem:v10+s3+$0x0], $0xffff;
	[tilespmem:s15+$0x1010] =	vst v15  }
0x452: {  	v9 =	vld.idx.msk [tilespmem:v14+s3+$0x0], $0xffff;
	[tilespmem:s16+$0x1010] =	vst v17  }
0x453: {  	v13 =	vadd.s32 $0xE000, v1;
	v14 =	vld.idx.msk [tilespmem:v18+s3+$0x0], $0xffff;
	[tilespmem:s16+$0x1000] =	vst v16  }
0x454: {  	[tilespmem:s11+$0x1C00] =	vst v27;
	v15 =	vadd.s32 $0xE000, v2;
	v12 =	vld.idx.msk [tilespmem:v12+s3+$0x0], $0xffff  }
0x455: {  	[tilespmem:s12+$0x1400] =	vst v6;
	v16 =	vld.idx.msk [tilespmem:v30+s3+$0x0], $0xffff  }
0x456: {  	v0 =	vadd.s32 $0xF000, v0;
	v4 =	vld.idx.msk [tilespmem:v4+s3+$0x0], $0xffff;
	[tilespmem:s15+$0x1400] =	vst v10  }
0x457: {  	v7 =	vld.idx.msk [tilespmem:v7+s3+$0x0], $0xffff;
	[tilespmem:s15+$0x1410] =	vst v9  }
0x458: {  	v6 =	vld.idx.msk [tilespmem:v13+s3+$0x0], $0xffff;
	[tilespmem:s16+$0x1410] =	vst v14  }
0x459: {  	v1 =	vadd.s32 $0xF000, v1;
	v9 =	vld.idx.msk [tilespmem:v15+s3+$0x0], $0xffff;
	[tilespmem:s16+$0x1400] =	vst v12  }
0x45a: {  	v2 =	vadd.s32 $0xF000, v2;
	[tilespmem:s12+$0x1810] =	vst v16;
	v10 =	vld.idx.msk [tilespmem:v11+s3+$0x0], $0xffff  }
0x45b: {  	[tilespmem:s12+$0x1800] =	vst v4;
	v0 =	vld.idx.msk [tilespmem:v0+s3+$0x0], $0xffff  }
0x45c: {  	v3 =	vld.idx.msk [tilespmem:v3+s3+$0x0], $0xffff;
	[tilespmem:s15+$0x1800] =	vst v7  }
0x45d: {  	v4 =	vld.idx.msk [tilespmem:v5+s3+$0x0], $0xffff;
	[tilespmem:s15+$0x1810] =	vst v6  }
0x45e: {  	v1 =	vld.idx.msk [tilespmem:v1+s3+$0x0], $0xffff;
	[tilespmem:s16+$0x1810] =	vst v9  }
0x45f: {  	v2 =	vld.idx.msk [tilespmem:v2+s3+$0x0], $0xffff;
	[tilespmem:s16+$0x1800] =	vst v10  }
0x460: {  	[tilespmem:s12+$0x1C10] =	vst v0;
	v0 =	vld.idx.msk [tilespmem:v8+s3+$0x0], $0xffff  }
0x461: {  	[tilespmem:s12+$0x1C00] =	vst v3  }
0x462: {  	[tilespmem:s15+$0x1C00] =	vst v4  }
0x463: {  	[tilespmem:s15+$0x1C10] =	vst v1  }
0x464: {  	[tilespmem:s16+$0x1C10] =	vst v2  }
0x465: {  	[tilespmem:s16+$0x1C00] =	vst v0  }
0x466: {  	s22 =	simm.s32 $0x0;
	s12 =	rddreg [dreg:$0xe]  }
0x467: {  	[tilespmem:s28], [sflag:$0x1] =	stream.linear.gather [hbm4b:s12+s22], $0x400, $0x38;
	[tilespmem:$0x18800] =	vst v63  }
0x468: {  	s25 =	rddreg [dreg:$0x10]  }
0x469: {  	[hbm4b:s25+s31] =	stream.strided.scatter [tilespmem:s2], [sflag:$0x3], $0x4000, s0, s31, $0x38;
	[tilespmem:$0x18800] =	vst v63  }
0x46a: {  	_ =	swait.ge [sflag:s5], $0x400  }
0x46b: {  	[sflag:s5] =	ssyncset.done $0x0  }
0x46c: {  	s12 =	simm.s32 $0x0;
	[sflag:s5] =	ssyncadd.s32 $0xFFFFFC00  }
0x46d: {  	v4 =	vld [tilespmem:s12+$0x10410];
	_ =	sdelay $0x3  }
0x46e: {  	v3 =	vld [tilespmem:s12+$0x10400];
	_ =	sdelay $0x3  }
0x46f: {  	v0 =	vld.idx.msk [tilespmem:v4+s3+$0x0], $0xffff  }
0x470: {  	v1 =	vadd.s32 $0x1000, v4;
	_ =	sdelay $0x2  }
0x471: {  	v2 =	vld.idx.msk [tilespmem:v3+s3+$0x0], $0xffff  }
0x472: {  	v5 =	vadd.s32 $0x1000, v3;
	[tilespmem:s12+$0x14810] =	vst v0  }
0x473: {  	v0 =	vld.idx.msk [tilespmem:v1+s3+$0x0], $0xffff  }
0x474: {  	v1 =	vadd.s32 $0x2000, v4;
	_ =	sdelay $0x1  }
0x475: {  	[tilespmem:s12+$0x14800] =	vst v2  }
0x476: {  	v2 =	vld.idx.msk [tilespmem:v5+s3+$0x0], $0xffff  }
0x477: {  	v5 =	vadd.s32 $0x2000, v3;
	[tilespmem:s12+$0x14C10] =	vst v0  }
0x478: {  	v0 =	vld.idx.msk [tilespmem:v1+s3+$0x0], $0xffff  }
0x479: {  	v1 =	vadd.s32 $0x3000, v4;
	_ =	sdelay $0x1  }
0x47a: {  	[tilespmem:s12+$0x14C00] =	vst v2  }
0x47b: {  	v6 =	vld.idx.msk [tilespmem:v5+s3+$0x0], $0xffff  }
0x47c: {  	v7 =	vadd.s32 $0x3000, v3;
	[tilespmem:s12+$0x15010] =	vst v0  }
0x47d: {  	v1 =	vld.idx.msk [tilespmem:v1+s3+$0x0], $0xffff  }
0x47e: {  	v2 =	vadd.s32 $0x4000, v4  }
0x47f: {  	s11 =	simm.s32 $0x20  }
0x480: {  	v0 =	vld [tilespmem:s11+$0x10410];
	[tilespmem:s12+$0x15000] =	vst v6  }
0x481: {  	v6 =	vld.idx.msk [tilespmem:v7+s3+$0x0], $0xffff  }
0x482: {  	v7 =	vadd.s32 $0x4000, v3;
	[tilespmem:s12+$0x15410] =	vst v1  }
0x483: {  	v1 =	vld.idx.msk [tilespmem:v2+s3+$0x0], $0xffff  }
0x484: {  	v5 =	vld [tilespmem:s11+$0x10400];
	v2 =	vadd.s32 $0x5000, v4;
	_ =	sdelay $0x1  }
0x485: {  	[tilespmem:s12+$0x15400] =	vst v6  }
0x486: {  	v7 =	vld.idx.msk [tilespmem:v7+s3+$0x0], $0xffff  }
0x487: {  	v11 =	vadd.s32 $0x5000, v3;
	v8 =	vld.idx.msk [tilespmem:v0+s3+$0x0], $0xffff;
	[tilespmem:s12+$0x15810] =	vst v1  }
0x488: {  	v1 =	vld.idx.msk [tilespmem:v2+s3+$0x0], $0xffff;
	v2 =	vadd.s32 $0x1000, v0;
	_ =	sdelay $0x1  }
0x489: {  	v9 =	vadd.s32 $0x6000, v4  }
0x48a: {  	v10 =	vld.idx.msk [tilespmem:v5+s3+$0x0], $0xffff;
	[tilespmem:s12+$0x15800] =	vst v7  }
0x48b: {  	v6 =	vadd.s32 $0x1000, v5;
	[tilespmem:s11+$0x14810] =	vst v8;
	v7 =	vld.idx.msk [tilespmem:v11+s3+$0x0], $0xffff  }
0x48c: {  	v11 =	vadd.s32 $0x6000, v3;
	v2 =	vld.idx.msk [tilespmem:v2+s3+$0x0], $0xffff  }
0x48d: {  	v8 =	vadd.s32 $0x2000, v0;
	[tilespmem:s12+$0x15C10] =	vst v1  }
0x48e: {  	v1 =	vld.idx.msk [tilespmem:v9+s3+$0x0], $0xffff  }
0x48f: {  	[tilespmem:s11+$0x14800] =	vst v10;
	v9 =	vadd.s32 $0x7000, v4  }
0x490: {  	v6 =	vld.idx.msk [tilespmem:v6+s3+$0x0], $0xffff;
	[tilespmem:s12+$0x15C00] =	vst v7  }
0x491: {  	v10 =	vadd.s32 $0x2000, v5;
	v7 =	vld.idx.msk [tilespmem:v11+s3+$0x0], $0xffff;
	[tilespmem:s11+$0x14C10] =	vst v2  }
0x492: {  	v11 =	vadd.s32 $0x7000, v3;
	v2 =	vld.idx.msk [tilespmem:v8+s3+$0x0], $0xffff  }
0x493: {  	[tilespmem:s12+$0x16010] =	vst v1;
	v8 =	vadd.s32 $0x3000, v0  }
0x494: {  	v1 =	vld.idx.msk [tilespmem:v9+s3+$0x0], $0xffff  }
0x495: {  	[tilespmem:s11+$0x14C00] =	vst v6;
	v6 =	vadd.s32 $0x8000, v4  }
0x496: {  	[tilespmem:s12+$0x16000] =	vst v7;
	v9 =	vld.idx.msk [tilespmem:v10+s3+$0x0], $0xffff  }
0x497: {  	v10 =	vadd.s32 $0x3000, v5;
	v11 =	vld.idx.msk [tilespmem:v11+s3+$0x0], $0xffff;
	[tilespmem:s11+$0x15010] =	vst v2  }
0x498: {  	s15 =	simm.s32 $0x40;
	v2 =	vld.idx.msk [tilespmem:v8+s3+$0x0], $0xffff  }
0x499: {  	v12 =	vadd.s32 $0x4000, v0;
	[tilespmem:s12+$0x16410] =	vst v1;
	v1 =	vld [tilespmem:s15+$0x10410]  }
0x49a: {  	v13 =	vadd.s32 $0x8000, v3;
	v6 =	vld.idx.msk [tilespmem:v6+s3+$0x0], $0xffff  }
0x49b: {  	[tilespmem:s11+$0x15000] =	vst v9;
	v9 =	vadd.s32 $0x9000, v4;
	v8 =	vld [tilespmem:s15+$0x10400]  }
0x49c: {  	v10 =	vld.idx.msk [tilespmem:v10+s3+$0x0], $0xffff  }
0x49d: {  	v7 =	vadd.s32 $0x4000, v5;
	[tilespmem:s11+$0x15410] =	vst v2  }
0x49e: {  	[tilespmem:s12+$0x16400] =	vst v11;
	v2 =	vld.idx.msk [tilespmem:v12+s3+$0x0], $0xffff  }
0x49f: {  	[tilespmem:s12+$0x16810] =	vst v6;
	v12 =	vld.idx.msk [tilespmem:v13+s3+$0x0], $0xffff  }
0x4a0: {  	v6 =	vld.idx.msk [tilespmem:v9+s3+$0x0], $0xffff;
	v9 =	vadd.s32 $0x5000, v0  }
0x4a1: {  	[tilespmem:s11+$0x15400] =	vst v10;
	v13 =	vadd.s32 $0x9000, v3  }
0x4a2: {  	v10 =	vadd.s32 $0xA000, v4;
	v7 =	vld.idx.msk [tilespmem:v7+s3+$0x0], $0xffff  }
0x4a3: {  	v11 =	vadd.s32 $0x5000, v5;
	v15 =	vld.idx.msk [tilespmem:v8+s3+$0x0], $0xffff;
	[tilespmem:s11+$0x15810] =	vst v2  }
0x4a4: {  	v16 =	vadd.s32 $0x1000, v8;
	v14 =	vld.idx.msk [tilespmem:v1+s3+$0x0], $0xffff;
	[tilespmem:s12+$0x16800] =	vst v12  }
0x4a5: {  	v2 =	vld.idx.msk [tilespmem:v9+s3+$0x0], $0xffff;
	[tilespmem:s12+$0x16C10] =	vst v6;
	v6 =	vadd.s32 $0x1000, v1  }
0x4a6: {  	v13 =	vld.idx.msk [tilespmem:v13+s3+$0x0], $0xffff  }
0x4a7: {  	[tilespmem:s11+$0x15800] =	vst v7;
	v9 =	vld.idx.msk [tilespmem:v10+s3+$0x0], $0xffff;
	v10 =	vadd.s32 $0x6000, v0  }
0x4a8: {  	v7 =	vadd.s32 $0xB000, v4;
	v11 =	vld.idx.msk [tilespmem:v11+s3+$0x0], $0xffff;
	[tilespmem:s15+$0x14800] =	vst v15  }
0x4a9: {  	v12 =	vadd.s32 $0x6000, v5;
	[tilespmem:s15+$0x14810] =	vst v14;
	v15 =	vld.idx.msk [tilespmem:v16+s3+$0x0], $0xffff  }
0x4aa: {  	s16 =	simm.s32 $0x60;
	v14 =	vadd.s32 $0xA000, v3;
	v6 =	vld.idx.msk [tilespmem:v6+s3+$0x0], $0xffff;
	[tilespmem:s11+$0x15C10] =	vst v2  }
0x4ab: {  	v29 =	vld [tilespmem:s16+$0x10400];
	v16 =	vadd.s32 $0x2000, v8;
	[tilespmem:s12+$0x16C00] =	vst v13  }
0x4ac: {  	v2 =	vld.idx.msk [tilespmem:v10+s3+$0x0], $0xffff;
	[tilespmem:s12+$0x17010] =	vst v9;
	v9 =	vadd.s32 $0x2000, v1  }
0x4ad: {  	v10 =	vadd.s32 $0x7000, v0;
	[tilespmem:s11+$0x15C00] =	vst v11;
	v7 =	vld.idx.msk [tilespmem:v7+s3+$0x0], $0xffff  }
0x4ae: {  	v11 =	vadd.s32 $0xC000, v4;
	v12 =	vld.idx.msk [tilespmem:v12+s3+$0x0], $0xffff;
	[tilespmem:s15+$0x14C00] =	vst v15  }
0x4af: {  	v13 =	vadd.s32 $0x7000, v5;
	[tilespmem:s15+$0x14C10] =	vst v6;
	v6 =	vld.idx.msk [tilespmem:v14+s3+$0x0], $0xffff  }
0x4b0: {  	v15 =	vld.idx.msk [tilespmem:v16+s3+$0x0], $0xffff;
	v14 =	vadd.s32 $0xB000, v3  }
0x4b1: {  	v16 =	vadd.s32 $0x3000, v8;
	v9 =	vld.idx.msk [tilespmem:v9+s3+$0x0], $0xffff;
	[tilespmem:s11+$0x16010] =	vst v2  }
0x4b2: {  	v2 =	vld.idx.msk [tilespmem:v10+s3+$0x0], $0xffff;
	[tilespmem:s12+$0x17410] =	vst v7;
	v7 =	vadd.s32 $0x3000, v1  }
0x4b3: {  	[tilespmem:s11+$0x16000] =	vst v12;
	v10 =	vld.idx.msk [tilespmem:v11+s3+$0x0], $0xffff  }
0x4b4: {  	v11 =	vadd.s32 $0x8000, v0;
	v13 =	vld.idx.msk [tilespmem:v13+s3+$0x0], $0xffff;
	[tilespmem:s12+$0x17000] =	vst v6  }
0x4b5: {  	v12 =	vadd.s32 $0xD000, v4;
	[tilespmem:s15+$0x15000] =	vst v15;
	v6 =	vld.idx.msk [tilespmem:v14+s3+$0x0], $0xffff  }
0x4b6: {  	[tilespmem:s15+$0x15010] =	vst v9;
	v14 =	vld.idx.msk [tilespmem:v16+s3+$0x0], $0xffff  }
0x4b7: {  	v16 =	vadd.s32 $0x8000, v5;
	v7 =	vld.idx.msk [tilespmem:v7+s3+$0x0], $0xffff  }
0x4b8: {  	v17 =	vadd.s32 $0x4000, v8;
	[tilespmem:s11+$0x16410] =	vst v2;
	v2 =	vld [tilespmem:s16+$0x10410]  }
0x4b9: {  	v9 =	vld.idx.msk [tilespmem:v11+s3+$0x0], $0xffff;
	[tilespmem:s12+$0x17810] =	vst v10;
	v10 =	vadd.s32 $0x4000, v1  }
0x4ba: {  	[tilespmem:s11+$0x16400] =	vst v13;
	v11 =	vld.idx.msk [tilespmem:v12+s3+$0x0], $0xffff;
	v12 =	vadd.s32 $0x9000, v0  }
0x4bb: {  	v15 =	vadd.s32 $0xE000, v4;
	[tilespmem:s15+$0x15400] =	vst v14  }
0x4bc: {  	v13 =	vld.idx.msk [tilespmem:v16+s3+$0x0], $0xffff;
	[tilespmem:s12+$0x17400] =	vst v6  }
0x4bd: {  	[tilespmem:s15+$0x15410] =	vst v7;
	v6 =	vld.idx.msk [tilespmem:v17+s3+$0x0], $0xffff  }
0x4be: {  	v7 =	vadd.s32 $0xC000, v3;
	v10 =	vld.idx.msk [tilespmem:v10+s3+$0x0], $0xffff;
	[tilespmem:s11+$0x16810] =	vst v9  }
0x4bf: {  	v9 =	vld.idx.msk [tilespmem:v12+s3+$0x0], $0xffff;
	[tilespmem:s12+$0x17C10] =	vst v11;
	v11 =	vadd.s32 $0x5000, v1  }
0x4c0: {  	v14 =	vadd.s32 $0xA000, v0;
	v12 =	vld.idx.msk [tilespmem:v15+s3+$0x0], $0xffff  }
0x4c1: {  	v15 =	vadd.s32 $0x5000, v8;
	v16 =	vld.idx.msk [tilespmem:v2+s3+$0x0], $0xffff  }
0x4c2: {  	v4 =	vadd.s32 $0xF000, v4;
	[tilespmem:s11+$0x16800] =	vst v13;
	v13 =	vld.idx.msk [tilespmem:v29+s3+$0x0], $0xffff  }
0x4c3: {  	v7 =	vld.idx.msk [tilespmem:v7+s3+$0x0], $0xffff;
	[tilespmem:s15+$0x15810] =	vst v10;
	v10 =	vadd.s32 $0x9000, v5  }
0x4c4: {  	v17 =	vadd.s32 $0xD000, v3;
	v11 =	vld.idx.msk [tilespmem:v11+s3+$0x0], $0xffff;
	[tilespmem:s11+$0x16C10] =	vst v9  }
0x4c5: {  	[tilespmem:s15+$0x15800] =	vst v6;
	v9 =	vadd.s32 $0x1000, v2;
	v14 =	vld.idx.msk [tilespmem:v14+s3+$0x0], $0xffff  }
0x4c6: {  	[tilespmem:s12+$0x18010] =	vst v12;
	v12 =	vadd.s32 $0x6000, v1;
	v15 =	vld.idx.msk [tilespmem:v15+s3+$0x0], $0xffff  }
0x4c7: {  	v6 =	vadd.s32 $0xB000, v0;
	[tilespmem:s16+$0x14810] =	vst v16;
	v4 =	vld.idx.msk [tilespmem:v4+s3+$0x0], $0xffff  }
0x4c8: {  	v16 =	vadd.s32 $0x6000, v8;
	[tilespmem:s12+$0x17800] =	vst v7;
	v10 =	vld.idx.msk [tilespmem:v10+s3+$0x0], $0xffff  }
0x4c9: {  	[tilespmem:s16+$0x14800] =	vst v13;
	v7 =	vadd.s32 $0x1000, v29;
	v17 =	vld.idx.msk [tilespmem:v17+s3+$0x0], $0xffff  }
0x4ca: {  	v9 =	vld.idx.msk [tilespmem:v9+s3+$0x0], $0xffff;
	[tilespmem:s15+$0x15C10] =	vst v11;
	v11 =	vadd.s32 $0xA000, v5  }
0x4cb: {  	v20 =	vadd.s32 $0xE000, v3;
	v12 =	vld.idx.msk [tilespmem:v12+s3+$0x0], $0xffff;
	[tilespmem:s11+$0x17010] =	vst v14  }
0x4cc: {  	v14 =	vadd.s32 $0x2000, v2;
	[tilespmem:s15+$0x15C00] =	vst v15;
	v18 =	vld.idx.msk [tilespmem:v6+s3+$0x0], $0xffff  }
0x4cd: {  	v13 =	vadd.s32 $0x7000, v1;
	[tilespmem:s12+$0x18410] =	vst v4;
	v16 =	vld.idx.msk [tilespmem:v16+s3+$0x0], $0xffff  }
0x4ce: {  	v36 =	vadd.s32 $0xF000, v3;
	v27 =	vadd.s32 $0x3000, v29;
	v15 =	vadd.s32 $0xC000, v0;
	v7 =	vld.idx.msk [tilespmem:v7+s3+$0x0], $0xffff;
	[tilespmem:s11+$0x16C00] =	vst v10  }
0x4cf: {  	v26 =	vadd.s32 $0x4000, v29;
	v24 =	vadd.s32 $0x5000, v29;
	v22 =	vadd.s32 $0x7000, v8;
	[tilespmem:s12+$0x17C00] =	vst v17;
	v11 =	vld.idx.msk [tilespmem:v11+s3+$0x0], $0xffff  }
0x4d0: {  	v25 =	vadd.s32 $0x8000, v29;
	v21 =	vadd.s32 $0xB000, v5;
	v10 =	vadd.s32 $0x2000, v29;
	[tilespmem:s16+$0x14C10] =	vst v9;
	v62 =	vld.idx.msk [tilespmem:v20+s3+$0x0], $0xffff  }
0x4d1: {  	v63 =	vadd.s32 $0xD000, v0;
	v19 =	vadd.s32 $0x8000, v8;
	v61 =	vadd.s32 $0x8000, v1;
	v23 =	vld.idx.msk [tilespmem:v14+s3+$0x0], $0xffff;
	[tilespmem:s15+$0x16010] =	vst v12  }
0x4d2: {  	v3 =	vadd.s32 $0xF000, v5;
	v6 =	vadd.s32 $0xD000, v5;
	v12 =	vld.idx.msk [tilespmem:v13+s3+$0x0], $0xffff;
	[tilespmem:s11+$0x17410] =	vst v18;
	v18 =	vadd.s32 $0x3000, v2  }
0x4d3: {  	v4 =	vadd.s32 $0xE000, v5;
	v17 =	vadd.s32 $0x9000, v8;
	v9 =	vadd.s32 $0xC000, v5;
	[tilespmem:s15+$0x16000] =	vst v16;
	v30 =	vld.idx.msk [tilespmem:v15+s3+$0x0], $0xffff  }
0x4d4: {  	v5 =	vadd.s32 $0xF000, v8;
	v20 =	vadd.s32 $0xA000, v29;
	v14 =	vadd.s32 $0xB000, v8;
	[tilespmem:s16+$0x14C00] =	vst v7;
	v31 =	vld.idx.msk [tilespmem:v22+s3+$0x0], $0xffff  }
0x4d5: {  	v13 =	vadd.s32 $0xC000, v8;
	v16 =	vadd.s32 $0xC000, v29;
	v15 =	vadd.s32 $0xA000, v8;
	v37 =	vld.idx.msk [tilespmem:v10+s3+$0x0], $0xffff;
	[tilespmem:s11+$0x17000] =	vst v11  }
0x4d6: {  	v7 =	vadd.s32 $0xE000, v8;
	v22 =	vadd.s32 $0x7000, v29;
	v10 =	vadd.s32 $0xD000, v8;
	[tilespmem:s16+$0x15010] =	vst v23;
	v28 =	vld.idx.msk [tilespmem:v21+s3+$0x0], $0xffff  }
0x4d7: {  	v8 =	vadd.s32 $0xF000, v29;
	v11 =	vadd.s32 $0xE000, v29;
	[tilespmem:s12+$0x18000] =	vst v62;
	v23 =	vadd.s32 $0x6000, v29;
	v34 =	vld.idx.msk [tilespmem:v18+s3+$0x0], $0xffff  }
0x4d8: {  	v21 =	vadd.s32 $0x9000, v29;
	[tilespmem:s15+$0x16410] =	vst v12;
	v18 =	vadd.s32 $0xB000, v29;
	v12 =	vadd.s32 $0xD000, v29;
	v29 =	vld.idx.msk [tilespmem:v36+s3+$0x0], $0xffff  }
0x4d9: {  	v35 =	vadd.s32 $0x4000, v2;
	v32 =	vld.idx.msk [tilespmem:v61+s3+$0x0], $0xffff;
	[tilespmem:s11+$0x17810] =	vst v30  }
0x4da: {  	s18 =	simm.s32 $0x6;
	s19 =	simm.s32 $0x200;
	v33 =	vadd.s32 $0x9000, v1;
	v30 =	vld.idx.msk [tilespmem:v63+s3+$0x0], $0xffff;
	[tilespmem:s16+$0x15000] =	vst v37  }
.LBB2_14:
0x4db: {  	s20 =	sshra.s32 s19, $0x2;
	s18 =	sadd.s32 $0x2, s18;
	v27 =	vld.idx.msk [tilespmem:v27+s3+$0x0], $0xffff;
	[tilespmem:s15+$0x16400] =	vst v31;
	v31 =	vadd.s32 $0xE000, v0  }
0x4dc: {  	v36 =	vld [tilespmem:s20+$0x10410];
	p0 =	slt.u32 s18, $0x3E;
	[tilespmem:s11+$0x17400] =	vst v28  }
0x4dd: {  	v28 =	vld [tilespmem:s20+$0x10400];
	[tilespmem:s16+$0x15410] =	vst v34  }
0x4de: {  	v34 =	vld.idx.msk [tilespmem:v35+s3+$0x0], $0xffff;
	[tilespmem:s15+$0x16810] =	vst v32  }
0x4df: {  	v32 =	vld.idx.msk [tilespmem:v33+s3+$0x0], $0xffff;
	[tilespmem:s11+$0x17C10] =	vst v30  }
0x4e0: {  	v30 =	vadd.s32 $0x5000, v2;
	v31 =	vld.idx.msk [tilespmem:v31+s3+$0x0], $0xffff;
	[tilespmem:s12+$0x18400] =	vst v29;
	s12 =	smov.u32 s11;
	s11 =	smov.u32 s15;
	s15 =	smov.u32 s16  }
0x4e1: {  	v33 =	vadd.s32 $0xA000, v1;
	s16 =	smov.u32 s20;
	[tilespmem:s15+$0x15400] =	vst v27;
	v29 =	vld.idx.msk [tilespmem:v19+s3+$0x0], $0xffff;
	v19 =	vmov v25  }
0x4e2: {  	v39 =	vadd.s32 $0xF000, v0;
	v0 =	vmovc v1;
	v1 =	vmovc v2;
	v35 =	vadd.s32 $0x1000, v28;
	v37 =	vadd.s32 $0x2000, v28;
	v38 =	vld.idx.msk [tilespmem:v26+s3+$0x0], $0xffff  }
0x4e3: {  	v2 =	vmovc v36;
	v27 =	vadd.s32 $0x3000, v28;
	v26 =	vadd.s32 $0x4000, v28;
	v40 =	vadd.s32 $0x5000, v28;
	v41 =	vld.idx.msk [tilespmem:v9+s3+$0x0], $0xffff;
	v9 =	vmovc v13  }
0x4e4: {  	v42 =	vadd.s32 $0x6000, v28;
	v43 =	vadd.s32 $0x7000, v28;
	v25 =	vadd.s32 $0x8000, v28;
	v13 =	vmovc v16;
	v36 =	vld.idx.msk [tilespmem:v36+s3+$0x0], $0xffff;
	[tilespmem:s15+$0x15810] =	vst v34  }
0x4e5: {  	v44 =	vadd.s32 $0xA000, v28;
	v45 =	vadd.s32 $0xB000, v28;
	v34 =	vadd.s32 $0x9000, v28;
	v30 =	vld.idx.msk [tilespmem:v30+s3+$0x0], $0xffff;
	[tilespmem:s11+$0x16C10] =	vst v32  }
0x4e6: {  	v46 =	vadd.s32 $0x1000, v2;
	v16 =	vadd.s32 $0xC000, v28;
	v32 =	vadd.s32 $0xD000, v28;
	v33 =	vld.idx.msk [tilespmem:v33+s3+$0x0], $0xffff;
	[tilespmem:s12+$0x18010] =	vst v31  }
0x4e7: {  	v48 =	vadd.s32 $0x6000, v1;
	v47 =	vadd.s32 $0xF000, v28;
	v31 =	vadd.s32 $0xE000, v28;
	[tilespmem:s11+$0x16800] =	vst v29;
	v29 =	vld.idx.msk [tilespmem:v39+s3+$0x0], $0xffff  }
0x4e8: {  	v28 =	vld.idx.msk [tilespmem:v28+s3+$0x0], $0xffff;
	[tilespmem:s15+$0x15800] =	vst v38;
	v38 =	vadd.s32 $0xB000, v0  }
0x4e9: {  	v39 =	vld.idx.msk [tilespmem:v24+s3+$0x0], $0xffff;
	[tilespmem:s12+$0x17800] =	vst v41;
	v24 =	vmov v40  }
0x4ea: {  	[tilespmem:s16+$0x14810] =	vst v36;
	v36 =	vld.idx.msk [tilespmem:v17+s3+$0x0], $0xffff;
	v17 =	vmov v21;
	v21 =	vmov v34  }
0x4eb: {  	v34 =	vld.idx.msk [tilespmem:v46+s3+$0x0], $0xffff;
	[tilespmem:s15+$0x15C10] =	vst v30  }
0x4ec: {  	v30 =	vld.idx.msk [tilespmem:v48+s3+$0x0], $0xffff;
	[tilespmem:s11+$0x17010] =	vst v33  }
0x4ed: {  	v33 =	vadd.s32 $0x2000, v2;
	v38 =	vld.idx.msk [tilespmem:v38+s3+$0x0], $0xffff;
	[tilespmem:s12+$0x18410] =	vst v29  }
0x4ee: {  	[tilespmem:s16+$0x14800] =	vst v28;
	v28 =	vadd.s32 $0x7000, v1;
	v29 =	vld.idx.msk [tilespmem:v6+s3+$0x0], $0xffff;
	v6 =	vmovc v10;
	v10 =	vmov v12;
	v12 =	vmov v32  }
0x4ef: {  	v32 =	vld.idx.msk [tilespmem:v35+s3+$0x0], $0xffff;
	[tilespmem:s15+$0x15C00] =	vst v39;
	v35 =	vadd.s32 $0xC000, v0  }
0x4f0: {  	v39 =	vld.idx.msk [tilespmem:v23+s3+$0x0], $0xffff;
	[tilespmem:s11+$0x16C00] =	vst v36;
	v23 =	vmov v42  }
0x4f1: {  	[tilespmem:s16+$0x14C10] =	vst v34;
	v34 =	vld.idx.msk [tilespmem:v15+s3+$0x0], $0xffff;
	v15 =	vmov v20;
	v20 =	vmov v44  }
0x4f2: {  	v33 =	vld.idx.msk [tilespmem:v33+s3+$0x0], $0xffff;
	[tilespmem:s15+$0x16010] =	vst v30  }
0x4f3: {  	v30 =	vld.idx.msk [tilespmem:v28+s3+$0x0], $0xffff;
	[tilespmem:s11+$0x17410] =	vst v38  }
0x4f4: {  	v36 =	vadd.s32 $0x3000, v2;
	v35 =	vld.idx.msk [tilespmem:v35+s3+$0x0], $0xffff;
	[tilespmem:s12+$0x17C00] =	vst v29  }
0x4f5: {  	v29 =	vadd.s32 $0x8000, v1;
	[tilespmem:s16+$0x14C00] =	vst v32;
	v38 =	vld.idx.msk [tilespmem:v4+s3+$0x0], $0xffff;
	v4 =	vmovc v7;
	v7 =	vmov v11;
	v11 =	vmov v31  }
0x4f6: {  	v37 =	vld.idx.msk [tilespmem:v37+s3+$0x0], $0xffff;
	[tilespmem:s15+$0x16000] =	vst v39;
	v39 =	vadd.s32 $0xD000, v0  }
0x4f7: {  	v31 =	vld.idx.msk [tilespmem:v22+s3+$0x0], $0xffff;
	[tilespmem:s11+$0x17000] =	vst v34;
	v22 =	vmov v43  }
.Ltmp6:
0x4f8: {  	[tilespmem:s16+$0x15010] =	vst v33;
	v28 =	vld.idx.msk [tilespmem:v14+s3+$0x0], $0xffff;
	v14 =	vmov v18;
	v18 =	vmov v45;
	(pc) =	sbr.rel @p0 .LBB2_14-.Ltmp6, $4  }
0x4f9: {  	v34 =	vld.idx.msk [tilespmem:v36+s3+$0x0], $0xffff;
	[tilespmem:s15+$0x16410] =	vst v30  }
0x4fa: {  	v32 =	vld.idx.msk [tilespmem:v29+s3+$0x0], $0xffff;
	[tilespmem:s11+$0x17810] =	vst v35  }
0x4fb: {  	v35 =	vadd.s32 $0x4000, v2;
	v30 =	vld.idx.msk [tilespmem:v39+s3+$0x0], $0xffff;
	[tilespmem:s12+$0x18000] =	vst v38  }
0x4fc: {  	s19 =	sadd.s32 $0x80, s19;
	v33 =	vadd.s32 $0x9000, v1;
	[tilespmem:s16+$0x15000] =	vst v37;
	v29 =	vld.idx.msk [tilespmem:v3+s3+$0x0], $0xffff;
	v3 =	vmovc v5;
	v5 =	vmov v8;
	v8 =	vmov v47  }
0x4fd: {  	_ =	sdelay $0x3  }
0x4fe: {  	v27 =	vld.idx.msk [tilespmem:v27+s3+$0x0], $0xffff;
	_ =	sdelay $0x3  }
0x4ff: {  	[tilespmem:s16+$0x15410] =	vst v34  }
0x500: {  	v34 =	vld.idx.msk [tilespmem:v35+s3+$0x0], $0xffff;
	[tilespmem:s16+$0x15400] =	vst v27  }
0x501: {  	v35 =	vadd.s32 $0x5000, v2;
	v26 =	vld.idx.msk [tilespmem:v26+s3+$0x0], $0xffff;
	_ =	sdelay $0x3  }
0x502: {  	[tilespmem:s16+$0x15810] =	vst v34  }
0x503: {  	v27 =	vld.idx.msk [tilespmem:v35+s3+$0x0], $0xffff;
	[tilespmem:s16+$0x15800] =	vst v26  }
0x504: {  	v36 =	vadd.s32 $0x6000, v2;
	v24 =	vld.idx.msk [tilespmem:v24+s3+$0x0], $0xffff;
	_ =	sdelay $0x3  }
0x505: {  	[tilespmem:s16+$0x15C10] =	vst v27  }
0x506: {  	v26 =	vld.idx.msk [tilespmem:v36+s3+$0x0], $0xffff;
	[tilespmem:s16+$0x15C00] =	vst v24  }
0x507: {  	v37 =	vadd.s32 $0x7000, v2;
	v23 =	vld.idx.msk [tilespmem:v23+s3+$0x0], $0xffff;
	_ =	sdelay $0x3  }
0x508: {  	[tilespmem:s16+$0x16010] =	vst v26  }
0x509: {  	v24 =	vld.idx.msk [tilespmem:v37+s3+$0x0], $0xffff;
	[tilespmem:s16+$0x16000] =	vst v23  }
0x50a: {  	v38 =	vadd.s32 $0x8000, v2;
	v22 =	vld.idx.msk [tilespmem:v22+s3+$0x0], $0xffff;
	_ =	sdelay $0x2  }
0x50b: {  	[tilespmem:s15+$0x16400] =	vst v31  }
0x50c: {  	v19 =	vld.idx.msk [tilespmem:v19+s3+$0x0], $0xffff;
	[tilespmem:s16+$0x16410] =	vst v24  }
0x50d: {  	v23 =	vld.idx.msk [tilespmem:v38+s3+$0x0], $0xffff;
	[tilespmem:s16+$0x16400] =	vst v22  }
0x50e: {  	v39 =	vadd.s32 $0x9000, v2;
	v40 =	vld.idx.msk [tilespmem:v25+s3+$0x0], $0xffff;
	_ =	sdelay $0x1  }
0x50f: {  	[tilespmem:s15+$0x16810] =	vst v32  }
0x510: {  	v41 =	vld.idx.msk [tilespmem:v33+s3+$0x0], $0xffff;
	[tilespmem:s15+$0x16800] =	vst v19  }
0x511: {  	v42 =	vadd.s32 $0xA000, v1;
	v17 =	vld.idx.msk [tilespmem:v17+s3+$0x0], $0xffff;
	[tilespmem:s16+$0x16810] =	vst v23  }
0x512: {  	v22 =	vld.idx.msk [tilespmem:v39+s3+$0x0], $0xffff;
	[tilespmem:s16+$0x16800] =	vst v40  }
0x513: {  	v43 =	vadd.s32 $0xA000, v2;
	v21 =	vld.idx.msk [tilespmem:v21+s3+$0x0], $0xffff;
	_ =	sdelay $0x1  }
0x514: {  	[tilespmem:s15+$0x16C10] =	vst v41  }
0x515: {  	v19 =	vld.idx.msk [tilespmem:v42+s3+$0x0], $0xffff;
	[tilespmem:s15+$0x16C00] =	vst v17  }
0x516: {  	v44 =	vadd.s32 $0xB000, v1;
	v15 =	vld.idx.msk [tilespmem:v15+s3+$0x0], $0xffff;
	[tilespmem:s16+$0x16C10] =	vst v22  }
0x517: {  	v22 =	vld.idx.msk [tilespmem:v43+s3+$0x0], $0xffff;
	[tilespmem:s16+$0x16C00] =	vst v21  }
0x518: {  	v45 =	vadd.s32 $0xB000, v2;
	v20 =	vld.idx.msk [tilespmem:v20+s3+$0x0], $0xffff;
	_ =	sdelay $0x1  }
0x519: {  	[tilespmem:s15+$0x17010] =	vst v19  }
0x51a: {  	v17 =	vld.idx.msk [tilespmem:v44+s3+$0x0], $0xffff;
	[tilespmem:s15+$0x17000] =	vst v15  }
0x51b: {  	v46 =	vadd.s32 $0xC000, v1;
	v14 =	vld.idx.msk [tilespmem:v14+s3+$0x0], $0xffff;
	[tilespmem:s16+$0x17010] =	vst v22  }
0x51c: {  	v47 =	vld.idx.msk [tilespmem:v45+s3+$0x0], $0xffff;
	[tilespmem:s16+$0x17000] =	vst v20  }
0x51d: {  	v48 =	vadd.s32 $0xC000, v2;
	v18 =	vld.idx.msk [tilespmem:v18+s3+$0x0], $0xffff  }
0x51e: {  	[tilespmem:s11+$0x17400] =	vst v28  }
0x51f: {  	v9 =	vld.idx.msk [tilespmem:v9+s3+$0x0], $0xffff;
	[tilespmem:s15+$0x17410] =	vst v17  }
0x520: {  	v15 =	vld.idx.msk [tilespmem:v46+s3+$0x0], $0xffff;
	[tilespmem:s15+$0x17400] =	vst v14  }
0x521: {  	v49 =	vadd.s32 $0xD000, v1;
	v13 =	vld.idx.msk [tilespmem:v13+s3+$0x0], $0xffff;
	[tilespmem:s16+$0x17410] =	vst v47  }
0x522: {  	v50 =	vld.idx.msk [tilespmem:v48+s3+$0x0], $0xffff;
	[tilespmem:s16+$0x17400] =	vst v18  }
0x523: {  	v51 =	vadd.s32 $0xD000, v2;
	[tilespmem:s11+$0x17C10] =	vst v30;
	v16 =	vld.idx.msk [tilespmem:v16+s3+$0x0], $0xffff  }
0x524: {  	[tilespmem:s11+$0x17800] =	vst v9  }
0x525: {  	v52 =	vadd.s32 $0xE000, v0;
	v6 =	vld.idx.msk [tilespmem:v6+s3+$0x0], $0xffff;
	[tilespmem:s15+$0x17810] =	vst v15  }
0x526: {  	v14 =	vld.idx.msk [tilespmem:v49+s3+$0x0], $0xffff;
	[tilespmem:s15+$0x17800] =	vst v13  }
0x527: {  	v53 =	vadd.s32 $0xE000, v1;
	v10 =	vld.idx.msk [tilespmem:v10+s3+$0x0], $0xffff;
	[tilespmem:s16+$0x17810] =	vst v50  }
0x528: {  	v54 =	vld.idx.msk [tilespmem:v51+s3+$0x0], $0xffff;
	[tilespmem:s16+$0x17800] =	vst v16  }
0x529: {  	v55 =	vadd.s32 $0xE000, v2;
	[tilespmem:s12+$0x18400] =	vst v29;
	v12 =	vld.idx.msk [tilespmem:v12+s3+$0x0], $0xffff  }
0x52a: {  	v9 =	vld.idx.msk [tilespmem:v52+s3+$0x0], $0xffff;
	[tilespmem:s11+$0x17C00] =	vst v6  }
0x52b: {  	v56 =	vadd.s32 $0xF000, v0;
	v4 =	vld.idx.msk [tilespmem:v4+s3+$0x0], $0xffff;
	[tilespmem:s15+$0x17C10] =	vst v14  }
0x52c: {  	v57 =	vld.idx.msk [tilespmem:v53+s3+$0x0], $0xffff;
	[tilespmem:s15+$0x17C00] =	vst v10  }
0x52d: {  	v58 =	vadd.s32 $0xF000, v1;
	v7 =	vld.idx.msk [tilespmem:v7+s3+$0x0], $0xffff;
	[tilespmem:s16+$0x17C10] =	vst v54  }
0x52e: {  	v59 =	vld.idx.msk [tilespmem:v55+s3+$0x0], $0xffff;
	[tilespmem:s16+$0x17C00] =	vst v12  }
0x52f: {  	v60 =	vadd.s32 $0xF000, v2;
	[tilespmem:s11+$0x18010] =	vst v9;
	v61 =	vld.idx.msk [tilespmem:v11+s3+$0x0], $0xffff  }
0x530: {  	v0 =	vld.idx.msk [tilespmem:v56+s3+$0x0], $0xffff;
	[tilespmem:s11+$0x18000] =	vst v4  }
0x531: {  	v3 =	vld.idx.msk [tilespmem:v3+s3+$0x0], $0xffff;
	[tilespmem:s15+$0x18010] =	vst v57  }
0x532: {  	v1 =	vld.idx.msk [tilespmem:v58+s3+$0x0], $0xffff;
	[tilespmem:s15+$0x18000] =	vst v7  }
0x533: {  	v62 =	vld.idx.msk [tilespmem:v5+s3+$0x0], $0xffff;
	[tilespmem:s16+$0x18010] =	vst v59  }
0x534: {  	v2 =	vld.idx.msk [tilespmem:v60+s3+$0x0], $0xffff;
	[tilespmem:s16+$0x18000] =	vst v61  }
0x535: {  	[tilespmem:s11+$0x18410] =	vst v0;
	v63 =	vld.idx.msk [tilespmem:v8+s3+$0x0], $0xffff  }
0x536: {  	[tilespmem:s11+$0x18400] =	vst v3  }
0x537: {  	[tilespmem:s15+$0x18410] =	vst v1  }
0x538: {  	[tilespmem:s15+$0x18400] =	vst v62  }
0x539: {  	[tilespmem:s16+$0x18410] =	vst v2  }
0x53a: {  	[tilespmem:s16+$0x18400] =	vst v63  }
0x53b: {  	s11 =	rddreg [dreg:$0xf]  }
0x53c: {  	[tilespmem:s29], [sflag:$0x2] =	stream.linear.gather [hbm4b:s11+s3], $0x400, $0x38;
	[tilespmem:$0x18800] =	vst v63  }
0x53d: {  	s25 =	rddreg [dreg:$0x11];
	s11 =	simm.s32 $0x1  }
0x53e: {  	[hbm4b:s25+s31] =	stream.strided.scatter [tilespmem:s6], [sflag:$0x4], $0x4000, s0, s31, $0x38;
	[tilespmem:$0x18800] =	vst v63  }
.LBB2_16:
0x53f: {  	_ =	swait.ge [sflag:s30], $0x400  }
0x540: {  	[sflag:s30] =	ssyncset.done $0x0  }
0x541: {  	[sflag:s30] =	ssyncadd.s32 $0xFFFFFC00  }
0x542: {  	_ =	swait.ge [sflag:s8], $0x4000  }
0x543: {  	[sflag:s8] =	ssyncset.done $0x0  }
0x544: {  	s12 =	simm.s32 $0x10010;
	[sflag:s8] =	ssyncadd.s32 $0xFFFFC000  }
0x545: {  	v4 =	vld [tilespmem:s12+$0x0];
	_ =	sdelay $0x3  }
0x546: {  	v3 =	vld [tilespmem:s12+$0xFFFFFFF0];
	_ =	sdelay $0x3  }
0x547: {  	v0 =	vld.idx.msk [tilespmem:v4+s3+$0x0], $0xffff  }
0x548: {  	v1 =	vadd.s32 $0x1000, v4;
	_ =	sdelay $0x2  }
0x549: {  	s12 =	simm.s32 $0x12800;
	v2 =	vld.idx.msk [tilespmem:v3+s3+$0x0], $0xffff  }
0x54a: {  	v5 =	vadd.s32 $0x1000, v3;
	[tilespmem:s12+$0xFFFFE010] =	vst v0  }
0x54b: {  	v0 =	vld.idx.msk [tilespmem:v1+s3+$0x0], $0xffff  }
0x54c: {  	v1 =	vadd.s32 $0x2000, v4;
	_ =	sdelay $0x1  }
0x54d: {  	[tilespmem:s12+$0xFFFFE000] =	vst v2  }
0x54e: {  	v2 =	vld.idx.msk [tilespmem:v5+s3+$0x0], $0xffff  }
0x54f: {  	v5 =	vadd.s32 $0x2000, v3;
	[tilespmem:s12+$0xFFFFE410] =	vst v0  }
0x550: {  	v0 =	vld.idx.msk [tilespmem:v1+s3+$0x0], $0xffff  }
0x551: {  	v1 =	vadd.s32 $0x3000, v4;
	_ =	sdelay $0x1  }
0x552: {  	[tilespmem:s12+$0xFFFFE400] =	vst v2  }
0x553: {  	v6 =	vld.idx.msk [tilespmem:v5+s3+$0x0], $0xffff  }
0x554: {  	v7 =	vadd.s32 $0x3000, v3;
	[tilespmem:s12+$0xFFFFE810] =	vst v0  }
0x555: {  	v1 =	vld.idx.msk [tilespmem:v1+s3+$0x0], $0xffff  }
0x556: {  	v2 =	vadd.s32 $0x4000, v4  }
0x557: {  	s15 =	simm.s32 $0x10030  }
0x558: {  	v0 =	vld [tilespmem:s15+$0x0];
	[tilespmem:s12+$0xFFFFE800] =	vst v6  }
0x559: {  	v6 =	vld.idx.msk [tilespmem:v7+s3+$0x0], $0xffff  }
0x55a: {  	v7 =	vadd.s32 $0x4000, v3;
	[tilespmem:s12+$0xFFFFEC10] =	vst v1  }
0x55b: {  	v1 =	vld.idx.msk [tilespmem:v2+s3+$0x0], $0xffff  }
0x55c: {  	v5 =	vld [tilespmem:s15+$0xFFFFFFF0];
	v2 =	vadd.s32 $0x5000, v4;
	_ =	sdelay $0x1  }
0x55d: {  	[tilespmem:s12+$0xFFFFEC00] =	vst v6  }
0x55e: {  	v7 =	vld.idx.msk [tilespmem:v7+s3+$0x0], $0xffff  }
0x55f: {  	v11 =	vadd.s32 $0x5000, v3;
	v8 =	vld.idx.msk [tilespmem:v0+s3+$0x0], $0xffff;
	[tilespmem:s12+$0xFFFFF010] =	vst v1  }
0x560: {  	v1 =	vld.idx.msk [tilespmem:v2+s3+$0x0], $0xffff;
	v2 =	vadd.s32 $0x1000, v0;
	_ =	sdelay $0x1  }
0x561: {  	v9 =	vadd.s32 $0x6000, v4  }
0x562: {  	s15 =	simm.s32 $0x12820;
	v10 =	vld.idx.msk [tilespmem:v5+s3+$0x0], $0xffff;
	[tilespmem:s12+$0xFFFFF000] =	vst v7  }
0x563: {  	v6 =	vadd.s32 $0x1000, v5;
	[tilespmem:s15+$0xFFFFE010] =	vst v8;
	v7 =	vld.idx.msk [tilespmem:v11+s3+$0x0], $0xffff  }
0x564: {  	v11 =	vadd.s32 $0x6000, v3;
	v2 =	vld.idx.msk [tilespmem:v2+s3+$0x0], $0xffff  }
0x565: {  	v8 =	vadd.s32 $0x2000, v0;
	[tilespmem:s12+$0xFFFFF410] =	vst v1  }
0x566: {  	v1 =	vld.idx.msk [tilespmem:v9+s3+$0x0], $0xffff  }
0x567: {  	[tilespmem:s15+$0xFFFFE000] =	vst v10;
	v9 =	vadd.s32 $0x7000, v4  }
0x568: {  	v6 =	vld.idx.msk [tilespmem:v6+s3+$0x0], $0xffff;
	[tilespmem:s12+$0xFFFFF400] =	vst v7  }
0x569: {  	v10 =	vadd.s32 $0x2000, v5;
	v7 =	vld.idx.msk [tilespmem:v11+s3+$0x0], $0xffff;
	[tilespmem:s15+$0xFFFFE410] =	vst v2  }
0x56a: {  	v11 =	vadd.s32 $0x7000, v3;
	v2 =	vld.idx.msk [tilespmem:v8+s3+$0x0], $0xffff  }
0x56b: {  	[tilespmem:s12+$0xFFFFF810] =	vst v1;
	v8 =	vadd.s32 $0x3000, v0  }
0x56c: {  	v1 =	vld.idx.msk [tilespmem:v9+s3+$0x0], $0xffff  }
0x56d: {  	[tilespmem:s15+$0xFFFFE400] =	vst v6;
	v6 =	vadd.s32 $0x8000, v4  }
0x56e: {  	[tilespmem:s12+$0xFFFFF800] =	vst v7;
	v9 =	vld.idx.msk [tilespmem:v10+s3+$0x0], $0xffff  }
0x56f: {  	v10 =	vadd.s32 $0x3000, v5;
	v11 =	vld.idx.msk [tilespmem:v11+s3+$0x0], $0xffff;
	[tilespmem:s15+$0xFFFFE810] =	vst v2  }
0x570: {  	s16 =	simm.s32 $0x10050;
	v2 =	vld.idx.msk [tilespmem:v8+s3+$0x0], $0xffff  }
0x571: {  	v12 =	vadd.s32 $0x4000, v0;
	[tilespmem:s12+$0xFFFFFC10] =	vst v1;
	v1 =	vld [tilespmem:s16+$0x0]  }
0x572: {  	v13 =	vadd.s32 $0x8000, v3;
	v6 =	vld.idx.msk [tilespmem:v6+s3+$0x0], $0xffff  }
0x573: {  	[tilespmem:s15+$0xFFFFE800] =	vst v9;
	v9 =	vadd.s32 $0x9000, v4;
	v8 =	vld [tilespmem:s16+$0xFFFFFFF0]  }
0x574: {  	v10 =	vld.idx.msk [tilespmem:v10+s3+$0x0], $0xffff  }
0x575: {  	v7 =	vadd.s32 $0x4000, v5;
	[tilespmem:s15+$0xFFFFEC10] =	vst v2  }
0x576: {  	[tilespmem:s12+$0xFFFFFC00] =	vst v11;
	v2 =	vld.idx.msk [tilespmem:v12+s3+$0x0], $0xffff  }
0x577: {  	[tilespmem:s12+$0x10] =	vst v6;
	v12 =	vld.idx.msk [tilespmem:v13+s3+$0x0], $0xffff  }
0x578: {  	v6 =	vld.idx.msk [tilespmem:v9+s3+$0x0], $0xffff;
	v9 =	vadd.s32 $0x5000, v0  }
0x579: {  	[tilespmem:s15+$0xFFFFEC00] =	vst v10;
	v13 =	vadd.s32 $0x9000, v3  }
0x57a: {  	v10 =	vadd.s32 $0xA000, v4;
	v7 =	vld.idx.msk [tilespmem:v7+s3+$0x0], $0xffff  }
0x57b: {  	v11 =	vadd.s32 $0x5000, v5;
	v15 =	vld.idx.msk [tilespmem:v8+s3+$0x0], $0xffff;
	[tilespmem:s15+$0xFFFFF010] =	vst v2  }
0x57c: {  	v16 =	vadd.s32 $0x1000, v8;
	v14 =	vld.idx.msk [tilespmem:v1+s3+$0x0], $0xffff;
	[tilespmem:s12+$0x0] =	vst v12  }
0x57d: {  	v2 =	vld.idx.msk [tilespmem:v9+s3+$0x0], $0xffff;
	[tilespmem:s12+$0x410] =	vst v6;
	v6 =	vadd.s32 $0x1000, v1  }
0x57e: {  	v13 =	vld.idx.msk [tilespmem:v13+s3+$0x0], $0xffff  }
0x57f: {  	s16 =	simm.s32 $0x12840;
	[tilespmem:s15+$0xFFFFF000] =	vst v7;
	v9 =	vld.idx.msk [tilespmem:v10+s3+$0x0], $0xffff;
	v10 =	vadd.s32 $0x6000, v0  }
0x580: {  	v7 =	vadd.s32 $0xB000, v4;
	v11 =	vld.idx.msk [tilespmem:v11+s3+$0x0], $0xffff;
	[tilespmem:s16+$0xFFFFE000] =	vst v15  }
0x581: {  	v12 =	vadd.s32 $0x6000, v5;
	[tilespmem:s16+$0xFFFFE010] =	vst v14;
	v15 =	vld.idx.msk [tilespmem:v16+s3+$0x0], $0xffff  }
0x582: {  	s18 =	simm.s32 $0x10070;
	v14 =	vadd.s32 $0xA000, v3;
	v6 =	vld.idx.msk [tilespmem:v6+s3+$0x0], $0xffff;
	[tilespmem:s15+$0xFFFFF410] =	vst v2  }
0x583: {  	v27 =	vld [tilespmem:s18+$0xFFFFFFF0];
	v16 =	vadd.s32 $0x2000, v8;
	[tilespmem:s12+$0x400] =	vst v13  }
0x584: {  	v2 =	vld.idx.msk [tilespmem:v10+s3+$0x0], $0xffff;
	[tilespmem:s12+$0x810] =	vst v9;
	v9 =	vadd.s32 $0x2000, v1  }
0x585: {  	v10 =	vadd.s32 $0x7000, v0;
	[tilespmem:s15+$0xFFFFF400] =	vst v11;
	v7 =	vld.idx.msk [tilespmem:v7+s3+$0x0], $0xffff  }
0x586: {  	v11 =	vadd.s32 $0xC000, v4;
	v12 =	vld.idx.msk [tilespmem:v12+s3+$0x0], $0xffff;
	[tilespmem:s16+$0xFFFFE400] =	vst v15  }
0x587: {  	v13 =	vadd.s32 $0x7000, v5;
	[tilespmem:s16+$0xFFFFE410] =	vst v6;
	v6 =	vld.idx.msk [tilespmem:v14+s3+$0x0], $0xffff  }
0x588: {  	v15 =	vld.idx.msk [tilespmem:v16+s3+$0x0], $0xffff;
	v14 =	vadd.s32 $0xB000, v3  }
0x589: {  	v16 =	vadd.s32 $0x3000, v8;
	v9 =	vld.idx.msk [tilespmem:v9+s3+$0x0], $0xffff;
	[tilespmem:s15+$0xFFFFF810] =	vst v2  }
0x58a: {  	v2 =	vld.idx.msk [tilespmem:v10+s3+$0x0], $0xffff;
	[tilespmem:s12+$0xC10] =	vst v7;
	v7 =	vadd.s32 $0x3000, v1  }
0x58b: {  	[tilespmem:s15+$0xFFFFF800] =	vst v12;
	v10 =	vld.idx.msk [tilespmem:v11+s3+$0x0], $0xffff  }
0x58c: {  	v11 =	vadd.s32 $0x8000, v0;
	v13 =	vld.idx.msk [tilespmem:v13+s3+$0x0], $0xffff;
	[tilespmem:s12+$0x800] =	vst v6  }
0x58d: {  	v12 =	vadd.s32 $0xD000, v4;
	[tilespmem:s16+$0xFFFFE800] =	vst v15;
	v6 =	vld.idx.msk [tilespmem:v14+s3+$0x0], $0xffff  }
0x58e: {  	[tilespmem:s16+$0xFFFFE810] =	vst v9;
	v14 =	vld.idx.msk [tilespmem:v16+s3+$0x0], $0xffff  }
0x58f: {  	v16 =	vadd.s32 $0x8000, v5;
	v7 =	vld.idx.msk [tilespmem:v7+s3+$0x0], $0xffff  }
0x590: {  	v17 =	vadd.s32 $0x4000, v8;
	[tilespmem:s15+$0xFFFFFC10] =	vst v2;
	v2 =	vld [tilespmem:s18+$0x0]  }
0x591: {  	v9 =	vld.idx.msk [tilespmem:v11+s3+$0x0], $0xffff;
	[tilespmem:s12+$0x1010] =	vst v10;
	v10 =	vadd.s32 $0x4000, v1  }
0x592: {  	[tilespmem:s15+$0xFFFFFC00] =	vst v13;
	v11 =	vld.idx.msk [tilespmem:v12+s3+$0x0], $0xffff;
	v12 =	vadd.s32 $0x9000, v0  }
0x593: {  	v15 =	vadd.s32 $0xE000, v4;
	[tilespmem:s16+$0xFFFFEC00] =	vst v14  }
0x594: {  	v13 =	vld.idx.msk [tilespmem:v16+s3+$0x0], $0xffff;
	[tilespmem:s12+$0xC00] =	vst v6  }
0x595: {  	[tilespmem:s16+$0xFFFFEC10] =	vst v7;
	v6 =	vld.idx.msk [tilespmem:v17+s3+$0x0], $0xffff  }
0x596: {  	v7 =	vadd.s32 $0xC000, v3;
	v10 =	vld.idx.msk [tilespmem:v10+s3+$0x0], $0xffff;
	[tilespmem:s15+$0x10] =	vst v9  }
0x597: {  	v9 =	vld.idx.msk [tilespmem:v12+s3+$0x0], $0xffff;
	[tilespmem:s12+$0x1410] =	vst v11;
	v11 =	vadd.s32 $0x5000, v1  }
0x598: {  	v14 =	vadd.s32 $0xA000, v0;
	v12 =	vld.idx.msk [tilespmem:v15+s3+$0x0], $0xffff  }
0x599: {  	v15 =	vadd.s32 $0x5000, v8;
	v16 =	vld.idx.msk [tilespmem:v2+s3+$0x0], $0xffff  }
0x59a: {  	v4 =	vadd.s32 $0xF000, v4;
	[tilespmem:s15+$0x0] =	vst v13;
	v13 =	vld.idx.msk [tilespmem:v27+s3+$0x0], $0xffff  }
0x59b: {  	v7 =	vld.idx.msk [tilespmem:v7+s3+$0x0], $0xffff;
	[tilespmem:s16+$0xFFFFF010] =	vst v10;
	v10 =	vadd.s32 $0x9000, v5  }
0x59c: {  	v17 =	vadd.s32 $0xD000, v3;
	v11 =	vld.idx.msk [tilespmem:v11+s3+$0x0], $0xffff;
	[tilespmem:s15+$0x410] =	vst v9  }
0x59d: {  	[tilespmem:s16+$0xFFFFF000] =	vst v6;
	v9 =	vadd.s32 $0x1000, v2;
	v14 =	vld.idx.msk [tilespmem:v14+s3+$0x0], $0xffff  }
0x59e: {  	s18 =	simm.s32 $0x12860;
	[tilespmem:s12+$0x1810] =	vst v12;
	v12 =	vadd.s32 $0x6000, v1;
	v15 =	vld.idx.msk [tilespmem:v15+s3+$0x0], $0xffff  }
0x59f: {  	v6 =	vadd.s32 $0xB000, v0;
	[tilespmem:s18+$0xFFFFE010] =	vst v16;
	v4 =	vld.idx.msk [tilespmem:v4+s3+$0x0], $0xffff  }
0x5a0: {  	v16 =	vadd.s32 $0x6000, v8;
	[tilespmem:s12+$0x1000] =	vst v7;
	v10 =	vld.idx.msk [tilespmem:v10+s3+$0x0], $0xffff  }
0x5a1: {  	[tilespmem:s18+$0xFFFFE000] =	vst v13;
	v7 =	vadd.s32 $0x1000, v27;
	v13 =	vld.idx.msk [tilespmem:v17+s3+$0x0], $0xffff  }
0x5a2: {  	v9 =	vld.idx.msk [tilespmem:v9+s3+$0x0], $0xffff;
	[tilespmem:s16+$0xFFFFF410] =	vst v11;
	v11 =	vadd.s32 $0xA000, v5  }
0x5a3: {  	v17 =	vadd.s32 $0xE000, v3;
	v12 =	vld.idx.msk [tilespmem:v12+s3+$0x0], $0xffff;
	[tilespmem:s15+$0x810] =	vst v14  }
0x5a4: {  	v14 =	vadd.s32 $0x2000, v2;
	[tilespmem:s16+$0xFFFFF400] =	vst v15;
	v6 =	vld.idx.msk [tilespmem:v6+s3+$0x0], $0xffff  }
0x5a5: {  	[tilespmem:s12+$0x1C10] =	vst v4;
	v4 =	vadd.s32 $0x7000, v1;
	v16 =	vld.idx.msk [tilespmem:v16+s3+$0x0], $0xffff  }
0x5a6: {  	v15 =	vadd.s32 $0xC000, v0;
	v7 =	vld.idx.msk [tilespmem:v7+s3+$0x0], $0xffff;
	[tilespmem:s15+$0x400] =	vst v10  }
0x5a7: {  	v18 =	vadd.s32 $0x7000, v8;
	[tilespmem:s12+$0x1400] =	vst v13;
	v11 =	vld.idx.msk [tilespmem:v11+s3+$0x0], $0xffff  }
0x5a8: {  	v30 =	vadd.s32 $0xF000, v3;
	v37 =	vadd.s32 $0x3000, v27;
	v10 =	vadd.s32 $0x2000, v27;
	[tilespmem:s18+$0xFFFFE410] =	vst v9;
	v32 =	vld.idx.msk [tilespmem:v17+s3+$0x0], $0xffff  }
0x5a9: {  	v26 =	vadd.s32 $0x4000, v27;
	v24 =	vadd.s32 $0x5000, v27;
	v20 =	vld.idx.msk [tilespmem:v14+s3+$0x0], $0xffff;
	[tilespmem:s16+$0xFFFFF810] =	vst v12;
	v12 =	vadd.s32 $0xB000, v5  }
0x5aa: {  	v23 =	vadd.s32 $0x6000, v27;
	v25 =	vadd.s32 $0x8000, v27;
	v22 =	vadd.s32 $0x3000, v2;
	v21 =	vld.idx.msk [tilespmem:v4+s3+$0x0], $0xffff;
	[tilespmem:s15+$0xC10] =	vst v6  }
0x5ab: {  	v35 =	vadd.s32 $0xD000, v0;
	v19 =	vadd.s32 $0x8000, v8;
	v31 =	vadd.s32 $0x8000, v1;
	[tilespmem:s16+$0xFFFFF800] =	vst v16;
	v29 =	vld.idx.msk [tilespmem:v15+s3+$0x0], $0xffff  }
0x5ac: {  	v3 =	vadd.s32 $0xF000, v5;
	v13 =	vadd.s32 $0xC000, v8;
	v9 =	vadd.s32 $0xC000, v5;
	[tilespmem:s18+$0xFFFFE400] =	vst v7;
	v36 =	vld.idx.msk [tilespmem:v18+s3+$0x0], $0xffff  }
0x5ad: {  	v17 =	vadd.s32 $0x9000, v8;
	v14 =	vadd.s32 $0xB000, v8;
	v6 =	vadd.s32 $0xD000, v5;
	v34 =	vld.idx.msk [tilespmem:v10+s3+$0x0], $0xffff;
	[tilespmem:s15+$0x800] =	vst v11  }
0x5ae: {  	v4 =	vadd.s32 $0xE000, v5;
	v5 =	vadd.s32 $0xF000, v8;
	v16 =	vadd.s32 $0xC000, v27;
	[tilespmem:s18+$0xFFFFE810] =	vst v20;
	v28 =	vld.idx.msk [tilespmem:v12+s3+$0x0], $0xffff  }
0x5af: {  	v15 =	vadd.s32 $0xA000, v8;
	v7 =	vadd.s32 $0xE000, v8;
	v18 =	vadd.s32 $0xB000, v27;
	v33 =	vld.idx.msk [tilespmem:v22+s3+$0x0], $0xffff;
	[tilespmem:s16+$0xFFFFFC10] =	vst v21  }
0x5b0: {  	v10 =	vadd.s32 $0xD000, v8;
	v8 =	vadd.s32 $0xF000, v27;
	v11 =	vadd.s32 $0xE000, v27;
	v31 =	vld.idx.msk [tilespmem:v31+s3+$0x0], $0xffff;
	[tilespmem:s15+$0x1010] =	vst v29  }
0x5b1: {  	[tilespmem:s12+$0x1800] =	vst v32;
	v32 =	vadd.s32 $0x9000, v1;
	v20 =	vadd.s32 $0xA000, v27;
	v29 =	vld.idx.msk [tilespmem:v35+s3+$0x0], $0xffff;
	v35 =	vadd.s32 $0x4000, v2  }
0x5b2: {  	v12 =	vadd.s32 $0xD000, v27;
	v22 =	vadd.s32 $0x7000, v27;
	v21 =	vadd.s32 $0x9000, v27;
	v27 =	vld.idx.msk [tilespmem:v30+s3+$0x0], $0xffff;
	[tilespmem:s18+$0xFFFFE800] =	vst v34  }
0x5b3: {  	s19 =	simm.s32 $0x6;
	s20 =	simm.s32 $0x10090;
	v30 =	vadd.s32 $0xE000, v0;
	[tilespmem:s16+$0xFFFFFC00] =	vst v36;
	v34 =	vld.idx.msk [tilespmem:v37+s3+$0x0], $0xffff  }
.LBB2_17:
0x5b4: {  	v36 =	vld [tilespmem:s20+$0x0];
	s19 =	sadd.s32 $0x2, s19;
	[tilespmem:s15+$0xC00] =	vst v28  }
0x5b5: {  	v28 =	vld [tilespmem:s20+$0xFFFFFFF0];
	p0 =	slt.u32 s19, $0x3E;
	[tilespmem:s18+$0xFFFFEC10] =	vst v33  }
0x5b6: {  	v33 =	vld.idx.msk [tilespmem:v35+s3+$0x0], $0xffff;
	[tilespmem:s16+$0x10] =	vst v31  }
0x5b7: {  	v31 =	vld.idx.msk [tilespmem:v32+s3+$0x0], $0xffff;
	[tilespmem:s15+$0x1410] =	vst v29  }
0x5b8: {  	v29 =	vadd.s32 $0x5000, v2;
	v30 =	vld.idx.msk [tilespmem:v30+s3+$0x0], $0xffff;
	[tilespmem:s12+$0x1C00] =	vst v27;
	s12 =	smov.u32 s15;
	s15 =	smov.u32 s16;
	s16 =	smov.u32 s18  }
0x5b9: {  	v32 =	vadd.s32 $0xA000, v1;
	[tilespmem:s18+$0xFFFFEC00] =	vst v34;
	v27 =	vld.idx.msk [tilespmem:v19+s3+$0x0], $0xffff;
	v19 =	vmov v25  }
0x5ba: {  	v38 =	vadd.s32 $0xF000, v0;
	v0 =	vmovc v1;
	v1 =	vmovc v2;
	v34 =	vadd.s32 $0x1000, v28;
	v35 =	vadd.s32 $0x2000, v28;
	v37 =	vld.idx.msk [tilespmem:v26+s3+$0x0], $0xffff  }
0x5bb: {  	v2 =	vmovc v36;
	v39 =	vadd.s32 $0x3000, v28;
	v26 =	vadd.s32 $0x4000, v28;
	v40 =	vadd.s32 $0x5000, v28;
	v41 =	vld.idx.msk [tilespmem:v9+s3+$0x0], $0xffff;
	v9 =	vmovc v13  }
0x5bc: {  	v42 =	vadd.s32 $0x6000, v28;
	v43 =	vadd.s32 $0x7000, v28;
	v25 =	vadd.s32 $0x8000, v28;
	v13 =	vmovc v16;
	v36 =	vld.idx.msk [tilespmem:v36+s3+$0x0], $0xffff;
	[tilespmem:s18+$0xFFFFF010] =	vst v33  }
0x5bd: {  	v44 =	vadd.s32 $0xA000, v28;
	v45 =	vadd.s32 $0xB000, v28;
	v33 =	vadd.s32 $0x9000, v28;
	v29 =	vld.idx.msk [tilespmem:v29+s3+$0x0], $0xffff;
	[tilespmem:s15+$0x410] =	vst v31  }
0x5be: {  	v46 =	vadd.s32 $0x1000, v2;
	v16 =	vadd.s32 $0xC000, v28;
	v31 =	vadd.s32 $0xD000, v28;
	v32 =	vld.idx.msk [tilespmem:v32+s3+$0x0], $0xffff;
	[tilespmem:s12+$0x1810] =	vst v30  }
0x5bf: {  	v48 =	vadd.s32 $0x6000, v1;
	v47 =	vadd.s32 $0xF000, v28;
	v30 =	vadd.s32 $0xE000, v28;
	[tilespmem:s15+$0x0] =	vst v27;
	v27 =	vld.idx.msk [tilespmem:v38+s3+$0x0], $0xffff  }
0x5c0: {  	v28 =	vld.idx.msk [tilespmem:v28+s3+$0x0], $0xffff;
	[tilespmem:s18+$0xFFFFF000] =	vst v37;
	v37 =	vadd.s32 $0xB000, v0  }
0x5c1: {  	s18 =	sadd.s32 $0x20, s18;
	v38 =	vld.idx.msk [tilespmem:v24+s3+$0x0], $0xffff;
	[tilespmem:s12+$0x1000] =	vst v41;
	v24 =	vmov v40  }
0x5c2: {  	[tilespmem:s18+$0xFFFFE010] =	vst v36;
	v36 =	vld.idx.msk [tilespmem:v17+s3+$0x0], $0xffff;
	v17 =	vmov v21;
	v21 =	vmov v33  }
0x5c3: {  	v33 =	vld.idx.msk [tilespmem:v46+s3+$0x0], $0xffff;
	[tilespmem:s16+$0xFFFFF410] =	vst v29  }
0x5c4: {  	v29 =	vld.idx.msk [tilespmem:v48+s3+$0x0], $0xffff;
	[tilespmem:s15+$0x810] =	vst v32  }
0x5c5: {  	v32 =	vadd.s32 $0x2000, v2;
	v37 =	vld.idx.msk [tilespmem:v37+s3+$0x0], $0xffff;
	[tilespmem:s12+$0x1C10] =	vst v27  }
0x5c6: {  	v27 =	vadd.s32 $0x7000, v1;
	[tilespmem:s18+$0xFFFFE000] =	vst v28;
	v28 =	vld.idx.msk [tilespmem:v6+s3+$0x0], $0xffff;
	v6 =	vmovc v10;
	v10 =	vmov v12;
	v12 =	vmov v31  }
0x5c7: {  	v31 =	vld.idx.msk [tilespmem:v34+s3+$0x0], $0xffff;
	[tilespmem:s16+$0xFFFFF400] =	vst v38;
	v34 =	vadd.s32 $0xC000, v0  }
0x5c8: {  	v38 =	vld.idx.msk [tilespmem:v23+s3+$0x0], $0xffff;
	[tilespmem:s15+$0x400] =	vst v36;
	v23 =	vmov v42  }
0x5c9: {  	[tilespmem:s18+$0xFFFFE410] =	vst v33;
	v33 =	vld.idx.msk [tilespmem:v15+s3+$0x0], $0xffff;
	v15 =	vmov v20;
	v20 =	vmov v44  }
0x5ca: {  	v32 =	vld.idx.msk [tilespmem:v32+s3+$0x0], $0xffff;
	[tilespmem:s16+$0xFFFFF810] =	vst v29  }
0x5cb: {  	v27 =	vld.idx.msk [tilespmem:v27+s3+$0x0], $0xffff;
	[tilespmem:s15+$0xC10] =	vst v37  }
0x5cc: {  	v29 =	vadd.s32 $0x3000, v2;
	v34 =	vld.idx.msk [tilespmem:v34+s3+$0x0], $0xffff;
	[tilespmem:s12+$0x1400] =	vst v28  }
0x5cd: {  	[tilespmem:s18+$0xFFFFE400] =	vst v31;
	v31 =	vadd.s32 $0x8000, v1;
	v36 =	vld.idx.msk [tilespmem:v4+s3+$0x0], $0xffff;
	v4 =	vmovc v7;
	v7 =	vmov v11;
	v11 =	vmov v30  }
0x5ce: {  	v37 =	vadd.s32 $0xD000, v0;
	v30 =	vld.idx.msk [tilespmem:v35+s3+$0x0], $0xffff;
	[tilespmem:s16+$0xFFFFF800] =	vst v38  }
0x5cf: {  	v38 =	vld.idx.msk [tilespmem:v22+s3+$0x0], $0xffff;
	[tilespmem:s15+$0x800] =	vst v33;
	v22 =	vmov v43  }
0x5d0: {  	[tilespmem:s18+$0xFFFFE810] =	vst v32;
	v28 =	vld.idx.msk [tilespmem:v14+s3+$0x0], $0xffff;
	v14 =	vmov v18;
	v18 =	vmov v45  }
.Ltmp7:
0x5d1: {  	v33 =	vld.idx.msk [tilespmem:v29+s3+$0x0], $0xffff;
	[tilespmem:s16+$0xFFFFFC10] =	vst v27;
	(pc) =	sbr.rel @p0 .LBB2_17-.Ltmp7, $4  }
0x5d2: {  	v31 =	vld.idx.msk [tilespmem:v31+s3+$0x0], $0xffff;
	[tilespmem:s15+$0x1010] =	vst v34  }
0x5d3: {  	v35 =	vadd.s32 $0x4000, v2;
	v29 =	vld.idx.msk [tilespmem:v37+s3+$0x0], $0xffff;
	[tilespmem:s12+$0x1800] =	vst v36  }
0x5d4: {  	v32 =	vadd.s32 $0x9000, v1;
	[tilespmem:s18+$0xFFFFE800] =	vst v30;
	v27 =	vld.idx.msk [tilespmem:v3+s3+$0x0], $0xffff;
	v3 =	vmovc v5;
	v5 =	vmov v8;
	v8 =	vmov v47  }
0x5d5: {  	s20 =	sadd.s32 $0x20, s20;
	v30 =	vadd.s32 $0xE000, v0;
	v34 =	vld.idx.msk [tilespmem:v39+s3+$0x0], $0xffff;
	[tilespmem:s16+$0xFFFFFC00] =	vst v38  }
0x5d6: {  	_ =	sdelay $0x2  }
0x5d7: {  	[tilespmem:s18+$0xFFFFEC10] =	vst v33  }
0x5d8: {  	v33 =	vld.idx.msk [tilespmem:v35+s3+$0x0], $0xffff;
	[tilespmem:s18+$0xFFFFEC00] =	vst v34  }
0x5d9: {  	v60 =	vadd.s32 $0x5000, v2;
	v26 =	vld.idx.msk [tilespmem:v26+s3+$0x0], $0xffff;
	_ =	sdelay $0x3  }
0x5da: {  	[tilespmem:s18+$0xFFFFF010] =	vst v33  }
0x5db: {  	v33 =	vld.idx.msk [tilespmem:v60+s3+$0x0], $0xffff;
	[tilespmem:s18+$0xFFFFF000] =	vst v26  }
0x5dc: {  	v26 =	vadd.s32 $0x6000, v2;
	v24 =	vld.idx.msk [tilespmem:v24+s3+$0x0], $0xffff;
	_ =	sdelay $0x3  }
0x5dd: {  	[tilespmem:s18+$0xFFFFF410] =	vst v33  }
0x5de: {  	v26 =	vld.idx.msk [tilespmem:v26+s3+$0x0], $0xffff;
	[tilespmem:s18+$0xFFFFF400] =	vst v24  }
0x5df: {  	v24 =	vadd.s32 $0x7000, v2;
	v23 =	vld.idx.msk [tilespmem:v23+s3+$0x0], $0xffff;
	_ =	sdelay $0x3  }
0x5e0: {  	[tilespmem:s18+$0xFFFFF810] =	vst v26  }
0x5e1: {  	v24 =	vld.idx.msk [tilespmem:v24+s3+$0x0], $0xffff;
	[tilespmem:s18+$0xFFFFF800] =	vst v23  }
0x5e2: {  	v23 =	vadd.s32 $0x8000, v2;
	v22 =	vld.idx.msk [tilespmem:v22+s3+$0x0], $0xffff;
	_ =	sdelay $0x2  }
0x5e3: {  	v19 =	vld.idx.msk [tilespmem:v19+s3+$0x0], $0xffff  }
0x5e4: {  	[tilespmem:s18+$0xFFFFFC10] =	vst v24  }
0x5e5: {  	v23 =	vld.idx.msk [tilespmem:v23+s3+$0x0], $0xffff;
	[tilespmem:s18+$0xFFFFFC00] =	vst v22  }
0x5e6: {  	v22 =	vadd.s32 $0x9000, v2;
	v24 =	vld.idx.msk [tilespmem:v25+s3+$0x0], $0xffff;
	_ =	sdelay $0x1  }
0x5e7: {  	[tilespmem:s16+$0x0] =	vst v19  }
0x5e8: {  	[tilespmem:s16+$0x10] =	vst v31;
	v17 =	vld.idx.msk [tilespmem:v17+s3+$0x0], $0xffff  }
0x5e9: {  	v25 =	vld.idx.msk [tilespmem:v32+s3+$0x0], $0xffff;
	[tilespmem:s18+$0x10] =	vst v23  }
0x5ea: {  	v19 =	vadd.s32 $0xA000, v1;
	v22 =	vld.idx.msk [tilespmem:v22+s3+$0x0], $0xffff;
	[tilespmem:s18+$0x0] =	vst v24  }
0x5eb: {  	v23 =	vadd.s32 $0xA000, v2;
	v21 =	vld.idx.msk [tilespmem:v21+s3+$0x0], $0xffff;
	_ =	sdelay $0x1  }
0x5ec: {  	[tilespmem:s16+$0x400] =	vst v17  }
0x5ed: {  	v15 =	vld.idx.msk [tilespmem:v15+s3+$0x0], $0xffff;
	[tilespmem:s16+$0x410] =	vst v25  }
0x5ee: {  	v19 =	vld.idx.msk [tilespmem:v19+s3+$0x0], $0xffff;
	[tilespmem:s18+$0x410] =	vst v22  }
0x5ef: {  	v17 =	vadd.s32 $0xB000, v1;
	v22 =	vld.idx.msk [tilespmem:v23+s3+$0x0], $0xffff;
	[tilespmem:s18+$0x400] =	vst v21  }
0x5f0: {  	v21 =	vadd.s32 $0xB000, v2;
	v20 =	vld.idx.msk [tilespmem:v20+s3+$0x0], $0xffff;
	_ =	sdelay $0x1  }
0x5f1: {  	[tilespmem:s16+$0x800] =	vst v15  }
0x5f2: {  	v14 =	vld.idx.msk [tilespmem:v14+s3+$0x0], $0xffff;
	[tilespmem:s16+$0x810] =	vst v19  }
0x5f3: {  	v17 =	vld.idx.msk [tilespmem:v17+s3+$0x0], $0xffff;
	[tilespmem:s18+$0x810] =	vst v22  }
0x5f4: {  	v15 =	vadd.s32 $0xC000, v1;
	v19 =	vld.idx.msk [tilespmem:v21+s3+$0x0], $0xffff;
	[tilespmem:s18+$0x800] =	vst v20  }
0x5f5: {  	v20 =	vadd.s32 $0xC000, v2;
	v18 =	vld.idx.msk [tilespmem:v18+s3+$0x0], $0xffff  }
0x5f6: {  	[tilespmem:s15+$0xC00] =	vst v28  }
0x5f7: {  	v9 =	vld.idx.msk [tilespmem:v9+s3+$0x0], $0xffff;
	[tilespmem:s16+$0xC00] =	vst v14  }
0x5f8: {  	v13 =	vld.idx.msk [tilespmem:v13+s3+$0x0], $0xffff;
	[tilespmem:s16+$0xC10] =	vst v17  }
0x5f9: {  	v15 =	vld.idx.msk [tilespmem:v15+s3+$0x0], $0xffff;
	[tilespmem:s18+$0xC10] =	vst v19  }
0x5fa: {  	v14 =	vadd.s32 $0xD000, v1;
	v17 =	vld.idx.msk [tilespmem:v20+s3+$0x0], $0xffff;
	[tilespmem:s18+$0xC00] =	vst v18  }
0x5fb: {  	[tilespmem:s15+$0x1410] =	vst v29;
	v18 =	vadd.s32 $0xD000, v2;
	v16 =	vld.idx.msk [tilespmem:v16+s3+$0x0], $0xffff  }
0x5fc: {  	[tilespmem:s15+$0x1000] =	vst v9  }
0x5fd: {  	v6 =	vld.idx.msk [tilespmem:v6+s3+$0x0], $0xffff;
	[tilespmem:s16+$0x1000] =	vst v13  }
0x5fe: {  	v10 =	vld.idx.msk [tilespmem:v10+s3+$0x0], $0xffff;
	[tilespmem:s16+$0x1010] =	vst v15  }
0x5ff: {  	v9 =	vld.idx.msk [tilespmem:v14+s3+$0x0], $0xffff;
	[tilespmem:s18+$0x1010] =	vst v17  }
0x600: {  	v13 =	vadd.s32 $0xE000, v1;
	v14 =	vld.idx.msk [tilespmem:v18+s3+$0x0], $0xffff;
	[tilespmem:s18+$0x1000] =	vst v16  }
0x601: {  	[tilespmem:s12+$0x1C00] =	vst v27;
	v15 =	vadd.s32 $0xE000, v2;
	v12 =	vld.idx.msk [tilespmem:v12+s3+$0x0], $0xffff  }
0x602: {  	[tilespmem:s15+$0x1400] =	vst v6;
	v16 =	vld.idx.msk [tilespmem:v30+s3+$0x0], $0xffff  }
0x603: {  	v0 =	vadd.s32 $0xF000, v0;
	v4 =	vld.idx.msk [tilespmem:v4+s3+$0x0], $0xffff;
	[tilespmem:s16+$0x1400] =	vst v10  }
0x604: {  	v7 =	vld.idx.msk [tilespmem:v7+s3+$0x0], $0xffff;
	[tilespmem:s16+$0x1410] =	vst v9  }
0x605: {  	v6 =	vld.idx.msk [tilespmem:v13+s3+$0x0], $0xffff;
	[tilespmem:s18+$0x1410] =	vst v14  }
0x606: {  	v1 =	vadd.s32 $0xF000, v1;
	v9 =	vld.idx.msk [tilespmem:v15+s3+$0x0], $0xffff;
	[tilespmem:s18+$0x1400] =	vst v12  }
0x607: {  	v2 =	vadd.s32 $0xF000, v2;
	[tilespmem:s15+$0x1810] =	vst v16;
	v10 =	vld.idx.msk [tilespmem:v11+s3+$0x0], $0xffff  }
0x608: {  	[tilespmem:s15+$0x1800] =	vst v4;
	v0 =	vld.idx.msk [tilespmem:v0+s3+$0x0], $0xffff  }
0x609: {  	v3 =	vld.idx.msk [tilespmem:v3+s3+$0x0], $0xffff;
	[tilespmem:s16+$0x1800] =	vst v7  }
0x60a: {  	v4 =	vld.idx.msk [tilespmem:v5+s3+$0x0], $0xffff;
	[tilespmem:s16+$0x1810] =	vst v6  }
0x60b: {  	v1 =	vld.idx.msk [tilespmem:v1+s3+$0x0], $0xffff;
	[tilespmem:s18+$0x1810] =	vst v9  }
0x60c: {  	v2 =	vld.idx.msk [tilespmem:v2+s3+$0x0], $0xffff;
	[tilespmem:s18+$0x1800] =	vst v10  }
0x60d: {  	s12 =	sshll.u32 s11, $0x1;
	[tilespmem:s15+$0x1C10] =	vst v0;
	v0 =	vld.idx.msk [tilespmem:v8+s3+$0x0], $0xffff  }
0x60e: {  	s20 =	smin.u32 s12, $0x1D;
	[tilespmem:s15+$0x1C00] =	vst v3  }
0x60f: {  	[tilespmem:s16+$0x1C00] =	vst v4;
	s15 =	sshll.u32 s20, $0xA  }
0x610: {  	[tilespmem:s16+$0x1C10] =	vst v1;
	s15 =	sadd.s32 s15, s23  }
0x611: {  	s15 =	sshrl.u32 s15, $0x3;
	[tilespmem:s18+$0x1C10] =	vst v2  }
0x612: {  	s21 =	simm.s32 $0x0;
	s22 =	sshll.u32 s11, $0xB;
	s15 =	sadd.s32 s4, s15;
	[tilespmem:s18+$0x1C00] =	vst v0  }
0x613: {  	[tilespmem:s28], [sflag:$0x1] =	stream.linear.gather [hbm4b:s15+s21], $0x400, $0x38;
	[tilespmem:$0x18800] =	vst v63  }
0x614: {  	s15 =	sor.u32 s17, s22  }
0x615: {  	s15 =	sshrl.u32 s15, $0x3  }
0x616: {  	s25 =	sadd.s32 s1, s15  }
0x617: {  	[hbm4b:s25+s31] =	stream.strided.scatter [tilespmem:s2], [sflag:$0x3], $0x4000, s0, s31, $0x38;
	[tilespmem:$0x18800] =	vst v63  }
0x618: {  	_ =	swait.ge [sflag:s5], $0x400  }
0x619: {  	[sflag:s5] =	ssyncset.done $0x0  }
0x61a: {  	[sflag:s5] =	ssyncadd.s32 $0xFFFFFC00  }
0x61b: {  	_ =	swait.ge [sflag:s9], $0x4000  }
0x61c: {  	[sflag:s9] =	ssyncset.done $0x0  }
0x61d: {  	s18 =	simm.s32 $0x0;
	[sflag:s9] =	ssyncadd.s32 $0xFFFFC000  }
0x61e: {  	v4 =	vld [tilespmem:s18+$0x10410];
	_ =	sdelay $0x3  }
0x61f: {  	v3 =	vld [tilespmem:s18+$0x10400];
	_ =	sdelay $0x3  }
0x620: {  	v0 =	vld.idx.msk [tilespmem:v4+s3+$0x0], $0xffff  }
0x621: {  	v1 =	vadd.s32 $0x1000, v4;
	_ =	sdelay $0x2  }
0x622: {  	v2 =	vld.idx.msk [tilespmem:v3+s3+$0x0], $0xffff  }
0x623: {  	v5 =	vadd.s32 $0x1000, v3;
	[tilespmem:s18+$0x14810] =	vst v0  }
0x624: {  	v0 =	vld.idx.msk [tilespmem:v1+s3+$0x0], $0xffff  }
0x625: {  	v1 =	vadd.s32 $0x2000, v4;
	_ =	sdelay $0x1  }
0x626: {  	[tilespmem:s18+$0x14800] =	vst v2  }
0x627: {  	v2 =	vld.idx.msk [tilespmem:v5+s3+$0x0], $0xffff  }
0x628: {  	v5 =	vadd.s32 $0x2000, v3;
	[tilespmem:s18+$0x14C10] =	vst v0  }
0x629: {  	v0 =	vld.idx.msk [tilespmem:v1+s3+$0x0], $0xffff  }
0x62a: {  	v1 =	vadd.s32 $0x3000, v4;
	_ =	sdelay $0x1  }
0x62b: {  	[tilespmem:s18+$0x14C00] =	vst v2  }
0x62c: {  	v6 =	vld.idx.msk [tilespmem:v5+s3+$0x0], $0xffff  }
0x62d: {  	v7 =	vadd.s32 $0x3000, v3;
	[tilespmem:s18+$0x15010] =	vst v0  }
0x62e: {  	v1 =	vld.idx.msk [tilespmem:v1+s3+$0x0], $0xffff  }
0x62f: {  	v2 =	vadd.s32 $0x4000, v4  }
0x630: {  	s16 =	simm.s32 $0x20  }
0x631: {  	v0 =	vld [tilespmem:s16+$0x10410];
	[tilespmem:s18+$0x15000] =	vst v6  }
0x632: {  	v6 =	vld.idx.msk [tilespmem:v7+s3+$0x0], $0xffff  }
0x633: {  	v7 =	vadd.s32 $0x4000, v3;
	[tilespmem:s18+$0x15410] =	vst v1  }
0x634: {  	v1 =	vld.idx.msk [tilespmem:v2+s3+$0x0], $0xffff  }
0x635: {  	v5 =	vld [tilespmem:s16+$0x10400];
	v2 =	vadd.s32 $0x5000, v4;
	_ =	sdelay $0x1  }
0x636: {  	[tilespmem:s18+$0x15400] =	vst v6  }
0x637: {  	v7 =	vld.idx.msk [tilespmem:v7+s3+$0x0], $0xffff  }
0x638: {  	v11 =	vadd.s32 $0x5000, v3;
	v8 =	vld.idx.msk [tilespmem:v0+s3+$0x0], $0xffff;
	[tilespmem:s18+$0x15810] =	vst v1  }
0x639: {  	v1 =	vld.idx.msk [tilespmem:v2+s3+$0x0], $0xffff;
	v2 =	vadd.s32 $0x1000, v0;
	_ =	sdelay $0x1  }
0x63a: {  	v9 =	vadd.s32 $0x6000, v4  }
0x63b: {  	v10 =	vld.idx.msk [tilespmem:v5+s3+$0x0], $0xffff;
	[tilespmem:s18+$0x15800] =	vst v7  }
0x63c: {  	v6 =	vadd.s32 $0x1000, v5;
	[tilespmem:s16+$0x14810] =	vst v8;
	v7 =	vld.idx.msk [tilespmem:v11+s3+$0x0], $0xffff  }
0x63d: {  	v11 =	vadd.s32 $0x6000, v3;
	v2 =	vld.idx.msk [tilespmem:v2+s3+$0x0], $0xffff  }
0x63e: {  	v8 =	vadd.s32 $0x2000, v0;
	[tilespmem:s18+$0x15C10] =	vst v1  }
0x63f: {  	v1 =	vld.idx.msk [tilespmem:v9+s3+$0x0], $0xffff  }
0x640: {  	[tilespmem:s16+$0x14800] =	vst v10;
	v9 =	vadd.s32 $0x7000, v4  }
0x641: {  	v6 =	vld.idx.msk [tilespmem:v6+s3+$0x0], $0xffff;
	[tilespmem:s18+$0x15C00] =	vst v7  }
0x642: {  	v10 =	vadd.s32 $0x2000, v5;
	v7 =	vld.idx.msk [tilespmem:v11+s3+$0x0], $0xffff;
	[tilespmem:s16+$0x14C10] =	vst v2  }
0x643: {  	v11 =	vadd.s32 $0x7000, v3;
	v2 =	vld.idx.msk [tilespmem:v8+s3+$0x0], $0xffff  }
0x644: {  	[tilespmem:s18+$0x16010] =	vst v1;
	v8 =	vadd.s32 $0x3000, v0  }
0x645: {  	v1 =	vld.idx.msk [tilespmem:v9+s3+$0x0], $0xffff  }
0x646: {  	[tilespmem:s16+$0x14C00] =	vst v6;
	v6 =	vadd.s32 $0x8000, v4  }
0x647: {  	[tilespmem:s18+$0x16000] =	vst v7;
	v9 =	vld.idx.msk [tilespmem:v10+s3+$0x0], $0xffff  }
0x648: {  	v10 =	vadd.s32 $0x3000, v5;
	v11 =	vld.idx.msk [tilespmem:v11+s3+$0x0], $0xffff;
	[tilespmem:s16+$0x15010] =	vst v2  }
0x649: {  	s19 =	simm.s32 $0x40;
	v2 =	vld.idx.msk [tilespmem:v8+s3+$0x0], $0xffff  }
0x64a: {  	v12 =	vadd.s32 $0x4000, v0;
	[tilespmem:s18+$0x16410] =	vst v1;
	v1 =	vld [tilespmem:s19+$0x10410]  }
0x64b: {  	v13 =	vadd.s32 $0x8000, v3;
	v6 =	vld.idx.msk [tilespmem:v6+s3+$0x0], $0xffff  }
0x64c: {  	[tilespmem:s16+$0x15000] =	vst v9;
	v9 =	vadd.s32 $0x9000, v4;
	v8 =	vld [tilespmem:s19+$0x10400]  }
0x64d: {  	v10 =	vld.idx.msk [tilespmem:v10+s3+$0x0], $0xffff  }
0x64e: {  	v7 =	vadd.s32 $0x4000, v5;
	[tilespmem:s16+$0x15410] =	vst v2  }
0x64f: {  	[tilespmem:s18+$0x16400] =	vst v11;
	v2 =	vld.idx.msk [tilespmem:v12+s3+$0x0], $0xffff  }
0x650: {  	[tilespmem:s18+$0x16810] =	vst v6;
	v12 =	vld.idx.msk [tilespmem:v13+s3+$0x0], $0xffff  }
0x651: {  	v6 =	vld.idx.msk [tilespmem:v9+s3+$0x0], $0xffff;
	v9 =	vadd.s32 $0x5000, v0  }
0x652: {  	[tilespmem:s16+$0x15400] =	vst v10;
	v13 =	vadd.s32 $0x9000, v3  }
0x653: {  	v10 =	vadd.s32 $0xA000, v4;
	v7 =	vld.idx.msk [tilespmem:v7+s3+$0x0], $0xffff  }
0x654: {  	v11 =	vadd.s32 $0x5000, v5;
	v15 =	vld.idx.msk [tilespmem:v8+s3+$0x0], $0xffff;
	[tilespmem:s16+$0x15810] =	vst v2  }
0x655: {  	v16 =	vadd.s32 $0x1000, v8;
	v14 =	vld.idx.msk [tilespmem:v1+s3+$0x0], $0xffff;
	[tilespmem:s18+$0x16800] =	vst v12  }
0x656: {  	v2 =	vld.idx.msk [tilespmem:v9+s3+$0x0], $0xffff;
	[tilespmem:s18+$0x16C10] =	vst v6;
	v6 =	vadd.s32 $0x1000, v1  }
0x657: {  	v13 =	vld.idx.msk [tilespmem:v13+s3+$0x0], $0xffff  }
0x658: {  	[tilespmem:s16+$0x15800] =	vst v7;
	v9 =	vld.idx.msk [tilespmem:v10+s3+$0x0], $0xffff;
	v10 =	vadd.s32 $0x6000, v0  }
0x659: {  	v7 =	vadd.s32 $0xB000, v4;
	v11 =	vld.idx.msk [tilespmem:v11+s3+$0x0], $0xffff;
	[tilespmem:s19+$0x14800] =	vst v15  }
0x65a: {  	v12 =	vadd.s32 $0x6000, v5;
	[tilespmem:s19+$0x14810] =	vst v14;
	v15 =	vld.idx.msk [tilespmem:v16+s3+$0x0], $0xffff  }
0x65b: {  	s20 =	simm.s32 $0x60;
	v14 =	vadd.s32 $0xA000, v3;
	v6 =	vld.idx.msk [tilespmem:v6+s3+$0x0], $0xffff;
	[tilespmem:s16+$0x15C10] =	vst v2  }
0x65c: {  	v29 =	vld [tilespmem:s20+$0x10400];
	v16 =	vadd.s32 $0x2000, v8;
	[tilespmem:s18+$0x16C00] =	vst v13  }
0x65d: {  	v2 =	vld.idx.msk [tilespmem:v10+s3+$0x0], $0xffff;
	[tilespmem:s18+$0x17010] =	vst v9;
	v9 =	vadd.s32 $0x2000, v1  }
0x65e: {  	v10 =	vadd.s32 $0x7000, v0;
	[tilespmem:s16+$0x15C00] =	vst v11;
	v7 =	vld.idx.msk [tilespmem:v7+s3+$0x0], $0xffff  }
0x65f: {  	v11 =	vadd.s32 $0xC000, v4;
	v12 =	vld.idx.msk [tilespmem:v12+s3+$0x0], $0xffff;
	[tilespmem:s19+$0x14C00] =	vst v15  }
0x660: {  	v13 =	vadd.s32 $0x7000, v5;
	[tilespmem:s19+$0x14C10] =	vst v6;
	v6 =	vld.idx.msk [tilespmem:v14+s3+$0x0], $0xffff  }
0x661: {  	v15 =	vld.idx.msk [tilespmem:v16+s3+$0x0], $0xffff;
	v14 =	vadd.s32 $0xB000, v3  }
0x662: {  	v16 =	vadd.s32 $0x3000, v8;
	v9 =	vld.idx.msk [tilespmem:v9+s3+$0x0], $0xffff;
	[tilespmem:s16+$0x16010] =	vst v2  }
0x663: {  	v2 =	vld.idx.msk [tilespmem:v10+s3+$0x0], $0xffff;
	[tilespmem:s18+$0x17410] =	vst v7;
	v7 =	vadd.s32 $0x3000, v1  }
0x664: {  	[tilespmem:s16+$0x16000] =	vst v12;
	v10 =	vld.idx.msk [tilespmem:v11+s3+$0x0], $0xffff  }
0x665: {  	v11 =	vadd.s32 $0x8000, v0;
	v13 =	vld.idx.msk [tilespmem:v13+s3+$0x0], $0xffff;
	[tilespmem:s18+$0x17000] =	vst v6  }
0x666: {  	v12 =	vadd.s32 $0xD000, v4;
	[tilespmem:s19+$0x15000] =	vst v15;
	v6 =	vld.idx.msk [tilespmem:v14+s3+$0x0], $0xffff  }
0x667: {  	[tilespmem:s19+$0x15010] =	vst v9;
	v14 =	vld.idx.msk [tilespmem:v16+s3+$0x0], $0xffff  }
0x668: {  	v16 =	vadd.s32 $0x8000, v5;
	v7 =	vld.idx.msk [tilespmem:v7+s3+$0x0], $0xffff  }
0x669: {  	v17 =	vadd.s32 $0x4000, v8;
	[tilespmem:s16+$0x16410] =	vst v2;
	v2 =	vld [tilespmem:s20+$0x10410]  }
0x66a: {  	v9 =	vld.idx.msk [tilespmem:v11+s3+$0x0], $0xffff;
	[tilespmem:s18+$0x17810] =	vst v10;
	v10 =	vadd.s32 $0x4000, v1  }
0x66b: {  	[tilespmem:s16+$0x16400] =	vst v13;
	v11 =	vld.idx.msk [tilespmem:v12+s3+$0x0], $0xffff;
	v12 =	vadd.s32 $0x9000, v0  }
0x66c: {  	v15 =	vadd.s32 $0xE000, v4;
	[tilespmem:s19+$0x15400] =	vst v14  }
0x66d: {  	v13 =	vld.idx.msk [tilespmem:v16+s3+$0x0], $0xffff;
	[tilespmem:s18+$0x17400] =	vst v6  }
0x66e: {  	[tilespmem:s19+$0x15410] =	vst v7;
	v6 =	vld.idx.msk [tilespmem:v17+s3+$0x0], $0xffff  }
0x66f: {  	v7 =	vadd.s32 $0xC000, v3;
	v10 =	vld.idx.msk [tilespmem:v10+s3+$0x0], $0xffff;
	[tilespmem:s16+$0x16810] =	vst v9  }
0x670: {  	v9 =	vld.idx.msk [tilespmem:v12+s3+$0x0], $0xffff;
	[tilespmem:s18+$0x17C10] =	vst v11;
	v11 =	vadd.s32 $0x5000, v1  }
0x671: {  	v14 =	vadd.s32 $0xA000, v0;
	v12 =	vld.idx.msk [tilespmem:v15+s3+$0x0], $0xffff  }
0x672: {  	v15 =	vadd.s32 $0x5000, v8;
	v16 =	vld.idx.msk [tilespmem:v2+s3+$0x0], $0xffff  }
0x673: {  	v4 =	vadd.s32 $0xF000, v4;
	[tilespmem:s16+$0x16800] =	vst v13;
	v13 =	vld.idx.msk [tilespmem:v29+s3+$0x0], $0xffff  }
0x674: {  	v7 =	vld.idx.msk [tilespmem:v7+s3+$0x0], $0xffff;
	[tilespmem:s19+$0x15810] =	vst v10;
	v10 =	vadd.s32 $0x9000, v5  }
0x675: {  	v17 =	vadd.s32 $0xD000, v3;
	v11 =	vld.idx.msk [tilespmem:v11+s3+$0x0], $0xffff;
	[tilespmem:s16+$0x16C10] =	vst v9  }
0x676: {  	[tilespmem:s19+$0x15800] =	vst v6;
	v9 =	vadd.s32 $0x1000, v2;
	v14 =	vld.idx.msk [tilespmem:v14+s3+$0x0], $0xffff  }
0x677: {  	[tilespmem:s18+$0x18010] =	vst v12;
	v12 =	vadd.s32 $0x6000, v1;
	v15 =	vld.idx.msk [tilespmem:v15+s3+$0x0], $0xffff  }
0x678: {  	v6 =	vadd.s32 $0xB000, v0;
	[tilespmem:s20+$0x14810] =	vst v16;
	v4 =	vld.idx.msk [tilespmem:v4+s3+$0x0], $0xffff  }
0x679: {  	v16 =	vadd.s32 $0x6000, v8;
	[tilespmem:s18+$0x17800] =	vst v7;
	v10 =	vld.idx.msk [tilespmem:v10+s3+$0x0], $0xffff  }
0x67a: {  	[tilespmem:s20+$0x14800] =	vst v13;
	v7 =	vadd.s32 $0x1000, v29;
	v17 =	vld.idx.msk [tilespmem:v17+s3+$0x0], $0xffff  }
0x67b: {  	v9 =	vld.idx.msk [tilespmem:v9+s3+$0x0], $0xffff;
	[tilespmem:s19+$0x15C10] =	vst v11;
	v11 =	vadd.s32 $0xA000, v5  }
0x67c: {  	v20 =	vadd.s32 $0xE000, v3;
	v12 =	vld.idx.msk [tilespmem:v12+s3+$0x0], $0xffff;
	[tilespmem:s16+$0x17010] =	vst v14  }
0x67d: {  	v14 =	vadd.s32 $0x2000, v2;
	[tilespmem:s19+$0x15C00] =	vst v15;
	v18 =	vld.idx.msk [tilespmem:v6+s3+$0x0], $0xffff  }
0x67e: {  	v13 =	vadd.s32 $0x7000, v1;
	[tilespmem:s18+$0x18410] =	vst v4;
	v16 =	vld.idx.msk [tilespmem:v16+s3+$0x0], $0xffff  }
0x67f: {  	v36 =	vadd.s32 $0xF000, v3;
	v27 =	vadd.s32 $0x3000, v29;
	v15 =	vadd.s32 $0xC000, v0;
	v7 =	vld.idx.msk [tilespmem:v7+s3+$0x0], $0xffff;
	[tilespmem:s16+$0x16C00] =	vst v10  }
0x680: {  	v26 =	vadd.s32 $0x4000, v29;
	v24 =	vadd.s32 $0x5000, v29;
	v22 =	vadd.s32 $0x7000, v8;
	[tilespmem:s18+$0x17C00] =	vst v17;
	v11 =	vld.idx.msk [tilespmem:v11+s3+$0x0], $0xffff  }
0x681: {  	v25 =	vadd.s32 $0x8000, v29;
	v21 =	vadd.s32 $0xB000, v5;
	v10 =	vadd.s32 $0x2000, v29;
	[tilespmem:s20+$0x14C10] =	vst v9;
	v62 =	vld.idx.msk [tilespmem:v20+s3+$0x0], $0xffff  }
0x682: {  	v63 =	vadd.s32 $0xD000, v0;
	v19 =	vadd.s32 $0x8000, v8;
	v61 =	vadd.s32 $0x8000, v1;
	v23 =	vld.idx.msk [tilespmem:v14+s3+$0x0], $0xffff;
	[tilespmem:s19+$0x16010] =	vst v12  }
0x683: {  	v3 =	vadd.s32 $0xF000, v5;
	v6 =	vadd.s32 $0xD000, v5;
	v12 =	vld.idx.msk [tilespmem:v13+s3+$0x0], $0xffff;
	[tilespmem:s16+$0x17410] =	vst v18;
	v18 =	vadd.s32 $0x3000, v2  }
0x684: {  	v4 =	vadd.s32 $0xE000, v5;
	v17 =	vadd.s32 $0x9000, v8;
	v9 =	vadd.s32 $0xC000, v5;
	[tilespmem:s19+$0x16000] =	vst v16;
	v30 =	vld.idx.msk [tilespmem:v15+s3+$0x0], $0xffff  }
0x685: {  	v5 =	vadd.s32 $0xF000, v8;
	v20 =	vadd.s32 $0xA000, v29;
	v14 =	vadd.s32 $0xB000, v8;
	[tilespmem:s20+$0x14C00] =	vst v7;
	v31 =	vld.idx.msk [tilespmem:v22+s3+$0x0], $0xffff  }
0x686: {  	v13 =	vadd.s32 $0xC000, v8;
	v16 =	vadd.s32 $0xC000, v29;
	v15 =	vadd.s32 $0xA000, v8;
	v37 =	vld.idx.msk [tilespmem:v10+s3+$0x0], $0xffff;
	[tilespmem:s16+$0x17000] =	vst v11  }
0x687: {  	v7 =	vadd.s32 $0xE000, v8;
	v22 =	vadd.s32 $0x7000, v29;
	v10 =	vadd.s32 $0xD000, v8;
	[tilespmem:s20+$0x15010] =	vst v23;
	v28 =	vld.idx.msk [tilespmem:v21+s3+$0x0], $0xffff  }
0x688: {  	v8 =	vadd.s32 $0xF000, v29;
	v11 =	vadd.s32 $0xE000, v29;
	[tilespmem:s18+$0x18000] =	vst v62;
	v23 =	vadd.s32 $0x6000, v29;
	v34 =	vld.idx.msk [tilespmem:v18+s3+$0x0], $0xffff  }
0x689: {  	v21 =	vadd.s32 $0x9000, v29;
	[tilespmem:s19+$0x16410] =	vst v12;
	v18 =	vadd.s32 $0xB000, v29;
	v12 =	vadd.s32 $0xD000, v29;
	v29 =	vld.idx.msk [tilespmem:v36+s3+$0x0], $0xffff  }
0x68a: {  	v35 =	vadd.s32 $0x4000, v2;
	v32 =	vld.idx.msk [tilespmem:v61+s3+$0x0], $0xffff;
	[tilespmem:s16+$0x17810] =	vst v30  }
0x68b: {  	s21 =	simm.s32 $0x6;
	s22 =	simm.s32 $0x200;
	v33 =	vadd.s32 $0x9000, v1;
	v30 =	vld.idx.msk [tilespmem:v63+s3+$0x0], $0xffff;
	[tilespmem:s20+$0x15000] =	vst v37  }
.LBB2_19:
0x68c: {  	s25 =	sshra.s32 s22, $0x2;
	s21 =	sadd.s32 $0x2, s21;
	v27 =	vld.idx.msk [tilespmem:v27+s3+$0x0], $0xffff;
	[tilespmem:s19+$0x16400] =	vst v31;
	v31 =	vadd.s32 $0xE000, v0  }
0x68d: {  	v36 =	vld [tilespmem:s25+$0x10410];
	p0 =	slt.u32 s21, $0x3E;
	[tilespmem:s16+$0x17400] =	vst v28  }
0x68e: {  	v28 =	vld [tilespmem:s25+$0x10400];
	[tilespmem:s20+$0x15410] =	vst v34  }
0x68f: {  	v34 =	vld.idx.msk [tilespmem:v35+s3+$0x0], $0xffff;
	[tilespmem:s19+$0x16810] =	vst v32  }
0x690: {  	v32 =	vld.idx.msk [tilespmem:v33+s3+$0x0], $0xffff;
	[tilespmem:s16+$0x17C10] =	vst v30  }
0x691: {  	v30 =	vadd.s32 $0x5000, v2;
	v31 =	vld.idx.msk [tilespmem:v31+s3+$0x0], $0xffff;
	[tilespmem:s18+$0x18400] =	vst v29;
	s18 =	smov.u32 s16;
	s16 =	smov.u32 s19;
	s19 =	smov.u32 s20  }
0x692: {  	v33 =	vadd.s32 $0xA000, v1;
	s20 =	smov.u32 s25;
	[tilespmem:s19+$0x15400] =	vst v27;
	v29 =	vld.idx.msk [tilespmem:v19+s3+$0x0], $0xffff;
	v19 =	vmov v25  }
0x693: {  	v39 =	vadd.s32 $0xF000, v0;
	v0 =	vmovc v1;
	v1 =	vmovc v2;
	v35 =	vadd.s32 $0x1000, v28;
	v37 =	vadd.s32 $0x2000, v28;
	v38 =	vld.idx.msk [tilespmem:v26+s3+$0x0], $0xffff  }
0x694: {  	v2 =	vmovc v36;
	v27 =	vadd.s32 $0x3000, v28;
	v26 =	vadd.s32 $0x4000, v28;
	v40 =	vadd.s32 $0x5000, v28;
	v41 =	vld.idx.msk [tilespmem:v9+s3+$0x0], $0xffff;
	v9 =	vmovc v13  }
0x695: {  	v42 =	vadd.s32 $0x6000, v28;
	v43 =	vadd.s32 $0x7000, v28;
	v25 =	vadd.s32 $0x8000, v28;
	v13 =	vmovc v16;
	v36 =	vld.idx.msk [tilespmem:v36+s3+$0x0], $0xffff;
	[tilespmem:s19+$0x15810] =	vst v34  }
0x696: {  	v44 =	vadd.s32 $0xA000, v28;
	v45 =	vadd.s32 $0xB000, v28;
	v34 =	vadd.s32 $0x9000, v28;
	v30 =	vld.idx.msk [tilespmem:v30+s3+$0x0], $0xffff;
	[tilespmem:s16+$0x16C10] =	vst v32  }
0x697: {  	v46 =	vadd.s32 $0x1000, v2;
	v16 =	vadd.s32 $0xC000, v28;
	v32 =	vadd.s32 $0xD000, v28;
	v33 =	vld.idx.msk [tilespmem:v33+s3+$0x0], $0xffff;
	[tilespmem:s18+$0x18010] =	vst v31  }
0x698: {  	v48 =	vadd.s32 $0x6000, v1;
	v47 =	vadd.s32 $0xF000, v28;
	v31 =	vadd.s32 $0xE000, v28;
	[tilespmem:s16+$0x16800] =	vst v29;
	v29 =	vld.idx.msk [tilespmem:v39+s3+$0x0], $0xffff  }
0x699: {  	v28 =	vld.idx.msk [tilespmem:v28+s3+$0x0], $0xffff;
	[tilespmem:s19+$0x15800] =	vst v38;
	v38 =	vadd.s32 $0xB000, v0  }
0x69a: {  	v39 =	vld.idx.msk [tilespmem:v24+s3+$0x0], $0xffff;
	[tilespmem:s18+$0x17800] =	vst v41;
	v24 =	vmov v40  }
0x69b: {  	[tilespmem:s20+$0x14810] =	vst v36;
	v36 =	vld.idx.msk [tilespmem:v17+s3+$0x0], $0xffff;
	v17 =	vmov v21;
	v21 =	vmov v34  }
0x69c: {  	v34 =	vld.idx.msk [tilespmem:v46+s3+$0x0], $0xffff;
	[tilespmem:s19+$0x15C10] =	vst v30  }
0x69d: {  	v30 =	vld.idx.msk [tilespmem:v48+s3+$0x0], $0xffff;
	[tilespmem:s16+$0x17010] =	vst v33  }
0x69e: {  	v33 =	vadd.s32 $0x2000, v2;
	v38 =	vld.idx.msk [tilespmem:v38+s3+$0x0], $0xffff;
	[tilespmem:s18+$0x18410] =	vst v29  }
0x69f: {  	[tilespmem:s20+$0x14800] =	vst v28;
	v28 =	vadd.s32 $0x7000, v1;
	v29 =	vld.idx.msk [tilespmem:v6+s3+$0x0], $0xffff;
	v6 =	vmovc v10;
	v10 =	vmov v12;
	v12 =	vmov v32  }
0x6a0: {  	v32 =	vld.idx.msk [tilespmem:v35+s3+$0x0], $0xffff;
	[tilespmem:s19+$0x15C00] =	vst v39;
	v35 =	vadd.s32 $0xC000, v0  }
0x6a1: {  	v39 =	vld.idx.msk [tilespmem:v23+s3+$0x0], $0xffff;
	[tilespmem:s16+$0x16C00] =	vst v36;
	v23 =	vmov v42  }
0x6a2: {  	[tilespmem:s20+$0x14C10] =	vst v34;
	v34 =	vld.idx.msk [tilespmem:v15+s3+$0x0], $0xffff;
	v15 =	vmov v20;
	v20 =	vmov v44  }
0x6a3: {  	v33 =	vld.idx.msk [tilespmem:v33+s3+$0x0], $0xffff;
	[tilespmem:s19+$0x16010] =	vst v30  }
0x6a4: {  	v30 =	vld.idx.msk [tilespmem:v28+s3+$0x0], $0xffff;
	[tilespmem:s16+$0x17410] =	vst v38  }
0x6a5: {  	v36 =	vadd.s32 $0x3000, v2;
	v35 =	vld.idx.msk [tilespmem:v35+s3+$0x0], $0xffff;
	[tilespmem:s18+$0x17C00] =	vst v29  }
0x6a6: {  	v29 =	vadd.s32 $0x8000, v1;
	[tilespmem:s20+$0x14C00] =	vst v32;
	v38 =	vld.idx.msk [tilespmem:v4+s3+$0x0], $0xffff;
	v4 =	vmovc v7;
	v7 =	vmov v11;
	v11 =	vmov v31  }
0x6a7: {  	v37 =	vld.idx.msk [tilespmem:v37+s3+$0x0], $0xffff;
	[tilespmem:s19+$0x16000] =	vst v39;
	v39 =	vadd.s32 $0xD000, v0  }
0x6a8: {  	v31 =	vld.idx.msk [tilespmem:v22+s3+$0x0], $0xffff;
	[tilespmem:s16+$0x17000] =	vst v34;
	v22 =	vmov v43  }
.Ltmp8:
0x6a9: {  	[tilespmem:s20+$0x15010] =	vst v33;
	v28 =	vld.idx.msk [tilespmem:v14+s3+$0x0], $0xffff;
	v14 =	vmov v18;
	v18 =	vmov v45;
	(pc) =	sbr.rel @p0 .LBB2_19-.Ltmp8, $4  }
0x6aa: {  	v34 =	vld.idx.msk [tilespmem:v36+s3+$0x0], $0xffff;
	[tilespmem:s19+$0x16410] =	vst v30  }
0x6ab: {  	v32 =	vld.idx.msk [tilespmem:v29+s3+$0x0], $0xffff;
	[tilespmem:s16+$0x17810] =	vst v35  }
0x6ac: {  	v35 =	vadd.s32 $0x4000, v2;
	v30 =	vld.idx.msk [tilespmem:v39+s3+$0x0], $0xffff;
	[tilespmem:s18+$0x18000] =	vst v38  }
0x6ad: {  	s22 =	sadd.s32 $0x80, s22;
	v33 =	vadd.s32 $0x9000, v1;
	[tilespmem:s20+$0x15000] =	vst v37;
	v29 =	vld.idx.msk [tilespmem:v3+s3+$0x0], $0xffff;
	v3 =	vmovc v5;
	v5 =	vmov v8;
	v8 =	vmov v47  }
0x6ae: {  	_ =	sdelay $0x3  }
0x6af: {  	v27 =	vld.idx.msk [tilespmem:v27+s3+$0x0], $0xffff;
	_ =	sdelay $0x3  }
0x6b0: {  	[tilespmem:s20+$0x15410] =	vst v34  }
0x6b1: {  	v34 =	vld.idx.msk [tilespmem:v35+s3+$0x0], $0xffff;
	[tilespmem:s20+$0x15400] =	vst v27  }
0x6b2: {  	v35 =	vadd.s32 $0x5000, v2;
	v26 =	vld.idx.msk [tilespmem:v26+s3+$0x0], $0xffff;
	_ =	sdelay $0x3  }
0x6b3: {  	[tilespmem:s20+$0x15810] =	vst v34  }
0x6b4: {  	v27 =	vld.idx.msk [tilespmem:v35+s3+$0x0], $0xffff;
	[tilespmem:s20+$0x15800] =	vst v26  }
0x6b5: {  	v36 =	vadd.s32 $0x6000, v2;
	v24 =	vld.idx.msk [tilespmem:v24+s3+$0x0], $0xffff;
	_ =	sdelay $0x3  }
0x6b6: {  	[tilespmem:s20+$0x15C10] =	vst v27  }
0x6b7: {  	v26 =	vld.idx.msk [tilespmem:v36+s3+$0x0], $0xffff;
	[tilespmem:s20+$0x15C00] =	vst v24  }
0x6b8: {  	v37 =	vadd.s32 $0x7000, v2;
	v23 =	vld.idx.msk [tilespmem:v23+s3+$0x0], $0xffff;
	_ =	sdelay $0x3  }
0x6b9: {  	[tilespmem:s20+$0x16010] =	vst v26  }
0x6ba: {  	v24 =	vld.idx.msk [tilespmem:v37+s3+$0x0], $0xffff;
	[tilespmem:s20+$0x16000] =	vst v23  }
0x6bb: {  	v38 =	vadd.s32 $0x8000, v2;
	v22 =	vld.idx.msk [tilespmem:v22+s3+$0x0], $0xffff;
	_ =	sdelay $0x2  }
0x6bc: {  	[tilespmem:s19+$0x16400] =	vst v31  }
0x6bd: {  	v19 =	vld.idx.msk [tilespmem:v19+s3+$0x0], $0xffff;
	[tilespmem:s20+$0x16410] =	vst v24  }
0x6be: {  	v23 =	vld.idx.msk [tilespmem:v38+s3+$0x0], $0xffff;
	[tilespmem:s20+$0x16400] =	vst v22  }
0x6bf: {  	v39 =	vadd.s32 $0x9000, v2;
	v40 =	vld.idx.msk [tilespmem:v25+s3+$0x0], $0xffff;
	_ =	sdelay $0x1  }
0x6c0: {  	[tilespmem:s19+$0x16810] =	vst v32  }
0x6c1: {  	v41 =	vld.idx.msk [tilespmem:v33+s3+$0x0], $0xffff;
	[tilespmem:s19+$0x16800] =	vst v19  }
0x6c2: {  	v42 =	vadd.s32 $0xA000, v1;
	v17 =	vld.idx.msk [tilespmem:v17+s3+$0x0], $0xffff;
	[tilespmem:s20+$0x16810] =	vst v23  }
0x6c3: {  	v22 =	vld.idx.msk [tilespmem:v39+s3+$0x0], $0xffff;
	[tilespmem:s20+$0x16800] =	vst v40  }
0x6c4: {  	v43 =	vadd.s32 $0xA000, v2;
	v21 =	vld.idx.msk [tilespmem:v21+s3+$0x0], $0xffff;
	_ =	sdelay $0x1  }
0x6c5: {  	[tilespmem:s19+$0x16C10] =	vst v41  }
0x6c6: {  	v19 =	vld.idx.msk [tilespmem:v42+s3+$0x0], $0xffff;
	[tilespmem:s19+$0x16C00] =	vst v17  }
0x6c7: {  	v44 =	vadd.s32 $0xB000, v1;
	v15 =	vld.idx.msk [tilespmem:v15+s3+$0x0], $0xffff;
	[tilespmem:s20+$0x16C10] =	vst v22  }
0x6c8: {  	v22 =	vld.idx.msk [tilespmem:v43+s3+$0x0], $0xffff;
	[tilespmem:s20+$0x16C00] =	vst v21  }
0x6c9: {  	v45 =	vadd.s32 $0xB000, v2;
	v20 =	vld.idx.msk [tilespmem:v20+s3+$0x0], $0xffff;
	_ =	sdelay $0x1  }
0x6ca: {  	[tilespmem:s19+$0x17010] =	vst v19  }
0x6cb: {  	v17 =	vld.idx.msk [tilespmem:v44+s3+$0x0], $0xffff;
	[tilespmem:s19+$0x17000] =	vst v15  }
0x6cc: {  	v46 =	vadd.s32 $0xC000, v1;
	v14 =	vld.idx.msk [tilespmem:v14+s3+$0x0], $0xffff;
	[tilespmem:s20+$0x17010] =	vst v22  }
0x6cd: {  	v47 =	vld.idx.msk [tilespmem:v45+s3+$0x0], $0xffff;
	[tilespmem:s20+$0x17000] =	vst v20  }
0x6ce: {  	v48 =	vadd.s32 $0xC000, v2;
	v18 =	vld.idx.msk [tilespmem:v18+s3+$0x0], $0xffff  }
0x6cf: {  	[tilespmem:s16+$0x17400] =	vst v28  }
0x6d0: {  	v9 =	vld.idx.msk [tilespmem:v9+s3+$0x0], $0xffff;
	[tilespmem:s19+$0x17410] =	vst v17  }
0x6d1: {  	v15 =	vld.idx.msk [tilespmem:v46+s3+$0x0], $0xffff;
	[tilespmem:s19+$0x17400] =	vst v14  }
0x6d2: {  	v49 =	vadd.s32 $0xD000, v1;
	v13 =	vld.idx.msk [tilespmem:v13+s3+$0x0], $0xffff;
	[tilespmem:s20+$0x17410] =	vst v47  }
0x6d3: {  	v50 =	vld.idx.msk [tilespmem:v48+s3+$0x0], $0xffff;
	[tilespmem:s20+$0x17400] =	vst v18  }
0x6d4: {  	v51 =	vadd.s32 $0xD000, v2;
	[tilespmem:s16+$0x17C10] =	vst v30;
	v16 =	vld.idx.msk [tilespmem:v16+s3+$0x0], $0xffff  }
0x6d5: {  	[tilespmem:s16+$0x17800] =	vst v9  }
0x6d6: {  	v52 =	vadd.s32 $0xE000, v0;
	v6 =	vld.idx.msk [tilespmem:v6+s3+$0x0], $0xffff;
	[tilespmem:s19+$0x17810] =	vst v15  }
0x6d7: {  	v14 =	vld.idx.msk [tilespmem:v49+s3+$0x0], $0xffff;
	[tilespmem:s19+$0x17800] =	vst v13  }
0x6d8: {  	v53 =	vadd.s32 $0xE000, v1;
	v10 =	vld.idx.msk [tilespmem:v10+s3+$0x0], $0xffff;
	[tilespmem:s20+$0x17810] =	vst v50  }
0x6d9: {  	v54 =	vld.idx.msk [tilespmem:v51+s3+$0x0], $0xffff;
	[tilespmem:s20+$0x17800] =	vst v16  }
0x6da: {  	v55 =	vadd.s32 $0xE000, v2;
	[tilespmem:s18+$0x18400] =	vst v29;
	v12 =	vld.idx.msk [tilespmem:v12+s3+$0x0], $0xffff  }
0x6db: {  	v9 =	vld.idx.msk [tilespmem:v52+s3+$0x0], $0xffff;
	[tilespmem:s16+$0x17C00] =	vst v6  }
0x6dc: {  	v56 =	vadd.s32 $0xF000, v0;
	v4 =	vld.idx.msk [tilespmem:v4+s3+$0x0], $0xffff;
	[tilespmem:s19+$0x17C10] =	vst v14  }
0x6dd: {  	v57 =	vld.idx.msk [tilespmem:v53+s3+$0x0], $0xffff;
	[tilespmem:s19+$0x17C00] =	vst v10  }
0x6de: {  	v58 =	vadd.s32 $0xF000, v1;
	v7 =	vld.idx.msk [tilespmem:v7+s3+$0x0], $0xffff;
	[tilespmem:s20+$0x17C10] =	vst v54  }
0x6df: {  	v59 =	vld.idx.msk [tilespmem:v55+s3+$0x0], $0xffff;
	[tilespmem:s20+$0x17C00] =	vst v12  }
0x6e0: {  	v60 =	vadd.s32 $0xF000, v2;
	[tilespmem:s16+$0x18010] =	vst v9;
	v61 =	vld.idx.msk [tilespmem:v11+s3+$0x0], $0xffff  }
0x6e1: {  	v0 =	vld.idx.msk [tilespmem:v56+s3+$0x0], $0xffff;
	[tilespmem:s16+$0x18000] =	vst v4  }
0x6e2: {  	v3 =	vld.idx.msk [tilespmem:v3+s3+$0x0], $0xffff;
	[tilespmem:s19+$0x18010] =	vst v57  }
0x6e3: {  	v1 =	vld.idx.msk [tilespmem:v58+s3+$0x0], $0xffff;
	[tilespmem:s19+$0x18000] =	vst v7  }
0x6e4: {  	v62 =	vld.idx.msk [tilespmem:v5+s3+$0x0], $0xffff;
	[tilespmem:s20+$0x18010] =	vst v59  }
0x6e5: {  	v2 =	vld.idx.msk [tilespmem:v60+s3+$0x0], $0xffff;
	[tilespmem:s20+$0x18000] =	vst v61  }
0x6e6: {  	[tilespmem:s16+$0x18410] =	vst v0;
	v63 =	vld.idx.msk [tilespmem:v8+s3+$0x0], $0xffff  }
0x6e7: {  	s12 =	smin.u32 s12, $0x1C;
	[tilespmem:s16+$0x18400] =	vst v3  }
0x6e8: {  	s11 =	sadd.s32 $0x1, s11;
	s12 =	sshll.u32 s12, $0xA;
	[tilespmem:s19+$0x18410] =	vst v1  }
0x6e9: {  	p0 =	sne.s32 s11, $0x10;
	s12 =	sadd.s32 s12, s24;
	[tilespmem:s19+$0x18400] =	vst v62  }
.Ltmp9:
0x6ea: {  	s12 =	sshrl.u32 s12, $0x3;
	[tilespmem:s20+$0x18410] =	vst v2;
	(pc) =	sbr.rel @p0 .LBB2_16-.Ltmp9, $4  }
0x6eb: {  	s25 =	sadd.s32 s15, s1;
	s12 =	sadd.s32 s4, s12;
	[tilespmem:s20+$0x18400] =	vst v63  }
0x6ec: {  	[tilespmem:s29], [sflag:$0x2] =	stream.linear.gather [hbm4b:s12+s3], $0x400, $0x38;
	[tilespmem:$0x18800] =	vst v63  }
0x6ed: {  	s12 =	sadd.s32 $0x80, s25  }
0x6ee: {  	[hbm4b:s12+s31] =	stream.strided.scatter [tilespmem:s6], [sflag:$0x4], $0x4000, s0, s31, $0x38;
	[tilespmem:$0x18800] =	vst v63  }
0x6ef: {  	_ =	swait.ge [sflag:s30], $0x400  }
0x6f0: {  	[sflag:s30] =	ssyncset.done $0x0  }
0x6f1: {  	[sflag:s30] =	ssyncadd.s32 $0xFFFFFC00  }
0x6f2: {  	_ =	swait.ge [sflag:s8], $0x4000  }
0x6f3: {  	[sflag:s8] =	ssyncset.done $0x0  }
0x6f4: {  	[sflag:s8] =	ssyncadd.s32 $0xFFFFC000  }
0x6f5: {  	_ =	swait.ge [sflag:s5], $0x400  }
0x6f6: {  	[sflag:s5] =	ssyncset.done $0x0  }
0x6f7: {  	[sflag:s5] =	ssyncadd.s32 $0xFFFFFC00  }
0x6f8: {  	_ =	swait.ge [sflag:s9], $0x4000  }
0x6f9: {  	s10 =	sadd.s32 $0x1, s10;
	s11 =	rddreg [dreg:$0x12]  }
0x6fa: {  	p0 =	sne.s32 s10, s11  }
.Ltmp10:
0x6fb: {  	_ = 	snop;
	(pc) =	sbr.rel @p0 .LBB2_1-.Ltmp10, $3  }
0x6fc: {  	_ =	sdelay $0x1  }
0x6fd: {  	[sflag:s9] =	ssyncset.done $0x0  }
0x6fe: {  	[sflag:s9] =	ssyncadd.s32 $0xFFFFC000  }
0x6ff: {  	_ =	sfence.sel $0x180000  }
0x700: {  	[bflag:$0x0] =	sbarrier.arrive $0xFFFF  }
0x701: {  	_ =	strace $0x90000047  }
0x702: {  	s0 =	stileid.u32;
	[bflag:$0x2] =	sbarrier.arrive $0xFFFF  }
0x703: {  	p0 =	sne.s32 s0, $0x0;
	s0 =	rddreg [dreg:$0x3]  }
0x704: {  	s0 =	sadd.s32 @!p0 $0x100000, s0  }
0x705: {  	[sflag:s0] =	ssyncadd.tile.s32 @!p0 $0x1;
	_ =	shalt  }
.Lfunc_end2:
_tile_overlayer_lowered:
.L_overlay_start_2:
0x706: {  	(tag) =	ssettag $0x2  }
0x707: {  	s0 =	rddreg [dreg:$0x0];
	s2 =	stileid.u32  }
0x708: {  	s1 =	rddreg [dreg:$0x1];
	p0 =	sne.s32 s2, $0x0  }
0x709: {  	s3 =	rddreg [dreg:$0x2];
	[bflag:$0x3] =	sbarrier.arrive $0xFFFF;
	s2 =	simm.s32 @!p0 $0x1C05  }
0x70a: {  	[timem:s3], [sflag:s2] =	dma.local @!p0 [hbm:s0], s1  }
0x70b: {  	s0 =	simm.s32 @!p0 $0x5  }
0x70c: {  	_ =	swait.ge @!p0 [sflag:s0], s1  }
0x70d: {  	s1 =	ssub.s32 @!p0 $0x0, s1;
	[sflag:s0] =	ssyncset.done @!p0 $0x0  }
0x70e: {  	[sflag:s0] =	ssyncadd.s32 @!p0 s1  }
0x70f: {  	[bflag:$0x3] =	sbarrier.arrive $0xFFFF  }
0x710: {  	_ =	shalt  }

</sc_bundles>
